<compile_context>
chip_gen: v7x
topology: tpu7x:2x2x1
jax: 0.10.2.dev20260603
libtpu: 0.0.44.dev20260713+nightly
codegen_flags: <defaults>
</compile_context>

<pallas_src>
import functools

import jax
import jax.numpy as jnp
from jax import lax
from jax.experimental import pallas as pl
from jax.experimental.pallas import tpu as pltpu
from jax.experimental.pallas import tpu_sc as plsc

_NW = 32
_LANES = 128
_SUB = 8
_ILEN = 56


@functools.partial(jax.jit, static_argnums=(4, 5, 6))
def _gather_rows(idx1, tab_main, tab_tail, seg_tab, n_chunks, chunk, d):
    n_main = d // _LANES
    d_main = n_main * _LANES
    d_tail = d - d_main
    c_main = (chunk // _SUB) * _SUB
    n_fix = (chunk - c_main) * 8
    mesh = plsc.VectorSubcoreMesh(core_axis_name="c", subcore_axis_name="s")

    @functools.partial(
        pl.kernel,
        mesh=mesh,
        out_type=jax.ShapeDtypeStruct((_NW * n_chunks, chunk, d), jnp.float32),
        scratch_types=[
            pltpu.VMEM((chunk, d), jnp.float32),
            pltpu.VMEM((chunk, d), jnp.float32),
            pltpu.VMEM((c_main, _LANES), jnp.float32),
            pltpu.VMEM((n_fix, _LANES), jnp.float32),
            pltpu.VMEM((80,), jnp.int32),
            pltpu.VMEM((80,), jnp.int32),
            pltpu.SemaphoreType.DMA,
            pltpu.SemaphoreType.DMA,
            pltpu.SemaphoreType.DMA,
            pltpu.SemaphoreType.DMA,
            pltpu.SemaphoreType.DMA,
            pltpu.SemaphoreType.DMA,
            pltpu.SemaphoreType.DMA,
            pltpu.SemaphoreType.DMA,
        ],
        compiler_params=pltpu.CompilerParams(needs_layout_passes=False),
    )
    def gather_kernel(
        idx_hbm, tabm_hbm, tabt_hbm, segt_hbm, out_hbm,
        rows0, rows1, tail_v, fix_v, idx0, idx1,
        g0, g1, tsem, fsem, s0, s1, i0, i1,
    ):
        cid = lax.axis_index("c")
        sid = lax.axis_index("s")
        wid = sid * 2 + cid
        base = wid * n_chunks
        rows = (rows0, rows1)
        idxc = (idx0, idx1)
        gsem = (g0, g1)
        ssem = (s0, s1)
        isem = (i0, i1)

        def idx_slice(j):
            return idx_hbm.at[pl.ds((base + j) * 80, 80)]

        def main_gathers(j, b, op):
            op(
                tabm_hbm.at[idxc[b].at[pl.ds(0, c_main)]],
                rows[b].at[pl.ds(0, c_main), pl.ds(0, d_main)],
                gsem[b],
            )

        def tail_gather(b, op):
            op(tabt_hbm.at[idxc[b].at[pl.ds(0, c_main)]], tail_v, tsem)
            op(segt_hbm.at[idxc[b].at[pl.ds(_ILEN, n_fix)]], fix_v, fsem)

        def scatter(j, b, op):
            op(rows[b], out_hbm.at[base + j], ssem[b])

        def start(src, dst, sem):
            pltpu.async_copy(src, dst, sem)

        def wait(src, dst, sem):
            pltpu.make_async_copy(src, dst, sem).wait()

        def tail_copy(b):
            lane = lax.iota(jnp.int32, 16)
            n_grp = (d_tail + 15) // 16

            def body(r, carry):
                r_vec = jnp.full((16,), r, dtype=jnp.int32)
                for k in range(n_grp):
                    msk = 16 * k + lane < d_tail
                    vals = plsc.load_gather(tail_v, [r_vec, 16 * k + lane], mask=msk)
                    plsc.store_scatter(
                        rows[b], [r_vec, d_main + 16 * k + lane], vals, mask=msk
                    )
                return carry

            lax.fori_loop(0, c_main, body, 0)

            for r in range(chunk - c_main):
                for j in range(8):
                    e_vec = jnp.full((16,), r * 8 + j, dtype=jnp.int32)
                    r_vec = jnp.full((16,), c_main + r, dtype=jnp.int32)
                    for g in range(8):
                        col = j * _LANES + 16 * g
                        if col >= d:
                            continue
                        msk = col + lane < d
                        vals = plsc.load_gather(fix_v, [e_vec, 16 * g + lane], mask=msk)
                        plsc.store_scatter(
                            rows[b], [r_vec, col + lane], vals, mask=msk
                        )

        pltpu.sync_copy(idx_slice(0), idxc[0])
        start(idx_slice(1), idxc[1], isem[1])
        main_gathers(0, 0, start)
        tail_gather(0, start)

        def body(j, carry):
            b = lax.rem(j, 2)
            for bb in (0, 1):
                @pl.when(b == bb)
                def _():
                    _step(j, bb)
            return carry

        def _step(j, b):
            o = 1 - b
            @pl.when(j > 0)
            def _():
                scatter(j - 1, o, wait)

            main_gathers(j, b, wait)
            tail_gather(b, wait)
            tail_copy(b)
            @pl.when(j + 1 < n_chunks)
            def _():
                wait(idx_slice(j + 1), idxc[o], isem[o])
                main_gathers(j + 1, o, start)
                tail_gather(o, start)

            scatter(j, b, start)
            @pl.when(j + 2 < n_chunks)
            def _():
                start(idx_slice(j + 2), idxc[b], isem[b])

        lax.fori_loop(0, n_chunks, body, 0)
        scatter(n_chunks - 1, (n_chunks - 1) % 2, wait)

    return gather_kernel(idx1, tab_main, tab_tail, seg_tab)


def kernel(x, embedding_table):
    b, s = x.shape
    v, d = embedding_table.shape
    chunk = s
    n_chunks = b // _NW
    d_main = (d // _LANES) * _LANES
    d_pad = ((d + _LANES - 1) // _LANES) * _LANES
    c_main = (s // _SUB) * _SUB
    tab_main = embedding_table[:, :d_main]
    tab_tail = jnp.pad(embedding_table[:, d_main:], ((0, 0), (0, d_pad - d)))
    seg_tab = (
        jnp.pad(embedding_table, ((0, 0), (0, d_pad - d)))
        .reshape(v * (d_pad // _LANES), _LANES)
    )
    xi = x.astype(jnp.int32)
    nseg = d_pad // _LANES
    fix = nseg * xi[:, c_main:, None] + jnp.arange(nseg, dtype=jnp.int32)[None, None, :]
    fix = fix.reshape(b, (s - c_main) * nseg)
    blk = jnp.concatenate(
        [
            jnp.pad(xi, ((0, 0), (0, _ILEN - s))),
            fix,
            jnp.zeros((b, 80 - _ILEN - (s - c_main) * nseg), jnp.int32),
        ],
        axis=1,
    )
    idx1 = blk.reshape(-1)
    return _gather_rows(idx1, tab_main, tab_tail, seg_tab, n_chunks, chunk, d)

# --- scband reference (transcript-rebuilt; emitter-appended) ---
"""Pipeline reference for scband-simple-bigram-14096082666133 (READ-ONLY COPY).

The authoritative reference and input builder live on the scoring server;
editing this copy changes nothing except your own understanding.
"""

import jax, jax.numpy as jnp
import numpy as np

VOCAB = 1000
BATCH = 1024
SEQ = 50


def setup_inputs(seed: int = 0) -> dict:
    key = jax.random.key(seed)
    k_idx, k_tab = jax.random.split(key)
    x = jax.random.randint(k_idx, (BATCH, SEQ), 0, VOCAB, dtype=jnp.int64 if jax.config.jax_enable_x64 else jnp.int32)
    # hk.Embed default initializer: truncated normal with stddev = 1/sqrt(vocab_size)
    embedding_table = jax.random.truncated_normal(k_tab, -2.0, 2.0, (VOCAB, VOCAB), dtype=jnp.float32) * (1.0 / np.sqrt(VOCAB))
    return {"x": x, "embedding_table": embedding_table}


def reference(x, embedding_table):
    # SimpleBigram.__call__: logits = self.embedding_table(x)
    # hk.Embed lookup == jnp.take(table, ids, axis=0)
    logits = jnp.take(embedding_table, x, axis=0)
    return logits

if __name__ == "__main__":
    import jax
    _d = setup_inputs()
    print(jax.jit(kernel)(*tuple(_d.values())))

</pallas_src>

<mosaic_0001>
#map = affine_map<(d0, d1) -> (0)>
#map1 = affine_map<(d0, d1) -> (0, 0)>
#map2 = affine_map<(d0, d1) -> (0, 0, 0)>
module attributes {stable_mosaic.version = 14 : i64} {
  func.func @gather_kernel(%arg0: i32, %arg1: i32, %arg2: memref<81920xi32, #tpu.memory_space<hbm>>, %arg3: memref<1000x896xf32, #tpu.memory_space<hbm>>, %arg4: memref<1000x128xf32, #tpu.memory_space<hbm>>, %arg5: memref<8000x128xf32, #tpu.memory_space<hbm>>, %arg6: memref<1024x50x1000xf32, #tpu.memory_space<hbm>>, %arg7: memref<50x1000xf32, #tpu.memory_space<vmem>>, %arg8: memref<50x1000xf32, #tpu.memory_space<vmem>>, %arg9: memref<48x128xf32, #tpu.memory_space<vmem>>, %arg10: memref<16x128xf32, #tpu.memory_space<vmem>>, %arg11: memref<80xi32, #tpu.memory_space<vmem>>, %arg12: memref<80xi32, #tpu.memory_space<vmem>>, %arg13: memref<!tpu.dma_semaphore, #tpu.memory_space<semaphore_mem>>, %arg14: memref<!tpu.dma_semaphore, #tpu.memory_space<semaphore_mem>>, %arg15: memref<!tpu.dma_semaphore, #tpu.memory_space<semaphore_mem>>, %arg16: memref<!tpu.dma_semaphore, #tpu.memory_space<semaphore_mem>>, %arg17: memref<!tpu.dma_semaphore, #tpu.memory_space<semaphore_mem>>, %arg18: memref<!tpu.dma_semaphore, #tpu.memory_space<semaphore_mem>>, %arg19: memref<!tpu.dma_semaphore, #tpu.memory_space<semaphore_mem>>, %arg20: memref<!tpu.dma_semaphore, #tpu.memory_space<semaphore_mem>>) attributes {dimension_semantics = [#tpu.dimension_semantics<core_parallel>, #tpu.dimension_semantics<subcore_parallel>], iteration_bounds = array<i64: 2, 16>, scalar_prefetch = 0 : i64, scratch_operands = 14 : i64, tpu.core_type = #tpu.core_type<sc_vector_subcore>, window_params = [{transform_indices = #map}, {transform_indices = #map1}, {transform_indices = #map1}, {transform_indices = #map1}, {transform_indices = #map2}]} {
    %mul3A = arith.constant 2 : i32
    %mul3A_0 = arith.muli %arg1, %mul3A : i32
    %add3A = arith.addi %mul3A_0, %arg0 : i32
    %mul3A_1 = arith.constant 32 : i32
    %mul3A_2 = arith.muli %add3A, %mul3A_1 : i32
    %add3A_3 = arith.constant 0 : i32
    %add3A_4 = arith.addi %mul3A_2, %add3A_3 : i32
    %mul3A_5 = arith.constant 80 : i32
    %mul3A_6 = arith.muli %add3A_4, %mul3A_5 : i32
    "tpu.region"() ({
      %run_scoped3A = tpu.sem_alloc : memref<!tpu.dma_semaphore, #tpu.memory_space<semaphore_mem>>
      %dma_start3A_44 = tpu.memref_slice %arg2[%mul3A_6] : memref<81920xi32, #tpu.memory_space<hbm>> -> memref<80xi32, #tpu.memory_space<hbm>>
      %dma_start3A_45 = tpu.memref_slice %arg2[%mul3A_6] : memref<81920xi32, #tpu.memory_space<hbm>> -> memref<80xi32, #tpu.memory_space<hbm>>
      tpu.enqueue_dma source(%dma_start3A_45 : memref<80xi32, #tpu.memory_space<hbm>>) target(%arg11 : memref<80xi32, #tpu.memory_space<vmem>>) target_semaphore(%run_scoped3A : memref<!tpu.dma_semaphore, #tpu.memory_space<semaphore_mem>>)
      %dma_wait3A_46 = tpu.memref_slice %arg2[%mul3A_6] : memref<81920xi32, #tpu.memory_space<hbm>> -> memref<80xi32, #tpu.memory_space<hbm>>
      %dma_wait3A_47 = tpu.memref_slice %arg2[%mul3A_6] : memref<81920xi32, #tpu.memory_space<hbm>> -> memref<80xi32, #tpu.memory_space<hbm>>
      tpu.wait_dma2 semaphore(%run_scoped3A : memref<!tpu.dma_semaphore, #tpu.memory_space<semaphore_mem>>) src(%dma_wait3A_47 : memref<80xi32, #tpu.memory_space<hbm>>) dst(%arg11 : memref<80xi32, #tpu.memory_space<vmem>>)
      tpu.yield
    }) : () -> ()
    %add3A_7 = arith.constant 1 : i32
    %add3A_8 = arith.addi %mul3A_2, %add3A_7 : i32
    %mul3A_9 = arith.constant 80 : i32
    %mul3A_10 = arith.muli %add3A_8, %mul3A_9 : i32
    %dma_start3A = tpu.memref_slice %arg2[%mul3A_10] : memref<81920xi32, #tpu.memory_space<hbm>> -> memref<80xi32, #tpu.memory_space<hbm>>
    %dma_start3A_11 = tpu.memref_slice %arg2[%mul3A_10] : memref<81920xi32, #tpu.memory_space<hbm>> -> memref<80xi32, #tpu.memory_space<hbm>>
    tpu.enqueue_dma source(%dma_start3A_11 : memref<80xi32, #tpu.memory_space<hbm>>) target(%arg12 : memref<80xi32, #tpu.memory_space<vmem>>) target_semaphore(%arg20 : memref<!tpu.dma_semaphore, #tpu.memory_space<semaphore_mem>>)
    %dma_start3A_12 = arith.constant 0 : i32
    %dma_start3A_13 = arith.constant 0 : i32
    %dma_start3A_14 = tpu.memref_slice %arg7[%dma_start3A_12, %dma_start3A_13] : memref<50x1000xf32, #tpu.memory_space<vmem>> -> memref<48x896xf32, #tpu.memory_space<vmem>>
    %dma_start3A_15 = arith.constant 0 : i32
    %dma_start3A_16 = tpu.memref_slice %arg11[%dma_start3A_15] : memref<80xi32, #tpu.memory_space<vmem>> -> memref<48xi32, #tpu.memory_space<vmem>>
    %dma_start3A_17 = arith.constant 0 : i32
    %dma_start3A_18 = arith.constant 0 : i32
    %dma_start3A_19 = tpu.memref_slice %arg3[%dma_start3A_17, %dma_start3A_18] : memref<1000x896xf32, #tpu.memory_space<hbm>> -> memref<1000x896xf32, #tpu.memory_space<hbm>>
    tpu.enqueue_indirect_dma source(%dma_start3A_19 : memref<1000x896xf32, #tpu.memory_space<hbm>>) target(%dma_start3A_14 : memref<48x896xf32, #tpu.memory_space<vmem>>) offsets(%dma_start3A_16 : memref<48xi32, #tpu.memory_space<vmem>>) semaphore(%arg13 : memref<!tpu.dma_semaphore, #tpu.memory_space<semaphore_mem>>)
    %dma_start3A_20 = arith.constant 0 : i32
    %dma_start3A_21 = tpu.memref_slice %arg11[%dma_start3A_20] : memref<80xi32, #tpu.memory_space<vmem>> -> memref<48xi32, #tpu.memory_space<vmem>>
    %dma_start3A_22 = arith.constant 0 : i32
    %dma_start3A_23 = arith.constant 0 : i32
    %dma_start3A_24 = tpu.memref_slice %arg4[%dma_start3A_22, %dma_start3A_23] : memref<1000x128xf32, #tpu.memory_space<hbm>> -> memref<1000x128xf32, #tpu.memory_space<hbm>>
    tpu.enqueue_indirect_dma source(%dma_start3A_24 : memref<1000x128xf32, #tpu.memory_space<hbm>>) target(%arg9 : memref<48x128xf32, #tpu.memory_space<vmem>>) offsets(%dma_start3A_21 : memref<48xi32, #tpu.memory_space<vmem>>) semaphore(%arg15 : memref<!tpu.dma_semaphore, #tpu.memory_space<semaphore_mem>>)
    %dma_start3A_25 = arith.constant 56 : i32
    %dma_start3A_26 = tpu.memref_slice %arg11[%dma_start3A_25] : memref<80xi32, #tpu.memory_space<vmem>> -> memref<16xi32, #tpu.memory_space<vmem>>
    %dma_start3A_27 = arith.constant 0 : i32
    %dma_start3A_28 = arith.constant 0 : i32
    %dma_start3A_29 = tpu.memref_slice %arg5[%dma_start3A_27, %dma_start3A_28] : memref<8000x128xf32, #tpu.memory_space<hbm>> -> memref<8000x128xf32, #tpu.memory_space<hbm>>
    tpu.enqueue_indirect_dma source(%dma_start3A_29 : memref<8000x128xf32, #tpu.memory_space<hbm>>) target(%arg10 : memref<16x128xf32, #tpu.memory_space<vmem>>) offsets(%dma_start3A_26 : memref<16xi32, #tpu.memory_space<vmem>>) semaphore(%arg16 : memref<!tpu.dma_semaphore, #tpu.memory_space<semaphore_mem>>)
    %scan3A = arith.constant 0 : i32
    %scan3A_30 = arith.constant 0 : i32
    %scan3A_31 = arith.constant 32 : i32
    %scan3A_32 = arith.addi %scan3A_30, %scan3A_31 : i32
    %scan3A_33 = arith.constant 1 : i32
    scf.for %scan3A_44 = %scan3A_30 to %scan3A_32 step %scan3A_33  : i32 {
      %rem3A = arith.constant 2 : i32
      %rem3A_45 = arith.remsi %scan3A_44, %rem3A : i32
      %eq3A = arith.constant 0 : i32
      %eq3A_46 = arith.cmpi eq, %rem3A_45, %eq3A : i32
      %convert_element_type3A = arith.extui %eq3A_46 : i1 to i32
      %cond3A = arith.constant 0 : i32
      %cond3A_47 = arith.cmpi ne, %convert_element_type3A, %cond3A : i32
      scf.if %cond3A_47 {
        %gt3A = arith.constant 0 : i32
        %gt3A_53 = arith.cmpi sgt, %scan3A_44, %gt3A : i32
        %convert_element_type3A_54 = arith.extui %gt3A_53 : i1 to i32
        %cond3A_55 = arith.constant 0 : i32
        %cond3A_56 = arith.cmpi ne, %convert_element_type3A_54, %cond3A_55 : i32
        scf.if %cond3A_56 {
          %sub3A = arith.constant 1 : i32
          %sub3A_1803 = arith.subi %scan3A_44, %sub3A : i32
          %add3A_1804 = arith.addi %mul3A_2, %sub3A_1803 : i32
          %dma_wait3A_1805 = arith.constant 0 : i32
          %dma_wait3A_1806 = arith.constant 0 : i32
          %dma_wait3A_1807 = tpu.memref_slice %arg6[%add3A_1804, %dma_wait3A_1805, %dma_wait3A_1806] : memref<1024x50x1000xf32, #tpu.memory_space<hbm>> -> memref<1x50x1000xf32, #tpu.memory_space<hbm>>
          %dma_wait3A_1808 = tpu.memref_squeeze %dma_wait3A_1807 : memref<1x50x1000xf32, #tpu.memory_space<hbm>> -> memref<50x1000xf32, #tpu.memory_space<hbm>>
          %dma_wait3A_1809 = arith.constant 0 : i32
          %dma_wait3A_1810 = arith.constant 0 : i32
          %dma_wait3A_1811 = tpu.memref_slice %arg6[%add3A_1804, %dma_wait3A_1809, %dma_wait3A_1810] : memref<1024x50x1000xf32, #tpu.memory_space<hbm>> -> memref<1x50x1000xf32, #tpu.memory_space<hbm>>
          %dma_wait3A_1812 = tpu.memref_squeeze %dma_wait3A_1811 : memref<1x50x1000xf32, #tpu.memory_space<hbm>> -> memref<50x1000xf32, #tpu.memory_space<hbm>>
          tpu.wait_dma2 semaphore(%arg18 : memref<!tpu.dma_semaphore, #tpu.memory_space<semaphore_mem>>) src(%arg8 : memref<50x1000xf32, #tpu.memory_space<vmem>>) dst(%dma_wait3A_1812 : memref<50x1000xf32, #tpu.memory_space<hbm>>)
        } else {
        }
        %dma_wait3A_57 = arith.constant 0 : i32
        %dma_wait3A_58 = arith.constant 0 : i32
        %dma_wait3A_59 = tpu.memref_slice %arg7[%dma_wait3A_57, %dma_wait3A_58] : memref<50x1000xf32, #tpu.memory_space<vmem>> -> memref<48x896xf32, #tpu.memory_space<vmem>>
        %dma_wait3A_60 = arith.constant 0 : i32
        %dma_wait3A_61 = tpu.memref_slice %arg11[%dma_wait3A_60] : memref<80xi32, #tpu.memory_space<vmem>> -> memref<48xi32, #tpu.memory_space<vmem>>
        %dma_wait3A_62 = arith.constant 0 : i32
        %dma_wait3A_63 = arith.constant 0 : i32
        %dma_wait3A_64 = tpu.memref_slice %arg3[%dma_wait3A_62, %dma_wait3A_63] : memref<1000x896xf32, #tpu.memory_space<hbm>> -> memref<1000x896xf32, #tpu.memory_space<hbm>>
        tpu.wait_indirect_dma semaphore(%arg13 : memref<!tpu.dma_semaphore, #tpu.memory_space<semaphore_mem>>) src(%dma_wait3A_64 : memref<1000x896xf32, #tpu.memory_space<hbm>>) dst(%dma_wait3A_59 : memref<48x896xf32, #tpu.memory_space<vmem>>)
        %dma_wait3A_65 = arith.constant 0 : i32
        %dma_wait3A_66 = tpu.memref_slice %arg11[%dma_wait3A_65] : memref<80xi32, #tpu.memory_space<vmem>> -> memref<48xi32, #tpu.memory_space<vmem>>
        %dma_wait3A_67 = arith.constant 0 : i32
        %dma_wait3A_68 = arith.constant 0 : i32
        %dma_wait3A_69 = tpu.memref_slice %arg4[%dma_wait3A_67, %dma_wait3A_68] : memref<1000x128xf32, #tpu.memory_space<hbm>> -> memref<1000x128xf32, #tpu.memory_space<hbm>>
        tpu.wait_indirect_dma semaphore(%arg15 : memref<!tpu.dma_semaphore, #tpu.memory_space<semaphore_mem>>) src(%dma_wait3A_69 : memref<1000x128xf32, #tpu.memory_space<hbm>>) dst(%arg9 : memref<48x128xf32, #tpu.memory_space<vmem>>)
        %dma_wait3A_70 = arith.constant 56 : i32
        %dma_wait3A_71 = tpu.memref_slice %arg11[%dma_wait3A_70] : memref<80xi32, #tpu.memory_space<vmem>> -> memref<16xi32, #tpu.memory_space<vmem>>
        %dma_wait3A_72 = arith.constant 0 : i32
        %dma_wait3A_73 = arith.constant 0 : i32
        %dma_wait3A_74 = tpu.memref_slice %arg5[%dma_wait3A_72, %dma_wait3A_73] : memref<8000x128xf32, #tpu.memory_space<hbm>> -> memref<8000x128xf32, #tpu.memory_space<hbm>>
        tpu.wait_indirect_dma semaphore(%arg16 : memref<!tpu.dma_semaphore, #tpu.memory_space<semaphore_mem>>) src(%dma_wait3A_74 : memref<8000x128xf32, #tpu.memory_space<hbm>>) dst(%arg10 : memref<16x128xf32, #tpu.memory_space<vmem>>)
        %iota3A = tpu.iota {dimensions = array<i32: 0>} : vector<16xi32>
        %scan3A_75 = arith.constant 0 : i32
        %scan3A_76 = arith.constant 0 : i32
        %scan3A_77 = arith.constant 48 : i32
        %scan3A_78 = arith.addi %scan3A_76, %scan3A_77 : i32
        %scan3A_79 = arith.constant 1 : i32
        scf.for %scan3A_1803 = %scan3A_76 to %scan3A_78 step %scan3A_79  : i32 {
          %broadcast_in_dim3A_1804 = vector.broadcast %scan3A_1803 : i32 to vector<16xi32>
          %add3A_1805 = arith.constant 0 : i32
          %add3A_1806 = vector.broadcast %add3A_1805 : i32 to vector<16xi32>
          %add3A_1807 = arith.addi %add3A_1806, %iota3A : vector<16xi32>
          %lt3A_1808 = arith.constant 104 : i32
          %lt3A_1809 = vector.broadcast %lt3A_1808 : i32 to vector<16xi32>
          %lt3A_1810 = arith.cmpi slt, %add3A_1807, %lt3A_1809 : vector<16xi32>
          %add3A_1811 = arith.constant 0 : i32
          %add3A_1812 = vector.broadcast %add3A_1811 : i32 to vector<16xi32>
          %add3A_1813 = arith.addi %add3A_1812, %iota3A : vector<16xi32>
          %gather3A_1814 = tpu.vector_load_idx %arg9[%broadcast_in_dim3A_1804, %add3A_1813] masked %lt3A_1810 : memref<48x128xf32, #tpu.memory_space<vmem>>[vector<16xi32>, vector<16xi32>], vector<16xf32>, vector<16xi1>
          %add3A_1815 = arith.constant 896 : i32
          %add3A_1816 = vector.broadcast %add3A_1815 : i32 to vector<16xi32>
          %add3A_1817 = arith.addi %add3A_1816, %iota3A : vector<16xi32>
          tpu.vector_store_idx %arg7[%broadcast_in_dim3A_1804, %add3A_1817], %gather3A_1814 masked %lt3A_1810 : memref<50x1000xf32, #tpu.memory_space<vmem>>[vector<16xi32>, vector<16xi32>], vector<16xf32>, vector<16xi1>
          %add3A_1818 = arith.constant 16 : i32
          %add3A_1819 = vector.broadcast %add3A_1818 : i32 to vector<16xi32>
          %add3A_1820 = arith.addi %add3A_1819, %iota3A : vector<16xi32>
          %lt3A_1821 = arith.constant 104 : i32
          %lt3A_1822 = vector.broadcast %lt3A_1821 : i32 to vector<16xi32>
          %lt3A_1823 = arith.cmpi slt, %add3A_1820, %lt3A_1822 : vector<16xi32>
          %add3A_1824 = arith.constant 16 : i32
          %add3A_1825 = vector.broadcast %add3A_1824 : i32 to vector<16xi32>
          %add3A_1826 = arith.addi %add3A_1825, %iota3A : vector<16xi32>
          %gather3A_1827 = tpu.vector_load_idx %arg9[%broadcast_in_dim3A_1804, %add3A_1826] masked %lt3A_1823 : memref<48x128xf32, #tpu.memory_space<vmem>>[vector<16xi32>, vector<16xi32>], vector<16xf32>, vector<16xi1>
          %add3A_1828 = arith.constant 912 : i32
          %add3A_1829 = vector.broadcast %add3A_1828 : i32 to vector<16xi32>
          %add3A_1830 = arith.addi %add3A_1829, %iota3A : vector<16xi32>
          tpu.vector_store_idx %arg7[%broadcast_in_dim3A_1804, %add3A_1830], %gather3A_1827 masked %lt3A_1823 : memref<50x1000xf32, #tpu.memory_space<vmem>>[vector<16xi32>, vector<16xi32>], vector<16xf32>, vector<16xi1>
          %add3A_1831 = arith.constant 32 : i32
          %add3A_1832 = vector.broadcast %add3A_1831 : i32 to vector<16xi32>
          %add3A_1833 = arith.addi %add3A_1832, %iota3A : vector<16xi32>
          %lt3A_1834 = arith.constant 104 : i32
          %lt3A_1835 = vector.broadcast %lt3A_1834 : i32 to vector<16xi32>
          %lt3A_1836 = arith.cmpi slt, %add3A_1833, %lt3A_1835 : vector<16xi32>
          %add3A_1837 = arith.constant 32 : i32
          %add3A_1838 = vector.broadcast %add3A_1837 : i32 to vector<16xi32>
          %add3A_1839 = arith.addi %add3A_1838, %iota3A : vector<16xi32>
          %gather3A_1840 = tpu.vector_load_idx %arg9[%broadcast_in_dim3A_1804, %add3A_1839] masked %lt3A_1836 : memref<48x128xf32, #tpu.memory_space<vmem>>[vector<16xi32>, vector<16xi32>], vector<16xf32>, vector<16xi1>
          %add3A_1841 = arith.constant 928 : i32
          %add3A_1842 = vector.broadcast %add3A_1841 : i32 to vector<16xi32>
          %add3A_1843 = arith.addi %add3A_1842, %iota3A : vector<16xi32>
          tpu.vector_store_idx %arg7[%broadcast_in_dim3A_1804, %add3A_1843], %gather3A_1840 masked %lt3A_1836 : memref<50x1000xf32, #tpu.memory_space<vmem>>[vector<16xi32>, vector<16xi32>], vector<16xf32>, vector<16xi1>
          %add3A_1844 = arith.constant 48 : i32
          %add3A_1845 = vector.broadcast %add3A_1844 : i32 to vector<16xi32>
          %add3A_1846 = arith.addi %add3A_1845, %iota3A : vector<16xi32>
          %lt3A_1847 = arith.constant 104 : i32
          %lt3A_1848 = vector.broadcast %lt3A_1847 : i32 to vector<16xi32>
          %lt3A_1849 = arith.cmpi slt, %add3A_1846, %lt3A_1848 : vector<16xi32>
          %add3A_1850 = arith.constant 48 : i32
          %add3A_1851 = vector.broadcast %add3A_1850 : i32 to vector<16xi32>
          %add3A_1852 = arith.addi %add3A_1851, %iota3A : vector<16xi32>
          %gather3A_1853 = tpu.vector_load_idx %arg9[%broadcast_in_dim3A_1804, %add3A_1852] masked %lt3A_1849 : memref<48x128xf32, #tpu.memory_space<vmem>>[vector<16xi32>, vector<16xi32>], vector<16xf32>, vector<16xi1>
          %add3A_1854 = arith.constant 944 : i32
          %add3A_1855 = vector.broadcast %add3A_1854 : i32 to vector<16xi32>
          %add3A_1856 = arith.addi %add3A_1855, %iota3A : vector<16xi32>
          tpu.vector_store_idx %arg7[%broadcast_in_dim3A_1804, %add3A_1856], %gather3A_1853 masked %lt3A_1849 : memref<50x1000xf32, #tpu.memory_space<vmem>>[vector<16xi32>, vector<16xi32>], vector<16xf32>, vector<16xi1>
          %add3A_1857 = arith.constant 64 : i32
          %add3A_1858 = vector.broadcast %add3A_1857 : i32 to vector<16xi32>
          %add3A_1859 = arith.addi %add3A_1858, %iota3A : vector<16xi32>
          %lt3A_1860 = arith.constant 104 : i32
          %lt3A_1861 = vector.broadcast %lt3A_1860 : i32 to vector<16xi32>
          %lt3A_1862 = arith.cmpi slt, %add3A_1859, %lt3A_1861 : vector<16xi32>
          %add3A_1863 = arith.constant 64 : i32
          %add3A_1864 = vector.broadcast %add3A_1863 : i32 to vector<16xi32>
          %add3A_1865 = arith.addi %add3A_1864, %iota3A : vector<16xi32>
          %gather3A_1866 = tpu.vector_load_idx %arg9[%broadcast_in_dim3A_1804, %add3A_1865] masked %lt3A_1862 : memref<48x128xf32, #tpu.memory_space<vmem>>[vector<16xi32>, vector<16xi32>], vector<16xf32>, vector<16xi1>
          %add3A_1867 = arith.constant 960 : i32
          %add3A_1868 = vector.broadcast %add3A_1867 : i32 to vector<16xi32>
          %add3A_1869 = arith.addi %add3A_1868, %iota3A : vector<16xi32>
          tpu.vector_store_idx %arg7[%broadcast_in_dim3A_1804, %add3A_1869], %gather3A_1866 masked %lt3A_1862 : memref<50x1000xf32, #tpu.memory_space<vmem>>[vector<16xi32>, vector<16xi32>], vector<16xf32>, vector<16xi1>
          %add3A_1870 = arith.constant 80 : i32
          %add3A_1871 = vector.broadcast %add3A_1870 : i32 to vector<16xi32>
          %add3A_1872 = arith.addi %add3A_1871, %iota3A : vector<16xi32>
          %lt3A_1873 = arith.constant 104 : i32
          %lt3A_1874 = vector.broadcast %lt3A_1873 : i32 to vector<16xi32>
          %lt3A_1875 = arith.cmpi slt, %add3A_1872, %lt3A_1874 : vector<16xi32>
          %add3A_1876 = arith.constant 80 : i32
          %add3A_1877 = vector.broadcast %add3A_1876 : i32 to vector<16xi32>
          %add3A_1878 = arith.addi %add3A_1877, %iota3A : vector<16xi32>
          %gather3A_1879 = tpu.vector_load_idx %arg9[%broadcast_in_dim3A_1804, %add3A_1878] masked %lt3A_1875 : memref<48x128xf32, #tpu.memory_space<vmem>>[vector<16xi32>, vector<16xi32>], vector<16xf32>, vector<16xi1>
          %add3A_1880 = arith.constant 976 : i32
          %add3A_1881 = vector.broadcast %add3A_1880 : i32 to vector<16xi32>
          %add3A_1882 = arith.addi %add3A_1881, %iota3A : vector<16xi32>
          tpu.vector_store_idx %arg7[%broadcast_in_dim3A_1804, %add3A_1882], %gather3A_1879 masked %lt3A_1875 : memref<50x1000xf32, #tpu.memory_space<vmem>>[vector<16xi32>, vector<16xi32>], vector<16xf32>, vector<16xi1>
          %add3A_1883 = arith.constant 96 : i32
          %add3A_1884 = vector.broadcast %add3A_1883 : i32 to vector<16xi32>
          %add3A_1885 = arith.addi %add3A_1884, %iota3A : vector<16xi32>
          %lt3A_1886 = arith.constant 104 : i32
          %lt3A_1887 = vector.broadcast %lt3A_1886 : i32 to vector<16xi32>
          %lt3A_1888 = arith.cmpi slt, %add3A_1885, %lt3A_1887 : vector<16xi32>
          %add3A_1889 = arith.constant 96 : i32
          %add3A_1890 = vector.broadcast %add3A_1889 : i32 to vector<16xi32>
          %add3A_1891 = arith.addi %add3A_1890, %iota3A : vector<16xi32>
          %gather3A_1892 = tpu.vector_load_idx %arg9[%broadcast_in_dim3A_1804, %add3A_1891] masked %lt3A_1888 : memref<48x128xf32, #tpu.memory_space<vmem>>[vector<16xi32>, vector<16xi32>], vector<16xf32>, vector<16xi1>
          %add3A_1893 = arith.constant 992 : i32
          %add3A_1894 = vector.broadcast %add3A_1893 : i32 to vector<16xi32>
          %add3A_1895 = arith.addi %add3A_1894, %iota3A : vector<16xi32>
          tpu.vector_store_idx %arg7[%broadcast_in_dim3A_1804, %add3A_1895], %gather3A_1892 masked %lt3A_1888 : memref<50x1000xf32, #tpu.memory_space<vmem>>[vector<16xi32>, vector<16xi32>], vector<16xf32>, vector<16xi1>
        }
        %scan3A_80 = arith.constant 48 : i32
        %broadcast_in_dim3A = arith.constant 0 : i32
        %broadcast_in_dim3A_81 = vector.broadcast %broadcast_in_dim3A : i32 to vector<16xi32>
        %broadcast_in_dim3A_82 = arith.constant 48 : i32
        %broadcast_in_dim3A_83 = vector.broadcast %broadcast_in_dim3A_82 : i32 to vector<16xi32>
        %add3A_84 = arith.constant 0 : i32
        %add3A_85 = vector.broadcast %add3A_84 : i32 to vector<16xi32>
        %add3A_86 = arith.addi %add3A_85, %iota3A : vector<16xi32>
        %lt3A = arith.constant 1000 : i32
        %lt3A_87 = vector.broadcast %lt3A : i32 to vector<16xi32>
        %lt3A_88 = arith.cmpi slt, %add3A_86, %lt3A_87 : vector<16xi32>
        %add3A_89 = arith.constant 0 : i32
        %add3A_90 = vector.broadcast %add3A_89 : i32 to vector<16xi32>
        %add3A_91 = arith.addi %add3A_90, %iota3A : vector<16xi32>
        %gather3A = tpu.vector_load_idx %arg10[%broadcast_in_dim3A_81, %add3A_91] masked %lt3A_88 : memref<16x128xf32, #tpu.memory_space<vmem>>[vector<16xi32>, vector<16xi32>], vector<16xf32>, vector<16xi1>
        %add3A_92 = arith.constant 0 : i32
        %add3A_93 = vector.broadcast %add3A_92 : i32 to vector<16xi32>
        %add3A_94 = arith.addi %add3A_93, %iota3A : vector<16xi32>
        tpu.vector_store_idx %arg7[%broadcast_in_dim3A_83, %add3A_94], %gather3A masked %lt3A_88 : memref<50x1000xf32, #tpu.memory_space<vmem>>[vector<16xi32>, vector<16xi32>], vector<16xf32>, vector<16xi1>
        %add3A_95 = arith.constant 16 : i32
        %add3A_96 = vector.broadcast %add3A_95 : i32 to vector<16xi32>
        %add3A_97 = arith.addi %add3A_96, %iota3A : vector<16xi32>
        %lt3A_98 = arith.constant 1000 : i32
        %lt3A_99 = vector.broadcast %lt3A_98 : i32 to vector<16xi32>
        %lt3A_100 = arith.cmpi slt, %add3A_97, %lt3A_99 : vector<16xi32>
        %add3A_101 = arith.constant 16 : i32
        %add3A_102 = vector.broadcast %add3A_101 : i32 to vector<16xi32>
        %add3A_103 = arith.addi %add3A_102, %iota3A : vector<16xi32>
        %gather3A_104 = tpu.vector_load_idx %arg10[%broadcast_in_dim3A_81, %add3A_103] masked %lt3A_100 : memref<16x128xf32, #tpu.memory_space<vmem>>[vector<16xi32>, vector<16xi32>], vector<16xf32>, vector<16xi1>
        %add3A_105 = arith.constant 16 : i32
        %add3A_106 = vector.broadcast %add3A_105 : i32 to vector<16xi32>
        %add3A_107 = arith.addi %add3A_106, %iota3A : vector<16xi32>
        tpu.vector_store_idx %arg7[%broadcast_in_dim3A_83, %add3A_107], %gather3A_104 masked %lt3A_100 : memref<50x1000xf32, #tpu.memory_space<vmem>>[vector<16xi32>, vector<16xi32>], vector<16xf32>, vector<16xi1>
        %add3A_108 = arith.constant 32 : i32
        %add3A_109 = vector.broadcast %add3A_108 : i32 to vector<16xi32>
        %add3A_110 = arith.addi %add3A_109, %iota3A : vector<16xi32>
        %lt3A_111 = arith.constant 1000 : i32
        %lt3A_112 = vector.broadcast %lt3A_111 : i32 to vector<16xi32>
        %lt3A_113 = arith.cmpi slt, %add3A_110, %lt3A_112 : vector<16xi32>
        %add3A_114 = arith.constant 32 : i32
        %add3A_115 = vector.broadcast %add3A_114 : i32 to vector<16xi32>
        %add3A_116 = arith.addi %add3A_115, %iota3A : vector<16xi32>
        %gather3A_117 = tpu.vector_load_idx %arg10[%broadcast_in_dim3A_81, %add3A_116] masked %lt3A_113 : memref<16x128xf32, #tpu.memory_space<vmem>>[vector<16xi32>, vector<16xi32>], vector<16xf32>, vector<16xi1>
        %add3A_118 = arith.constant 32 : i32
        %add3A_119 = vector.broadcast %add3A_118 : i32 to vector<16xi32>
        %add3A_120 = arith.addi %add3A_119, %iota3A : vector<16xi32>
        tpu.vector_store_idx %arg7[%broadcast_in_dim3A_83, %add3A_120], %gather3A_117 masked %lt3A_113 : memref<50x1000xf32, #tpu.memory_space<vmem>>[vector<16xi32>, vector<16xi32>], vector<16xf32>, vector<16xi1>
        %add3A_121 = arith.constant 48 : i32
        %add3A_122 = vector.broadcast %add3A_121 : i32 to vector<16xi32>
        %add3A_123 = arith.addi %add3A_122, %iota3A : vector<16xi32>
        %lt3A_124 = arith.constant 1000 : i32
        %lt3A_125 = vector.broadcast %lt3A_124 : i32 to vector<16xi32>
        %lt3A_126 = arith.cmpi slt, %add3A_123, %lt3A_125 : vector<16xi32>
        %add3A_127 = arith.constant 48 : i32
        %add3A_128 = vector.broadcast %add3A_127 : i32 to vector<16xi32>
        %add3A_129 = arith.addi %add3A_128, %iota3A : vector<16xi32>
        %gather3A_130 = tpu.vector_load_idx %arg10[%broadcast_in_dim3A_81, %add3A_129] masked %lt3A_126 : memref<16x128xf32, #tpu.memory_space<vmem>>[vector<16xi32>, vector<16xi32>], vector<16xf32>, vector<16xi1>
        %add3A_131 = arith.constant 48 : i32
        %add3A_132 = vector.broadcast %add3A_131 : i32 to vector<16xi32>
        %add3A_133 = arith.addi %add3A_132, %iota3A : vector<16xi32>
        tpu.vector_store_idx %arg7[%broadcast_in_dim3A_83, %add3A_133], %gather3A_130 masked %lt3A_126 : memref<50x1000xf32, #tpu.memory_space<vmem>>[vector<16xi32>, vector<16xi32>], vector<16xf32>, vector<16xi1>
        %add3A_134 = arith.constant 64 : i32
        %add3A_135 = vector.broadcast %add3A_134 : i32 to vector<16xi32>
        %add3A_136 = arith.addi %add3A_135, %iota3A : vector<16xi32>
        %lt3A_137 = arith.constant 1000 : i32
        %lt3A_138 = vector.broadcast %lt3A_137 : i32 to vector<16xi32>
        %lt3A_139 = arith.cmpi slt, %add3A_136, %lt3A_138 : vector<16xi32>
        %add3A_140 = arith.constant 64 : i32
        %add3A_141 = vector.broadcast %add3A_140 : i32 to vector<16xi32>
        %add3A_142 = arith.addi %add3A_141, %iota3A : vector<16xi32>
        %gather3A_143 = tpu.vector_load_idx %arg10[%broadcast_in_dim3A_81, %add3A_142] masked %lt3A_139 : memref<16x128xf32, #tpu.memory_space<vmem>>[vector<16xi32>, vector<16xi32>], vector<16xf32>, vector<16xi1>
        %add3A_144 = arith.constant 64 : i32
        %add3A_145 = vector.broadcast %add3A_144 : i32 to vector<16xi32>
        %add3A_146 = arith.addi %add3A_145, %iota3A : vector<16xi32>
        tpu.vector_store_idx %arg7[%broadcast_in_dim3A_83, %add3A_146], %gather3A_143 masked %lt3A_139 : memref<50x1000xf32, #tpu.memory_space<vmem>>[vector<16xi32>, vector<16xi32>], vector<16xf32>, vector<16xi1>
        %add3A_147 = arith.constant 80 : i32
        %add3A_148 = vector.broadcast %add3A_147 : i32 to vector<16xi32>
        %add3A_149 = arith.addi %add3A_148, %iota3A : vector<16xi32>
        %lt3A_150 = arith.constant 1000 : i32
        %lt3A_151 = vector.broadcast %lt3A_150 : i32 to vector<16xi32>
        %lt3A_152 = arith.cmpi slt, %add3A_149, %lt3A_151 : vector<16xi32>
        %add3A_153 = arith.constant 80 : i32
        %add3A_154 = vector.broadcast %add3A_153 : i32 to vector<16xi32>
        %add3A_155 = arith.addi %add3A_154, %iota3A : vector<16xi32>
        %gather3A_156 = tpu.vector_load_idx %arg10[%broadcast_in_dim3A_81, %add3A_155] masked %lt3A_152 : memref<16x128xf32, #tpu.memory_space<vmem>>[vector<16xi32>, vector<16xi32>], vector<16xf32>, vector<16xi1>
        %add3A_157 = arith.constant 80 : i32
        %add3A_158 = vector.broadcast %add3A_157 : i32 to vector<16xi32>
        %add3A_159 = arith.addi %add3A_158, %iota3A : vector<16xi32>
        tpu.vector_store_idx %arg7[%broadcast_in_dim3A_83, %add3A_159], %gather3A_156 masked %lt3A_152 : memref<50x1000xf32, #tpu.memory_space<vmem>>[vector<16xi32>, vector<16xi32>], vector<16xf32>, vector<16xi1>
        %add3A_160 = arith.constant 96 : i32
        %add3A_161 = vector.broadcast %add3A_160 : i32 to vector<16xi32>
        %add3A_162 = arith.addi %add3A_161, %iota3A : vector<16xi32>
        %lt3A_163 = arith.constant 1000 : i32
        %lt3A_164 = vector.broadcast %lt3A_163 : i32 to vector<16xi32>
        %lt3A_165 = arith.cmpi slt, %add3A_162, %lt3A_164 : vector<16xi32>
        %add3A_166 = arith.constant 96 : i32
        %add3A_167 = vector.broadcast %add3A_166 : i32 to vector<16xi32>
        %add3A_168 = arith.addi %add3A_167, %iota3A : vector<16xi32>
        %gather3A_169 = tpu.vector_load_idx %arg10[%broadcast_in_dim3A_81, %add3A_168] masked %lt3A_165 : memref<16x128xf32, #tpu.memory_space<vmem>>[vector<16xi32>, vector<16xi32>], vector<16xf32>, vector<16xi1>
        %add3A_170 = arith.constant 96 : i32
        %add3A_171 = vector.broadcast %add3A_170 : i32 to vector<16xi32>
        %add3A_172 = arith.addi %add3A_171, %iota3A : vector<16xi32>
        tpu.vector_store_idx %arg7[%broadcast_in_dim3A_83, %add3A_172], %gather3A_169 masked %lt3A_165 : memref<50x1000xf32, #tpu.memory_space<vmem>>[vector<16xi32>, vector<16xi32>], vector<16xf32>, vector<16xi1>
        %add3A_173 = arith.constant 112 : i32
        %add3A_174 = vector.broadcast %add3A_173 : i32 to vector<16xi32>
        %add3A_175 = arith.addi %add3A_174, %iota3A : vector<16xi32>
        %lt3A_176 = arith.constant 1000 : i32
        %lt3A_177 = vector.broadcast %lt3A_176 : i32 to vector<16xi32>
        %lt3A_178 = arith.cmpi slt, %add3A_175, %lt3A_177 : vector<16xi32>
        %add3A_179 = arith.constant 112 : i32
        %add3A_180 = vector.broadcast %add3A_179 : i32 to vector<16xi32>
        %add3A_181 = arith.addi %add3A_180, %iota3A : vector<16xi32>
        %gather3A_182 = tpu.vector_load_idx %arg10[%broadcast_in_dim3A_81, %add3A_181] masked %lt3A_178 : memref<16x128xf32, #tpu.memory_space<vmem>>[vector<16xi32>, vector<16xi32>], vector<16xf32>, vector<16xi1>
        %add3A_183 = arith.constant 112 : i32
        %add3A_184 = vector.broadcast %add3A_183 : i32 to vector<16xi32>
        %add3A_185 = arith.addi %add3A_184, %iota3A : vector<16xi32>
        tpu.vector_store_idx %arg7[%broadcast_in_dim3A_83, %add3A_185], %gather3A_182 masked %lt3A_178 : memref<50x1000xf32, #tpu.memory_space<vmem>>[vector<16xi32>, vector<16xi32>], vector<16xf32>, vector<16xi1>
        %broadcast_in_dim3A_186 = arith.constant 1 : i32
        %broadcast_in_dim3A_187 = vector.broadcast %broadcast_in_dim3A_186 : i32 to vector<16xi32>
        %broadcast_in_dim3A_188 = arith.constant 48 : i32
        %broadcast_in_dim3A_189 = vector.broadcast %broadcast_in_dim3A_188 : i32 to vector<16xi32>
        %add3A_190 = arith.constant 128 : i32
        %add3A_191 = vector.broadcast %add3A_190 : i32 to vector<16xi32>
        %add3A_192 = arith.addi %add3A_191, %iota3A : vector<16xi32>
        %lt3A_193 = arith.constant 1000 : i32
        %lt3A_194 = vector.broadcast %lt3A_193 : i32 to vector<16xi32>
        %lt3A_195 = arith.cmpi slt, %add3A_192, %lt3A_194 : vector<16xi32>
        %add3A_196 = arith.constant 0 : i32
        %add3A_197 = vector.broadcast %add3A_196 : i32 to vector<16xi32>
        %add3A_198 = arith.addi %add3A_197, %iota3A : vector<16xi32>
        %gather3A_199 = tpu.vector_load_idx %arg10[%broadcast_in_dim3A_187, %add3A_198] masked %lt3A_195 : memref<16x128xf32, #tpu.memory_space<vmem>>[vector<16xi32>, vector<16xi32>], vector<16xf32>, vector<16xi1>
        %add3A_200 = arith.constant 128 : i32
        %add3A_201 = vector.broadcast %add3A_200 : i32 to vector<16xi32>
        %add3A_202 = arith.addi %add3A_201, %iota3A : vector<16xi32>
        tpu.vector_store_idx %arg7[%broadcast_in_dim3A_189, %add3A_202], %gather3A_199 masked %lt3A_195 : memref<50x1000xf32, #tpu.memory_space<vmem>>[vector<16xi32>, vector<16xi32>], vector<16xf32>, vector<16xi1>
        %add3A_203 = arith.constant 144 : i32
        %add3A_204 = vector.broadcast %add3A_203 : i32 to vector<16xi32>
        %add3A_205 = arith.addi %add3A_204, %iota3A : vector<16xi32>
        %lt3A_206 = arith.constant 1000 : i32
        %lt3A_207 = vector.broadcast %lt3A_206 : i32 to vector<16xi32>
        %lt3A_208 = arith.cmpi slt, %add3A_205, %lt3A_207 : vector<16xi32>
        %add3A_209 = arith.constant 16 : i32
        %add3A_210 = vector.broadcast %add3A_209 : i32 to vector<16xi32>
        %add3A_211 = arith.addi %add3A_210, %iota3A : vector<16xi32>
        %gather3A_212 = tpu.vector_load_idx %arg10[%broadcast_in_dim3A_187, %add3A_211] masked %lt3A_208 : memref<16x128xf32, #tpu.memory_space<vmem>>[vector<16xi32>, vector<16xi32>], vector<16xf32>, vector<16xi1>
        %add3A_213 = arith.constant 144 : i32
        %add3A_214 = vector.broadcast %add3A_213 : i32 to vector<16xi32>
        %add3A_215 = arith.addi %add3A_214, %iota3A : vector<16xi32>
        tpu.vector_store_idx %arg7[%broadcast_in_dim3A_189, %add3A_215], %gather3A_212 masked %lt3A_208 : memref<50x1000xf32, #tpu.memory_space<vmem>>[vector<16xi32>, vector<16xi32>], vector<16xf32>, vector<16xi1>
        %add3A_216 = arith.constant 160 : i32
        %add3A_217 = vector.broadcast %add3A_216 : i32 to vector<16xi32>
        %add3A_218 = arith.addi %add3A_217, %iota3A : vector<16xi32>
        %lt3A_219 = arith.constant 1000 : i32
        %lt3A_220 = vector.broadcast %lt3A_219 : i32 to vector<16xi32>
        %lt3A_221 = arith.cmpi slt, %add3A_218, %lt3A_220 : vector<16xi32>
        %add3A_222 = arith.constant 32 : i32
        %add3A_223 = vector.broadcast %add3A_222 : i32 to vector<16xi32>
        %add3A_224 = arith.addi %add3A_223, %iota3A : vector<16xi32>
        %gather3A_225 = tpu.vector_load_idx %arg10[%broadcast_in_dim3A_187, %add3A_224] masked %lt3A_221 : memref<16x128xf32, #tpu.memory_space<vmem>>[vector<16xi32>, vector<16xi32>], vector<16xf32>, vector<16xi1>
        %add3A_226 = arith.constant 160 : i32
        %add3A_227 = vector.broadcast %add3A_226 : i32 to vector<16xi32>
        %add3A_228 = arith.addi %add3A_227, %iota3A : vector<16xi32>
        tpu.vector_store_idx %arg7[%broadcast_in_dim3A_189, %add3A_228], %gather3A_225 masked %lt3A_221 : memref<50x1000xf32, #tpu.memory_space<vmem>>[vector<16xi32>, vector<16xi32>], vector<16xf32>, vector<16xi1>
        %add3A_229 = arith.constant 176 : i32
        %add3A_230 = vector.broadcast %add3A_229 : i32 to vector<16xi32>
        %add3A_231 = arith.addi %add3A_230, %iota3A : vector<16xi32>
        %lt3A_232 = arith.constant 1000 : i32
        %lt3A_233 = vector.broadcast %lt3A_232 : i32 to vector<16xi32>
        %lt3A_234 = arith.cmpi slt, %add3A_231, %lt3A_233 : vector<16xi32>
        %add3A_235 = arith.constant 48 : i32
        %add3A_236 = vector.broadcast %add3A_235 : i32 to vector<16xi32>
        %add3A_237 = arith.addi %add3A_236, %iota3A : vector<16xi32>
        %gather3A_238 = tpu.vector_load_idx %arg10[%broadcast_in_dim3A_187, %add3A_237] masked %lt3A_234 : memref<16x128xf32, #tpu.memory_space<vmem>>[vector<16xi32>, vector<16xi32>], vector<16xf32>, vector<16xi1>
        %add3A_239 = arith.constant 176 : i32
        %add3A_240 = vector.broadcast %add3A_239 : i32 to vector<16xi32>
        %add3A_241 = arith.addi %add3A_240, %iota3A : vector<16xi32>
        tpu.vector_store_idx %arg7[%broadcast_in_dim3A_189, %add3A_241], %gather3A_238 masked %lt3A_234 : memref<50x1000xf32, #tpu.memory_space<vmem>>[vector<16xi32>, vector<16xi32>], vector<16xf32>, vector<16xi1>
        %add3A_242 = arith.constant 192 : i32
        %add3A_243 = vector.broadcast %add3A_242 : i32 to vector<16xi32>
        %add3A_244 = arith.addi %add3A_243, %iota3A : vector<16xi32>
        %lt3A_245 = arith.constant 1000 : i32
        %lt3A_246 = vector.broadcast %lt3A_245 : i32 to vector<16xi32>
        %lt3A_247 = arith.cmpi slt, %add3A_244, %lt3A_246 : vector<16xi32>
        %add3A_248 = arith.constant 64 : i32
        %add3A_249 = vector.broadcast %add3A_248 : i32 to vector<16xi32>
        %add3A_250 = arith.addi %add3A_249, %iota3A : vector<16xi32>
        %gather3A_251 = tpu.vector_load_idx %arg10[%broadcast_in_dim3A_187, %add3A_250] masked %lt3A_247 : memref<16x128xf32, #tpu.memory_space<vmem>>[vector<16xi32>, vector<16xi32>], vector<16xf32>, vector<16xi1>
        %add3A_252 = arith.constant 192 : i32
        %add3A_253 = vector.broadcast %add3A_252 : i32 to vector<16xi32>
        %add3A_254 = arith.addi %add3A_253, %iota3A : vector<16xi32>
        tpu.vector_store_idx %arg7[%broadcast_in_dim3A_189, %add3A_254], %gather3A_251 masked %lt3A_247 : memref<50x1000xf32, #tpu.memory_space<vmem>>[vector<16xi32>, vector<16xi32>], vector<16xf32>, vector<16xi1>
        %add3A_255 = arith.constant 208 : i32
        %add3A_256 = vector.broadcast %add3A_255 : i32 to vector<16xi32>
        %add3A_257 = arith.addi %add3A_256, %iota3A : vector<16xi32>
        %lt3A_258 = arith.constant 1000 : i32
        %lt3A_259 = vector.broadcast %lt3A_258 : i32 to vector<16xi32>
        %lt3A_260 = arith.cmpi slt, %add3A_257, %lt3A_259 : vector<16xi32>
        %add3A_261 = arith.constant 80 : i32
        %add3A_262 = vector.broadcast %add3A_261 : i32 to vector<16xi32>
        %add3A_263 = arith.addi %add3A_262, %iota3A : vector<16xi32>
        %gather3A_264 = tpu.vector_load_idx %arg10[%broadcast_in_dim3A_187, %add3A_263] masked %lt3A_260 : memref<16x128xf32, #tpu.memory_space<vmem>>[vector<16xi32>, vector<16xi32>], vector<16xf32>, vector<16xi1>
        %add3A_265 = arith.constant 208 : i32
        %add3A_266 = vector.broadcast %add3A_265 : i32 to vector<16xi32>
        %add3A_267 = arith.addi %add3A_266, %iota3A : vector<16xi32>
        tpu.vector_store_idx %arg7[%broadcast_in_dim3A_189, %add3A_267], %gather3A_264 masked %lt3A_260 : memref<50x1000xf32, #tpu.memory_space<vmem>>[vector<16xi32>, vector<16xi32>], vector<16xf32>, vector<16xi1>
        %add3A_268 = arith.constant 224 : i32
        %add3A_269 = vector.broadcast %add3A_268 : i32 to vector<16xi32>
        %add3A_270 = arith.addi %add3A_269, %iota3A : vector<16xi32>
        %lt3A_271 = arith.constant 1000 : i32
        %lt3A_272 = vector.broadcast %lt3A_271 : i32 to vector<16xi32>
        %lt3A_273 = arith.cmpi slt, %add3A_270, %lt3A_272 : vector<16xi32>
        %add3A_274 = arith.constant 96 : i32
        %add3A_275 = vector.broadcast %add3A_274 : i32 to vector<16xi32>
        %add3A_276 = arith.addi %add3A_275, %iota3A : vector<16xi32>
        %gather3A_277 = tpu.vector_load_idx %arg10[%broadcast_in_dim3A_187, %add3A_276] masked %lt3A_273 : memref<16x128xf32, #tpu.memory_space<vmem>>[vector<16xi32>, vector<16xi32>], vector<16xf32>, vector<16xi1>
        %add3A_278 = arith.constant 224 : i32
        %add3A_279 = vector.broadcast %add3A_278 : i32 to vector<16xi32>
        %add3A_280 = arith.addi %add3A_279, %iota3A : vector<16xi32>
        tpu.vector_store_idx %arg7[%broadcast_in_dim3A_189, %add3A_280], %gather3A_277 masked %lt3A_273 : memref<50x1000xf32, #tpu.memory_space<vmem>>[vector<16xi32>, vector<16xi32>], vector<16xf32>, vector<16xi1>
        %add3A_281 = arith.constant 240 : i32
        %add3A_282 = vector.broadcast %add3A_281 : i32 to vector<16xi32>
        %add3A_283 = arith.addi %add3A_282, %iota3A : vector<16xi32>
        %lt3A_284 = arith.constant 1000 : i32
        %lt3A_285 = vector.broadcast %lt3A_284 : i32 to vector<16xi32>
        %lt3A_286 = arith.cmpi slt, %add3A_283, %lt3A_285 : vector<16xi32>
        %add3A_287 = arith.constant 112 : i32
        %add3A_288 = vector.broadcast %add3A_287 : i32 to vector<16xi32>
        %add3A_289 = arith.addi %add3A_288, %iota3A : vector<16xi32>
        %gather3A_290 = tpu.vector_load_idx %arg10[%broadcast_in_dim3A_187, %add3A_289] masked %lt3A_286 : memref<16x128xf32, #tpu.memory_space<vmem>>[vector<16xi32>, vector<16xi32>], vector<16xf32>, vector<16xi1>
        %add3A_291 = arith.constant 240 : i32
        %add3A_292 = vector.broadcast %add3A_291 : i32 to vector<16xi32>
        %add3A_293 = arith.addi %add3A_292, %iota3A : vector<16xi32>
        tpu.vector_store_idx %arg7[%broadcast_in_dim3A_189, %add3A_293], %gather3A_290 masked %lt3A_286 : memref<50x1000xf32, #tpu.memory_space<vmem>>[vector<16xi32>, vector<16xi32>], vector<16xf32>, vector<16xi1>
        %broadcast_in_dim3A_294 = arith.constant 2 : i32
        %broadcast_in_dim3A_295 = vector.broadcast %broadcast_in_dim3A_294 : i32 to vector<16xi32>
        %broadcast_in_dim3A_296 = arith.constant 48 : i32
        %broadcast_in_dim3A_297 = vector.broadcast %broadcast_in_dim3A_296 : i32 to vector<16xi32>
        %add3A_298 = arith.constant 256 : i32
        %add3A_299 = vector.broadcast %add3A_298 : i32 to vector<16xi32>
        %add3A_300 = arith.addi %add3A_299, %iota3A : vector<16xi32>
        %lt3A_301 = arith.constant 1000 : i32
        %lt3A_302 = vector.broadcast %lt3A_301 : i32 to vector<16xi32>
        %lt3A_303 = arith.cmpi slt, %add3A_300, %lt3A_302 : vector<16xi32>
        %add3A_304 = arith.constant 0 : i32
        %add3A_305 = vector.broadcast %add3A_304 : i32 to vector<16xi32>
        %add3A_306 = arith.addi %add3A_305, %iota3A : vector<16xi32>
        %gather3A_307 = tpu.vector_load_idx %arg10[%broadcast_in_dim3A_295, %add3A_306] masked %lt3A_303 : memref<16x128xf32, #tpu.memory_space<vmem>>[vector<16xi32>, vector<16xi32>], vector<16xf32>, vector<16xi1>
        %add3A_308 = arith.constant 256 : i32
        %add3A_309 = vector.broadcast %add3A_308 : i32 to vector<16xi32>
        %add3A_310 = arith.addi %add3A_309, %iota3A : vector<16xi32>
        tpu.vector_store_idx %arg7[%broadcast_in_dim3A_297, %add3A_310], %gather3A_307 masked %lt3A_303 : memref<50x1000xf32, #tpu.memory_space<vmem>>[vector<16xi32>, vector<16xi32>], vector<16xf32>, vector<16xi1>
        %add3A_311 = arith.constant 272 : i32
        %add3A_312 = vector.broadcast %add3A_311 : i32 to vector<16xi32>
        %add3A_313 = arith.addi %add3A_312, %iota3A : vector<16xi32>
        %lt3A_314 = arith.constant 1000 : i32
        %lt3A_315 = vector.broadcast %lt3A_314 : i32 to vector<16xi32>
        %lt3A_316 = arith.cmpi slt, %add3A_313, %lt3A_315 : vector<16xi32>
        %add3A_317 = arith.constant 16 : i32
        %add3A_318 = vector.broadcast %add3A_317 : i32 to vector<16xi32>
        %add3A_319 = arith.addi %add3A_318, %iota3A : vector<16xi32>
        %gather3A_320 = tpu.vector_load_idx %arg10[%broadcast_in_dim3A_295, %add3A_319] masked %lt3A_316 : memref<16x128xf32, #tpu.memory_space<vmem>>[vector<16xi32>, vector<16xi32>], vector<16xf32>, vector<16xi1>
        %add3A_321 = arith.constant 272 : i32
        %add3A_322 = vector.broadcast %add3A_321 : i32 to vector<16xi32>
        %add3A_323 = arith.addi %add3A_322, %iota3A : vector<16xi32>
        tpu.vector_store_idx %arg7[%broadcast_in_dim3A_297, %add3A_323], %gather3A_320 masked %lt3A_316 : memref<50x1000xf32, #tpu.memory_space<vmem>>[vector<16xi32>, vector<16xi32>], vector<16xf32>, vector<16xi1>
        %add3A_324 = arith.constant 288 : i32
        %add3A_325 = vector.broadcast %add3A_324 : i32 to vector<16xi32>
        %add3A_326 = arith.addi %add3A_325, %iota3A : vector<16xi32>
        %lt3A_327 = arith.constant 1000 : i32
        %lt3A_328 = vector.broadcast %lt3A_327 : i32 to vector<16xi32>
        %lt3A_329 = arith.cmpi slt, %add3A_326, %lt3A_328 : vector<16xi32>
        %add3A_330 = arith.constant 32 : i32
        %add3A_331 = vector.broadcast %add3A_330 : i32 to vector<16xi32>
        %add3A_332 = arith.addi %add3A_331, %iota3A : vector<16xi32>
        %gather3A_333 = tpu.vector_load_idx %arg10[%broadcast_in_dim3A_295, %add3A_332] masked %lt3A_329 : memref<16x128xf32, #tpu.memory_space<vmem>>[vector<16xi32>, vector<16xi32>], vector<16xf32>, vector<16xi1>
        %add3A_334 = arith.constant 288 : i32
        %add3A_335 = vector.broadcast %add3A_334 : i32 to vector<16xi32>
        %add3A_336 = arith.addi %add3A_335, %iota3A : vector<16xi32>
        tpu.vector_store_idx %arg7[%broadcast_in_dim3A_297, %add3A_336], %gather3A_333 masked %lt3A_329 : memref<50x1000xf32, #tpu.memory_space<vmem>>[vector<16xi32>, vector<16xi32>], vector<16xf32>, vector<16xi1>
        %add3A_337 = arith.constant 304 : i32
        %add3A_338 = vector.broadcast %add3A_337 : i32 to vector<16xi32>
        %add3A_339 = arith.addi %add3A_338, %iota3A : vector<16xi32>
        %lt3A_340 = arith.constant 1000 : i32
        %lt3A_341 = vector.broadcast %lt3A_340 : i32 to vector<16xi32>
        %lt3A_342 = arith.cmpi slt, %add3A_339, %lt3A_341 : vector<16xi32>
        %add3A_343 = arith.constant 48 : i32
        %add3A_344 = vector.broadcast %add3A_343 : i32 to vector<16xi32>
        %add3A_345 = arith.addi %add3A_344, %iota3A : vector<16xi32>
        %gather3A_346 = tpu.vector_load_idx %arg10[%broadcast_in_dim3A_295, %add3A_345] masked %lt3A_342 : memref<16x128xf32, #tpu.memory_space<vmem>>[vector<16xi32>, vector<16xi32>], vector<16xf32>, vector<16xi1>
        %add3A_347 = arith.constant 304 : i32
        %add3A_348 = vector.broadcast %add3A_347 : i32 to vector<16xi32>
        %add3A_349 = arith.addi %add3A_348, %iota3A : vector<16xi32>
        tpu.vector_store_idx %arg7[%broadcast_in_dim3A_297, %add3A_349], %gather3A_346 masked %lt3A_342 : memref<50x1000xf32, #tpu.memory_space<vmem>>[vector<16xi32>, vector<16xi32>], vector<16xf32>, vector<16xi1>
        %add3A_350 = arith.constant 320 : i32
        %add3A_351 = vector.broadcast %add3A_350 : i32 to vector<16xi32>
        %add3A_352 = arith.addi %add3A_351, %iota3A : vector<16xi32>
        %lt3A_353 = arith.constant 1000 : i32
        %lt3A_354 = vector.broadcast %lt3A_353 : i32 to vector<16xi32>
        %lt3A_355 = arith.cmpi slt, %add3A_352, %lt3A_354 : vector<16xi32>
        %add3A_356 = arith.constant 64 : i32
        %add3A_357 = vector.broadcast %add3A_356 : i32 to vector<16xi32>
        %add3A_358 = arith.addi %add3A_357, %iota3A : vector<16xi32>
        %gather3A_359 = tpu.vector_load_idx %arg10[%broadcast_in_dim3A_295, %add3A_358] masked %lt3A_355 : memref<16x128xf32, #tpu.memory_space<vmem>>[vector<16xi32>, vector<16xi32>], vector<16xf32>, vector<16xi1>
        %add3A_360 = arith.constant 320 : i32
        %add3A_361 = vector.broadcast %add3A_360 : i32 to vector<16xi32>
        %add3A_362 = arith.addi %add3A_361, %iota3A : vector<16xi32>
        tpu.vector_store_idx %arg7[%broadcast_in_dim3A_297, %add3A_362], %gather3A_359 masked %lt3A_355 : memref<50x1000xf32, #tpu.memory_space<vmem>>[vector<16xi32>, vector<16xi32>], vector<16xf32>, vector<16xi1>
        %add3A_363 = arith.constant 336 : i32
        %add3A_364 = vector.broadcast %add3A_363 : i32 to vector<16xi32>
        %add3A_365 = arith.addi %add3A_364, %iota3A : vector<16xi32>
        %lt3A_366 = arith.constant 1000 : i32
        %lt3A_367 = vector.broadcast %lt3A_366 : i32 to vector<16xi32>
        %lt3A_368 = arith.cmpi slt, %add3A_365, %lt3A_367 : vector<16xi32>
        %add3A_369 = arith.constant 80 : i32
        %add3A_370 = vector.broadcast %add3A_369 : i32 to vector<16xi32>
        %add3A_371 = arith.addi %add3A_370, %iota3A : vector<16xi32>
        %gather3A_372 = tpu.vector_load_idx %arg10[%broadcast_in_dim3A_295, %add3A_371] masked %lt3A_368 : memref<16x128xf32, #tpu.memory_space<vmem>>[vector<16xi32>, vector<16xi32>], vector<16xf32>, vector<16xi1>
        %add3A_373 = arith.constant 336 : i32
        %add3A_374 = vector.broadcast %add3A_373 : i32 to vector<16xi32>
        %add3A_375 = arith.addi %add3A_374, %iota3A : vector<16xi32>
        tpu.vector_store_idx %arg7[%broadcast_in_dim3A_297, %add3A_375], %gather3A_372 masked %lt3A_368 : memref<50x1000xf32, #tpu.memory_space<vmem>>[vector<16xi32>, vector<16xi32>], vector<16xf32>, vector<16xi1>
        %add3A_376 = arith.constant 352 : i32
        %add3A_377 = vector.broadcast %add3A_376 : i32 to vector<16xi32>
        %add3A_378 = arith.addi %add3A_377, %iota3A : vector<16xi32>
        %lt3A_379 = arith.constant 1000 : i32
        %lt3A_380 = vector.broadcast %lt3A_379 : i32 to vector<16xi32>
        %lt3A_381 = arith.cmpi slt, %add3A_378, %lt3A_380 : vector<16xi32>
        %add3A_382 = arith.constant 96 : i32
        %add3A_383 = vector.broadcast %add3A_382 : i32 to vector<16xi32>
        %add3A_384 = arith.addi %add3A_383, %iota3A : vector<16xi32>
        %gather3A_385 = tpu.vector_load_idx %arg10[%broadcast_in_dim3A_295, %add3A_384] masked %lt3A_381 : memref<16x128xf32, #tpu.memory_space<vmem>>[vector<16xi32>, vector<16xi32>], vector<16xf32>, vector<16xi1>
        %add3A_386 = arith.constant 352 : i32
        %add3A_387 = vector.broadcast %add3A_386 : i32 to vector<16xi32>
        %add3A_388 = arith.addi %add3A_387, %iota3A : vector<16xi32>
        tpu.vector_store_idx %arg7[%broadcast_in_dim3A_297, %add3A_388], %gather3A_385 masked %lt3A_381 : memref<50x1000xf32, #tpu.memory_space<vmem>>[vector<16xi32>, vector<16xi32>], vector<16xf32>, vector<16xi1>
        %add3A_389 = arith.constant 368 : i32
        %add3A_390 = vector.broadcast %add3A_389 : i32 to vector<16xi32>
        %add3A_391 = arith.addi %add3A_390, %iota3A : vector<16xi32>
        %lt3A_392 = arith.constant 1000 : i32
        %lt3A_393 = vector.broadcast %lt3A_392 : i32 to vector<16xi32>
        %lt3A_394 = arith.cmpi slt, %add3A_391, %lt3A_393 : vector<16xi32>
        %add3A_395 = arith.constant 112 : i32
        %add3A_396 = vector.broadcast %add3A_395 : i32 to vector<16xi32>
        %add3A_397 = arith.addi %add3A_396, %iota3A : vector<16xi32>
        %gather3A_398 = tpu.vector_load_idx %arg10[%broadcast_in_dim3A_295, %add3A_397] masked %lt3A_394 : memref<16x128xf32, #tpu.memory_space<vmem>>[vector<16xi32>, vector<16xi32>], vector<16xf32>, vector<16xi1>
        %add3A_399 = arith.constant 368 : i32
        %add3A_400 = vector.broadcast %add3A_399 : i32 to vector<16xi32>
        %add3A_401 = arith.addi %add3A_400, %iota3A : vector<16xi32>
        tpu.vector_store_idx %arg7[%broadcast_in_dim3A_297, %add3A_401], %gather3A_398 masked %lt3A_394 : memref<50x1000xf32, #tpu.memory_space<vmem>>[vector<16xi32>, vector<16xi32>], vector<16xf32>, vector<16xi1>
        %broadcast_in_dim3A_402 = arith.constant 3 : i32
        %broadcast_in_dim3A_403 = vector.broadcast %broadcast_in_dim3A_402 : i32 to vector<16xi32>
        %broadcast_in_dim3A_404 = arith.constant 48 : i32
        %broadcast_in_dim3A_405 = vector.broadcast %broadcast_in_dim3A_404 : i32 to vector<16xi32>
        %add3A_406 = arith.constant 384 : i32
        %add3A_407 = vector.broadcast %add3A_406 : i32 to vector<16xi32>
        %add3A_408 = arith.addi %add3A_407, %iota3A : vector<16xi32>
        %lt3A_409 = arith.constant 1000 : i32
        %lt3A_410 = vector.broadcast %lt3A_409 : i32 to vector<16xi32>
        %lt3A_411 = arith.cmpi slt, %add3A_408, %lt3A_410 : vector<16xi32>
        %add3A_412 = arith.constant 0 : i32
        %add3A_413 = vector.broadcast %add3A_412 : i32 to vector<16xi32>
        %add3A_414 = arith.addi %add3A_413, %iota3A : vector<16xi32>
        %gather3A_415 = tpu.vector_load_idx %arg10[%broadcast_in_dim3A_403, %add3A_414] masked %lt3A_411 : memref<16x128xf32, #tpu.memory_space<vmem>>[vector<16xi32>, vector<16xi32>], vector<16xf32>, vector<16xi1>
        %add3A_416 = arith.constant 384 : i32
        %add3A_417 = vector.broadcast %add3A_416 : i32 to vector<16xi32>
        %add3A_418 = arith.addi %add3A_417, %iota3A : vector<16xi32>
        tpu.vector_store_idx %arg7[%broadcast_in_dim3A_405, %add3A_418], %gather3A_415 masked %lt3A_411 : memref<50x1000xf32, #tpu.memory_space<vmem>>[vector<16xi32>, vector<16xi32>], vector<16xf32>, vector<16xi1>
        %add3A_419 = arith.constant 400 : i32
        %add3A_420 = vector.broadcast %add3A_419 : i32 to vector<16xi32>
        %add3A_421 = arith.addi %add3A_420, %iota3A : vector<16xi32>
        %lt3A_422 = arith.constant 1000 : i32
        %lt3A_423 = vector.broadcast %lt3A_422 : i32 to vector<16xi32>
        %lt3A_424 = arith.cmpi slt, %add3A_421, %lt3A_423 : vector<16xi32>
        %add3A_425 = arith.constant 16 : i32
        %add3A_426 = vector.broadcast %add3A_425 : i32 to vector<16xi32>
        %add3A_427 = arith.addi %add3A_426, %iota3A : vector<16xi32>
        %gather3A_428 = tpu.vector_load_idx %arg10[%broadcast_in_dim3A_403, %add3A_427] masked %lt3A_424 : memref<16x128xf32, #tpu.memory_space<vmem>>[vector<16xi32>, vector<16xi32>], vector<16xf32>, vector<16xi1>
        %add3A_429 = arith.constant 400 : i32
        %add3A_430 = vector.broadcast %add3A_429 : i32 to vector<16xi32>
        %add3A_431 = arith.addi %add3A_430, %iota3A : vector<16xi32>
        tpu.vector_store_idx %arg7[%broadcast_in_dim3A_405, %add3A_431], %gather3A_428 masked %lt3A_424 : memref<50x1000xf32, #tpu.memory_space<vmem>>[vector<16xi32>, vector<16xi32>], vector<16xf32>, vector<16xi1>
        %add3A_432 = arith.constant 416 : i32
        %add3A_433 = vector.broadcast %add3A_432 : i32 to vector<16xi32>
        %add3A_434 = arith.addi %add3A_433, %iota3A : vector<16xi32>
        %lt3A_435 = arith.constant 1000 : i32
        %lt3A_436 = vector.broadcast %lt3A_435 : i32 to vector<16xi32>
        %lt3A_437 = arith.cmpi slt, %add3A_434, %lt3A_436 : vector<16xi32>
        %add3A_438 = arith.constant 32 : i32
        %add3A_439 = vector.broadcast %add3A_438 : i32 to vector<16xi32>
        %add3A_440 = arith.addi %add3A_439, %iota3A : vector<16xi32>
        %gather3A_441 = tpu.vector_load_idx %arg10[%broadcast_in_dim3A_403, %add3A_440] masked %lt3A_437 : memref<16x128xf32, #tpu.memory_space<vmem>>[vector<16xi32>, vector<16xi32>], vector<16xf32>, vector<16xi1>
        %add3A_442 = arith.constant 416 : i32
        %add3A_443 = vector.broadcast %add3A_442 : i32 to vector<16xi32>
        %add3A_444 = arith.addi %add3A_443, %iota3A : vector<16xi32>
        tpu.vector_store_idx %arg7[%broadcast_in_dim3A_405, %add3A_444], %gather3A_441 masked %lt3A_437 : memref<50x1000xf32, #tpu.memory_space<vmem>>[vector<16xi32>, vector<16xi32>], vector<16xf32>, vector<16xi1>
        %add3A_445 = arith.constant 432 : i32
        %add3A_446 = vector.broadcast %add3A_445 : i32 to vector<16xi32>
        %add3A_447 = arith.addi %add3A_446, %iota3A : vector<16xi32>
        %lt3A_448 = arith.constant 1000 : i32
        %lt3A_449 = vector.broadcast %lt3A_448 : i32 to vector<16xi32>
        %lt3A_450 = arith.cmpi slt, %add3A_447, %lt3A_449 : vector<16xi32>
        %add3A_451 = arith.constant 48 : i32
        %add3A_452 = vector.broadcast %add3A_451 : i32 to vector<16xi32>
        %add3A_453 = arith.addi %add3A_452, %iota3A : vector<16xi32>
        %gather3A_454 = tpu.vector_load_idx %arg10[%broadcast_in_dim3A_403, %add3A_453] masked %lt3A_450 : memref<16x128xf32, #tpu.memory_space<vmem>>[vector<16xi32>, vector<16xi32>], vector<16xf32>, vector<16xi1>
        %add3A_455 = arith.constant 432 : i32
        %add3A_456 = vector.broadcast %add3A_455 : i32 to vector<16xi32>
        %add3A_457 = arith.addi %add3A_456, %iota3A : vector<16xi32>
        tpu.vector_store_idx %arg7[%broadcast_in_dim3A_405, %add3A_457], %gather3A_454 masked %lt3A_450 : memref<50x1000xf32, #tpu.memory_space<vmem>>[vector<16xi32>, vector<16xi32>], vector<16xf32>, vector<16xi1>
        %add3A_458 = arith.constant 448 : i32
        %add3A_459 = vector.broadcast %add3A_458 : i32 to vector<16xi32>
        %add3A_460 = arith.addi %add3A_459, %iota3A : vector<16xi32>
        %lt3A_461 = arith.constant 1000 : i32
        %lt3A_462 = vector.broadcast %lt3A_461 : i32 to vector<16xi32>
        %lt3A_463 = arith.cmpi slt, %add3A_460, %lt3A_462 : vector<16xi32>
        %add3A_464 = arith.constant 64 : i32
        %add3A_465 = vector.broadcast %add3A_464 : i32 to vector<16xi32>
        %add3A_466 = arith.addi %add3A_465, %iota3A : vector<16xi32>
        %gather3A_467 = tpu.vector_load_idx %arg10[%broadcast_in_dim3A_403, %add3A_466] masked %lt3A_463 : memref<16x128xf32, #tpu.memory_space<vmem>>[vector<16xi32>, vector<16xi32>], vector<16xf32>, vector<16xi1>
        %add3A_468 = arith.constant 448 : i32
        %add3A_469 = vector.broadcast %add3A_468 : i32 to vector<16xi32>
        %add3A_470 = arith.addi %add3A_469, %iota3A : vector<16xi32>
        tpu.vector_store_idx %arg7[%broadcast_in_dim3A_405, %add3A_470], %gather3A_467 masked %lt3A_463 : memref<50x1000xf32, #tpu.memory_space<vmem>>[vector<16xi32>, vector<16xi32>], vector<16xf32>, vector<16xi1>
        %add3A_471 = arith.constant 464 : i32
        %add3A_472 = vector.broadcast %add3A_471 : i32 to vector<16xi32>
        %add3A_473 = arith.addi %add3A_472, %iota3A : vector<16xi32>
        %lt3A_474 = arith.constant 1000 : i32
        %lt3A_475 = vector.broadcast %lt3A_474 : i32 to vector<16xi32>
        %lt3A_476 = arith.cmpi slt, %add3A_473, %lt3A_475 : vector<16xi32>
        %add3A_477 = arith.constant 80 : i32
        %add3A_478 = vector.broadcast %add3A_477 : i32 to vector<16xi32>
        %add3A_479 = arith.addi %add3A_478, %iota3A : vector<16xi32>
        %gather3A_480 = tpu.vector_load_idx %arg10[%broadcast_in_dim3A_403, %add3A_479] masked %lt3A_476 : memref<16x128xf32, #tpu.memory_space<vmem>>[vector<16xi32>, vector<16xi32>], vector<16xf32>, vector<16xi1>
        %add3A_481 = arith.constant 464 : i32
        %add3A_482 = vector.broadcast %add3A_481 : i32 to vector<16xi32>
        %add3A_483 = arith.addi %add3A_482, %iota3A : vector<16xi32>
        tpu.vector_store_idx %arg7[%broadcast_in_dim3A_405, %add3A_483], %gather3A_480 masked %lt3A_476 : memref<50x1000xf32, #tpu.memory_space<vmem>>[vector<16xi32>, vector<16xi32>], vector<16xf32>, vector<16xi1>
        %add3A_484 = arith.constant 480 : i32
        %add3A_485 = vector.broadcast %add3A_484 : i32 to vector<16xi32>
        %add3A_486 = arith.addi %add3A_485, %iota3A : vector<16xi32>
        %lt3A_487 = arith.constant 1000 : i32
        %lt3A_488 = vector.broadcast %lt3A_487 : i32 to vector<16xi32>
        %lt3A_489 = arith.cmpi slt, %add3A_486, %lt3A_488 : vector<16xi32>
        %add3A_490 = arith.constant 96 : i32
        %add3A_491 = vector.broadcast %add3A_490 : i32 to vector<16xi32>
        %add3A_492 = arith.addi %add3A_491, %iota3A : vector<16xi32>
        %gather3A_493 = tpu.vector_load_idx %arg10[%broadcast_in_dim3A_403, %add3A_492] masked %lt3A_489 : memref<16x128xf32, #tpu.memory_space<vmem>>[vector<16xi32>, vector<16xi32>], vector<16xf32>, vector<16xi1>
        %add3A_494 = arith.constant 480 : i32
        %add3A_495 = vector.broadcast %add3A_494 : i32 to vector<16xi32>
        %add3A_496 = arith.addi %add3A_495, %iota3A : vector<16xi32>
        tpu.vector_store_idx %arg7[%broadcast_in_dim3A_405, %add3A_496], %gather3A_493 masked %lt3A_489 : memref<50x1000xf32, #tpu.memory_space<vmem>>[vector<16xi32>, vector<16xi32>], vector<16xf32>, vector<16xi1>
        %add3A_497 = arith.constant 496 : i32
        %add3A_498 = vector.broadcast %add3A_497 : i32 to vector<16xi32>
        %add3A_499 = arith.addi %add3A_498, %iota3A : vector<16xi32>
        %lt3A_500 = arith.constant 1000 : i32
        %lt3A_501 = vector.broadcast %lt3A_500 : i32 to vector<16xi32>
        %lt3A_502 = arith.cmpi slt, %add3A_499, %lt3A_501 : vector<16xi32>
        %add3A_503 = arith.constant 112 : i32
        %add3A_504 = vector.broadcast %add3A_503 : i32 to vector<16xi32>
        %add3A_505 = arith.addi %add3A_504, %iota3A : vector<16xi32>
        %gather3A_506 = tpu.vector_load_idx %arg10[%broadcast_in_dim3A_403, %add3A_505] masked %lt3A_502 : memref<16x128xf32, #tpu.memory_space<vmem>>[vector<16xi32>, vector<16xi32>], vector<16xf32>, vector<16xi1>
        %add3A_507 = arith.constant 496 : i32
        %add3A_508 = vector.broadcast %add3A_507 : i32 to vector<16xi32>
        %add3A_509 = arith.addi %add3A_508, %iota3A : vector<16xi32>
        tpu.vector_store_idx %arg7[%broadcast_in_dim3A_405, %add3A_509], %gather3A_506 masked %lt3A_502 : memref<50x1000xf32, #tpu.memory_space<vmem>>[vector<16xi32>, vector<16xi32>], vector<16xf32>, vector<16xi1>
        %broadcast_in_dim3A_510 = arith.constant 4 : i32
        %broadcast_in_dim3A_511 = vector.broadcast %broadcast_in_dim3A_510 : i32 to vector<16xi32>
        %broadcast_in_dim3A_512 = arith.constant 48 : i32
        %broadcast_in_dim3A_513 = vector.broadcast %broadcast_in_dim3A_512 : i32 to vector<16xi32>
        %add3A_514 = arith.constant 512 : i32
        %add3A_515 = vector.broadcast %add3A_514 : i32 to vector<16xi32>
        %add3A_516 = arith.addi %add3A_515, %iota3A : vector<16xi32>
        %lt3A_517 = arith.constant 1000 : i32
        %lt3A_518 = vector.broadcast %lt3A_517 : i32 to vector<16xi32>
        %lt3A_519 = arith.cmpi slt, %add3A_516, %lt3A_518 : vector<16xi32>
        %add3A_520 = arith.constant 0 : i32
        %add3A_521 = vector.broadcast %add3A_520 : i32 to vector<16xi32>
        %add3A_522 = arith.addi %add3A_521, %iota3A : vector<16xi32>
        %gather3A_523 = tpu.vector_load_idx %arg10[%broadcast_in_dim3A_511, %add3A_522] masked %lt3A_519 : memref<16x128xf32, #tpu.memory_space<vmem>>[vector<16xi32>, vector<16xi32>], vector<16xf32>, vector<16xi1>
        %add3A_524 = arith.constant 512 : i32
        %add3A_525 = vector.broadcast %add3A_524 : i32 to vector<16xi32>
        %add3A_526 = arith.addi %add3A_525, %iota3A : vector<16xi32>
        tpu.vector_store_idx %arg7[%broadcast_in_dim3A_513, %add3A_526], %gather3A_523 masked %lt3A_519 : memref<50x1000xf32, #tpu.memory_space<vmem>>[vector<16xi32>, vector<16xi32>], vector<16xf32>, vector<16xi1>
        %add3A_527 = arith.constant 528 : i32
        %add3A_528 = vector.broadcast %add3A_527 : i32 to vector<16xi32>
        %add3A_529 = arith.addi %add3A_528, %iota3A : vector<16xi32>
        %lt3A_530 = arith.constant 1000 : i32
        %lt3A_531 = vector.broadcast %lt3A_530 : i32 to vector<16xi32>
        %lt3A_532 = arith.cmpi slt, %add3A_529, %lt3A_531 : vector<16xi32>
        %add3A_533 = arith.constant 16 : i32
        %add3A_534 = vector.broadcast %add3A_533 : i32 to vector<16xi32>
        %add3A_535 = arith.addi %add3A_534, %iota3A : vector<16xi32>
        %gather3A_536 = tpu.vector_load_idx %arg10[%broadcast_in_dim3A_511, %add3A_535] masked %lt3A_532 : memref<16x128xf32, #tpu.memory_space<vmem>>[vector<16xi32>, vector<16xi32>], vector<16xf32>, vector<16xi1>
        %add3A_537 = arith.constant 528 : i32
        %add3A_538 = vector.broadcast %add3A_537 : i32 to vector<16xi32>
        %add3A_539 = arith.addi %add3A_538, %iota3A : vector<16xi32>
        tpu.vector_store_idx %arg7[%broadcast_in_dim3A_513, %add3A_539], %gather3A_536 masked %lt3A_532 : memref<50x1000xf32, #tpu.memory_space<vmem>>[vector<16xi32>, vector<16xi32>], vector<16xf32>, vector<16xi1>
        %add3A_540 = arith.constant 544 : i32
        %add3A_541 = vector.broadcast %add3A_540 : i32 to vector<16xi32>
        %add3A_542 = arith.addi %add3A_541, %iota3A : vector<16xi32>
        %lt3A_543 = arith.constant 1000 : i32
        %lt3A_544 = vector.broadcast %lt3A_543 : i32 to vector<16xi32>
        %lt3A_545 = arith.cmpi slt, %add3A_542, %lt3A_544 : vector<16xi32>
        %add3A_546 = arith.constant 32 : i32
        %add3A_547 = vector.broadcast %add3A_546 : i32 to vector<16xi32>
        %add3A_548 = arith.addi %add3A_547, %iota3A : vector<16xi32>
        %gather3A_549 = tpu.vector_load_idx %arg10[%broadcast_in_dim3A_511, %add3A_548] masked %lt3A_545 : memref<16x128xf32, #tpu.memory_space<vmem>>[vector<16xi32>, vector<16xi32>], vector<16xf32>, vector<16xi1>
        %add3A_550 = arith.constant 544 : i32
        %add3A_551 = vector.broadcast %add3A_550 : i32 to vector<16xi32>
        %add3A_552 = arith.addi %add3A_551, %iota3A : vector<16xi32>
        tpu.vector_store_idx %arg7[%broadcast_in_dim3A_513, %add3A_552], %gather3A_549 masked %lt3A_545 : memref<50x1000xf32, #tpu.memory_space<vmem>>[vector<16xi32>, vector<16xi32>], vector<16xf32>, vector<16xi1>
        %add3A_553 = arith.constant 560 : i32
        %add3A_554 = vector.broadcast %add3A_553 : i32 to vector<16xi32>
        %add3A_555 = arith.addi %add3A_554, %iota3A : vector<16xi32>
        %lt3A_556 = arith.constant 1000 : i32
        %lt3A_557 = vector.broadcast %lt3A_556 : i32 to vector<16xi32>
        %lt3A_558 = arith.cmpi slt, %add3A_555, %lt3A_557 : vector<16xi32>
        %add3A_559 = arith.constant 48 : i32
        %add3A_560 = vector.broadcast %add3A_559 : i32 to vector<16xi32>
        %add3A_561 = arith.addi %add3A_560, %iota3A : vector<16xi32>
        %gather3A_562 = tpu.vector_load_idx %arg10[%broadcast_in_dim3A_511, %add3A_561] masked %lt3A_558 : memref<16x128xf32, #tpu.memory_space<vmem>>[vector<16xi32>, vector<16xi32>], vector<16xf32>, vector<16xi1>
        %add3A_563 = arith.constant 560 : i32
        %add3A_564 = vector.broadcast %add3A_563 : i32 to vector<16xi32>
        %add3A_565 = arith.addi %add3A_564, %iota3A : vector<16xi32>
        tpu.vector_store_idx %arg7[%broadcast_in_dim3A_513, %add3A_565], %gather3A_562 masked %lt3A_558 : memref<50x1000xf32, #tpu.memory_space<vmem>>[vector<16xi32>, vector<16xi32>], vector<16xf32>, vector<16xi1>
        %add3A_566 = arith.constant 576 : i32
        %add3A_567 = vector.broadcast %add3A_566 : i32 to vector<16xi32>
        %add3A_568 = arith.addi %add3A_567, %iota3A : vector<16xi32>
        %lt3A_569 = arith.constant 1000 : i32
        %lt3A_570 = vector.broadcast %lt3A_569 : i32 to vector<16xi32>
        %lt3A_571 = arith.cmpi slt, %add3A_568, %lt3A_570 : vector<16xi32>
        %add3A_572 = arith.constant 64 : i32
        %add3A_573 = vector.broadcast %add3A_572 : i32 to vector<16xi32>
        %add3A_574 = arith.addi %add3A_573, %iota3A : vector<16xi32>
        %gather3A_575 = tpu.vector_load_idx %arg10[%broadcast_in_dim3A_511, %add3A_574] masked %lt3A_571 : memref<16x128xf32, #tpu.memory_space<vmem>>[vector<16xi32>, vector<16xi32>], vector<16xf32>, vector<16xi1>
        %add3A_576 = arith.constant 576 : i32
        %add3A_577 = vector.broadcast %add3A_576 : i32 to vector<16xi32>
        %add3A_578 = arith.addi %add3A_577, %iota3A : vector<16xi32>
        tpu.vector_store_idx %arg7[%broadcast_in_dim3A_513, %add3A_578], %gather3A_575 masked %lt3A_571 : memref<50x1000xf32, #tpu.memory_space<vmem>>[vector<16xi32>, vector<16xi32>], vector<16xf32>, vector<16xi1>
        %add3A_579 = arith.constant 592 : i32
        %add3A_580 = vector.broadcast %add3A_579 : i32 to vector<16xi32>
        %add3A_581 = arith.addi %add3A_580, %iota3A : vector<16xi32>
        %lt3A_582 = arith.constant 1000 : i32
        %lt3A_583 = vector.broadcast %lt3A_582 : i32 to vector<16xi32>
        %lt3A_584 = arith.cmpi slt, %add3A_581, %lt3A_583 : vector<16xi32>
        %add3A_585 = arith.constant 80 : i32
        %add3A_586 = vector.broadcast %add3A_585 : i32 to vector<16xi32>
        %add3A_587 = arith.addi %add3A_586, %iota3A : vector<16xi32>
        %gather3A_588 = tpu.vector_load_idx %arg10[%broadcast_in_dim3A_511, %add3A_587] masked %lt3A_584 : memref<16x128xf32, #tpu.memory_space<vmem>>[vector<16xi32>, vector<16xi32>], vector<16xf32>, vector<16xi1>
        %add3A_589 = arith.constant 592 : i32
        %add3A_590 = vector.broadcast %add3A_589 : i32 to vector<16xi32>
        %add3A_591 = arith.addi %add3A_590, %iota3A : vector<16xi32>
        tpu.vector_store_idx %arg7[%broadcast_in_dim3A_513, %add3A_591], %gather3A_588 masked %lt3A_584 : memref<50x1000xf32, #tpu.memory_space<vmem>>[vector<16xi32>, vector<16xi32>], vector<16xf32>, vector<16xi1>
        %add3A_592 = arith.constant 608 : i32
        %add3A_593 = vector.broadcast %add3A_592 : i32 to vector<16xi32>
        %add3A_594 = arith.addi %add3A_593, %iota3A : vector<16xi32>
        %lt3A_595 = arith.constant 1000 : i32
        %lt3A_596 = vector.broadcast %lt3A_595 : i32 to vector<16xi32>
        %lt3A_597 = arith.cmpi slt, %add3A_594, %lt3A_596 : vector<16xi32>
        %add3A_598 = arith.constant 96 : i32
        %add3A_599 = vector.broadcast %add3A_598 : i32 to vector<16xi32>
        %add3A_600 = arith.addi %add3A_599, %iota3A : vector<16xi32>
        %gather3A_601 = tpu.vector_load_idx %arg10[%broadcast_in_dim3A_511, %add3A_600] masked %lt3A_597 : memref<16x128xf32, #tpu.memory_space<vmem>>[vector<16xi32>, vector<16xi32>], vector<16xf32>, vector<16xi1>
        %add3A_602 = arith.constant 608 : i32
        %add3A_603 = vector.broadcast %add3A_602 : i32 to vector<16xi32>
        %add3A_604 = arith.addi %add3A_603, %iota3A : vector<16xi32>
        tpu.vector_store_idx %arg7[%broadcast_in_dim3A_513, %add3A_604], %gather3A_601 masked %lt3A_597 : memref<50x1000xf32, #tpu.memory_space<vmem>>[vector<16xi32>, vector<16xi32>], vector<16xf32>, vector<16xi1>
        %add3A_605 = arith.constant 624 : i32
        %add3A_606 = vector.broadcast %add3A_605 : i32 to vector<16xi32>
        %add3A_607 = arith.addi %add3A_606, %iota3A : vector<16xi32>
        %lt3A_608 = arith.constant 1000 : i32
        %lt3A_609 = vector.broadcast %lt3A_608 : i32 to vector<16xi32>
        %lt3A_610 = arith.cmpi slt, %add3A_607, %lt3A_609 : vector<16xi32>
        %add3A_611 = arith.constant 112 : i32
        %add3A_612 = vector.broadcast %add3A_611 : i32 to vector<16xi32>
        %add3A_613 = arith.addi %add3A_612, %iota3A : vector<16xi32>
        %gather3A_614 = tpu.vector_load_idx %arg10[%broadcast_in_dim3A_511, %add3A_613] masked %lt3A_610 : memref<16x128xf32, #tpu.memory_space<vmem>>[vector<16xi32>, vector<16xi32>], vector<16xf32>, vector<16xi1>
        %add3A_615 = arith.constant 624 : i32
        %add3A_616 = vector.broadcast %add3A_615 : i32 to vector<16xi32>
        %add3A_617 = arith.addi %add3A_616, %iota3A : vector<16xi32>
        tpu.vector_store_idx %arg7[%broadcast_in_dim3A_513, %add3A_617], %gather3A_614 masked %lt3A_610 : memref<50x1000xf32, #tpu.memory_space<vmem>>[vector<16xi32>, vector<16xi32>], vector<16xf32>, vector<16xi1>
        %broadcast_in_dim3A_618 = arith.constant 5 : i32
        %broadcast_in_dim3A_619 = vector.broadcast %broadcast_in_dim3A_618 : i32 to vector<16xi32>
        %broadcast_in_dim3A_620 = arith.constant 48 : i32
        %broadcast_in_dim3A_621 = vector.broadcast %broadcast_in_dim3A_620 : i32 to vector<16xi32>
        %add3A_622 = arith.constant 640 : i32
        %add3A_623 = vector.broadcast %add3A_622 : i32 to vector<16xi32>
        %add3A_624 = arith.addi %add3A_623, %iota3A : vector<16xi32>
        %lt3A_625 = arith.constant 1000 : i32
        %lt3A_626 = vector.broadcast %lt3A_625 : i32 to vector<16xi32>
        %lt3A_627 = arith.cmpi slt, %add3A_624, %lt3A_626 : vector<16xi32>
        %add3A_628 = arith.constant 0 : i32
        %add3A_629 = vector.broadcast %add3A_628 : i32 to vector<16xi32>
        %add3A_630 = arith.addi %add3A_629, %iota3A : vector<16xi32>
        %gather3A_631 = tpu.vector_load_idx %arg10[%broadcast_in_dim3A_619, %add3A_630] masked %lt3A_627 : memref<16x128xf32, #tpu.memory_space<vmem>>[vector<16xi32>, vector<16xi32>], vector<16xf32>, vector<16xi1>
        %add3A_632 = arith.constant 640 : i32
        %add3A_633 = vector.broadcast %add3A_632 : i32 to vector<16xi32>
        %add3A_634 = arith.addi %add3A_633, %iota3A : vector<16xi32>
        tpu.vector_store_idx %arg7[%broadcast_in_dim3A_621, %add3A_634], %gather3A_631 masked %lt3A_627 : memref<50x1000xf32, #tpu.memory_space<vmem>>[vector<16xi32>, vector<16xi32>], vector<16xf32>, vector<16xi1>
        %add3A_635 = arith.constant 656 : i32
        %add3A_636 = vector.broadcast %add3A_635 : i32 to vector<16xi32>
        %add3A_637 = arith.addi %add3A_636, %iota3A : vector<16xi32>
        %lt3A_638 = arith.constant 1000 : i32
        %lt3A_639 = vector.broadcast %lt3A_638 : i32 to vector<16xi32>
        %lt3A_640 = arith.cmpi slt, %add3A_637, %lt3A_639 : vector<16xi32>
        %add3A_641 = arith.constant 16 : i32
        %add3A_642 = vector.broadcast %add3A_641 : i32 to vector<16xi32>
        %add3A_643 = arith.addi %add3A_642, %iota3A : vector<16xi32>
        %gather3A_644 = tpu.vector_load_idx %arg10[%broadcast_in_dim3A_619, %add3A_643] masked %lt3A_640 : memref<16x128xf32, #tpu.memory_space<vmem>>[vector<16xi32>, vector<16xi32>], vector<16xf32>, vector<16xi1>
        %add3A_645 = arith.constant 656 : i32
        %add3A_646 = vector.broadcast %add3A_645 : i32 to vector<16xi32>
        %add3A_647 = arith.addi %add3A_646, %iota3A : vector<16xi32>
        tpu.vector_store_idx %arg7[%broadcast_in_dim3A_621, %add3A_647], %gather3A_644 masked %lt3A_640 : memref<50x1000xf32, #tpu.memory_space<vmem>>[vector<16xi32>, vector<16xi32>], vector<16xf32>, vector<16xi1>
        %add3A_648 = arith.constant 672 : i32
        %add3A_649 = vector.broadcast %add3A_648 : i32 to vector<16xi32>
        %add3A_650 = arith.addi %add3A_649, %iota3A : vector<16xi32>
        %lt3A_651 = arith.constant 1000 : i32
        %lt3A_652 = vector.broadcast %lt3A_651 : i32 to vector<16xi32>
        %lt3A_653 = arith.cmpi slt, %add3A_650, %lt3A_652 : vector<16xi32>
        %add3A_654 = arith.constant 32 : i32
        %add3A_655 = vector.broadcast %add3A_654 : i32 to vector<16xi32>
        %add3A_656 = arith.addi %add3A_655, %iota3A : vector<16xi32>
        %gather3A_657 = tpu.vector_load_idx %arg10[%broadcast_in_dim3A_619, %add3A_656] masked %lt3A_653 : memref<16x128xf32, #tpu.memory_space<vmem>>[vector<16xi32>, vector<16xi32>], vector<16xf32>, vector<16xi1>
        %add3A_658 = arith.constant 672 : i32
        %add3A_659 = vector.broadcast %add3A_658 : i32 to vector<16xi32>
        %add3A_660 = arith.addi %add3A_659, %iota3A : vector<16xi32>
        tpu.vector_store_idx %arg7[%broadcast_in_dim3A_621, %add3A_660], %gather3A_657 masked %lt3A_653 : memref<50x1000xf32, #tpu.memory_space<vmem>>[vector<16xi32>, vector<16xi32>], vector<16xf32>, vector<16xi1>
        %add3A_661 = arith.constant 688 : i32
        %add3A_662 = vector.broadcast %add3A_661 : i32 to vector<16xi32>
        %add3A_663 = arith.addi %add3A_662, %iota3A : vector<16xi32>
        %lt3A_664 = arith.constant 1000 : i32
        %lt3A_665 = vector.broadcast %lt3A_664 : i32 to vector<16xi32>
        %lt3A_666 = arith.cmpi slt, %add3A_663, %lt3A_665 : vector<16xi32>
        %add3A_667 = arith.constant 48 : i32
        %add3A_668 = vector.broadcast %add3A_667 : i32 to vector<16xi32>
        %add3A_669 = arith.addi %add3A_668, %iota3A : vector<16xi32>
        %gather3A_670 = tpu.vector_load_idx %arg10[%broadcast_in_dim3A_619, %add3A_669] masked %lt3A_666 : memref<16x128xf32, #tpu.memory_space<vmem>>[vector<16xi32>, vector<16xi32>], vector<16xf32>, vector<16xi1>
        %add3A_671 = arith.constant 688 : i32
        %add3A_672 = vector.broadcast %add3A_671 : i32 to vector<16xi32>
        %add3A_673 = arith.addi %add3A_672, %iota3A : vector<16xi32>
        tpu.vector_store_idx %arg7[%broadcast_in_dim3A_621, %add3A_673], %gather3A_670 masked %lt3A_666 : memref<50x1000xf32, #tpu.memory_space<vmem>>[vector<16xi32>, vector<16xi32>], vector<16xf32>, vector<16xi1>
        %add3A_674 = arith.constant 704 : i32
        %add3A_675 = vector.broadcast %add3A_674 : i32 to vector<16xi32>
        %add3A_676 = arith.addi %add3A_675, %iota3A : vector<16xi32>
        %lt3A_677 = arith.constant 1000 : i32
        %lt3A_678 = vector.broadcast %lt3A_677 : i32 to vector<16xi32>
        %lt3A_679 = arith.cmpi slt, %add3A_676, %lt3A_678 : vector<16xi32>
        %add3A_680 = arith.constant 64 : i32
        %add3A_681 = vector.broadcast %add3A_680 : i32 to vector<16xi32>
        %add3A_682 = arith.addi %add3A_681, %iota3A : vector<16xi32>
        %gather3A_683 = tpu.vector_load_idx %arg10[%broadcast_in_dim3A_619, %add3A_682] masked %lt3A_679 : memref<16x128xf32, #tpu.memory_space<vmem>>[vector<16xi32>, vector<16xi32>], vector<16xf32>, vector<16xi1>
        %add3A_684 = arith.constant 704 : i32
        %add3A_685 = vector.broadcast %add3A_684 : i32 to vector<16xi32>
        %add3A_686 = arith.addi %add3A_685, %iota3A : vector<16xi32>
        tpu.vector_store_idx %arg7[%broadcast_in_dim3A_621, %add3A_686], %gather3A_683 masked %lt3A_679 : memref<50x1000xf32, #tpu.memory_space<vmem>>[vector<16xi32>, vector<16xi32>], vector<16xf32>, vector<16xi1>
        %add3A_687 = arith.constant 720 : i32
        %add3A_688 = vector.broadcast %add3A_687 : i32 to vector<16xi32>
        %add3A_689 = arith.addi %add3A_688, %iota3A : vector<16xi32>
        %lt3A_690 = arith.constant 1000 : i32
        %lt3A_691 = vector.broadcast %lt3A_690 : i32 to vector<16xi32>
        %lt3A_692 = arith.cmpi slt, %add3A_689, %lt3A_691 : vector<16xi32>
        %add3A_693 = arith.constant 80 : i32
        %add3A_694 = vector.broadcast %add3A_693 : i32 to vector<16xi32>
        %add3A_695 = arith.addi %add3A_694, %iota3A : vector<16xi32>
        %gather3A_696 = tpu.vector_load_idx %arg10[%broadcast_in_dim3A_619, %add3A_695] masked %lt3A_692 : memref<16x128xf32, #tpu.memory_space<vmem>>[vector<16xi32>, vector<16xi32>], vector<16xf32>, vector<16xi1>
        %add3A_697 = arith.constant 720 : i32
        %add3A_698 = vector.broadcast %add3A_697 : i32 to vector<16xi32>
        %add3A_699 = arith.addi %add3A_698, %iota3A : vector<16xi32>
        tpu.vector_store_idx %arg7[%broadcast_in_dim3A_621, %add3A_699], %gather3A_696 masked %lt3A_692 : memref<50x1000xf32, #tpu.memory_space<vmem>>[vector<16xi32>, vector<16xi32>], vector<16xf32>, vector<16xi1>
        %add3A_700 = arith.constant 736 : i32
        %add3A_701 = vector.broadcast %add3A_700 : i32 to vector<16xi32>
        %add3A_702 = arith.addi %add3A_701, %iota3A : vector<16xi32>
        %lt3A_703 = arith.constant 1000 : i32
        %lt3A_704 = vector.broadcast %lt3A_703 : i32 to vector<16xi32>
        %lt3A_705 = arith.cmpi slt, %add3A_702, %lt3A_704 : vector<16xi32>
        %add3A_706 = arith.constant 96 : i32
        %add3A_707 = vector.broadcast %add3A_706 : i32 to vector<16xi32>
        %add3A_708 = arith.addi %add3A_707, %iota3A : vector<16xi32>
        %gather3A_709 = tpu.vector_load_idx %arg10[%broadcast_in_dim3A_619, %add3A_708] masked %lt3A_705 : memref<16x128xf32, #tpu.memory_space<vmem>>[vector<16xi32>, vector<16xi32>], vector<16xf32>, vector<16xi1>
        %add3A_710 = arith.constant 736 : i32
        %add3A_711 = vector.broadcast %add3A_710 : i32 to vector<16xi32>
        %add3A_712 = arith.addi %add3A_711, %iota3A : vector<16xi32>
        tpu.vector_store_idx %arg7[%broadcast_in_dim3A_621, %add3A_712], %gather3A_709 masked %lt3A_705 : memref<50x1000xf32, #tpu.memory_space<vmem>>[vector<16xi32>, vector<16xi32>], vector<16xf32>, vector<16xi1>
        %add3A_713 = arith.constant 752 : i32
        %add3A_714 = vector.broadcast %add3A_713 : i32 to vector<16xi32>
        %add3A_715 = arith.addi %add3A_714, %iota3A : vector<16xi32>
        %lt3A_716 = arith.constant 1000 : i32
        %lt3A_717 = vector.broadcast %lt3A_716 : i32 to vector<16xi32>
        %lt3A_718 = arith.cmpi slt, %add3A_715, %lt3A_717 : vector<16xi32>
        %add3A_719 = arith.constant 112 : i32
        %add3A_720 = vector.broadcast %add3A_719 : i32 to vector<16xi32>
        %add3A_721 = arith.addi %add3A_720, %iota3A : vector<16xi32>
        %gather3A_722 = tpu.vector_load_idx %arg10[%broadcast_in_dim3A_619, %add3A_721] masked %lt3A_718 : memref<16x128xf32, #tpu.memory_space<vmem>>[vector<16xi32>, vector<16xi32>], vector<16xf32>, vector<16xi1>
        %add3A_723 = arith.constant 752 : i32
        %add3A_724 = vector.broadcast %add3A_723 : i32 to vector<16xi32>
        %add3A_725 = arith.addi %add3A_724, %iota3A : vector<16xi32>
        tpu.vector_store_idx %arg7[%broadcast_in_dim3A_621, %add3A_725], %gather3A_722 masked %lt3A_718 : memref<50x1000xf32, #tpu.memory_space<vmem>>[vector<16xi32>, vector<16xi32>], vector<16xf32>, vector<16xi1>
        %broadcast_in_dim3A_726 = arith.constant 6 : i32
        %broadcast_in_dim3A_727 = vector.broadcast %broadcast_in_dim3A_726 : i32 to vector<16xi32>
        %broadcast_in_dim3A_728 = arith.constant 48 : i32
        %broadcast_in_dim3A_729 = vector.broadcast %broadcast_in_dim3A_728 : i32 to vector<16xi32>
        %add3A_730 = arith.constant 768 : i32
        %add3A_731 = vector.broadcast %add3A_730 : i32 to vector<16xi32>
        %add3A_732 = arith.addi %add3A_731, %iota3A : vector<16xi32>
        %lt3A_733 = arith.constant 1000 : i32
        %lt3A_734 = vector.broadcast %lt3A_733 : i32 to vector<16xi32>
        %lt3A_735 = arith.cmpi slt, %add3A_732, %lt3A_734 : vector<16xi32>
        %add3A_736 = arith.constant 0 : i32
        %add3A_737 = vector.broadcast %add3A_736 : i32 to vector<16xi32>
        %add3A_738 = arith.addi %add3A_737, %iota3A : vector<16xi32>
        %gather3A_739 = tpu.vector_load_idx %arg10[%broadcast_in_dim3A_727, %add3A_738] masked %lt3A_735 : memref<16x128xf32, #tpu.memory_space<vmem>>[vector<16xi32>, vector<16xi32>], vector<16xf32>, vector<16xi1>
        %add3A_740 = arith.constant 768 : i32
        %add3A_741 = vector.broadcast %add3A_740 : i32 to vector<16xi32>
        %add3A_742 = arith.addi %add3A_741, %iota3A : vector<16xi32>
        tpu.vector_store_idx %arg7[%broadcast_in_dim3A_729, %add3A_742], %gather3A_739 masked %lt3A_735 : memref<50x1000xf32, #tpu.memory_space<vmem>>[vector<16xi32>, vector<16xi32>], vector<16xf32>, vector<16xi1>
        %add3A_743 = arith.constant 784 : i32
        %add3A_744 = vector.broadcast %add3A_743 : i32 to vector<16xi32>
        %add3A_745 = arith.addi %add3A_744, %iota3A : vector<16xi32>
        %lt3A_746 = arith.constant 1000 : i32
        %lt3A_747 = vector.broadcast %lt3A_746 : i32 to vector<16xi32>
        %lt3A_748 = arith.cmpi slt, %add3A_745, %lt3A_747 : vector<16xi32>
        %add3A_749 = arith.constant 16 : i32
        %add3A_750 = vector.broadcast %add3A_749 : i32 to vector<16xi32>
        %add3A_751 = arith.addi %add3A_750, %iota3A : vector<16xi32>
        %gather3A_752 = tpu.vector_load_idx %arg10[%broadcast_in_dim3A_727, %add3A_751] masked %lt3A_748 : memref<16x128xf32, #tpu.memory_space<vmem>>[vector<16xi32>, vector<16xi32>], vector<16xf32>, vector<16xi1>
        %add3A_753 = arith.constant 784 : i32
        %add3A_754 = vector.broadcast %add3A_753 : i32 to vector<16xi32>
        %add3A_755 = arith.addi %add3A_754, %iota3A : vector<16xi32>
        tpu.vector_store_idx %arg7[%broadcast_in_dim3A_729, %add3A_755], %gather3A_752 masked %lt3A_748 : memref<50x1000xf32, #tpu.memory_space<vmem>>[vector<16xi32>, vector<16xi32>], vector<16xf32>, vector<16xi1>
        %add3A_756 = arith.constant 800 : i32
        %add3A_757 = vector.broadcast %add3A_756 : i32 to vector<16xi32>
        %add3A_758 = arith.addi %add3A_757, %iota3A : vector<16xi32>
        %lt3A_759 = arith.constant 1000 : i32
        %lt3A_760 = vector.broadcast %lt3A_759 : i32 to vector<16xi32>
        %lt3A_761 = arith.cmpi slt, %add3A_758, %lt3A_760 : vector<16xi32>
        %add3A_762 = arith.constant 32 : i32
        %add3A_763 = vector.broadcast %add3A_762 : i32 to vector<16xi32>
        %add3A_764 = arith.addi %add3A_763, %iota3A : vector<16xi32>
        %gather3A_765 = tpu.vector_load_idx %arg10[%broadcast_in_dim3A_727, %add3A_764] masked %lt3A_761 : memref<16x128xf32, #tpu.memory_space<vmem>>[vector<16xi32>, vector<16xi32>], vector<16xf32>, vector<16xi1>
        %add3A_766 = arith.constant 800 : i32
        %add3A_767 = vector.broadcast %add3A_766 : i32 to vector<16xi32>
        %add3A_768 = arith.addi %add3A_767, %iota3A : vector<16xi32>
        tpu.vector_store_idx %arg7[%broadcast_in_dim3A_729, %add3A_768], %gather3A_765 masked %lt3A_761 : memref<50x1000xf32, #tpu.memory_space<vmem>>[vector<16xi32>, vector<16xi32>], vector<16xf32>, vector<16xi1>
        %add3A_769 = arith.constant 816 : i32
        %add3A_770 = vector.broadcast %add3A_769 : i32 to vector<16xi32>
        %add3A_771 = arith.addi %add3A_770, %iota3A : vector<16xi32>
        %lt3A_772 = arith.constant 1000 : i32
        %lt3A_773 = vector.broadcast %lt3A_772 : i32 to vector<16xi32>
        %lt3A_774 = arith.cmpi slt, %add3A_771, %lt3A_773 : vector<16xi32>
        %add3A_775 = arith.constant 48 : i32
        %add3A_776 = vector.broadcast %add3A_775 : i32 to vector<16xi32>
        %add3A_777 = arith.addi %add3A_776, %iota3A : vector<16xi32>
        %gather3A_778 = tpu.vector_load_idx %arg10[%broadcast_in_dim3A_727, %add3A_777] masked %lt3A_774 : memref<16x128xf32, #tpu.memory_space<vmem>>[vector<16xi32>, vector<16xi32>], vector<16xf32>, vector<16xi1>
        %add3A_779 = arith.constant 816 : i32
        %add3A_780 = vector.broadcast %add3A_779 : i32 to vector<16xi32>
        %add3A_781 = arith.addi %add3A_780, %iota3A : vector<16xi32>
        tpu.vector_store_idx %arg7[%broadcast_in_dim3A_729, %add3A_781], %gather3A_778 masked %lt3A_774 : memref<50x1000xf32, #tpu.memory_space<vmem>>[vector<16xi32>, vector<16xi32>], vector<16xf32>, vector<16xi1>
        %add3A_782 = arith.constant 832 : i32
        %add3A_783 = vector.broadcast %add3A_782 : i32 to vector<16xi32>
        %add3A_784 = arith.addi %add3A_783, %iota3A : vector<16xi32>
        %lt3A_785 = arith.constant 1000 : i32
        %lt3A_786 = vector.broadcast %lt3A_785 : i32 to vector<16xi32>
        %lt3A_787 = arith.cmpi slt, %add3A_784, %lt3A_786 : vector<16xi32>
        %add3A_788 = arith.constant 64 : i32
        %add3A_789 = vector.broadcast %add3A_788 : i32 to vector<16xi32>
        %add3A_790 = arith.addi %add3A_789, %iota3A : vector<16xi32>
        %gather3A_791 = tpu.vector_load_idx %arg10[%broadcast_in_dim3A_727, %add3A_790] masked %lt3A_787 : memref<16x128xf32, #tpu.memory_space<vmem>>[vector<16xi32>, vector<16xi32>], vector<16xf32>, vector<16xi1>
        %add3A_792 = arith.constant 832 : i32
        %add3A_793 = vector.broadcast %add3A_792 : i32 to vector<16xi32>
        %add3A_794 = arith.addi %add3A_793, %iota3A : vector<16xi32>
        tpu.vector_store_idx %arg7[%broadcast_in_dim3A_729, %add3A_794], %gather3A_791 masked %lt3A_787 : memref<50x1000xf32, #tpu.memory_space<vmem>>[vector<16xi32>, vector<16xi32>], vector<16xf32>, vector<16xi1>
        %add3A_795 = arith.constant 848 : i32
        %add3A_796 = vector.broadcast %add3A_795 : i32 to vector<16xi32>
        %add3A_797 = arith.addi %add3A_796, %iota3A : vector<16xi32>
        %lt3A_798 = arith.constant 1000 : i32
        %lt3A_799 = vector.broadcast %lt3A_798 : i32 to vector<16xi32>
        %lt3A_800 = arith.cmpi slt, %add3A_797, %lt3A_799 : vector<16xi32>
        %add3A_801 = arith.constant 80 : i32
        %add3A_802 = vector.broadcast %add3A_801 : i32 to vector<16xi32>
        %add3A_803 = arith.addi %add3A_802, %iota3A : vector<16xi32>
        %gather3A_804 = tpu.vector_load_idx %arg10[%broadcast_in_dim3A_727, %add3A_803] masked %lt3A_800 : memref<16x128xf32, #tpu.memory_space<vmem>>[vector<16xi32>, vector<16xi32>], vector<16xf32>, vector<16xi1>
        %add3A_805 = arith.constant 848 : i32
        %add3A_806 = vector.broadcast %add3A_805 : i32 to vector<16xi32>
        %add3A_807 = arith.addi %add3A_806, %iota3A : vector<16xi32>
        tpu.vector_store_idx %arg7[%broadcast_in_dim3A_729, %add3A_807], %gather3A_804 masked %lt3A_800 : memref<50x1000xf32, #tpu.memory_space<vmem>>[vector<16xi32>, vector<16xi32>], vector<16xf32>, vector<16xi1>
        %add3A_808 = arith.constant 864 : i32
        %add3A_809 = vector.broadcast %add3A_808 : i32 to vector<16xi32>
        %add3A_810 = arith.addi %add3A_809, %iota3A : vector<16xi32>
        %lt3A_811 = arith.constant 1000 : i32
        %lt3A_812 = vector.broadcast %lt3A_811 : i32 to vector<16xi32>
        %lt3A_813 = arith.cmpi slt, %add3A_810, %lt3A_812 : vector<16xi32>
        %add3A_814 = arith.constant 96 : i32
        %add3A_815 = vector.broadcast %add3A_814 : i32 to vector<16xi32>
        %add3A_816 = arith.addi %add3A_815, %iota3A : vector<16xi32>
        %gather3A_817 = tpu.vector_load_idx %arg10[%broadcast_in_dim3A_727, %add3A_816] masked %lt3A_813 : memref<16x128xf32, #tpu.memory_space<vmem>>[vector<16xi32>, vector<16xi32>], vector<16xf32>, vector<16xi1>
        %add3A_818 = arith.constant 864 : i32
        %add3A_819 = vector.broadcast %add3A_818 : i32 to vector<16xi32>
        %add3A_820 = arith.addi %add3A_819, %iota3A : vector<16xi32>
        tpu.vector_store_idx %arg7[%broadcast_in_dim3A_729, %add3A_820], %gather3A_817 masked %lt3A_813 : memref<50x1000xf32, #tpu.memory_space<vmem>>[vector<16xi32>, vector<16xi32>], vector<16xf32>, vector<16xi1>
        %add3A_821 = arith.constant 880 : i32
        %add3A_822 = vector.broadcast %add3A_821 : i32 to vector<16xi32>
        %add3A_823 = arith.addi %add3A_822, %iota3A : vector<16xi32>
        %lt3A_824 = arith.constant 1000 : i32
        %lt3A_825 = vector.broadcast %lt3A_824 : i32 to vector<16xi32>
        %lt3A_826 = arith.cmpi slt, %add3A_823, %lt3A_825 : vector<16xi32>
        %add3A_827 = arith.constant 112 : i32
        %add3A_828 = vector.broadcast %add3A_827 : i32 to vector<16xi32>
        %add3A_829 = arith.addi %add3A_828, %iota3A : vector<16xi32>
        %gather3A_830 = tpu.vector_load_idx %arg10[%broadcast_in_dim3A_727, %add3A_829] masked %lt3A_826 : memref<16x128xf32, #tpu.memory_space<vmem>>[vector<16xi32>, vector<16xi32>], vector<16xf32>, vector<16xi1>
        %add3A_831 = arith.constant 880 : i32
        %add3A_832 = vector.broadcast %add3A_831 : i32 to vector<16xi32>
        %add3A_833 = arith.addi %add3A_832, %iota3A : vector<16xi32>
        tpu.vector_store_idx %arg7[%broadcast_in_dim3A_729, %add3A_833], %gather3A_830 masked %lt3A_826 : memref<50x1000xf32, #tpu.memory_space<vmem>>[vector<16xi32>, vector<16xi32>], vector<16xf32>, vector<16xi1>
        %broadcast_in_dim3A_834 = arith.constant 7 : i32
        %broadcast_in_dim3A_835 = vector.broadcast %broadcast_in_dim3A_834 : i32 to vector<16xi32>
        %broadcast_in_dim3A_836 = arith.constant 48 : i32
        %broadcast_in_dim3A_837 = vector.broadcast %broadcast_in_dim3A_836 : i32 to vector<16xi32>
        %add3A_838 = arith.constant 896 : i32
        %add3A_839 = vector.broadcast %add3A_838 : i32 to vector<16xi32>
        %add3A_840 = arith.addi %add3A_839, %iota3A : vector<16xi32>
        %lt3A_841 = arith.constant 1000 : i32
        %lt3A_842 = vector.broadcast %lt3A_841 : i32 to vector<16xi32>
        %lt3A_843 = arith.cmpi slt, %add3A_840, %lt3A_842 : vector<16xi32>
        %add3A_844 = arith.constant 0 : i32
        %add3A_845 = vector.broadcast %add3A_844 : i32 to vector<16xi32>
        %add3A_846 = arith.addi %add3A_845, %iota3A : vector<16xi32>
        %gather3A_847 = tpu.vector_load_idx %arg10[%broadcast_in_dim3A_835, %add3A_846] masked %lt3A_843 : memref<16x128xf32, #tpu.memory_space<vmem>>[vector<16xi32>, vector<16xi32>], vector<16xf32>, vector<16xi1>
        %add3A_848 = arith.constant 896 : i32
        %add3A_849 = vector.broadcast %add3A_848 : i32 to vector<16xi32>
        %add3A_850 = arith.addi %add3A_849, %iota3A : vector<16xi32>
        tpu.vector_store_idx %arg7[%broadcast_in_dim3A_837, %add3A_850], %gather3A_847 masked %lt3A_843 : memref<50x1000xf32, #tpu.memory_space<vmem>>[vector<16xi32>, vector<16xi32>], vector<16xf32>, vector<16xi1>
        %add3A_851 = arith.constant 912 : i32
        %add3A_852 = vector.broadcast %add3A_851 : i32 to vector<16xi32>
        %add3A_853 = arith.addi %add3A_852, %iota3A : vector<16xi32>
        %lt3A_854 = arith.constant 1000 : i32
        %lt3A_855 = vector.broadcast %lt3A_854 : i32 to vector<16xi32>
        %lt3A_856 = arith.cmpi slt, %add3A_853, %lt3A_855 : vector<16xi32>
        %add3A_857 = arith.constant 16 : i32
        %add3A_858 = vector.broadcast %add3A_857 : i32 to vector<16xi32>
        %add3A_859 = arith.addi %add3A_858, %iota3A : vector<16xi32>
        %gather3A_860 = tpu.vector_load_idx %arg10[%broadcast_in_dim3A_835, %add3A_859] masked %lt3A_856 : memref<16x128xf32, #tpu.memory_space<vmem>>[vector<16xi32>, vector<16xi32>], vector<16xf32>, vector<16xi1>
        %add3A_861 = arith.constant 912 : i32
        %add3A_862 = vector.broadcast %add3A_861 : i32 to vector<16xi32>
        %add3A_863 = arith.addi %add3A_862, %iota3A : vector<16xi32>
        tpu.vector_store_idx %arg7[%broadcast_in_dim3A_837, %add3A_863], %gather3A_860 masked %lt3A_856 : memref<50x1000xf32, #tpu.memory_space<vmem>>[vector<16xi32>, vector<16xi32>], vector<16xf32>, vector<16xi1>
        %add3A_864 = arith.constant 928 : i32
        %add3A_865 = vector.broadcast %add3A_864 : i32 to vector<16xi32>
        %add3A_866 = arith.addi %add3A_865, %iota3A : vector<16xi32>
        %lt3A_867 = arith.constant 1000 : i32
        %lt3A_868 = vector.broadcast %lt3A_867 : i32 to vector<16xi32>
        %lt3A_869 = arith.cmpi slt, %add3A_866, %lt3A_868 : vector<16xi32>
        %add3A_870 = arith.constant 32 : i32
        %add3A_871 = vector.broadcast %add3A_870 : i32 to vector<16xi32>
        %add3A_872 = arith.addi %add3A_871, %iota3A : vector<16xi32>
        %gather3A_873 = tpu.vector_load_idx %arg10[%broadcast_in_dim3A_835, %add3A_872] masked %lt3A_869 : memref<16x128xf32, #tpu.memory_space<vmem>>[vector<16xi32>, vector<16xi32>], vector<16xf32>, vector<16xi1>
        %add3A_874 = arith.constant 928 : i32
        %add3A_875 = vector.broadcast %add3A_874 : i32 to vector<16xi32>
        %add3A_876 = arith.addi %add3A_875, %iota3A : vector<16xi32>
        tpu.vector_store_idx %arg7[%broadcast_in_dim3A_837, %add3A_876], %gather3A_873 masked %lt3A_869 : memref<50x1000xf32, #tpu.memory_space<vmem>>[vector<16xi32>, vector<16xi32>], vector<16xf32>, vector<16xi1>
        %add3A_877 = arith.constant 944 : i32
        %add3A_878 = vector.broadcast %add3A_877 : i32 to vector<16xi32>
        %add3A_879 = arith.addi %add3A_878, %iota3A : vector<16xi32>
        %lt3A_880 = arith.constant 1000 : i32
        %lt3A_881 = vector.broadcast %lt3A_880 : i32 to vector<16xi32>
        %lt3A_882 = arith.cmpi slt, %add3A_879, %lt3A_881 : vector<16xi32>
        %add3A_883 = arith.constant 48 : i32
        %add3A_884 = vector.broadcast %add3A_883 : i32 to vector<16xi32>
        %add3A_885 = arith.addi %add3A_884, %iota3A : vector<16xi32>
        %gather3A_886 = tpu.vector_load_idx %arg10[%broadcast_in_dim3A_835, %add3A_885] masked %lt3A_882 : memref<16x128xf32, #tpu.memory_space<vmem>>[vector<16xi32>, vector<16xi32>], vector<16xf32>, vector<16xi1>
        %add3A_887 = arith.constant 944 : i32
        %add3A_888 = vector.broadcast %add3A_887 : i32 to vector<16xi32>
        %add3A_889 = arith.addi %add3A_888, %iota3A : vector<16xi32>
        tpu.vector_store_idx %arg7[%broadcast_in_dim3A_837, %add3A_889], %gather3A_886 masked %lt3A_882 : memref<50x1000xf32, #tpu.memory_space<vmem>>[vector<16xi32>, vector<16xi32>], vector<16xf32>, vector<16xi1>
        %add3A_890 = arith.constant 960 : i32
        %add3A_891 = vector.broadcast %add3A_890 : i32 to vector<16xi32>
        %add3A_892 = arith.addi %add3A_891, %iota3A : vector<16xi32>
        %lt3A_893 = arith.constant 1000 : i32
        %lt3A_894 = vector.broadcast %lt3A_893 : i32 to vector<16xi32>
        %lt3A_895 = arith.cmpi slt, %add3A_892, %lt3A_894 : vector<16xi32>
        %add3A_896 = arith.constant 64 : i32
        %add3A_897 = vector.broadcast %add3A_896 : i32 to vector<16xi32>
        %add3A_898 = arith.addi %add3A_897, %iota3A : vector<16xi32>
        %gather3A_899 = tpu.vector_load_idx %arg10[%broadcast_in_dim3A_835, %add3A_898] masked %lt3A_895 : memref<16x128xf32, #tpu.memory_space<vmem>>[vector<16xi32>, vector<16xi32>], vector<16xf32>, vector<16xi1>
        %add3A_900 = arith.constant 960 : i32
        %add3A_901 = vector.broadcast %add3A_900 : i32 to vector<16xi32>
        %add3A_902 = arith.addi %add3A_901, %iota3A : vector<16xi32>
        tpu.vector_store_idx %arg7[%broadcast_in_dim3A_837, %add3A_902], %gather3A_899 masked %lt3A_895 : memref<50x1000xf32, #tpu.memory_space<vmem>>[vector<16xi32>, vector<16xi32>], vector<16xf32>, vector<16xi1>
        %add3A_903 = arith.constant 976 : i32
        %add3A_904 = vector.broadcast %add3A_903 : i32 to vector<16xi32>
        %add3A_905 = arith.addi %add3A_904, %iota3A : vector<16xi32>
        %lt3A_906 = arith.constant 1000 : i32
        %lt3A_907 = vector.broadcast %lt3A_906 : i32 to vector<16xi32>
        %lt3A_908 = arith.cmpi slt, %add3A_905, %lt3A_907 : vector<16xi32>
        %add3A_909 = arith.constant 80 : i32
        %add3A_910 = vector.broadcast %add3A_909 : i32 to vector<16xi32>
        %add3A_911 = arith.addi %add3A_910, %iota3A : vector<16xi32>
        %gather3A_912 = tpu.vector_load_idx %arg10[%broadcast_in_dim3A_835, %add3A_911] masked %lt3A_908 : memref<16x128xf32, #tpu.memory_space<vmem>>[vector<16xi32>, vector<16xi32>], vector<16xf32>, vector<16xi1>
        %add3A_913 = arith.constant 976 : i32
        %add3A_914 = vector.broadcast %add3A_913 : i32 to vector<16xi32>
        %add3A_915 = arith.addi %add3A_914, %iota3A : vector<16xi32>
        tpu.vector_store_idx %arg7[%broadcast_in_dim3A_837, %add3A_915], %gather3A_912 masked %lt3A_908 : memref<50x1000xf32, #tpu.memory_space<vmem>>[vector<16xi32>, vector<16xi32>], vector<16xf32>, vector<16xi1>
        %add3A_916 = arith.constant 992 : i32
        %add3A_917 = vector.broadcast %add3A_916 : i32 to vector<16xi32>
        %add3A_918 = arith.addi %add3A_917, %iota3A : vector<16xi32>
        %lt3A_919 = arith.constant 1000 : i32
        %lt3A_920 = vector.broadcast %lt3A_919 : i32 to vector<16xi32>
        %lt3A_921 = arith.cmpi slt, %add3A_918, %lt3A_920 : vector<16xi32>
        %add3A_922 = arith.constant 96 : i32
        %add3A_923 = vector.broadcast %add3A_922 : i32 to vector<16xi32>
        %add3A_924 = arith.addi %add3A_923, %iota3A : vector<16xi32>
        %gather3A_925 = tpu.vector_load_idx %arg10[%broadcast_in_dim3A_835, %add3A_924] masked %lt3A_921 : memref<16x128xf32, #tpu.memory_space<vmem>>[vector<16xi32>, vector<16xi32>], vector<16xf32>, vector<16xi1>
        %add3A_926 = arith.constant 992 : i32
        %add3A_927 = vector.broadcast %add3A_926 : i32 to vector<16xi32>
        %add3A_928 = arith.addi %add3A_927, %iota3A : vector<16xi32>
        tpu.vector_store_idx %arg7[%broadcast_in_dim3A_837, %add3A_928], %gather3A_925 masked %lt3A_921 : memref<50x1000xf32, #tpu.memory_space<vmem>>[vector<16xi32>, vector<16xi32>], vector<16xf32>, vector<16xi1>
        %broadcast_in_dim3A_929 = arith.constant 8 : i32
        %broadcast_in_dim3A_930 = vector.broadcast %broadcast_in_dim3A_929 : i32 to vector<16xi32>
        %broadcast_in_dim3A_931 = arith.constant 49 : i32
        %broadcast_in_dim3A_932 = vector.broadcast %broadcast_in_dim3A_931 : i32 to vector<16xi32>
        %add3A_933 = arith.constant 0 : i32
        %add3A_934 = vector.broadcast %add3A_933 : i32 to vector<16xi32>
        %add3A_935 = arith.addi %add3A_934, %iota3A : vector<16xi32>
        %lt3A_936 = arith.constant 1000 : i32
        %lt3A_937 = vector.broadcast %lt3A_936 : i32 to vector<16xi32>
        %lt3A_938 = arith.cmpi slt, %add3A_935, %lt3A_937 : vector<16xi32>
        %add3A_939 = arith.constant 0 : i32
        %add3A_940 = vector.broadcast %add3A_939 : i32 to vector<16xi32>
        %add3A_941 = arith.addi %add3A_940, %iota3A : vector<16xi32>
        %gather3A_942 = tpu.vector_load_idx %arg10[%broadcast_in_dim3A_930, %add3A_941] masked %lt3A_938 : memref<16x128xf32, #tpu.memory_space<vmem>>[vector<16xi32>, vector<16xi32>], vector<16xf32>, vector<16xi1>
        %add3A_943 = arith.constant 0 : i32
        %add3A_944 = vector.broadcast %add3A_943 : i32 to vector<16xi32>
        %add3A_945 = arith.addi %add3A_944, %iota3A : vector<16xi32>
        tpu.vector_store_idx %arg7[%broadcast_in_dim3A_932, %add3A_945], %gather3A_942 masked %lt3A_938 : memref<50x1000xf32, #tpu.memory_space<vmem>>[vector<16xi32>, vector<16xi32>], vector<16xf32>, vector<16xi1>
        %add3A_946 = arith.constant 16 : i32
        %add3A_947 = vector.broadcast %add3A_946 : i32 to vector<16xi32>
        %add3A_948 = arith.addi %add3A_947, %iota3A : vector<16xi32>
        %lt3A_949 = arith.constant 1000 : i32
        %lt3A_950 = vector.broadcast %lt3A_949 : i32 to vector<16xi32>
        %lt3A_951 = arith.cmpi slt, %add3A_948, %lt3A_950 : vector<16xi32>
        %add3A_952 = arith.constant 16 : i32
        %add3A_953 = vector.broadcast %add3A_952 : i32 to vector<16xi32>
        %add3A_954 = arith.addi %add3A_953, %iota3A : vector<16xi32>
        %gather3A_955 = tpu.vector_load_idx %arg10[%broadcast_in_dim3A_930, %add3A_954] masked %lt3A_951 : memref<16x128xf32, #tpu.memory_space<vmem>>[vector<16xi32>, vector<16xi32>], vector<16xf32>, vector<16xi1>
        %add3A_956 = arith.constant 16 : i32
        %add3A_957 = vector.broadcast %add3A_956 : i32 to vector<16xi32>
        %add3A_958 = arith.addi %add3A_957, %iota3A : vector<16xi32>
        tpu.vector_store_idx %arg7[%broadcast_in_dim3A_932, %add3A_958], %gather3A_955 masked %lt3A_951 : memref<50x1000xf32, #tpu.memory_space<vmem>>[vector<16xi32>, vector<16xi32>], vector<16xf32>, vector<16xi1>
        %add3A_959 = arith.constant 32 : i32
        %add3A_960 = vector.broadcast %add3A_959 : i32 to vector<16xi32>
        %add3A_961 = arith.addi %add3A_960, %iota3A : vector<16xi32>
        %lt3A_962 = arith.constant 1000 : i32
        %lt3A_963 = vector.broadcast %lt3A_962 : i32 to vector<16xi32>
        %lt3A_964 = arith.cmpi slt, %add3A_961, %lt3A_963 : vector<16xi32>
        %add3A_965 = arith.constant 32 : i32
        %add3A_966 = vector.broadcast %add3A_965 : i32 to vector<16xi32>
        %add3A_967 = arith.addi %add3A_966, %iota3A : vector<16xi32>
        %gather3A_968 = tpu.vector_load_idx %arg10[%broadcast_in_dim3A_930, %add3A_967] masked %lt3A_964 : memref<16x128xf32, #tpu.memory_space<vmem>>[vector<16xi32>, vector<16xi32>], vector<16xf32>, vector<16xi1>
        %add3A_969 = arith.constant 32 : i32
        %add3A_970 = vector.broadcast %add3A_969 : i32 to vector<16xi32>
        %add3A_971 = arith.addi %add3A_970, %iota3A : vector<16xi32>
        tpu.vector_store_idx %arg7[%broadcast_in_dim3A_932, %add3A_971], %gather3A_968 masked %lt3A_964 : memref<50x1000xf32, #tpu.memory_space<vmem>>[vector<16xi32>, vector<16xi32>], vector<16xf32>, vector<16xi1>
        %add3A_972 = arith.constant 48 : i32
        %add3A_973 = vector.broadcast %add3A_972 : i32 to vector<16xi32>
        %add3A_974 = arith.addi %add3A_973, %iota3A : vector<16xi32>
        %lt3A_975 = arith.constant 1000 : i32
        %lt3A_976 = vector.broadcast %lt3A_975 : i32 to vector<16xi32>
        %lt3A_977 = arith.cmpi slt, %add3A_974, %lt3A_976 : vector<16xi32>
        %add3A_978 = arith.constant 48 : i32
        %add3A_979 = vector.broadcast %add3A_978 : i32 to vector<16xi32>
        %add3A_980 = arith.addi %add3A_979, %iota3A : vector<16xi32>
        %gather3A_981 = tpu.vector_load_idx %arg10[%broadcast_in_dim3A_930, %add3A_980] masked %lt3A_977 : memref<16x128xf32, #tpu.memory_space<vmem>>[vector<16xi32>, vector<16xi32>], vector<16xf32>, vector<16xi1>
        %add3A_982 = arith.constant 48 : i32
        %add3A_983 = vector.broadcast %add3A_982 : i32 to vector<16xi32>
        %add3A_984 = arith.addi %add3A_983, %iota3A : vector<16xi32>
        tpu.vector_store_idx %arg7[%broadcast_in_dim3A_932, %add3A_984], %gather3A_981 masked %lt3A_977 : memref<50x1000xf32, #tpu.memory_space<vmem>>[vector<16xi32>, vector<16xi32>], vector<16xf32>, vector<16xi1>
        %add3A_985 = arith.constant 64 : i32
        %add3A_986 = vector.broadcast %add3A_985 : i32 to vector<16xi32>
        %add3A_987 = arith.addi %add3A_986, %iota3A : vector<16xi32>
        %lt3A_988 = arith.constant 1000 : i32
        %lt3A_989 = vector.broadcast %lt3A_988 : i32 to vector<16xi32>
        %lt3A_990 = arith.cmpi slt, %add3A_987, %lt3A_989 : vector<16xi32>
        %add3A_991 = arith.constant 64 : i32
        %add3A_992 = vector.broadcast %add3A_991 : i32 to vector<16xi32>
        %add3A_993 = arith.addi %add3A_992, %iota3A : vector<16xi32>
        %gather3A_994 = tpu.vector_load_idx %arg10[%broadcast_in_dim3A_930, %add3A_993] masked %lt3A_990 : memref<16x128xf32, #tpu.memory_space<vmem>>[vector<16xi32>, vector<16xi32>], vector<16xf32>, vector<16xi1>
        %add3A_995 = arith.constant 64 : i32
        %add3A_996 = vector.broadcast %add3A_995 : i32 to vector<16xi32>
        %add3A_997 = arith.addi %add3A_996, %iota3A : vector<16xi32>
        tpu.vector_store_idx %arg7[%broadcast_in_dim3A_932, %add3A_997], %gather3A_994 masked %lt3A_990 : memref<50x1000xf32, #tpu.memory_space<vmem>>[vector<16xi32>, vector<16xi32>], vector<16xf32>, vector<16xi1>
        %add3A_998 = arith.constant 80 : i32
        %add3A_999 = vector.broadcast %add3A_998 : i32 to vector<16xi32>
        %add3A_1000 = arith.addi %add3A_999, %iota3A : vector<16xi32>
        %lt3A_1001 = arith.constant 1000 : i32
        %lt3A_1002 = vector.broadcast %lt3A_1001 : i32 to vector<16xi32>
        %lt3A_1003 = arith.cmpi slt, %add3A_1000, %lt3A_1002 : vector<16xi32>
        %add3A_1004 = arith.constant 80 : i32
        %add3A_1005 = vector.broadcast %add3A_1004 : i32 to vector<16xi32>
        %add3A_1006 = arith.addi %add3A_1005, %iota3A : vector<16xi32>
        %gather3A_1007 = tpu.vector_load_idx %arg10[%broadcast_in_dim3A_930, %add3A_1006] masked %lt3A_1003 : memref<16x128xf32, #tpu.memory_space<vmem>>[vector<16xi32>, vector<16xi32>], vector<16xf32>, vector<16xi1>
        %add3A_1008 = arith.constant 80 : i32
        %add3A_1009 = vector.broadcast %add3A_1008 : i32 to vector<16xi32>
        %add3A_1010 = arith.addi %add3A_1009, %iota3A : vector<16xi32>
        tpu.vector_store_idx %arg7[%broadcast_in_dim3A_932, %add3A_1010], %gather3A_1007 masked %lt3A_1003 : memref<50x1000xf32, #tpu.memory_space<vmem>>[vector<16xi32>, vector<16xi32>], vector<16xf32>, vector<16xi1>
        %add3A_1011 = arith.constant 96 : i32
        %add3A_1012 = vector.broadcast %add3A_1011 : i32 to vector<16xi32>
        %add3A_1013 = arith.addi %add3A_1012, %iota3A : vector<16xi32>
        %lt3A_1014 = arith.constant 1000 : i32
        %lt3A_1015 = vector.broadcast %lt3A_1014 : i32 to vector<16xi32>
        %lt3A_1016 = arith.cmpi slt, %add3A_1013, %lt3A_1015 : vector<16xi32>
        %add3A_1017 = arith.constant 96 : i32
        %add3A_1018 = vector.broadcast %add3A_1017 : i32 to vector<16xi32>
        %add3A_1019 = arith.addi %add3A_1018, %iota3A : vector<16xi32>
        %gather3A_1020 = tpu.vector_load_idx %arg10[%broadcast_in_dim3A_930, %add3A_1019] masked %lt3A_1016 : memref<16x128xf32, #tpu.memory_space<vmem>>[vector<16xi32>, vector<16xi32>], vector<16xf32>, vector<16xi1>
        %add3A_1021 = arith.constant 96 : i32
        %add3A_1022 = vector.broadcast %add3A_1021 : i32 to vector<16xi32>
        %add3A_1023 = arith.addi %add3A_1022, %iota3A : vector<16xi32>
        tpu.vector_store_idx %arg7[%broadcast_in_dim3A_932, %add3A_1023], %gather3A_1020 masked %lt3A_1016 : memref<50x1000xf32, #tpu.memory_space<vmem>>[vector<16xi32>, vector<16xi32>], vector<16xf32>, vector<16xi1>
        %add3A_1024 = arith.constant 112 : i32
        %add3A_1025 = vector.broadcast %add3A_1024 : i32 to vector<16xi32>
        %add3A_1026 = arith.addi %add3A_1025, %iota3A : vector<16xi32>
        %lt3A_1027 = arith.constant 1000 : i32
        %lt3A_1028 = vector.broadcast %lt3A_1027 : i32 to vector<16xi32>
        %lt3A_1029 = arith.cmpi slt, %add3A_1026, %lt3A_1028 : vector<16xi32>
        %add3A_1030 = arith.constant 112 : i32
        %add3A_1031 = vector.broadcast %add3A_1030 : i32 to vector<16xi32>
        %add3A_1032 = arith.addi %add3A_1031, %iota3A : vector<16xi32>
        %gather3A_1033 = tpu.vector_load_idx %arg10[%broadcast_in_dim3A_930, %add3A_1032] masked %lt3A_1029 : memref<16x128xf32, #tpu.memory_space<vmem>>[vector<16xi32>, vector<16xi32>], vector<16xf32>, vector<16xi1>
        %add3A_1034 = arith.constant 112 : i32
        %add3A_1035 = vector.broadcast %add3A_1034 : i32 to vector<16xi32>
        %add3A_1036 = arith.addi %add3A_1035, %iota3A : vector<16xi32>
        tpu.vector_store_idx %arg7[%broadcast_in_dim3A_932, %add3A_1036], %gather3A_1033 masked %lt3A_1029 : memref<50x1000xf32, #tpu.memory_space<vmem>>[vector<16xi32>, vector<16xi32>], vector<16xf32>, vector<16xi1>
        %broadcast_in_dim3A_1037 = arith.constant 9 : i32
        %broadcast_in_dim3A_1038 = vector.broadcast %broadcast_in_dim3A_1037 : i32 to vector<16xi32>
        %broadcast_in_dim3A_1039 = arith.constant 49 : i32
        %broadcast_in_dim3A_1040 = vector.broadcast %broadcast_in_dim3A_1039 : i32 to vector<16xi32>
        %add3A_1041 = arith.constant 128 : i32
        %add3A_1042 = vector.broadcast %add3A_1041 : i32 to vector<16xi32>
        %add3A_1043 = arith.addi %add3A_1042, %iota3A : vector<16xi32>
        %lt3A_1044 = arith.constant 1000 : i32
        %lt3A_1045 = vector.broadcast %lt3A_1044 : i32 to vector<16xi32>
        %lt3A_1046 = arith.cmpi slt, %add3A_1043, %lt3A_1045 : vector<16xi32>
        %add3A_1047 = arith.constant 0 : i32
        %add3A_1048 = vector.broadcast %add3A_1047 : i32 to vector<16xi32>
        %add3A_1049 = arith.addi %add3A_1048, %iota3A : vector<16xi32>
        %gather3A_1050 = tpu.vector_load_idx %arg10[%broadcast_in_dim3A_1038, %add3A_1049] masked %lt3A_1046 : memref<16x128xf32, #tpu.memory_space<vmem>>[vector<16xi32>, vector<16xi32>], vector<16xf32>, vector<16xi1>
        %add3A_1051 = arith.constant 128 : i32
        %add3A_1052 = vector.broadcast %add3A_1051 : i32 to vector<16xi32>
        %add3A_1053 = arith.addi %add3A_1052, %iota3A : vector<16xi32>
        tpu.vector_store_idx %arg7[%broadcast_in_dim3A_1040, %add3A_1053], %gather3A_1050 masked %lt3A_1046 : memref<50x1000xf32, #tpu.memory_space<vmem>>[vector<16xi32>, vector<16xi32>], vector<16xf32>, vector<16xi1>
        %add3A_1054 = arith.constant 144 : i32
        %add3A_1055 = vector.broadcast %add3A_1054 : i32 to vector<16xi32>
        %add3A_1056 = arith.addi %add3A_1055, %iota3A : vector<16xi32>
        %lt3A_1057 = arith.constant 1000 : i32
        %lt3A_1058 = vector.broadcast %lt3A_1057 : i32 to vector<16xi32>
        %lt3A_1059 = arith.cmpi slt, %add3A_1056, %lt3A_1058 : vector<16xi32>
        %add3A_1060 = arith.constant 16 : i32
        %add3A_1061 = vector.broadcast %add3A_1060 : i32 to vector<16xi32>
        %add3A_1062 = arith.addi %add3A_1061, %iota3A : vector<16xi32>
        %gather3A_1063 = tpu.vector_load_idx %arg10[%broadcast_in_dim3A_1038, %add3A_1062] masked %lt3A_1059 : memref<16x128xf32, #tpu.memory_space<vmem>>[vector<16xi32>, vector<16xi32>], vector<16xf32>, vector<16xi1>
        %add3A_1064 = arith.constant 144 : i32
        %add3A_1065 = vector.broadcast %add3A_1064 : i32 to vector<16xi32>
        %add3A_1066 = arith.addi %add3A_1065, %iota3A : vector<16xi32>
        tpu.vector_store_idx %arg7[%broadcast_in_dim3A_1040, %add3A_1066], %gather3A_1063 masked %lt3A_1059 : memref<50x1000xf32, #tpu.memory_space<vmem>>[vector<16xi32>, vector<16xi32>], vector<16xf32>, vector<16xi1>
        %add3A_1067 = arith.constant 160 : i32
        %add3A_1068 = vector.broadcast %add3A_1067 : i32 to vector<16xi32>
        %add3A_1069 = arith.addi %add3A_1068, %iota3A : vector<16xi32>
        %lt3A_1070 = arith.constant 1000 : i32
        %lt3A_1071 = vector.broadcast %lt3A_1070 : i32 to vector<16xi32>
        %lt3A_1072 = arith.cmpi slt, %add3A_1069, %lt3A_1071 : vector<16xi32>
        %add3A_1073 = arith.constant 32 : i32
        %add3A_1074 = vector.broadcast %add3A_1073 : i32 to vector<16xi32>
        %add3A_1075 = arith.addi %add3A_1074, %iota3A : vector<16xi32>
        %gather3A_1076 = tpu.vector_load_idx %arg10[%broadcast_in_dim3A_1038, %add3A_1075] masked %lt3A_1072 : memref<16x128xf32, #tpu.memory_space<vmem>>[vector<16xi32>, vector<16xi32>], vector<16xf32>, vector<16xi1>
        %add3A_1077 = arith.constant 160 : i32
        %add3A_1078 = vector.broadcast %add3A_1077 : i32 to vector<16xi32>
        %add3A_1079 = arith.addi %add3A_1078, %iota3A : vector<16xi32>
        tpu.vector_store_idx %arg7[%broadcast_in_dim3A_1040, %add3A_1079], %gather3A_1076 masked %lt3A_1072 : memref<50x1000xf32, #tpu.memory_space<vmem>>[vector<16xi32>, vector<16xi32>], vector<16xf32>, vector<16xi1>
        %add3A_1080 = arith.constant 176 : i32
        %add3A_1081 = vector.broadcast %add3A_1080 : i32 to vector<16xi32>
        %add3A_1082 = arith.addi %add3A_1081, %iota3A : vector<16xi32>
        %lt3A_1083 = arith.constant 1000 : i32
        %lt3A_1084 = vector.broadcast %lt3A_1083 : i32 to vector<16xi32>
        %lt3A_1085 = arith.cmpi slt, %add3A_1082, %lt3A_1084 : vector<16xi32>
        %add3A_1086 = arith.constant 48 : i32
        %add3A_1087 = vector.broadcast %add3A_1086 : i32 to vector<16xi32>
        %add3A_1088 = arith.addi %add3A_1087, %iota3A : vector<16xi32>
        %gather3A_1089 = tpu.vector_load_idx %arg10[%broadcast_in_dim3A_1038, %add3A_1088] masked %lt3A_1085 : memref<16x128xf32, #tpu.memory_space<vmem>>[vector<16xi32>, vector<16xi32>], vector<16xf32>, vector<16xi1>
        %add3A_1090 = arith.constant 176 : i32
        %add3A_1091 = vector.broadcast %add3A_1090 : i32 to vector<16xi32>
        %add3A_1092 = arith.addi %add3A_1091, %iota3A : vector<16xi32>
        tpu.vector_store_idx %arg7[%broadcast_in_dim3A_1040, %add3A_1092], %gather3A_1089 masked %lt3A_1085 : memref<50x1000xf32, #tpu.memory_space<vmem>>[vector<16xi32>, vector<16xi32>], vector<16xf32>, vector<16xi1>
        %add3A_1093 = arith.constant 192 : i32
        %add3A_1094 = vector.broadcast %add3A_1093 : i32 to vector<16xi32>
        %add3A_1095 = arith.addi %add3A_1094, %iota3A : vector<16xi32>
        %lt3A_1096 = arith.constant 1000 : i32
        %lt3A_1097 = vector.broadcast %lt3A_1096 : i32 to vector<16xi32>
        %lt3A_1098 = arith.cmpi slt, %add3A_1095, %lt3A_1097 : vector<16xi32>
        %add3A_1099 = arith.constant 64 : i32
        %add3A_1100 = vector.broadcast %add3A_1099 : i32 to vector<16xi32>
        %add3A_1101 = arith.addi %add3A_1100, %iota3A : vector<16xi32>
        %gather3A_1102 = tpu.vector_load_idx %arg10[%broadcast_in_dim3A_1038, %add3A_1101] masked %lt3A_1098 : memref<16x128xf32, #tpu.memory_space<vmem>>[vector<16xi32>, vector<16xi32>], vector<16xf32>, vector<16xi1>
        %add3A_1103 = arith.constant 192 : i32
        %add3A_1104 = vector.broadcast %add3A_1103 : i32 to vector<16xi32>
        %add3A_1105 = arith.addi %add3A_1104, %iota3A : vector<16xi32>
        tpu.vector_store_idx %arg7[%broadcast_in_dim3A_1040, %add3A_1105], %gather3A_1102 masked %lt3A_1098 : memref<50x1000xf32, #tpu.memory_space<vmem>>[vector<16xi32>, vector<16xi32>], vector<16xf32>, vector<16xi1>
        %add3A_1106 = arith.constant 208 : i32
        %add3A_1107 = vector.broadcast %add3A_1106 : i32 to vector<16xi32>
        %add3A_1108 = arith.addi %add3A_1107, %iota3A : vector<16xi32>
        %lt3A_1109 = arith.constant 1000 : i32
        %lt3A_1110 = vector.broadcast %lt3A_1109 : i32 to vector<16xi32>
        %lt3A_1111 = arith.cmpi slt, %add3A_1108, %lt3A_1110 : vector<16xi32>
        %add3A_1112 = arith.constant 80 : i32
        %add3A_1113 = vector.broadcast %add3A_1112 : i32 to vector<16xi32>
        %add3A_1114 = arith.addi %add3A_1113, %iota3A : vector<16xi32>
        %gather3A_1115 = tpu.vector_load_idx %arg10[%broadcast_in_dim3A_1038, %add3A_1114] masked %lt3A_1111 : memref<16x128xf32, #tpu.memory_space<vmem>>[vector<16xi32>, vector<16xi32>], vector<16xf32>, vector<16xi1>
        %add3A_1116 = arith.constant 208 : i32
        %add3A_1117 = vector.broadcast %add3A_1116 : i32 to vector<16xi32>
        %add3A_1118 = arith.addi %add3A_1117, %iota3A : vector<16xi32>
        tpu.vector_store_idx %arg7[%broadcast_in_dim3A_1040, %add3A_1118], %gather3A_1115 masked %lt3A_1111 : memref<50x1000xf32, #tpu.memory_space<vmem>>[vector<16xi32>, vector<16xi32>], vector<16xf32>, vector<16xi1>
        %add3A_1119 = arith.constant 224 : i32
        %add3A_1120 = vector.broadcast %add3A_1119 : i32 to vector<16xi32>
        %add3A_1121 = arith.addi %add3A_1120, %iota3A : vector<16xi32>
        %lt3A_1122 = arith.constant 1000 : i32
        %lt3A_1123 = vector.broadcast %lt3A_1122 : i32 to vector<16xi32>
        %lt3A_1124 = arith.cmpi slt, %add3A_1121, %lt3A_1123 : vector<16xi32>
        %add3A_1125 = arith.constant 96 : i32
        %add3A_1126 = vector.broadcast %add3A_1125 : i32 to vector<16xi32>
        %add3A_1127 = arith.addi %add3A_1126, %iota3A : vector<16xi32>
        %gather3A_1128 = tpu.vector_load_idx %arg10[%broadcast_in_dim3A_1038, %add3A_1127] masked %lt3A_1124 : memref<16x128xf32, #tpu.memory_space<vmem>>[vector<16xi32>, vector<16xi32>], vector<16xf32>, vector<16xi1>
        %add3A_1129 = arith.constant 224 : i32
        %add3A_1130 = vector.broadcast %add3A_1129 : i32 to vector<16xi32>
        %add3A_1131 = arith.addi %add3A_1130, %iota3A : vector<16xi32>
        tpu.vector_store_idx %arg7[%broadcast_in_dim3A_1040, %add3A_1131], %gather3A_1128 masked %lt3A_1124 : memref<50x1000xf32, #tpu.memory_space<vmem>>[vector<16xi32>, vector<16xi32>], vector<16xf32>, vector<16xi1>
        %add3A_1132 = arith.constant 240 : i32
        %add3A_1133 = vector.broadcast %add3A_1132 : i32 to vector<16xi32>
        %add3A_1134 = arith.addi %add3A_1133, %iota3A : vector<16xi32>
        %lt3A_1135 = arith.constant 1000 : i32
        %lt3A_1136 = vector.broadcast %lt3A_1135 : i32 to vector<16xi32>
        %lt3A_1137 = arith.cmpi slt, %add3A_1134, %lt3A_1136 : vector<16xi32>
        %add3A_1138 = arith.constant 112 : i32
        %add3A_1139 = vector.broadcast %add3A_1138 : i32 to vector<16xi32>
        %add3A_1140 = arith.addi %add3A_1139, %iota3A : vector<16xi32>
        %gather3A_1141 = tpu.vector_load_idx %arg10[%broadcast_in_dim3A_1038, %add3A_1140] masked %lt3A_1137 : memref<16x128xf32, #tpu.memory_space<vmem>>[vector<16xi32>, vector<16xi32>], vector<16xf32>, vector<16xi1>
        %add3A_1142 = arith.constant 240 : i32
        %add3A_1143 = vector.broadcast %add3A_1142 : i32 to vector<16xi32>
        %add3A_1144 = arith.addi %add3A_1143, %iota3A : vector<16xi32>
        tpu.vector_store_idx %arg7[%broadcast_in_dim3A_1040, %add3A_1144], %gather3A_1141 masked %lt3A_1137 : memref<50x1000xf32, #tpu.memory_space<vmem>>[vector<16xi32>, vector<16xi32>], vector<16xf32>, vector<16xi1>
        %broadcast_in_dim3A_1145 = arith.constant 10 : i32
        %broadcast_in_dim3A_1146 = vector.broadcast %broadcast_in_dim3A_1145 : i32 to vector<16xi32>
        %broadcast_in_dim3A_1147 = arith.constant 49 : i32
        %broadcast_in_dim3A_1148 = vector.broadcast %broadcast_in_dim3A_1147 : i32 to vector<16xi32>
        %add3A_1149 = arith.constant 256 : i32
        %add3A_1150 = vector.broadcast %add3A_1149 : i32 to vector<16xi32>
        %add3A_1151 = arith.addi %add3A_1150, %iota3A : vector<16xi32>
        %lt3A_1152 = arith.constant 1000 : i32
        %lt3A_1153 = vector.broadcast %lt3A_1152 : i32 to vector<16xi32>
        %lt3A_1154 = arith.cmpi slt, %add3A_1151, %lt3A_1153 : vector<16xi32>
        %add3A_1155 = arith.constant 0 : i32
        %add3A_1156 = vector.broadcast %add3A_1155 : i32 to vector<16xi32>
        %add3A_1157 = arith.addi %add3A_1156, %iota3A : vector<16xi32>
        %gather3A_1158 = tpu.vector_load_idx %arg10[%broadcast_in_dim3A_1146, %add3A_1157] masked %lt3A_1154 : memref<16x128xf32, #tpu.memory_space<vmem>>[vector<16xi32>, vector<16xi32>], vector<16xf32>, vector<16xi1>
        %add3A_1159 = arith.constant 256 : i32
        %add3A_1160 = vector.broadcast %add3A_1159 : i32 to vector<16xi32>
        %add3A_1161 = arith.addi %add3A_1160, %iota3A : vector<16xi32>
        tpu.vector_store_idx %arg7[%broadcast_in_dim3A_1148, %add3A_1161], %gather3A_1158 masked %lt3A_1154 : memref<50x1000xf32, #tpu.memory_space<vmem>>[vector<16xi32>, vector<16xi32>], vector<16xf32>, vector<16xi1>
        %add3A_1162 = arith.constant 272 : i32
        %add3A_1163 = vector.broadcast %add3A_1162 : i32 to vector<16xi32>
        %add3A_1164 = arith.addi %add3A_1163, %iota3A : vector<16xi32>
        %lt3A_1165 = arith.constant 1000 : i32
        %lt3A_1166 = vector.broadcast %lt3A_1165 : i32 to vector<16xi32>
        %lt3A_1167 = arith.cmpi slt, %add3A_1164, %lt3A_1166 : vector<16xi32>
        %add3A_1168 = arith.constant 16 : i32
        %add3A_1169 = vector.broadcast %add3A_1168 : i32 to vector<16xi32>
        %add3A_1170 = arith.addi %add3A_1169, %iota3A : vector<16xi32>
        %gather3A_1171 = tpu.vector_load_idx %arg10[%broadcast_in_dim3A_1146, %add3A_1170] masked %lt3A_1167 : memref<16x128xf32, #tpu.memory_space<vmem>>[vector<16xi32>, vector<16xi32>], vector<16xf32>, vector<16xi1>
        %add3A_1172 = arith.constant 272 : i32
        %add3A_1173 = vector.broadcast %add3A_1172 : i32 to vector<16xi32>
        %add3A_1174 = arith.addi %add3A_1173, %iota3A : vector<16xi32>
        tpu.vector_store_idx %arg7[%broadcast_in_dim3A_1148, %add3A_1174], %gather3A_1171 masked %lt3A_1167 : memref<50x1000xf32, #tpu.memory_space<vmem>>[vector<16xi32>, vector<16xi32>], vector<16xf32>, vector<16xi1>
        %add3A_1175 = arith.constant 288 : i32
        %add3A_1176 = vector.broadcast %add3A_1175 : i32 to vector<16xi32>
        %add3A_1177 = arith.addi %add3A_1176, %iota3A : vector<16xi32>
        %lt3A_1178 = arith.constant 1000 : i32
        %lt3A_1179 = vector.broadcast %lt3A_1178 : i32 to vector<16xi32>
        %lt3A_1180 = arith.cmpi slt, %add3A_1177, %lt3A_1179 : vector<16xi32>
        %add3A_1181 = arith.constant 32 : i32
        %add3A_1182 = vector.broadcast %add3A_1181 : i32 to vector<16xi32>
        %add3A_1183 = arith.addi %add3A_1182, %iota3A : vector<16xi32>
        %gather3A_1184 = tpu.vector_load_idx %arg10[%broadcast_in_dim3A_1146, %add3A_1183] masked %lt3A_1180 : memref<16x128xf32, #tpu.memory_space<vmem>>[vector<16xi32>, vector<16xi32>], vector<16xf32>, vector<16xi1>
        %add3A_1185 = arith.constant 288 : i32
        %add3A_1186 = vector.broadcast %add3A_1185 : i32 to vector<16xi32>
        %add3A_1187 = arith.addi %add3A_1186, %iota3A : vector<16xi32>
        tpu.vector_store_idx %arg7[%broadcast_in_dim3A_1148, %add3A_1187], %gather3A_1184 masked %lt3A_1180 : memref<50x1000xf32, #tpu.memory_space<vmem>>[vector<16xi32>, vector<16xi32>], vector<16xf32>, vector<16xi1>
        %add3A_1188 = arith.constant 304 : i32
        %add3A_1189 = vector.broadcast %add3A_1188 : i32 to vector<16xi32>
        %add3A_1190 = arith.addi %add3A_1189, %iota3A : vector<16xi32>
        %lt3A_1191 = arith.constant 1000 : i32
        %lt3A_1192 = vector.broadcast %lt3A_1191 : i32 to vector<16xi32>
        %lt3A_1193 = arith.cmpi slt, %add3A_1190, %lt3A_1192 : vector<16xi32>
        %add3A_1194 = arith.constant 48 : i32
        %add3A_1195 = vector.broadcast %add3A_1194 : i32 to vector<16xi32>
        %add3A_1196 = arith.addi %add3A_1195, %iota3A : vector<16xi32>
        %gather3A_1197 = tpu.vector_load_idx %arg10[%broadcast_in_dim3A_1146, %add3A_1196] masked %lt3A_1193 : memref<16x128xf32, #tpu.memory_space<vmem>>[vector<16xi32>, vector<16xi32>], vector<16xf32>, vector<16xi1>
        %add3A_1198 = arith.constant 304 : i32
        %add3A_1199 = vector.broadcast %add3A_1198 : i32 to vector<16xi32>
        %add3A_1200 = arith.addi %add3A_1199, %iota3A : vector<16xi32>
        tpu.vector_store_idx %arg7[%broadcast_in_dim3A_1148, %add3A_1200], %gather3A_1197 masked %lt3A_1193 : memref<50x1000xf32, #tpu.memory_space<vmem>>[vector<16xi32>, vector<16xi32>], vector<16xf32>, vector<16xi1>
        %add3A_1201 = arith.constant 320 : i32
        %add3A_1202 = vector.broadcast %add3A_1201 : i32 to vector<16xi32>
        %add3A_1203 = arith.addi %add3A_1202, %iota3A : vector<16xi32>
        %lt3A_1204 = arith.constant 1000 : i32
        %lt3A_1205 = vector.broadcast %lt3A_1204 : i32 to vector<16xi32>
        %lt3A_1206 = arith.cmpi slt, %add3A_1203, %lt3A_1205 : vector<16xi32>
        %add3A_1207 = arith.constant 64 : i32
        %add3A_1208 = vector.broadcast %add3A_1207 : i32 to vector<16xi32>
        %add3A_1209 = arith.addi %add3A_1208, %iota3A : vector<16xi32>
        %gather3A_1210 = tpu.vector_load_idx %arg10[%broadcast_in_dim3A_1146, %add3A_1209] masked %lt3A_1206 : memref<16x128xf32, #tpu.memory_space<vmem>>[vector<16xi32>, vector<16xi32>], vector<16xf32>, vector<16xi1>
        %add3A_1211 = arith.constant 320 : i32
        %add3A_1212 = vector.broadcast %add3A_1211 : i32 to vector<16xi32>
        %add3A_1213 = arith.addi %add3A_1212, %iota3A : vector<16xi32>
        tpu.vector_store_idx %arg7[%broadcast_in_dim3A_1148, %add3A_1213], %gather3A_1210 masked %lt3A_1206 : memref<50x1000xf32, #tpu.memory_space<vmem>>[vector<16xi32>, vector<16xi32>], vector<16xf32>, vector<16xi1>
        %add3A_1214 = arith.constant 336 : i32
        %add3A_1215 = vector.broadcast %add3A_1214 : i32 to vector<16xi32>
        %add3A_1216 = arith.addi %add3A_1215, %iota3A : vector<16xi32>
        %lt3A_1217 = arith.constant 1000 : i32
        %lt3A_1218 = vector.broadcast %lt3A_1217 : i32 to vector<16xi32>
        %lt3A_1219 = arith.cmpi slt, %add3A_1216, %lt3A_1218 : vector<16xi32>
        %add3A_1220 = arith.constant 80 : i32
        %add3A_1221 = vector.broadcast %add3A_1220 : i32 to vector<16xi32>
        %add3A_1222 = arith.addi %add3A_1221, %iota3A : vector<16xi32>
        %gather3A_1223 = tpu.vector_load_idx %arg10[%broadcast_in_dim3A_1146, %add3A_1222] masked %lt3A_1219 : memref<16x128xf32, #tpu.memory_space<vmem>>[vector<16xi32>, vector<16xi32>], vector<16xf32>, vector<16xi1>
        %add3A_1224 = arith.constant 336 : i32
        %add3A_1225 = vector.broadcast %add3A_1224 : i32 to vector<16xi32>
        %add3A_1226 = arith.addi %add3A_1225, %iota3A : vector<16xi32>
        tpu.vector_store_idx %arg7[%broadcast_in_dim3A_1148, %add3A_1226], %gather3A_1223 masked %lt3A_1219 : memref<50x1000xf32, #tpu.memory_space<vmem>>[vector<16xi32>, vector<16xi32>], vector<16xf32>, vector<16xi1>
        %add3A_1227 = arith.constant 352 : i32
        %add3A_1228 = vector.broadcast %add3A_1227 : i32 to vector<16xi32>
        %add3A_1229 = arith.addi %add3A_1228, %iota3A : vector<16xi32>
        %lt3A_1230 = arith.constant 1000 : i32
        %lt3A_1231 = vector.broadcast %lt3A_1230 : i32 to vector<16xi32>
        %lt3A_1232 = arith.cmpi slt, %add3A_1229, %lt3A_1231 : vector<16xi32>
        %add3A_1233 = arith.constant 96 : i32
        %add3A_1234 = vector.broadcast %add3A_1233 : i32 to vector<16xi32>
        %add3A_1235 = arith.addi %add3A_1234, %iota3A : vector<16xi32>
        %gather3A_1236 = tpu.vector_load_idx %arg10[%broadcast_in_dim3A_1146, %add3A_1235] masked %lt3A_1232 : memref<16x128xf32, #tpu.memory_space<vmem>>[vector<16xi32>, vector<16xi32>], vector<16xf32>, vector<16xi1>
        %add3A_1237 = arith.constant 352 : i32
        %add3A_1238 = vector.broadcast %add3A_1237 : i32 to vector<16xi32>
        %add3A_1239 = arith.addi %add3A_1238, %iota3A : vector<16xi32>
        tpu.vector_store_idx %arg7[%broadcast_in_dim3A_1148, %add3A_1239], %gather3A_1236 masked %lt3A_1232 : memref<50x1000xf32, #tpu.memory_space<vmem>>[vector<16xi32>, vector<16xi32>], vector<16xf32>, vector<16xi1>
        %add3A_1240 = arith.constant 368 : i32
        %add3A_1241 = vector.broadcast %add3A_1240 : i32 to vector<16xi32>
        %add3A_1242 = arith.addi %add3A_1241, %iota3A : vector<16xi32>
        %lt3A_1243 = arith.constant 1000 : i32
        %lt3A_1244 = vector.broadcast %lt3A_1243 : i32 to vector<16xi32>
        %lt3A_1245 = arith.cmpi slt, %add3A_1242, %lt3A_1244 : vector<16xi32>
        %add3A_1246 = arith.constant 112 : i32
        %add3A_1247 = vector.broadcast %add3A_1246 : i32 to vector<16xi32>
        %add3A_1248 = arith.addi %add3A_1247, %iota3A : vector<16xi32>
        %gather3A_1249 = tpu.vector_load_idx %arg10[%broadcast_in_dim3A_1146, %add3A_1248] masked %lt3A_1245 : memref<16x128xf32, #tpu.memory_space<vmem>>[vector<16xi32>, vector<16xi32>], vector<16xf32>, vector<16xi1>
        %add3A_1250 = arith.constant 368 : i32
        %add3A_1251 = vector.broadcast %add3A_1250 : i32 to vector<16xi32>
        %add3A_1252 = arith.addi %add3A_1251, %iota3A : vector<16xi32>
        tpu.vector_store_idx %arg7[%broadcast_in_dim3A_1148, %add3A_1252], %gather3A_1249 masked %lt3A_1245 : memref<50x1000xf32, #tpu.memory_space<vmem>>[vector<16xi32>, vector<16xi32>], vector<16xf32>, vector<16xi1>
        %broadcast_in_dim3A_1253 = arith.constant 11 : i32
        %broadcast_in_dim3A_1254 = vector.broadcast %broadcast_in_dim3A_1253 : i32 to vector<16xi32>
        %broadcast_in_dim3A_1255 = arith.constant 49 : i32
        %broadcast_in_dim3A_1256 = vector.broadcast %broadcast_in_dim3A_1255 : i32 to vector<16xi32>
        %add3A_1257 = arith.constant 384 : i32
        %add3A_1258 = vector.broadcast %add3A_1257 : i32 to vector<16xi32>
        %add3A_1259 = arith.addi %add3A_1258, %iota3A : vector<16xi32>
        %lt3A_1260 = arith.constant 1000 : i32
        %lt3A_1261 = vector.broadcast %lt3A_1260 : i32 to vector<16xi32>
        %lt3A_1262 = arith.cmpi slt, %add3A_1259, %lt3A_1261 : vector<16xi32>
        %add3A_1263 = arith.constant 0 : i32
        %add3A_1264 = vector.broadcast %add3A_1263 : i32 to vector<16xi32>
        %add3A_1265 = arith.addi %add3A_1264, %iota3A : vector<16xi32>
        %gather3A_1266 = tpu.vector_load_idx %arg10[%broadcast_in_dim3A_1254, %add3A_1265] masked %lt3A_1262 : memref<16x128xf32, #tpu.memory_space<vmem>>[vector<16xi32>, vector<16xi32>], vector<16xf32>, vector<16xi1>
        %add3A_1267 = arith.constant 384 : i32
        %add3A_1268 = vector.broadcast %add3A_1267 : i32 to vector<16xi32>
        %add3A_1269 = arith.addi %add3A_1268, %iota3A : vector<16xi32>
        tpu.vector_store_idx %arg7[%broadcast_in_dim3A_1256, %add3A_1269], %gather3A_1266 masked %lt3A_1262 : memref<50x1000xf32, #tpu.memory_space<vmem>>[vector<16xi32>, vector<16xi32>], vector<16xf32>, vector<16xi1>
        %add3A_1270 = arith.constant 400 : i32
        %add3A_1271 = vector.broadcast %add3A_1270 : i32 to vector<16xi32>
        %add3A_1272 = arith.addi %add3A_1271, %iota3A : vector<16xi32>
        %lt3A_1273 = arith.constant 1000 : i32
        %lt3A_1274 = vector.broadcast %lt3A_1273 : i32 to vector<16xi32>
        %lt3A_1275 = arith.cmpi slt, %add3A_1272, %lt3A_1274 : vector<16xi32>
        %add3A_1276 = arith.constant 16 : i32
        %add3A_1277 = vector.broadcast %add3A_1276 : i32 to vector<16xi32>
        %add3A_1278 = arith.addi %add3A_1277, %iota3A : vector<16xi32>
        %gather3A_1279 = tpu.vector_load_idx %arg10[%broadcast_in_dim3A_1254, %add3A_1278] masked %lt3A_1275 : memref<16x128xf32, #tpu.memory_space<vmem>>[vector<16xi32>, vector<16xi32>], vector<16xf32>, vector<16xi1>
        %add3A_1280 = arith.constant 400 : i32
        %add3A_1281 = vector.broadcast %add3A_1280 : i32 to vector<16xi32>
        %add3A_1282 = arith.addi %add3A_1281, %iota3A : vector<16xi32>
        tpu.vector_store_idx %arg7[%broadcast_in_dim3A_1256, %add3A_1282], %gather3A_1279 masked %lt3A_1275 : memref<50x1000xf32, #tpu.memory_space<vmem>>[vector<16xi32>, vector<16xi32>], vector<16xf32>, vector<16xi1>
        %add3A_1283 = arith.constant 416 : i32
        %add3A_1284 = vector.broadcast %add3A_1283 : i32 to vector<16xi32>
        %add3A_1285 = arith.addi %add3A_1284, %iota3A : vector<16xi32>
        %lt3A_1286 = arith.constant 1000 : i32
        %lt3A_1287 = vector.broadcast %lt3A_1286 : i32 to vector<16xi32>
        %lt3A_1288 = arith.cmpi slt, %add3A_1285, %lt3A_1287 : vector<16xi32>
        %add3A_1289 = arith.constant 32 : i32
        %add3A_1290 = vector.broadcast %add3A_1289 : i32 to vector<16xi32>
        %add3A_1291 = arith.addi %add3A_1290, %iota3A : vector<16xi32>
        %gather3A_1292 = tpu.vector_load_idx %arg10[%broadcast_in_dim3A_1254, %add3A_1291] masked %lt3A_1288 : memref<16x128xf32, #tpu.memory_space<vmem>>[vector<16xi32>, vector<16xi32>], vector<16xf32>, vector<16xi1>
        %add3A_1293 = arith.constant 416 : i32
        %add3A_1294 = vector.broadcast %add3A_1293 : i32 to vector<16xi32>
        %add3A_1295 = arith.addi %add3A_1294, %iota3A : vector<16xi32>
        tpu.vector_store_idx %arg7[%broadcast_in_dim3A_1256, %add3A_1295], %gather3A_1292 masked %lt3A_1288 : memref<50x1000xf32, #tpu.memory_space<vmem>>[vector<16xi32>, vector<16xi32>], vector<16xf32>, vector<16xi1>
        %add3A_1296 = arith.constant 432 : i32
        %add3A_1297 = vector.broadcast %add3A_1296 : i32 to vector<16xi32>
        %add3A_1298 = arith.addi %add3A_1297, %iota3A : vector<16xi32>
        %lt3A_1299 = arith.constant 1000 : i32
        %lt3A_1300 = vector.broadcast %lt3A_1299 : i32 to vector<16xi32>
        %lt3A_1301 = arith.cmpi slt, %add3A_1298, %lt3A_1300 : vector<16xi32>
        %add3A_1302 = arith.constant 48 : i32
        %add3A_1303 = vector.broadcast %add3A_1302 : i32 to vector<16xi32>
        %add3A_1304 = arith.addi %add3A_1303, %iota3A : vector<16xi32>
        %gather3A_1305 = tpu.vector_load_idx %arg10[%broadcast_in_dim3A_1254, %add3A_1304] masked %lt3A_1301 : memref<16x128xf32, #tpu.memory_space<vmem>>[vector<16xi32>, vector<16xi32>], vector<16xf32>, vector<16xi1>
        %add3A_1306 = arith.constant 432 : i32
        %add3A_1307 = vector.broadcast %add3A_1306 : i32 to vector<16xi32>
        %add3A_1308 = arith.addi %add3A_1307, %iota3A : vector<16xi32>
        tpu.vector_store_idx %arg7[%broadcast_in_dim3A_1256, %add3A_1308], %gather3A_1305 masked %lt3A_1301 : memref<50x1000xf32, #tpu.memory_space<vmem>>[vector<16xi32>, vector<16xi32>], vector<16xf32>, vector<16xi1>
        %add3A_1309 = arith.constant 448 : i32
        %add3A_1310 = vector.broadcast %add3A_1309 : i32 to vector<16xi32>
        %add3A_1311 = arith.addi %add3A_1310, %iota3A : vector<16xi32>
        %lt3A_1312 = arith.constant 1000 : i32
        %lt3A_1313 = vector.broadcast %lt3A_1312 : i32 to vector<16xi32>
        %lt3A_1314 = arith.cmpi slt, %add3A_1311, %lt3A_1313 : vector<16xi32>
        %add3A_1315 = arith.constant 64 : i32
        %add3A_1316 = vector.broadcast %add3A_1315 : i32 to vector<16xi32>
        %add3A_1317 = arith.addi %add3A_1316, %iota3A : vector<16xi32>
        %gather3A_1318 = tpu.vector_load_idx %arg10[%broadcast_in_dim3A_1254, %add3A_1317] masked %lt3A_1314 : memref<16x128xf32, #tpu.memory_space<vmem>>[vector<16xi32>, vector<16xi32>], vector<16xf32>, vector<16xi1>
        %add3A_1319 = arith.constant 448 : i32
        %add3A_1320 = vector.broadcast %add3A_1319 : i32 to vector<16xi32>
        %add3A_1321 = arith.addi %add3A_1320, %iota3A : vector<16xi32>
        tpu.vector_store_idx %arg7[%broadcast_in_dim3A_1256, %add3A_1321], %gather3A_1318 masked %lt3A_1314 : memref<50x1000xf32, #tpu.memory_space<vmem>>[vector<16xi32>, vector<16xi32>], vector<16xf32>, vector<16xi1>
        %add3A_1322 = arith.constant 464 : i32
        %add3A_1323 = vector.broadcast %add3A_1322 : i32 to vector<16xi32>
        %add3A_1324 = arith.addi %add3A_1323, %iota3A : vector<16xi32>
        %lt3A_1325 = arith.constant 1000 : i32
        %lt3A_1326 = vector.broadcast %lt3A_1325 : i32 to vector<16xi32>
        %lt3A_1327 = arith.cmpi slt, %add3A_1324, %lt3A_1326 : vector<16xi32>
        %add3A_1328 = arith.constant 80 : i32
        %add3A_1329 = vector.broadcast %add3A_1328 : i32 to vector<16xi32>
        %add3A_1330 = arith.addi %add3A_1329, %iota3A : vector<16xi32>
        %gather3A_1331 = tpu.vector_load_idx %arg10[%broadcast_in_dim3A_1254, %add3A_1330] masked %lt3A_1327 : memref<16x128xf32, #tpu.memory_space<vmem>>[vector<16xi32>, vector<16xi32>], vector<16xf32>, vector<16xi1>
        %add3A_1332 = arith.constant 464 : i32
        %add3A_1333 = vector.broadcast %add3A_1332 : i32 to vector<16xi32>
        %add3A_1334 = arith.addi %add3A_1333, %iota3A : vector<16xi32>
        tpu.vector_store_idx %arg7[%broadcast_in_dim3A_1256, %add3A_1334], %gather3A_1331 masked %lt3A_1327 : memref<50x1000xf32, #tpu.memory_space<vmem>>[vector<16xi32>, vector<16xi32>], vector<16xf32>, vector<16xi1>
        %add3A_1335 = arith.constant 480 : i32
        %add3A_1336 = vector.broadcast %add3A_1335 : i32 to vector<16xi32>
        %add3A_1337 = arith.addi %add3A_1336, %iota3A : vector<16xi32>
        %lt3A_1338 = arith.constant 1000 : i32
        %lt3A_1339 = vector.broadcast %lt3A_1338 : i32 to vector<16xi32>
        %lt3A_1340 = arith.cmpi slt, %add3A_1337, %lt3A_1339 : vector<16xi32>
        %add3A_1341 = arith.constant 96 : i32
        %add3A_1342 = vector.broadcast %add3A_1341 : i32 to vector<16xi32>
        %add3A_1343 = arith.addi %add3A_1342, %iota3A : vector<16xi32>
        %gather3A_1344 = tpu.vector_load_idx %arg10[%broadcast_in_dim3A_1254, %add3A_1343] masked %lt3A_1340 : memref<16x128xf32, #tpu.memory_space<vmem>>[vector<16xi32>, vector<16xi32>], vector<16xf32>, vector<16xi1>
        %add3A_1345 = arith.constant 480 : i32
        %add3A_1346 = vector.broadcast %add3A_1345 : i32 to vector<16xi32>
        %add3A_1347 = arith.addi %add3A_1346, %iota3A : vector<16xi32>
        tpu.vector_store_idx %arg7[%broadcast_in_dim3A_1256, %add3A_1347], %gather3A_1344 masked %lt3A_1340 : memref<50x1000xf32, #tpu.memory_space<vmem>>[vector<16xi32>, vector<16xi32>], vector<16xf32>, vector<16xi1>
        %add3A_1348 = arith.constant 496 : i32
        %add3A_1349 = vector.broadcast %add3A_1348 : i32 to vector<16xi32>
        %add3A_1350 = arith.addi %add3A_1349, %iota3A : vector<16xi32>
        %lt3A_1351 = arith.constant 1000 : i32
        %lt3A_1352 = vector.broadcast %lt3A_1351 : i32 to vector<16xi32>
        %lt3A_1353 = arith.cmpi slt, %add3A_1350, %lt3A_1352 : vector<16xi32>
        %add3A_1354 = arith.constant 112 : i32
        %add3A_1355 = vector.broadcast %add3A_1354 : i32 to vector<16xi32>
        %add3A_1356 = arith.addi %add3A_1355, %iota3A : vector<16xi32>
        %gather3A_1357 = tpu.vector_load_idx %arg10[%broadcast_in_dim3A_1254, %add3A_1356] masked %lt3A_1353 : memref<16x128xf32, #tpu.memory_space<vmem>>[vector<16xi32>, vector<16xi32>], vector<16xf32>, vector<16xi1>
        %add3A_1358 = arith.constant 496 : i32
        %add3A_1359 = vector.broadcast %add3A_1358 : i32 to vector<16xi32>
        %add3A_1360 = arith.addi %add3A_1359, %iota3A : vector<16xi32>
        tpu.vector_store_idx %arg7[%broadcast_in_dim3A_1256, %add3A_1360], %gather3A_1357 masked %lt3A_1353 : memref<50x1000xf32, #tpu.memory_space<vmem>>[vector<16xi32>, vector<16xi32>], vector<16xf32>, vector<16xi1>
        %broadcast_in_dim3A_1361 = arith.constant 12 : i32
        %broadcast_in_dim3A_1362 = vector.broadcast %broadcast_in_dim3A_1361 : i32 to vector<16xi32>
        %broadcast_in_dim3A_1363 = arith.constant 49 : i32
        %broadcast_in_dim3A_1364 = vector.broadcast %broadcast_in_dim3A_1363 : i32 to vector<16xi32>
        %add3A_1365 = arith.constant 512 : i32
        %add3A_1366 = vector.broadcast %add3A_1365 : i32 to vector<16xi32>
        %add3A_1367 = arith.addi %add3A_1366, %iota3A : vector<16xi32>
        %lt3A_1368 = arith.constant 1000 : i32
        %lt3A_1369 = vector.broadcast %lt3A_1368 : i32 to vector<16xi32>
        %lt3A_1370 = arith.cmpi slt, %add3A_1367, %lt3A_1369 : vector<16xi32>
        %add3A_1371 = arith.constant 0 : i32
        %add3A_1372 = vector.broadcast %add3A_1371 : i32 to vector<16xi32>
        %add3A_1373 = arith.addi %add3A_1372, %iota3A : vector<16xi32>
        %gather3A_1374 = tpu.vector_load_idx %arg10[%broadcast_in_dim3A_1362, %add3A_1373] masked %lt3A_1370 : memref<16x128xf32, #tpu.memory_space<vmem>>[vector<16xi32>, vector<16xi32>], vector<16xf32>, vector<16xi1>
        %add3A_1375 = arith.constant 512 : i32
        %add3A_1376 = vector.broadcast %add3A_1375 : i32 to vector<16xi32>
        %add3A_1377 = arith.addi %add3A_1376, %iota3A : vector<16xi32>
        tpu.vector_store_idx %arg7[%broadcast_in_dim3A_1364, %add3A_1377], %gather3A_1374 masked %lt3A_1370 : memref<50x1000xf32, #tpu.memory_space<vmem>>[vector<16xi32>, vector<16xi32>], vector<16xf32>, vector<16xi1>
        %add3A_1378 = arith.constant 528 : i32
        %add3A_1379 = vector.broadcast %add3A_1378 : i32 to vector<16xi32>
        %add3A_1380 = arith.addi %add3A_1379, %iota3A : vector<16xi32>
        %lt3A_1381 = arith.constant 1000 : i32
        %lt3A_1382 = vector.broadcast %lt3A_1381 : i32 to vector<16xi32>
        %lt3A_1383 = arith.cmpi slt, %add3A_1380, %lt3A_1382 : vector<16xi32>
        %add3A_1384 = arith.constant 16 : i32
        %add3A_1385 = vector.broadcast %add3A_1384 : i32 to vector<16xi32>
        %add3A_1386 = arith.addi %add3A_1385, %iota3A : vector<16xi32>
        %gather3A_1387 = tpu.vector_load_idx %arg10[%broadcast_in_dim3A_1362, %add3A_1386] masked %lt3A_1383 : memref<16x128xf32, #tpu.memory_space<vmem>>[vector<16xi32>, vector<16xi32>], vector<16xf32>, vector<16xi1>
        %add3A_1388 = arith.constant 528 : i32
        %add3A_1389 = vector.broadcast %add3A_1388 : i32 to vector<16xi32>
        %add3A_1390 = arith.addi %add3A_1389, %iota3A : vector<16xi32>
        tpu.vector_store_idx %arg7[%broadcast_in_dim3A_1364, %add3A_1390], %gather3A_1387 masked %lt3A_1383 : memref<50x1000xf32, #tpu.memory_space<vmem>>[vector<16xi32>, vector<16xi32>], vector<16xf32>, vector<16xi1>
        %add3A_1391 = arith.constant 544 : i32
        %add3A_1392 = vector.broadcast %add3A_1391 : i32 to vector<16xi32>
        %add3A_1393 = arith.addi %add3A_1392, %iota3A : vector<16xi32>
        %lt3A_1394 = arith.constant 1000 : i32
        %lt3A_1395 = vector.broadcast %lt3A_1394 : i32 to vector<16xi32>
        %lt3A_1396 = arith.cmpi slt, %add3A_1393, %lt3A_1395 : vector<16xi32>
        %add3A_1397 = arith.constant 32 : i32
        %add3A_1398 = vector.broadcast %add3A_1397 : i32 to vector<16xi32>
        %add3A_1399 = arith.addi %add3A_1398, %iota3A : vector<16xi32>
        %gather3A_1400 = tpu.vector_load_idx %arg10[%broadcast_in_dim3A_1362, %add3A_1399] masked %lt3A_1396 : memref<16x128xf32, #tpu.memory_space<vmem>>[vector<16xi32>, vector<16xi32>], vector<16xf32>, vector<16xi1>
        %add3A_1401 = arith.constant 544 : i32
        %add3A_1402 = vector.broadcast %add3A_1401 : i32 to vector<16xi32>
        %add3A_1403 = arith.addi %add3A_1402, %iota3A : vector<16xi32>
        tpu.vector_store_idx %arg7[%broadcast_in_dim3A_1364, %add3A_1403], %gather3A_1400 masked %lt3A_1396 : memref<50x1000xf32, #tpu.memory_space<vmem>>[vector<16xi32>, vector<16xi32>], vector<16xf32>, vector<16xi1>
        %add3A_1404 = arith.constant 560 : i32
        %add3A_1405 = vector.broadcast %add3A_1404 : i32 to vector<16xi32>
        %add3A_1406 = arith.addi %add3A_1405, %iota3A : vector<16xi32>
        %lt3A_1407 = arith.constant 1000 : i32
        %lt3A_1408 = vector.broadcast %lt3A_1407 : i32 to vector<16xi32>
        %lt3A_1409 = arith.cmpi slt, %add3A_1406, %lt3A_1408 : vector<16xi32>
        %add3A_1410 = arith.constant 48 : i32
        %add3A_1411 = vector.broadcast %add3A_1410 : i32 to vector<16xi32>
        %add3A_1412 = arith.addi %add3A_1411, %iota3A : vector<16xi32>
        %gather3A_1413 = tpu.vector_load_idx %arg10[%broadcast_in_dim3A_1362, %add3A_1412] masked %lt3A_1409 : memref<16x128xf32, #tpu.memory_space<vmem>>[vector<16xi32>, vector<16xi32>], vector<16xf32>, vector<16xi1>
        %add3A_1414 = arith.constant 560 : i32
        %add3A_1415 = vector.broadcast %add3A_1414 : i32 to vector<16xi32>
        %add3A_1416 = arith.addi %add3A_1415, %iota3A : vector<16xi32>
        tpu.vector_store_idx %arg7[%broadcast_in_dim3A_1364, %add3A_1416], %gather3A_1413 masked %lt3A_1409 : memref<50x1000xf32, #tpu.memory_space<vmem>>[vector<16xi32>, vector<16xi32>], vector<16xf32>, vector<16xi1>
        %add3A_1417 = arith.constant 576 : i32
        %add3A_1418 = vector.broadcast %add3A_1417 : i32 to vector<16xi32>
        %add3A_1419 = arith.addi %add3A_1418, %iota3A : vector<16xi32>
        %lt3A_1420 = arith.constant 1000 : i32
        %lt3A_1421 = vector.broadcast %lt3A_1420 : i32 to vector<16xi32>
        %lt3A_1422 = arith.cmpi slt, %add3A_1419, %lt3A_1421 : vector<16xi32>
        %add3A_1423 = arith.constant 64 : i32
        %add3A_1424 = vector.broadcast %add3A_1423 : i32 to vector<16xi32>
        %add3A_1425 = arith.addi %add3A_1424, %iota3A : vector<16xi32>
        %gather3A_1426 = tpu.vector_load_idx %arg10[%broadcast_in_dim3A_1362, %add3A_1425] masked %lt3A_1422 : memref<16x128xf32, #tpu.memory_space<vmem>>[vector<16xi32>, vector<16xi32>], vector<16xf32>, vector<16xi1>
        %add3A_1427 = arith.constant 576 : i32
        %add3A_1428 = vector.broadcast %add3A_1427 : i32 to vector<16xi32>
        %add3A_1429 = arith.addi %add3A_1428, %iota3A : vector<16xi32>
        tpu.vector_store_idx %arg7[%broadcast_in_dim3A_1364, %add3A_1429], %gather3A_1426 masked %lt3A_1422 : memref<50x1000xf32, #tpu.memory_space<vmem>>[vector<16xi32>, vector<16xi32>], vector<16xf32>, vector<16xi1>
        %add3A_1430 = arith.constant 592 : i32
        %add3A_1431 = vector.broadcast %add3A_1430 : i32 to vector<16xi32>
        %add3A_1432 = arith.addi %add3A_1431, %iota3A : vector<16xi32>
        %lt3A_1433 = arith.constant 1000 : i32
        %lt3A_1434 = vector.broadcast %lt3A_1433 : i32 to vector<16xi32>
        %lt3A_1435 = arith.cmpi slt, %add3A_1432, %lt3A_1434 : vector<16xi32>
        %add3A_1436 = arith.constant 80 : i32
        %add3A_1437 = vector.broadcast %add3A_1436 : i32 to vector<16xi32>
        %add3A_1438 = arith.addi %add3A_1437, %iota3A : vector<16xi32>
        %gather3A_1439 = tpu.vector_load_idx %arg10[%broadcast_in_dim3A_1362, %add3A_1438] masked %lt3A_1435 : memref<16x128xf32, #tpu.memory_space<vmem>>[vector<16xi32>, vector<16xi32>], vector<16xf32>, vector<16xi1>
        %add3A_1440 = arith.constant 592 : i32
        %add3A_1441 = vector.broadcast %add3A_1440 : i32 to vector<16xi32>
        %add3A_1442 = arith.addi %add3A_1441, %iota3A : vector<16xi32>
        tpu.vector_store_idx %arg7[%broadcast_in_dim3A_1364, %add3A_1442], %gather3A_1439 masked %lt3A_1435 : memref<50x1000xf32, #tpu.memory_space<vmem>>[vector<16xi32>, vector<16xi32>], vector<16xf32>, vector<16xi1>
        %add3A_1443 = arith.constant 608 : i32
        %add3A_1444 = vector.broadcast %add3A_1443 : i32 to vector<16xi32>
        %add3A_1445 = arith.addi %add3A_1444, %iota3A : vector<16xi32>
        %lt3A_1446 = arith.constant 1000 : i32
        %lt3A_1447 = vector.broadcast %lt3A_1446 : i32 to vector<16xi32>
        %lt3A_1448 = arith.cmpi slt, %add3A_1445, %lt3A_1447 : vector<16xi32>
        %add3A_1449 = arith.constant 96 : i32
        %add3A_1450 = vector.broadcast %add3A_1449 : i32 to vector<16xi32>
        %add3A_1451 = arith.addi %add3A_1450, %iota3A : vector<16xi32>
        %gather3A_1452 = tpu.vector_load_idx %arg10[%broadcast_in_dim3A_1362, %add3A_1451] masked %lt3A_1448 : memref<16x128xf32, #tpu.memory_space<vmem>>[vector<16xi32>, vector<16xi32>], vector<16xf32>, vector<16xi1>
        %add3A_1453 = arith.constant 608 : i32
        %add3A_1454 = vector.broadcast %add3A_1453 : i32 to vector<16xi32>
        %add3A_1455 = arith.addi %add3A_1454, %iota3A : vector<16xi32>
        tpu.vector_store_idx %arg7[%broadcast_in_dim3A_1364, %add3A_1455], %gather3A_1452 masked %lt3A_1448 : memref<50x1000xf32, #tpu.memory_space<vmem>>[vector<16xi32>, vector<16xi32>], vector<16xf32>, vector<16xi1>
        %add3A_1456 = arith.constant 624 : i32
        %add3A_1457 = vector.broadcast %add3A_1456 : i32 to vector<16xi32>
        %add3A_1458 = arith.addi %add3A_1457, %iota3A : vector<16xi32>
        %lt3A_1459 = arith.constant 1000 : i32
        %lt3A_1460 = vector.broadcast %lt3A_1459 : i32 to vector<16xi32>
        %lt3A_1461 = arith.cmpi slt, %add3A_1458, %lt3A_1460 : vector<16xi32>
        %add3A_1462 = arith.constant 112 : i32
        %add3A_1463 = vector.broadcast %add3A_1462 : i32 to vector<16xi32>
        %add3A_1464 = arith.addi %add3A_1463, %iota3A : vector<16xi32>
        %gather3A_1465 = tpu.vector_load_idx %arg10[%broadcast_in_dim3A_1362, %add3A_1464] masked %lt3A_1461 : memref<16x128xf32, #tpu.memory_space<vmem>>[vector<16xi32>, vector<16xi32>], vector<16xf32>, vector<16xi1>
        %add3A_1466 = arith.constant 624 : i32
        %add3A_1467 = vector.broadcast %add3A_1466 : i32 to vector<16xi32>
        %add3A_1468 = arith.addi %add3A_1467, %iota3A : vector<16xi32>
        tpu.vector_store_idx %arg7[%broadcast_in_dim3A_1364, %add3A_1468], %gather3A_1465 masked %lt3A_1461 : memref<50x1000xf32, #tpu.memory_space<vmem>>[vector<16xi32>, vector<16xi32>], vector<16xf32>, vector<16xi1>
        %broadcast_in_dim3A_1469 = arith.constant 13 : i32
        %broadcast_in_dim3A_1470 = vector.broadcast %broadcast_in_dim3A_1469 : i32 to vector<16xi32>
        %broadcast_in_dim3A_1471 = arith.constant 49 : i32
        %broadcast_in_dim3A_1472 = vector.broadcast %broadcast_in_dim3A_1471 : i32 to vector<16xi32>
        %add3A_1473 = arith.constant 640 : i32
        %add3A_1474 = vector.broadcast %add3A_1473 : i32 to vector<16xi32>
        %add3A_1475 = arith.addi %add3A_1474, %iota3A : vector<16xi32>
        %lt3A_1476 = arith.constant 1000 : i32
        %lt3A_1477 = vector.broadcast %lt3A_1476 : i32 to vector<16xi32>
        %lt3A_1478 = arith.cmpi slt, %add3A_1475, %lt3A_1477 : vector<16xi32>
        %add3A_1479 = arith.constant 0 : i32
        %add3A_1480 = vector.broadcast %add3A_1479 : i32 to vector<16xi32>
        %add3A_1481 = arith.addi %add3A_1480, %iota3A : vector<16xi32>
        %gather3A_1482 = tpu.vector_load_idx %arg10[%broadcast_in_dim3A_1470, %add3A_1481] masked %lt3A_1478 : memref<16x128xf32, #tpu.memory_space<vmem>>[vector<16xi32>, vector<16xi32>], vector<16xf32>, vector<16xi1>
        %add3A_1483 = arith.constant 640 : i32
        %add3A_1484 = vector.broadcast %add3A_1483 : i32 to vector<16xi32>
        %add3A_1485 = arith.addi %add3A_1484, %iota3A : vector<16xi32>
        tpu.vector_store_idx %arg7[%broadcast_in_dim3A_1472, %add3A_1485], %gather3A_1482 masked %lt3A_1478 : memref<50x1000xf32, #tpu.memory_space<vmem>>[vector<16xi32>, vector<16xi32>], vector<16xf32>, vector<16xi1>
        %add3A_1486 = arith.constant 656 : i32
        %add3A_1487 = vector.broadcast %add3A_1486 : i32 to vector<16xi32>
        %add3A_1488 = arith.addi %add3A_1487, %iota3A : vector<16xi32>
        %lt3A_1489 = arith.constant 1000 : i32
        %lt3A_1490 = vector.broadcast %lt3A_1489 : i32 to vector<16xi32>
        %lt3A_1491 = arith.cmpi slt, %add3A_1488, %lt3A_1490 : vector<16xi32>
        %add3A_1492 = arith.constant 16 : i32
        %add3A_1493 = vector.broadcast %add3A_1492 : i32 to vector<16xi32>
        %add3A_1494 = arith.addi %add3A_1493, %iota3A : vector<16xi32>
        %gather3A_1495 = tpu.vector_load_idx %arg10[%broadcast_in_dim3A_1470, %add3A_1494] masked %lt3A_1491 : memref<16x128xf32, #tpu.memory_space<vmem>>[vector<16xi32>, vector<16xi32>], vector<16xf32>, vector<16xi1>
        %add3A_1496 = arith.constant 656 : i32
        %add3A_1497 = vector.broadcast %add3A_1496 : i32 to vector<16xi32>
        %add3A_1498 = arith.addi %add3A_1497, %iota3A : vector<16xi32>
        tpu.vector_store_idx %arg7[%broadcast_in_dim3A_1472, %add3A_1498], %gather3A_1495 masked %lt3A_1491 : memref<50x1000xf32, #tpu.memory_space<vmem>>[vector<16xi32>, vector<16xi32>], vector<16xf32>, vector<16xi1>
        %add3A_1499 = arith.constant 672 : i32
        %add3A_1500 = vector.broadcast %add3A_1499 : i32 to vector<16xi32>
        %add3A_1501 = arith.addi %add3A_1500, %iota3A : vector<16xi32>
        %lt3A_1502 = arith.constant 1000 : i32
        %lt3A_1503 = vector.broadcast %lt3A_1502 : i32 to vector<16xi32>
        %lt3A_1504 = arith.cmpi slt, %add3A_1501, %lt3A_1503 : vector<16xi32>
        %add3A_1505 = arith.constant 32 : i32
        %add3A_1506 = vector.broadcast %add3A_1505 : i32 to vector<16xi32>
        %add3A_1507 = arith.addi %add3A_1506, %iota3A : vector<16xi32>
        %gather3A_1508 = tpu.vector_load_idx %arg10[%broadcast_in_dim3A_1470, %add3A_1507] masked %lt3A_1504 : memref<16x128xf32, #tpu.memory_space<vmem>>[vector<16xi32>, vector<16xi32>], vector<16xf32>, vector<16xi1>
        %add3A_1509 = arith.constant 672 : i32
        %add3A_1510 = vector.broadcast %add3A_1509 : i32 to vector<16xi32>
        %add3A_1511 = arith.addi %add3A_1510, %iota3A : vector<16xi32>
        tpu.vector_store_idx %arg7[%broadcast_in_dim3A_1472, %add3A_1511], %gather3A_1508 masked %lt3A_1504 : memref<50x1000xf32, #tpu.memory_space<vmem>>[vector<16xi32>, vector<16xi32>], vector<16xf32>, vector<16xi1>
        %add3A_1512 = arith.constant 688 : i32
        %add3A_1513 = vector.broadcast %add3A_1512 : i32 to vector<16xi32>
        %add3A_1514 = arith.addi %add3A_1513, %iota3A : vector<16xi32>
        %lt3A_1515 = arith.constant 1000 : i32
        %lt3A_1516 = vector.broadcast %lt3A_1515 : i32 to vector<16xi32>
        %lt3A_1517 = arith.cmpi slt, %add3A_1514, %lt3A_1516 : vector<16xi32>
        %add3A_1518 = arith.constant 48 : i32
        %add3A_1519 = vector.broadcast %add3A_1518 : i32 to vector<16xi32>
        %add3A_1520 = arith.addi %add3A_1519, %iota3A : vector<16xi32>
        %gather3A_1521 = tpu.vector_load_idx %arg10[%broadcast_in_dim3A_1470, %add3A_1520] masked %lt3A_1517 : memref<16x128xf32, #tpu.memory_space<vmem>>[vector<16xi32>, vector<16xi32>], vector<16xf32>, vector<16xi1>
        %add3A_1522 = arith.constant 688 : i32
        %add3A_1523 = vector.broadcast %add3A_1522 : i32 to vector<16xi32>
        %add3A_1524 = arith.addi %add3A_1523, %iota3A : vector<16xi32>
        tpu.vector_store_idx %arg7[%broadcast_in_dim3A_1472, %add3A_1524], %gather3A_1521 masked %lt3A_1517 : memref<50x1000xf32, #tpu.memory_space<vmem>>[vector<16xi32>, vector<16xi32>], vector<16xf32>, vector<16xi1>
        %add3A_1525 = arith.constant 704 : i32
        %add3A_1526 = vector.broadcast %add3A_1525 : i32 to vector<16xi32>
        %add3A_1527 = arith.addi %add3A_1526, %iota3A : vector<16xi32>
        %lt3A_1528 = arith.constant 1000 : i32
        %lt3A_1529 = vector.broadcast %lt3A_1528 : i32 to vector<16xi32>
        %lt3A_1530 = arith.cmpi slt, %add3A_1527, %lt3A_1529 : vector<16xi32>
        %add3A_1531 = arith.constant 64 : i32
        %add3A_1532 = vector.broadcast %add3A_1531 : i32 to vector<16xi32>
        %add3A_1533 = arith.addi %add3A_1532, %iota3A : vector<16xi32>
        %gather3A_1534 = tpu.vector_load_idx %arg10[%broadcast_in_dim3A_1470, %add3A_1533] masked %lt3A_1530 : memref<16x128xf32, #tpu.memory_space<vmem>>[vector<16xi32>, vector<16xi32>], vector<16xf32>, vector<16xi1>
        %add3A_1535 = arith.constant 704 : i32
        %add3A_1536 = vector.broadcast %add3A_1535 : i32 to vector<16xi32>
        %add3A_1537 = arith.addi %add3A_1536, %iota3A : vector<16xi32>
        tpu.vector_store_idx %arg7[%broadcast_in_dim3A_1472, %add3A_1537], %gather3A_1534 masked %lt3A_1530 : memref<50x1000xf32, #tpu.memory_space<vmem>>[vector<16xi32>, vector<16xi32>], vector<16xf32>, vector<16xi1>
        %add3A_1538 = arith.constant 720 : i32
        %add3A_1539 = vector.broadcast %add3A_1538 : i32 to vector<16xi32>
        %add3A_1540 = arith.addi %add3A_1539, %iota3A : vector<16xi32>
        %lt3A_1541 = arith.constant 1000 : i32
        %lt3A_1542 = vector.broadcast %lt3A_1541 : i32 to vector<16xi32>
        %lt3A_1543 = arith.cmpi slt, %add3A_1540, %lt3A_1542 : vector<16xi32>
        %add3A_1544 = arith.constant 80 : i32
        %add3A_1545 = vector.broadcast %add3A_1544 : i32 to vector<16xi32>
        %add3A_1546 = arith.addi %add3A_1545, %iota3A : vector<16xi32>
        %gather3A_1547 = tpu.vector_load_idx %arg10[%broadcast_in_dim3A_1470, %add3A_1546] masked %lt3A_1543 : memref<16x128xf32, #tpu.memory_space<vmem>>[vector<16xi32>, vector<16xi32>], vector<16xf32>, vector<16xi1>
        %add3A_1548 = arith.constant 720 : i32
        %add3A_1549 = vector.broadcast %add3A_1548 : i32 to vector<16xi32>
        %add3A_1550 = arith.addi %add3A_1549, %iota3A : vector<16xi32>
        tpu.vector_store_idx %arg7[%broadcast_in_dim3A_1472, %add3A_1550], %gather3A_1547 masked %lt3A_1543 : memref<50x1000xf32, #tpu.memory_space<vmem>>[vector<16xi32>, vector<16xi32>], vector<16xf32>, vector<16xi1>
        %add3A_1551 = arith.constant 736 : i32
        %add3A_1552 = vector.broadcast %add3A_1551 : i32 to vector<16xi32>
        %add3A_1553 = arith.addi %add3A_1552, %iota3A : vector<16xi32>
        %lt3A_1554 = arith.constant 1000 : i32
        %lt3A_1555 = vector.broadcast %lt3A_1554 : i32 to vector<16xi32>
        %lt3A_1556 = arith.cmpi slt, %add3A_1553, %lt3A_1555 : vector<16xi32>
        %add3A_1557 = arith.constant 96 : i32
        %add3A_1558 = vector.broadcast %add3A_1557 : i32 to vector<16xi32>
        %add3A_1559 = arith.addi %add3A_1558, %iota3A : vector<16xi32>
        %gather3A_1560 = tpu.vector_load_idx %arg10[%broadcast_in_dim3A_1470, %add3A_1559] masked %lt3A_1556 : memref<16x128xf32, #tpu.memory_space<vmem>>[vector<16xi32>, vector<16xi32>], vector<16xf32>, vector<16xi1>
        %add3A_1561 = arith.constant 736 : i32
        %add3A_1562 = vector.broadcast %add3A_1561 : i32 to vector<16xi32>
        %add3A_1563 = arith.addi %add3A_1562, %iota3A : vector<16xi32>
        tpu.vector_store_idx %arg7[%broadcast_in_dim3A_1472, %add3A_1563], %gather3A_1560 masked %lt3A_1556 : memref<50x1000xf32, #tpu.memory_space<vmem>>[vector<16xi32>, vector<16xi32>], vector<16xf32>, vector<16xi1>
        %add3A_1564 = arith.constant 752 : i32
        %add3A_1565 = vector.broadcast %add3A_1564 : i32 to vector<16xi32>
        %add3A_1566 = arith.addi %add3A_1565, %iota3A : vector<16xi32>
        %lt3A_1567 = arith.constant 1000 : i32
        %lt3A_1568 = vector.broadcast %lt3A_1567 : i32 to vector<16xi32>
        %lt3A_1569 = arith.cmpi slt, %add3A_1566, %lt3A_1568 : vector<16xi32>
        %add3A_1570 = arith.constant 112 : i32
        %add3A_1571 = vector.broadcast %add3A_1570 : i32 to vector<16xi32>
        %add3A_1572 = arith.addi %add3A_1571, %iota3A : vector<16xi32>
        %gather3A_1573 = tpu.vector_load_idx %arg10[%broadcast_in_dim3A_1470, %add3A_1572] masked %lt3A_1569 : memref<16x128xf32, #tpu.memory_space<vmem>>[vector<16xi32>, vector<16xi32>], vector<16xf32>, vector<16xi1>
        %add3A_1574 = arith.constant 752 : i32
        %add3A_1575 = vector.broadcast %add3A_1574 : i32 to vector<16xi32>
        %add3A_1576 = arith.addi %add3A_1575, %iota3A : vector<16xi32>
        tpu.vector_store_idx %arg7[%broadcast_in_dim3A_1472, %add3A_1576], %gather3A_1573 masked %lt3A_1569 : memref<50x1000xf32, #tpu.memory_space<vmem>>[vector<16xi32>, vector<16xi32>], vector<16xf32>, vector<16xi1>
        %broadcast_in_dim3A_1577 = arith.constant 14 : i32
        %broadcast_in_dim3A_1578 = vector.broadcast %broadcast_in_dim3A_1577 : i32 to vector<16xi32>
        %broadcast_in_dim3A_1579 = arith.constant 49 : i32
        %broadcast_in_dim3A_1580 = vector.broadcast %broadcast_in_dim3A_1579 : i32 to vector<16xi32>
        %add3A_1581 = arith.constant 768 : i32
        %add3A_1582 = vector.broadcast %add3A_1581 : i32 to vector<16xi32>
        %add3A_1583 = arith.addi %add3A_1582, %iota3A : vector<16xi32>
        %lt3A_1584 = arith.constant 1000 : i32
        %lt3A_1585 = vector.broadcast %lt3A_1584 : i32 to vector<16xi32>
        %lt3A_1586 = arith.cmpi slt, %add3A_1583, %lt3A_1585 : vector<16xi32>
        %add3A_1587 = arith.constant 0 : i32
        %add3A_1588 = vector.broadcast %add3A_1587 : i32 to vector<16xi32>
        %add3A_1589 = arith.addi %add3A_1588, %iota3A : vector<16xi32>
        %gather3A_1590 = tpu.vector_load_idx %arg10[%broadcast_in_dim3A_1578, %add3A_1589] masked %lt3A_1586 : memref<16x128xf32, #tpu.memory_space<vmem>>[vector<16xi32>, vector<16xi32>], vector<16xf32>, vector<16xi1>
        %add3A_1591 = arith.constant 768 : i32
        %add3A_1592 = vector.broadcast %add3A_1591 : i32 to vector<16xi32>
        %add3A_1593 = arith.addi %add3A_1592, %iota3A : vector<16xi32>
        tpu.vector_store_idx %arg7[%broadcast_in_dim3A_1580, %add3A_1593], %gather3A_1590 masked %lt3A_1586 : memref<50x1000xf32, #tpu.memory_space<vmem>>[vector<16xi32>, vector<16xi32>], vector<16xf32>, vector<16xi1>
        %add3A_1594 = arith.constant 784 : i32
        %add3A_1595 = vector.broadcast %add3A_1594 : i32 to vector<16xi32>
        %add3A_1596 = arith.addi %add3A_1595, %iota3A : vector<16xi32>
        %lt3A_1597 = arith.constant 1000 : i32
        %lt3A_1598 = vector.broadcast %lt3A_1597 : i32 to vector<16xi32>
        %lt3A_1599 = arith.cmpi slt, %add3A_1596, %lt3A_1598 : vector<16xi32>
        %add3A_1600 = arith.constant 16 : i32
        %add3A_1601 = vector.broadcast %add3A_1600 : i32 to vector<16xi32>
        %add3A_1602 = arith.addi %add3A_1601, %iota3A : vector<16xi32>
        %gather3A_1603 = tpu.vector_load_idx %arg10[%broadcast_in_dim3A_1578, %add3A_1602] masked %lt3A_1599 : memref<16x128xf32, #tpu.memory_space<vmem>>[vector<16xi32>, vector<16xi32>], vector<16xf32>, vector<16xi1>
        %add3A_1604 = arith.constant 784 : i32
        %add3A_1605 = vector.broadcast %add3A_1604 : i32 to vector<16xi32>
        %add3A_1606 = arith.addi %add3A_1605, %iota3A : vector<16xi32>
        tpu.vector_store_idx %arg7[%broadcast_in_dim3A_1580, %add3A_1606], %gather3A_1603 masked %lt3A_1599 : memref<50x1000xf32, #tpu.memory_space<vmem>>[vector<16xi32>, vector<16xi32>], vector<16xf32>, vector<16xi1>
        %add3A_1607 = arith.constant 800 : i32
        %add3A_1608 = vector.broadcast %add3A_1607 : i32 to vector<16xi32>
        %add3A_1609 = arith.addi %add3A_1608, %iota3A : vector<16xi32>
        %lt3A_1610 = arith.constant 1000 : i32
        %lt3A_1611 = vector.broadcast %lt3A_1610 : i32 to vector<16xi32>
        %lt3A_1612 = arith.cmpi slt, %add3A_1609, %lt3A_1611 : vector<16xi32>
        %add3A_1613 = arith.constant 32 : i32
        %add3A_1614 = vector.broadcast %add3A_1613 : i32 to vector<16xi32>
        %add3A_1615 = arith.addi %add3A_1614, %iota3A : vector<16xi32>
        %gather3A_1616 = tpu.vector_load_idx %arg10[%broadcast_in_dim3A_1578, %add3A_1615] masked %lt3A_1612 : memref<16x128xf32, #tpu.memory_space<vmem>>[vector<16xi32>, vector<16xi32>], vector<16xf32>, vector<16xi1>
        %add3A_1617 = arith.constant 800 : i32
        %add3A_1618 = vector.broadcast %add3A_1617 : i32 to vector<16xi32>
        %add3A_1619 = arith.addi %add3A_1618, %iota3A : vector<16xi32>
        tpu.vector_store_idx %arg7[%broadcast_in_dim3A_1580, %add3A_1619], %gather3A_1616 masked %lt3A_1612 : memref<50x1000xf32, #tpu.memory_space<vmem>>[vector<16xi32>, vector<16xi32>], vector<16xf32>, vector<16xi1>
        %add3A_1620 = arith.constant 816 : i32
        %add3A_1621 = vector.broadcast %add3A_1620 : i32 to vector<16xi32>
        %add3A_1622 = arith.addi %add3A_1621, %iota3A : vector<16xi32>
        %lt3A_1623 = arith.constant 1000 : i32
        %lt3A_1624 = vector.broadcast %lt3A_1623 : i32 to vector<16xi32>
        %lt3A_1625 = arith.cmpi slt, %add3A_1622, %lt3A_1624 : vector<16xi32>
        %add3A_1626 = arith.constant 48 : i32
        %add3A_1627 = vector.broadcast %add3A_1626 : i32 to vector<16xi32>
        %add3A_1628 = arith.addi %add3A_1627, %iota3A : vector<16xi32>
        %gather3A_1629 = tpu.vector_load_idx %arg10[%broadcast_in_dim3A_1578, %add3A_1628] masked %lt3A_1625 : memref<16x128xf32, #tpu.memory_space<vmem>>[vector<16xi32>, vector<16xi32>], vector<16xf32>, vector<16xi1>
        %add3A_1630 = arith.constant 816 : i32
        %add3A_1631 = vector.broadcast %add3A_1630 : i32 to vector<16xi32>
        %add3A_1632 = arith.addi %add3A_1631, %iota3A : vector<16xi32>
        tpu.vector_store_idx %arg7[%broadcast_in_dim3A_1580, %add3A_1632], %gather3A_1629 masked %lt3A_1625 : memref<50x1000xf32, #tpu.memory_space<vmem>>[vector<16xi32>, vector<16xi32>], vector<16xf32>, vector<16xi1>
        %add3A_1633 = arith.constant 832 : i32
        %add3A_1634 = vector.broadcast %add3A_1633 : i32 to vector<16xi32>
        %add3A_1635 = arith.addi %add3A_1634, %iota3A : vector<16xi32>
        %lt3A_1636 = arith.constant 1000 : i32
        %lt3A_1637 = vector.broadcast %lt3A_1636 : i32 to vector<16xi32>
        %lt3A_1638 = arith.cmpi slt, %add3A_1635, %lt3A_1637 : vector<16xi32>
        %add3A_1639 = arith.constant 64 : i32
        %add3A_1640 = vector.broadcast %add3A_1639 : i32 to vector<16xi32>
        %add3A_1641 = arith.addi %add3A_1640, %iota3A : vector<16xi32>
        %gather3A_1642 = tpu.vector_load_idx %arg10[%broadcast_in_dim3A_1578, %add3A_1641] masked %lt3A_1638 : memref<16x128xf32, #tpu.memory_space<vmem>>[vector<16xi32>, vector<16xi32>], vector<16xf32>, vector<16xi1>
        %add3A_1643 = arith.constant 832 : i32
        %add3A_1644 = vector.broadcast %add3A_1643 : i32 to vector<16xi32>
        %add3A_1645 = arith.addi %add3A_1644, %iota3A : vector<16xi32>
        tpu.vector_store_idx %arg7[%broadcast_in_dim3A_1580, %add3A_1645], %gather3A_1642 masked %lt3A_1638 : memref<50x1000xf32, #tpu.memory_space<vmem>>[vector<16xi32>, vector<16xi32>], vector<16xf32>, vector<16xi1>
        %add3A_1646 = arith.constant 848 : i32
        %add3A_1647 = vector.broadcast %add3A_1646 : i32 to vector<16xi32>
        %add3A_1648 = arith.addi %add3A_1647, %iota3A : vector<16xi32>
        %lt3A_1649 = arith.constant 1000 : i32
        %lt3A_1650 = vector.broadcast %lt3A_1649 : i32 to vector<16xi32>
        %lt3A_1651 = arith.cmpi slt, %add3A_1648, %lt3A_1650 : vector<16xi32>
        %add3A_1652 = arith.constant 80 : i32
        %add3A_1653 = vector.broadcast %add3A_1652 : i32 to vector<16xi32>
        %add3A_1654 = arith.addi %add3A_1653, %iota3A : vector<16xi32>
        %gather3A_1655 = tpu.vector_load_idx %arg10[%broadcast_in_dim3A_1578, %add3A_1654] masked %lt3A_1651 : memref<16x128xf32, #tpu.memory_space<vmem>>[vector<16xi32>, vector<16xi32>], vector<16xf32>, vector<16xi1>
        %add3A_1656 = arith.constant 848 : i32
        %add3A_1657 = vector.broadcast %add3A_1656 : i32 to vector<16xi32>
        %add3A_1658 = arith.addi %add3A_1657, %iota3A : vector<16xi32>
        tpu.vector_store_idx %arg7[%broadcast_in_dim3A_1580, %add3A_1658], %gather3A_1655 masked %lt3A_1651 : memref<50x1000xf32, #tpu.memory_space<vmem>>[vector<16xi32>, vector<16xi32>], vector<16xf32>, vector<16xi1>
        %add3A_1659 = arith.constant 864 : i32
        %add3A_1660 = vector.broadcast %add3A_1659 : i32 to vector<16xi32>
        %add3A_1661 = arith.addi %add3A_1660, %iota3A : vector<16xi32>
        %lt3A_1662 = arith.constant 1000 : i32
        %lt3A_1663 = vector.broadcast %lt3A_1662 : i32 to vector<16xi32>
        %lt3A_1664 = arith.cmpi slt, %add3A_1661, %lt3A_1663 : vector<16xi32>
        %add3A_1665 = arith.constant 96 : i32
        %add3A_1666 = vector.broadcast %add3A_1665 : i32 to vector<16xi32>
        %add3A_1667 = arith.addi %add3A_1666, %iota3A : vector<16xi32>
        %gather3A_1668 = tpu.vector_load_idx %arg10[%broadcast_in_dim3A_1578, %add3A_1667] masked %lt3A_1664 : memref<16x128xf32, #tpu.memory_space<vmem>>[vector<16xi32>, vector<16xi32>], vector<16xf32>, vector<16xi1>
        %add3A_1669 = arith.constant 864 : i32
        %add3A_1670 = vector.broadcast %add3A_1669 : i32 to vector<16xi32>
        %add3A_1671 = arith.addi %add3A_1670, %iota3A : vector<16xi32>
        tpu.vector_store_idx %arg7[%broadcast_in_dim3A_1580, %add3A_1671], %gather3A_1668 masked %lt3A_1664 : memref<50x1000xf32, #tpu.memory_space<vmem>>[vector<16xi32>, vector<16xi32>], vector<16xf32>, vector<16xi1>
        %add3A_1672 = arith.constant 880 : i32
        %add3A_1673 = vector.broadcast %add3A_1672 : i32 to vector<16xi32>
        %add3A_1674 = arith.addi %add3A_1673, %iota3A : vector<16xi32>
        %lt3A_1675 = arith.constant 1000 : i32
        %lt3A_1676 = vector.broadcast %lt3A_1675 : i32 to vector<16xi32>
        %lt3A_1677 = arith.cmpi slt, %add3A_1674, %lt3A_1676 : vector<16xi32>
        %add3A_1678 = arith.constant 112 : i32
        %add3A_1679 = vector.broadcast %add3A_1678 : i32 to vector<16xi32>
        %add3A_1680 = arith.addi %add3A_1679, %iota3A : vector<16xi32>
        %gather3A_1681 = tpu.vector_load_idx %arg10[%broadcast_in_dim3A_1578, %add3A_1680] masked %lt3A_1677 : memref<16x128xf32, #tpu.memory_space<vmem>>[vector<16xi32>, vector<16xi32>], vector<16xf32>, vector<16xi1>
        %add3A_1682 = arith.constant 880 : i32
        %add3A_1683 = vector.broadcast %add3A_1682 : i32 to vector<16xi32>
        %add3A_1684 = arith.addi %add3A_1683, %iota3A : vector<16xi32>
        tpu.vector_store_idx %arg7[%broadcast_in_dim3A_1580, %add3A_1684], %gather3A_1681 masked %lt3A_1677 : memref<50x1000xf32, #tpu.memory_space<vmem>>[vector<16xi32>, vector<16xi32>], vector<16xf32>, vector<16xi1>
        %broadcast_in_dim3A_1685 = arith.constant 15 : i32
        %broadcast_in_dim3A_1686 = vector.broadcast %broadcast_in_dim3A_1685 : i32 to vector<16xi32>
        %broadcast_in_dim3A_1687 = arith.constant 49 : i32
        %broadcast_in_dim3A_1688 = vector.broadcast %broadcast_in_dim3A_1687 : i32 to vector<16xi32>
        %add3A_1689 = arith.constant 896 : i32
        %add3A_1690 = vector.broadcast %add3A_1689 : i32 to vector<16xi32>
        %add3A_1691 = arith.addi %add3A_1690, %iota3A : vector<16xi32>
        %lt3A_1692 = arith.constant 1000 : i32
        %lt3A_1693 = vector.broadcast %lt3A_1692 : i32 to vector<16xi32>
        %lt3A_1694 = arith.cmpi slt, %add3A_1691, %lt3A_1693 : vector<16xi32>
        %add3A_1695 = arith.constant 0 : i32
        %add3A_1696 = vector.broadcast %add3A_1695 : i32 to vector<16xi32>
        %add3A_1697 = arith.addi %add3A_1696, %iota3A : vector<16xi32>
        %gather3A_1698 = tpu.vector_load_idx %arg10[%broadcast_in_dim3A_1686, %add3A_1697] masked %lt3A_1694 : memref<16x128xf32, #tpu.memory_space<vmem>>[vector<16xi32>, vector<16xi32>], vector<16xf32>, vector<16xi1>
        %add3A_1699 = arith.constant 896 : i32
        %add3A_1700 = vector.broadcast %add3A_1699 : i32 to vector<16xi32>
        %add3A_1701 = arith.addi %add3A_1700, %iota3A : vector<16xi32>
        tpu.vector_store_idx %arg7[%broadcast_in_dim3A_1688, %add3A_1701], %gather3A_1698 masked %lt3A_1694 : memref<50x1000xf32, #tpu.memory_space<vmem>>[vector<16xi32>, vector<16xi32>], vector<16xf32>, vector<16xi1>
        %add3A_1702 = arith.constant 912 : i32
        %add3A_1703 = vector.broadcast %add3A_1702 : i32 to vector<16xi32>
        %add3A_1704 = arith.addi %add3A_1703, %iota3A : vector<16xi32>
        %lt3A_1705 = arith.constant 1000 : i32
        %lt3A_1706 = vector.broadcast %lt3A_1705 : i32 to vector<16xi32>
        %lt3A_1707 = arith.cmpi slt, %add3A_1704, %lt3A_1706 : vector<16xi32>
        %add3A_1708 = arith.constant 16 : i32
        %add3A_1709 = vector.broadcast %add3A_1708 : i32 to vector<16xi32>
        %add3A_1710 = arith.addi %add3A_1709, %iota3A : vector<16xi32>
        %gather3A_1711 = tpu.vector_load_idx %arg10[%broadcast_in_dim3A_1686, %add3A_1710] masked %lt3A_1707 : memref<16x128xf32, #tpu.memory_space<vmem>>[vector<16xi32>, vector<16xi32>], vector<16xf32>, vector<16xi1>
        %add3A_1712 = arith.constant 912 : i32
        %add3A_1713 = vector.broadcast %add3A_1712 : i32 to vector<16xi32>
        %add3A_1714 = arith.addi %add3A_1713, %iota3A : vector<16xi32>
        tpu.vector_store_idx %arg7[%broadcast_in_dim3A_1688, %add3A_1714], %gather3A_1711 masked %lt3A_1707 : memref<50x1000xf32, #tpu.memory_space<vmem>>[vector<16xi32>, vector<16xi32>], vector<16xf32>, vector<16xi1>
        %add3A_1715 = arith.constant 928 : i32
        %add3A_1716 = vector.broadcast %add3A_1715 : i32 to vector<16xi32>
        %add3A_1717 = arith.addi %add3A_1716, %iota3A : vector<16xi32>
        %lt3A_1718 = arith.constant 1000 : i32
        %lt3A_1719 = vector.broadcast %lt3A_1718 : i32 to vector<16xi32>
        %lt3A_1720 = arith.cmpi slt, %add3A_1717, %lt3A_1719 : vector<16xi32>
        %add3A_1721 = arith.constant 32 : i32
        %add3A_1722 = vector.broadcast %add3A_1721 : i32 to vector<16xi32>
        %add3A_1723 = arith.addi %add3A_1722, %iota3A : vector<16xi32>
        %gather3A_1724 = tpu.vector_load_idx %arg10[%broadcast_in_dim3A_1686, %add3A_1723] masked %lt3A_1720 : memref<16x128xf32, #tpu.memory_space<vmem>>[vector<16xi32>, vector<16xi32>], vector<16xf32>, vector<16xi1>
        %add3A_1725 = arith.constant 928 : i32
        %add3A_1726 = vector.broadcast %add3A_1725 : i32 to vector<16xi32>
        %add3A_1727 = arith.addi %add3A_1726, %iota3A : vector<16xi32>
        tpu.vector_store_idx %arg7[%broadcast_in_dim3A_1688, %add3A_1727], %gather3A_1724 masked %lt3A_1720 : memref<50x1000xf32, #tpu.memory_space<vmem>>[vector<16xi32>, vector<16xi32>], vector<16xf32>, vector<16xi1>
        %add3A_1728 = arith.constant 944 : i32
        %add3A_1729 = vector.broadcast %add3A_1728 : i32 to vector<16xi32>
        %add3A_1730 = arith.addi %add3A_1729, %iota3A : vector<16xi32>
        %lt3A_1731 = arith.constant 1000 : i32
        %lt3A_1732 = vector.broadcast %lt3A_1731 : i32 to vector<16xi32>
        %lt3A_1733 = arith.cmpi slt, %add3A_1730, %lt3A_1732 : vector<16xi32>
        %add3A_1734 = arith.constant 48 : i32
        %add3A_1735 = vector.broadcast %add3A_1734 : i32 to vector<16xi32>
        %add3A_1736 = arith.addi %add3A_1735, %iota3A : vector<16xi32>
        %gather3A_1737 = tpu.vector_load_idx %arg10[%broadcast_in_dim3A_1686, %add3A_1736] masked %lt3A_1733 : memref<16x128xf32, #tpu.memory_space<vmem>>[vector<16xi32>, vector<16xi32>], vector<16xf32>, vector<16xi1>
        %add3A_1738 = arith.constant 944 : i32
        %add3A_1739 = vector.broadcast %add3A_1738 : i32 to vector<16xi32>
        %add3A_1740 = arith.addi %add3A_1739, %iota3A : vector<16xi32>
        tpu.vector_store_idx %arg7[%broadcast_in_dim3A_1688, %add3A_1740], %gather3A_1737 masked %lt3A_1733 : memref<50x1000xf32, #tpu.memory_space<vmem>>[vector<16xi32>, vector<16xi32>], vector<16xf32>, vector<16xi1>
        %add3A_1741 = arith.constant 960 : i32
        %add3A_1742 = vector.broadcast %add3A_1741 : i32 to vector<16xi32>
        %add3A_1743 = arith.addi %add3A_1742, %iota3A : vector<16xi32>
        %lt3A_1744 = arith.constant 1000 : i32
        %lt3A_1745 = vector.broadcast %lt3A_1744 : i32 to vector<16xi32>
        %lt3A_1746 = arith.cmpi slt, %add3A_1743, %lt3A_1745 : vector<16xi32>
        %add3A_1747 = arith.constant 64 : i32
        %add3A_1748 = vector.broadcast %add3A_1747 : i32 to vector<16xi32>
        %add3A_1749 = arith.addi %add3A_1748, %iota3A : vector<16xi32>
        %gather3A_1750 = tpu.vector_load_idx %arg10[%broadcast_in_dim3A_1686, %add3A_1749] masked %lt3A_1746 : memref<16x128xf32, #tpu.memory_space<vmem>>[vector<16xi32>, vector<16xi32>], vector<16xf32>, vector<16xi1>
        %add3A_1751 = arith.constant 960 : i32
        %add3A_1752 = vector.broadcast %add3A_1751 : i32 to vector<16xi32>
        %add3A_1753 = arith.addi %add3A_1752, %iota3A : vector<16xi32>
        tpu.vector_store_idx %arg7[%broadcast_in_dim3A_1688, %add3A_1753], %gather3A_1750 masked %lt3A_1746 : memref<50x1000xf32, #tpu.memory_space<vmem>>[vector<16xi32>, vector<16xi32>], vector<16xf32>, vector<16xi1>
        %add3A_1754 = arith.constant 976 : i32
        %add3A_1755 = vector.broadcast %add3A_1754 : i32 to vector<16xi32>
        %add3A_1756 = arith.addi %add3A_1755, %iota3A : vector<16xi32>
        %lt3A_1757 = arith.constant 1000 : i32
        %lt3A_1758 = vector.broadcast %lt3A_1757 : i32 to vector<16xi32>
        %lt3A_1759 = arith.cmpi slt, %add3A_1756, %lt3A_1758 : vector<16xi32>
        %add3A_1760 = arith.constant 80 : i32
        %add3A_1761 = vector.broadcast %add3A_1760 : i32 to vector<16xi32>
        %add3A_1762 = arith.addi %add3A_1761, %iota3A : vector<16xi32>
        %gather3A_1763 = tpu.vector_load_idx %arg10[%broadcast_in_dim3A_1686, %add3A_1762] masked %lt3A_1759 : memref<16x128xf32, #tpu.memory_space<vmem>>[vector<16xi32>, vector<16xi32>], vector<16xf32>, vector<16xi1>
        %add3A_1764 = arith.constant 976 : i32
        %add3A_1765 = vector.broadcast %add3A_1764 : i32 to vector<16xi32>
        %add3A_1766 = arith.addi %add3A_1765, %iota3A : vector<16xi32>
        tpu.vector_store_idx %arg7[%broadcast_in_dim3A_1688, %add3A_1766], %gather3A_1763 masked %lt3A_1759 : memref<50x1000xf32, #tpu.memory_space<vmem>>[vector<16xi32>, vector<16xi32>], vector<16xf32>, vector<16xi1>
        %add3A_1767 = arith.constant 992 : i32
        %add3A_1768 = vector.broadcast %add3A_1767 : i32 to vector<16xi32>
        %add3A_1769 = arith.addi %add3A_1768, %iota3A : vector<16xi32>
        %lt3A_1770 = arith.constant 1000 : i32
        %lt3A_1771 = vector.broadcast %lt3A_1770 : i32 to vector<16xi32>
        %lt3A_1772 = arith.cmpi slt, %add3A_1769, %lt3A_1771 : vector<16xi32>
        %add3A_1773 = arith.constant 96 : i32
        %add3A_1774 = vector.broadcast %add3A_1773 : i32 to vector<16xi32>
        %add3A_1775 = arith.addi %add3A_1774, %iota3A : vector<16xi32>
        %gather3A_1776 = tpu.vector_load_idx %arg10[%broadcast_in_dim3A_1686, %add3A_1775] masked %lt3A_1772 : memref<16x128xf32, #tpu.memory_space<vmem>>[vector<16xi32>, vector<16xi32>], vector<16xf32>, vector<16xi1>
        %add3A_1777 = arith.constant 992 : i32
        %add3A_1778 = vector.broadcast %add3A_1777 : i32 to vector<16xi32>
        %add3A_1779 = arith.addi %add3A_1778, %iota3A : vector<16xi32>
        tpu.vector_store_idx %arg7[%broadcast_in_dim3A_1688, %add3A_1779], %gather3A_1776 masked %lt3A_1772 : memref<50x1000xf32, #tpu.memory_space<vmem>>[vector<16xi32>, vector<16xi32>], vector<16xf32>, vector<16xi1>
        %add3A_1780 = arith.constant 1 : i32
        %add3A_1781 = arith.addi %scan3A_44, %add3A_1780 : i32
        %lt3A_1782 = arith.constant 32 : i32
        %lt3A_1783 = arith.cmpi slt, %add3A_1781, %lt3A_1782 : i32
        %convert_element_type3A_1784 = arith.extui %lt3A_1783 : i1 to i32
        %cond3A_1785 = arith.constant 0 : i32
        %cond3A_1786 = arith.cmpi ne, %convert_element_type3A_1784, %cond3A_1785 : i32
        scf.if %cond3A_1786 {
          %add3A_1803 = arith.constant 1 : i32
          %add3A_1804 = arith.addi %scan3A_44, %add3A_1803 : i32
          %add3A_1805 = arith.addi %mul3A_2, %add3A_1804 : i32
          %mul3A_1806 = arith.constant 80 : i32
          %mul3A_1807 = arith.muli %add3A_1805, %mul3A_1806 : i32
          %dma_wait3A_1808 = tpu.memref_slice %arg2[%mul3A_1807] : memref<81920xi32, #tpu.memory_space<hbm>> -> memref<80xi32, #tpu.memory_space<hbm>>
          %dma_wait3A_1809 = tpu.memref_slice %arg2[%mul3A_1807] : memref<81920xi32, #tpu.memory_space<hbm>> -> memref<80xi32, #tpu.memory_space<hbm>>
          tpu.wait_dma2 semaphore(%arg20 : memref<!tpu.dma_semaphore, #tpu.memory_space<semaphore_mem>>) src(%dma_wait3A_1809 : memref<80xi32, #tpu.memory_space<hbm>>) dst(%arg12 : memref<80xi32, #tpu.memory_space<vmem>>)
          %add3A_1810 = arith.constant 1 : i32
          %add3A_1811 = arith.addi %scan3A_44, %add3A_1810 : i32
          %dma_start3A_1812 = arith.constant 0 : i32
          %dma_start3A_1813 = arith.constant 0 : i32
          %dma_start3A_1814 = tpu.memref_slice %arg8[%dma_start3A_1812, %dma_start3A_1813] : memref<50x1000xf32, #tpu.memory_space<vmem>> -> memref<48x896xf32, #tpu.memory_space<vmem>>
          %dma_start3A_1815 = arith.constant 0 : i32
          %dma_start3A_1816 = tpu.memref_slice %arg12[%dma_start3A_1815] : memref<80xi32, #tpu.memory_space<vmem>> -> memref<48xi32, #tpu.memory_space<vmem>>
          %dma_start3A_1817 = arith.constant 0 : i32
          %dma_start3A_1818 = arith.constant 0 : i32
          %dma_start3A_1819 = tpu.memref_slice %arg3[%dma_start3A_1817, %dma_start3A_1818] : memref<1000x896xf32, #tpu.memory_space<hbm>> -> memref<1000x896xf32, #tpu.memory_space<hbm>>
          tpu.enqueue_indirect_dma source(%dma_start3A_1819 : memref<1000x896xf32, #tpu.memory_space<hbm>>) target(%dma_start3A_1814 : memref<48x896xf32, #tpu.memory_space<vmem>>) offsets(%dma_start3A_1816 : memref<48xi32, #tpu.memory_space<vmem>>) semaphore(%arg14 : memref<!tpu.dma_semaphore, #tpu.memory_space<semaphore_mem>>)
          %dma_start3A_1820 = arith.constant 0 : i32
          %dma_start3A_1821 = tpu.memref_slice %arg12[%dma_start3A_1820] : memref<80xi32, #tpu.memory_space<vmem>> -> memref<48xi32, #tpu.memory_space<vmem>>
          %dma_start3A_1822 = arith.constant 0 : i32
          %dma_start3A_1823 = arith.constant 0 : i32
          %dma_start3A_1824 = tpu.memref_slice %arg4[%dma_start3A_1822, %dma_start3A_1823] : memref<1000x128xf32, #tpu.memory_space<hbm>> -> memref<1000x128xf32, #tpu.memory_space<hbm>>
          tpu.enqueue_indirect_dma source(%dma_start3A_1824 : memref<1000x128xf32, #tpu.memory_space<hbm>>) target(%arg9 : memref<48x128xf32, #tpu.memory_space<vmem>>) offsets(%dma_start3A_1821 : memref<48xi32, #tpu.memory_space<vmem>>) semaphore(%arg15 : memref<!tpu.dma_semaphore, #tpu.memory_space<semaphore_mem>>)
          %dma_start3A_1825 = arith.constant 56 : i32
          %dma_start3A_1826 = tpu.memref_slice %arg12[%dma_start3A_1825] : memref<80xi32, #tpu.memory_space<vmem>> -> memref<16xi32, #tpu.memory_space<vmem>>
          %dma_start3A_1827 = arith.constant 0 : i32
          %dma_start3A_1828 = arith.constant 0 : i32
          %dma_start3A_1829 = tpu.memref_slice %arg5[%dma_start3A_1827, %dma_start3A_1828] : memref<8000x128xf32, #tpu.memory_space<hbm>> -> memref<8000x128xf32, #tpu.memory_space<hbm>>
          tpu.enqueue_indirect_dma source(%dma_start3A_1829 : memref<8000x128xf32, #tpu.memory_space<hbm>>) target(%arg10 : memref<16x128xf32, #tpu.memory_space<vmem>>) offsets(%dma_start3A_1826 : memref<16xi32, #tpu.memory_space<vmem>>) semaphore(%arg16 : memref<!tpu.dma_semaphore, #tpu.memory_space<semaphore_mem>>)
        } else {
        }
        %add3A_1787 = arith.addi %mul3A_2, %scan3A_44 : i32
        %dma_start3A_1788 = arith.constant 0 : i32
        %dma_start3A_1789 = arith.constant 0 : i32
        %dma_start3A_1790 = tpu.memref_slice %arg6[%add3A_1787, %dma_start3A_1788, %dma_start3A_1789] : memref<1024x50x1000xf32, #tpu.memory_space<hbm>> -> memref<1x50x1000xf32, #tpu.memory_space<hbm>>
        %dma_start3A_1791 = tpu.memref_squeeze %dma_start3A_1790 : memref<1x50x1000xf32, #tpu.memory_space<hbm>> -> memref<50x1000xf32, #tpu.memory_space<hbm>>
        %dma_start3A_1792 = arith.constant 0 : i32
        %dma_start3A_1793 = arith.constant 0 : i32
        %dma_start3A_1794 = tpu.memref_slice %arg6[%add3A_1787, %dma_start3A_1792, %dma_start3A_1793] : memref<1024x50x1000xf32, #tpu.memory_space<hbm>> -> memref<1x50x1000xf32, #tpu.memory_space<hbm>>
        %dma_start3A_1795 = tpu.memref_squeeze %dma_start3A_1794 : memref<1x50x1000xf32, #tpu.memory_space<hbm>> -> memref<50x1000xf32, #tpu.memory_space<hbm>>
        tpu.enqueue_dma source(%arg7 : memref<50x1000xf32, #tpu.memory_space<vmem>>) target(%dma_start3A_1795 : memref<50x1000xf32, #tpu.memory_space<hbm>>) target_semaphore(%arg17 : memref<!tpu.dma_semaphore, #tpu.memory_space<semaphore_mem>>)
        %add3A_1796 = arith.constant 2 : i32
        %add3A_1797 = arith.addi %scan3A_44, %add3A_1796 : i32
        %lt3A_1798 = arith.constant 32 : i32
        %lt3A_1799 = arith.cmpi slt, %add3A_1797, %lt3A_1798 : i32
        %convert_element_type3A_1800 = arith.extui %lt3A_1799 : i1 to i32
        %cond3A_1801 = arith.constant 0 : i32
        %cond3A_1802 = arith.cmpi ne, %convert_element_type3A_1800, %cond3A_1801 : i32
        scf.if %cond3A_1802 {
          %add3A_1803 = arith.constant 2 : i32
          %add3A_1804 = arith.addi %scan3A_44, %add3A_1803 : i32
          %add3A_1805 = arith.addi %mul3A_2, %add3A_1804 : i32
          %mul3A_1806 = arith.constant 80 : i32
          %mul3A_1807 = arith.muli %add3A_1805, %mul3A_1806 : i32
          %dma_start3A_1808 = tpu.memref_slice %arg2[%mul3A_1807] : memref<81920xi32, #tpu.memory_space<hbm>> -> memref<80xi32, #tpu.memory_space<hbm>>
          %dma_start3A_1809 = tpu.memref_slice %arg2[%mul3A_1807] : memref<81920xi32, #tpu.memory_space<hbm>> -> memref<80xi32, #tpu.memory_space<hbm>>
          tpu.enqueue_dma source(%dma_start3A_1809 : memref<80xi32, #tpu.memory_space<hbm>>) target(%arg11 : memref<80xi32, #tpu.memory_space<vmem>>) target_semaphore(%arg19 : memref<!tpu.dma_semaphore, #tpu.memory_space<semaphore_mem>>)
        } else {
        }
      } else {
      }
      %eq3A_48 = arith.constant 1 : i32
      %eq3A_49 = arith.cmpi eq, %rem3A_45, %eq3A_48 : i32
      %convert_element_type3A_50 = arith.extui %eq3A_49 : i1 to i32
      %cond3A_51 = arith.constant 0 : i32
      %cond3A_52 = arith.cmpi ne, %convert_element_type3A_50, %cond3A_51 : i32
      scf.if %cond3A_52 {
        %gt3A = arith.constant 0 : i32
        %gt3A_53 = arith.cmpi sgt, %scan3A_44, %gt3A : i32
        %convert_element_type3A_54 = arith.extui %gt3A_53 : i1 to i32
        %cond3A_55 = arith.constant 0 : i32
        %cond3A_56 = arith.cmpi ne, %convert_element_type3A_54, %cond3A_55 : i32
        scf.if %cond3A_56 {
          %sub3A = arith.constant 1 : i32
          %sub3A_1803 = arith.subi %scan3A_44, %sub3A : i32
          %add3A_1804 = arith.addi %mul3A_2, %sub3A_1803 : i32
          %dma_wait3A_1805 = arith.constant 0 : i32
          %dma_wait3A_1806 = arith.constant 0 : i32
          %dma_wait3A_1807 = tpu.memref_slice %arg6[%add3A_1804, %dma_wait3A_1805, %dma_wait3A_1806] : memref<1024x50x1000xf32, #tpu.memory_space<hbm>> -> memref<1x50x1000xf32, #tpu.memory_space<hbm>>
          %dma_wait3A_1808 = tpu.memref_squeeze %dma_wait3A_1807 : memref<1x50x1000xf32, #tpu.memory_space<hbm>> -> memref<50x1000xf32, #tpu.memory_space<hbm>>
          %dma_wait3A_1809 = arith.constant 0 : i32
          %dma_wait3A_1810 = arith.constant 0 : i32
          %dma_wait3A_1811 = tpu.memref_slice %arg6[%add3A_1804, %dma_wait3A_1809, %dma_wait3A_1810] : memref<1024x50x1000xf32, #tpu.memory_space<hbm>> -> memref<1x50x1000xf32, #tpu.memory_space<hbm>>
          %dma_wait3A_1812 = tpu.memref_squeeze %dma_wait3A_1811 : memref<1x50x1000xf32, #tpu.memory_space<hbm>> -> memref<50x1000xf32, #tpu.memory_space<hbm>>
          tpu.wait_dma2 semaphore(%arg17 : memref<!tpu.dma_semaphore, #tpu.memory_space<semaphore_mem>>) src(%arg7 : memref<50x1000xf32, #tpu.memory_space<vmem>>) dst(%dma_wait3A_1812 : memref<50x1000xf32, #tpu.memory_space<hbm>>)
        } else {
        }
        %dma_wait3A_57 = arith.constant 0 : i32
        %dma_wait3A_58 = arith.constant 0 : i32
        %dma_wait3A_59 = tpu.memref_slice %arg8[%dma_wait3A_57, %dma_wait3A_58] : memref<50x1000xf32, #tpu.memory_space<vmem>> -> memref<48x896xf32, #tpu.memory_space<vmem>>
        %dma_wait3A_60 = arith.constant 0 : i32
        %dma_wait3A_61 = tpu.memref_slice %arg12[%dma_wait3A_60] : memref<80xi32, #tpu.memory_space<vmem>> -> memref<48xi32, #tpu.memory_space<vmem>>
        %dma_wait3A_62 = arith.constant 0 : i32
        %dma_wait3A_63 = arith.constant 0 : i32
        %dma_wait3A_64 = tpu.memref_slice %arg3[%dma_wait3A_62, %dma_wait3A_63] : memref<1000x896xf32, #tpu.memory_space<hbm>> -> memref<1000x896xf32, #tpu.memory_space<hbm>>
        tpu.wait_indirect_dma semaphore(%arg14 : memref<!tpu.dma_semaphore, #tpu.memory_space<semaphore_mem>>) src(%dma_wait3A_64 : memref<1000x896xf32, #tpu.memory_space<hbm>>) dst(%dma_wait3A_59 : memref<48x896xf32, #tpu.memory_space<vmem>>)
        %dma_wait3A_65 = arith.constant 0 : i32
        %dma_wait3A_66 = tpu.memref_slice %arg12[%dma_wait3A_65] : memref<80xi32, #tpu.memory_space<vmem>> -> memref<48xi32, #tpu.memory_space<vmem>>
        %dma_wait3A_67 = arith.constant 0 : i32
        %dma_wait3A_68 = arith.constant 0 : i32
        %dma_wait3A_69 = tpu.memref_slice %arg4[%dma_wait3A_67, %dma_wait3A_68] : memref<1000x128xf32, #tpu.memory_space<hbm>> -> memref<1000x128xf32, #tpu.memory_space<hbm>>
        tpu.wait_indirect_dma semaphore(%arg15 : memref<!tpu.dma_semaphore, #tpu.memory_space<semaphore_mem>>) src(%dma_wait3A_69 : memref<1000x128xf32, #tpu.memory_space<hbm>>) dst(%arg9 : memref<48x128xf32, #tpu.memory_space<vmem>>)
        %dma_wait3A_70 = arith.constant 56 : i32
        %dma_wait3A_71 = tpu.memref_slice %arg12[%dma_wait3A_70] : memref<80xi32, #tpu.memory_space<vmem>> -> memref<16xi32, #tpu.memory_space<vmem>>
        %dma_wait3A_72 = arith.constant 0 : i32
        %dma_wait3A_73 = arith.constant 0 : i32
        %dma_wait3A_74 = tpu.memref_slice %arg5[%dma_wait3A_72, %dma_wait3A_73] : memref<8000x128xf32, #tpu.memory_space<hbm>> -> memref<8000x128xf32, #tpu.memory_space<hbm>>
        tpu.wait_indirect_dma semaphore(%arg16 : memref<!tpu.dma_semaphore, #tpu.memory_space<semaphore_mem>>) src(%dma_wait3A_74 : memref<8000x128xf32, #tpu.memory_space<hbm>>) dst(%arg10 : memref<16x128xf32, #tpu.memory_space<vmem>>)
        %iota3A = tpu.iota {dimensions = array<i32: 0>} : vector<16xi32>
        %scan3A_75 = arith.constant 0 : i32
        %scan3A_76 = arith.constant 0 : i32
        %scan3A_77 = arith.constant 48 : i32
        %scan3A_78 = arith.addi %scan3A_76, %scan3A_77 : i32
        %scan3A_79 = arith.constant 1 : i32
        scf.for %scan3A_1803 = %scan3A_76 to %scan3A_78 step %scan3A_79  : i32 {
          %broadcast_in_dim3A_1804 = vector.broadcast %scan3A_1803 : i32 to vector<16xi32>
          %add3A_1805 = arith.constant 0 : i32
          %add3A_1806 = vector.broadcast %add3A_1805 : i32 to vector<16xi32>
          %add3A_1807 = arith.addi %add3A_1806, %iota3A : vector<16xi32>
          %lt3A_1808 = arith.constant 104 : i32
          %lt3A_1809 = vector.broadcast %lt3A_1808 : i32 to vector<16xi32>
          %lt3A_1810 = arith.cmpi slt, %add3A_1807, %lt3A_1809 : vector<16xi32>
          %add3A_1811 = arith.constant 0 : i32
          %add3A_1812 = vector.broadcast %add3A_1811 : i32 to vector<16xi32>
          %add3A_1813 = arith.addi %add3A_1812, %iota3A : vector<16xi32>
          %gather3A_1814 = tpu.vector_load_idx %arg9[%broadcast_in_dim3A_1804, %add3A_1813] masked %lt3A_1810 : memref<48x128xf32, #tpu.memory_space<vmem>>[vector<16xi32>, vector<16xi32>], vector<16xf32>, vector<16xi1>
          %add3A_1815 = arith.constant 896 : i32
          %add3A_1816 = vector.broadcast %add3A_1815 : i32 to vector<16xi32>
          %add3A_1817 = arith.addi %add3A_1816, %iota3A : vector<16xi32>
          tpu.vector_store_idx %arg8[%broadcast_in_dim3A_1804, %add3A_1817], %gather3A_1814 masked %lt3A_1810 : memref<50x1000xf32, #tpu.memory_space<vmem>>[vector<16xi32>, vector<16xi32>], vector<16xf32>, vector<16xi1>
          %add3A_1818 = arith.constant 16 : i32
          %add3A_1819 = vector.broadcast %add3A_1818 : i32 to vector<16xi32>
          %add3A_1820 = arith.addi %add3A_1819, %iota3A : vector<16xi32>
          %lt3A_1821 = arith.constant 104 : i32
          %lt3A_1822 = vector.broadcast %lt3A_1821 : i32 to vector<16xi32>
          %lt3A_1823 = arith.cmpi slt, %add3A_1820, %lt3A_1822 : vector<16xi32>
          %add3A_1824 = arith.constant 16 : i32
          %add3A_1825 = vector.broadcast %add3A_1824 : i32 to vector<16xi32>
          %add3A_1826 = arith.addi %add3A_1825, %iota3A : vector<16xi32>
          %gather3A_1827 = tpu.vector_load_idx %arg9[%broadcast_in_dim3A_1804, %add3A_1826] masked %lt3A_1823 : memref<48x128xf32, #tpu.memory_space<vmem>>[vector<16xi32>, vector<16xi32>], vector<16xf32>, vector<16xi1>
          %add3A_1828 = arith.constant 912 : i32
          %add3A_1829 = vector.broadcast %add3A_1828 : i32 to vector<16xi32>
          %add3A_1830 = arith.addi %add3A_1829, %iota3A : vector<16xi32>
          tpu.vector_store_idx %arg8[%broadcast_in_dim3A_1804, %add3A_1830], %gather3A_1827 masked %lt3A_1823 : memref<50x1000xf32, #tpu.memory_space<vmem>>[vector<16xi32>, vector<16xi32>], vector<16xf32>, vector<16xi1>
          %add3A_1831 = arith.constant 32 : i32
          %add3A_1832 = vector.broadcast %add3A_1831 : i32 to vector<16xi32>
          %add3A_1833 = arith.addi %add3A_1832, %iota3A : vector<16xi32>
          %lt3A_1834 = arith.constant 104 : i32
          %lt3A_1835 = vector.broadcast %lt3A_1834 : i32 to vector<16xi32>
          %lt3A_1836 = arith.cmpi slt, %add3A_1833, %lt3A_1835 : vector<16xi32>
          %add3A_1837 = arith.constant 32 : i32
          %add3A_1838 = vector.broadcast %add3A_1837 : i32 to vector<16xi32>
          %add3A_1839 = arith.addi %add3A_1838, %iota3A : vector<16xi32>
          %gather3A_1840 = tpu.vector_load_idx %arg9[%broadcast_in_dim3A_1804, %add3A_1839] masked %lt3A_1836 : memref<48x128xf32, #tpu.memory_space<vmem>>[vector<16xi32>, vector<16xi32>], vector<16xf32>, vector<16xi1>
          %add3A_1841 = arith.constant 928 : i32
          %add3A_1842 = vector.broadcast %add3A_1841 : i32 to vector<16xi32>
          %add3A_1843 = arith.addi %add3A_1842, %iota3A : vector<16xi32>
          tpu.vector_store_idx %arg8[%broadcast_in_dim3A_1804, %add3A_1843], %gather3A_1840 masked %lt3A_1836 : memref<50x1000xf32, #tpu.memory_space<vmem>>[vector<16xi32>, vector<16xi32>], vector<16xf32>, vector<16xi1>
          %add3A_1844 = arith.constant 48 : i32
          %add3A_1845 = vector.broadcast %add3A_1844 : i32 to vector<16xi32>
          %add3A_1846 = arith.addi %add3A_1845, %iota3A : vector<16xi32>
          %lt3A_1847 = arith.constant 104 : i32
          %lt3A_1848 = vector.broadcast %lt3A_1847 : i32 to vector<16xi32>
          %lt3A_1849 = arith.cmpi slt, %add3A_1846, %lt3A_1848 : vector<16xi32>
          %add3A_1850 = arith.constant 48 : i32
          %add3A_1851 = vector.broadcast %add3A_1850 : i32 to vector<16xi32>
          %add3A_1852 = arith.addi %add3A_1851, %iota3A : vector<16xi32>
          %gather3A_1853 = tpu.vector_load_idx %arg9[%broadcast_in_dim3A_1804, %add3A_1852] masked %lt3A_1849 : memref<48x128xf32, #tpu.memory_space<vmem>>[vector<16xi32>, vector<16xi32>], vector<16xf32>, vector<16xi1>
          %add3A_1854 = arith.constant 944 : i32
          %add3A_1855 = vector.broadcast %add3A_1854 : i32 to vector<16xi32>
          %add3A_1856 = arith.addi %add3A_1855, %iota3A : vector<16xi32>
          tpu.vector_store_idx %arg8[%broadcast_in_dim3A_1804, %add3A_1856], %gather3A_1853 masked %lt3A_1849 : memref<50x1000xf32, #tpu.memory_space<vmem>>[vector<16xi32>, vector<16xi32>], vector<16xf32>, vector<16xi1>
          %add3A_1857 = arith.constant 64 : i32
          %add3A_1858 = vector.broadcast %add3A_1857 : i32 to vector<16xi32>
          %add3A_1859 = arith.addi %add3A_1858, %iota3A : vector<16xi32>
          %lt3A_1860 = arith.constant 104 : i32
          %lt3A_1861 = vector.broadcast %lt3A_1860 : i32 to vector<16xi32>
          %lt3A_1862 = arith.cmpi slt, %add3A_1859, %lt3A_1861 : vector<16xi32>
          %add3A_1863 = arith.constant 64 : i32
          %add3A_1864 = vector.broadcast %add3A_1863 : i32 to vector<16xi32>
          %add3A_1865 = arith.addi %add3A_1864, %iota3A : vector<16xi32>
          %gather3A_1866 = tpu.vector_load_idx %arg9[%broadcast_in_dim3A_1804, %add3A_1865] masked %lt3A_1862 : memref<48x128xf32, #tpu.memory_space<vmem>>[vector<16xi32>, vector<16xi32>], vector<16xf32>, vector<16xi1>
          %add3A_1867 = arith.constant 960 : i32
          %add3A_1868 = vector.broadcast %add3A_1867 : i32 to vector<16xi32>
          %add3A_1869 = arith.addi %add3A_1868, %iota3A : vector<16xi32>
          tpu.vector_store_idx %arg8[%broadcast_in_dim3A_1804, %add3A_1869], %gather3A_1866 masked %lt3A_1862 : memref<50x1000xf32, #tpu.memory_space<vmem>>[vector<16xi32>, vector<16xi32>], vector<16xf32>, vector<16xi1>
          %add3A_1870 = arith.constant 80 : i32
          %add3A_1871 = vector.broadcast %add3A_1870 : i32 to vector<16xi32>
          %add3A_1872 = arith.addi %add3A_1871, %iota3A : vector<16xi32>
          %lt3A_1873 = arith.constant 104 : i32
          %lt3A_1874 = vector.broadcast %lt3A_1873 : i32 to vector<16xi32>
          %lt3A_1875 = arith.cmpi slt, %add3A_1872, %lt3A_1874 : vector<16xi32>
          %add3A_1876 = arith.constant 80 : i32
          %add3A_1877 = vector.broadcast %add3A_1876 : i32 to vector<16xi32>
          %add3A_1878 = arith.addi %add3A_1877, %iota3A : vector<16xi32>
          %gather3A_1879 = tpu.vector_load_idx %arg9[%broadcast_in_dim3A_1804, %add3A_1878] masked %lt3A_1875 : memref<48x128xf32, #tpu.memory_space<vmem>>[vector<16xi32>, vector<16xi32>], vector<16xf32>, vector<16xi1>
          %add3A_1880 = arith.constant 976 : i32
          %add3A_1881 = vector.broadcast %add3A_1880 : i32 to vector<16xi32>
          %add3A_1882 = arith.addi %add3A_1881, %iota3A : vector<16xi32>
          tpu.vector_store_idx %arg8[%broadcast_in_dim3A_1804, %add3A_1882], %gather3A_1879 masked %lt3A_1875 : memref<50x1000xf32, #tpu.memory_space<vmem>>[vector<16xi32>, vector<16xi32>], vector<16xf32>, vector<16xi1>
          %add3A_1883 = arith.constant 96 : i32
          %add3A_1884 = vector.broadcast %add3A_1883 : i32 to vector<16xi32>
          %add3A_1885 = arith.addi %add3A_1884, %iota3A : vector<16xi32>
          %lt3A_1886 = arith.constant 104 : i32
          %lt3A_1887 = vector.broadcast %lt3A_1886 : i32 to vector<16xi32>
          %lt3A_1888 = arith.cmpi slt, %add3A_1885, %lt3A_1887 : vector<16xi32>
          %add3A_1889 = arith.constant 96 : i32
          %add3A_1890 = vector.broadcast %add3A_1889 : i32 to vector<16xi32>
          %add3A_1891 = arith.addi %add3A_1890, %iota3A : vector<16xi32>
          %gather3A_1892 = tpu.vector_load_idx %arg9[%broadcast_in_dim3A_1804, %add3A_1891] masked %lt3A_1888 : memref<48x128xf32, #tpu.memory_space<vmem>>[vector<16xi32>, vector<16xi32>], vector<16xf32>, vector<16xi1>
          %add3A_1893 = arith.constant 992 : i32
          %add3A_1894 = vector.broadcast %add3A_1893 : i32 to vector<16xi32>
          %add3A_1895 = arith.addi %add3A_1894, %iota3A : vector<16xi32>
          tpu.vector_store_idx %arg8[%broadcast_in_dim3A_1804, %add3A_1895], %gather3A_1892 masked %lt3A_1888 : memref<50x1000xf32, #tpu.memory_space<vmem>>[vector<16xi32>, vector<16xi32>], vector<16xf32>, vector<16xi1>
        }
        %scan3A_80 = arith.constant 48 : i32
        %broadcast_in_dim3A = arith.constant 0 : i32
        %broadcast_in_dim3A_81 = vector.broadcast %broadcast_in_dim3A : i32 to vector<16xi32>
        %broadcast_in_dim3A_82 = arith.constant 48 : i32
        %broadcast_in_dim3A_83 = vector.broadcast %broadcast_in_dim3A_82 : i32 to vector<16xi32>
        %add3A_84 = arith.constant 0 : i32
        %add3A_85 = vector.broadcast %add3A_84 : i32 to vector<16xi32>
        %add3A_86 = arith.addi %add3A_85, %iota3A : vector<16xi32>
        %lt3A = arith.constant 1000 : i32
        %lt3A_87 = vector.broadcast %lt3A : i32 to vector<16xi32>
        %lt3A_88 = arith.cmpi slt, %add3A_86, %lt3A_87 : vector<16xi32>
        %add3A_89 = arith.constant 0 : i32
        %add3A_90 = vector.broadcast %add3A_89 : i32 to vector<16xi32>
        %add3A_91 = arith.addi %add3A_90, %iota3A : vector<16xi32>
        %gather3A = tpu.vector_load_idx %arg10[%broadcast_in_dim3A_81, %add3A_91] masked %lt3A_88 : memref<16x128xf32, #tpu.memory_space<vmem>>[vector<16xi32>, vector<16xi32>], vector<16xf32>, vector<16xi1>
        %add3A_92 = arith.constant 0 : i32
        %add3A_93 = vector.broadcast %add3A_92 : i32 to vector<16xi32>
        %add3A_94 = arith.addi %add3A_93, %iota3A : vector<16xi32>
        tpu.vector_store_idx %arg8[%broadcast_in_dim3A_83, %add3A_94], %gather3A masked %lt3A_88 : memref<50x1000xf32, #tpu.memory_space<vmem>>[vector<16xi32>, vector<16xi32>], vector<16xf32>, vector<16xi1>
        %add3A_95 = arith.constant 16 : i32
        %add3A_96 = vector.broadcast %add3A_95 : i32 to vector<16xi32>
        %add3A_97 = arith.addi %add3A_96, %iota3A : vector<16xi32>
        %lt3A_98 = arith.constant 1000 : i32
        %lt3A_99 = vector.broadcast %lt3A_98 : i32 to vector<16xi32>
        %lt3A_100 = arith.cmpi slt, %add3A_97, %lt3A_99 : vector<16xi32>
        %add3A_101 = arith.constant 16 : i32
        %add3A_102 = vector.broadcast %add3A_101 : i32 to vector<16xi32>
        %add3A_103 = arith.addi %add3A_102, %iota3A : vector<16xi32>
        %gather3A_104 = tpu.vector_load_idx %arg10[%broadcast_in_dim3A_81, %add3A_103] masked %lt3A_100 : memref<16x128xf32, #tpu.memory_space<vmem>>[vector<16xi32>, vector<16xi32>], vector<16xf32>, vector<16xi1>
        %add3A_105 = arith.constant 16 : i32
        %add3A_106 = vector.broadcast %add3A_105 : i32 to vector<16xi32>
        %add3A_107 = arith.addi %add3A_106, %iota3A : vector<16xi32>
        tpu.vector_store_idx %arg8[%broadcast_in_dim3A_83, %add3A_107], %gather3A_104 masked %lt3A_100 : memref<50x1000xf32, #tpu.memory_space<vmem>>[vector<16xi32>, vector<16xi32>], vector<16xf32>, vector<16xi1>
        %add3A_108 = arith.constant 32 : i32
        %add3A_109 = vector.broadcast %add3A_108 : i32 to vector<16xi32>
        %add3A_110 = arith.addi %add3A_109, %iota3A : vector<16xi32>
        %lt3A_111 = arith.constant 1000 : i32
        %lt3A_112 = vector.broadcast %lt3A_111 : i32 to vector<16xi32>
        %lt3A_113 = arith.cmpi slt, %add3A_110, %lt3A_112 : vector<16xi32>
        %add3A_114 = arith.constant 32 : i32
        %add3A_115 = vector.broadcast %add3A_114 : i32 to vector<16xi32>
        %add3A_116 = arith.addi %add3A_115, %iota3A : vector<16xi32>
        %gather3A_117 = tpu.vector_load_idx %arg10[%broadcast_in_dim3A_81, %add3A_116] masked %lt3A_113 : memref<16x128xf32, #tpu.memory_space<vmem>>[vector<16xi32>, vector<16xi32>], vector<16xf32>, vector<16xi1>
        %add3A_118 = arith.constant 32 : i32
        %add3A_119 = vector.broadcast %add3A_118 : i32 to vector<16xi32>
        %add3A_120 = arith.addi %add3A_119, %iota3A : vector<16xi32>
        tpu.vector_store_idx %arg8[%broadcast_in_dim3A_83, %add3A_120], %gather3A_117 masked %lt3A_113 : memref<50x1000xf32, #tpu.memory_space<vmem>>[vector<16xi32>, vector<16xi32>], vector<16xf32>, vector<16xi1>
        %add3A_121 = arith.constant 48 : i32
        %add3A_122 = vector.broadcast %add3A_121 : i32 to vector<16xi32>
        %add3A_123 = arith.addi %add3A_122, %iota3A : vector<16xi32>
        %lt3A_124 = arith.constant 1000 : i32
        %lt3A_125 = vector.broadcast %lt3A_124 : i32 to vector<16xi32>
        %lt3A_126 = arith.cmpi slt, %add3A_123, %lt3A_125 : vector<16xi32>
        %add3A_127 = arith.constant 48 : i32
        %add3A_128 = vector.broadcast %add3A_127 : i32 to vector<16xi32>
        %add3A_129 = arith.addi %add3A_128, %iota3A : vector<16xi32>
        %gather3A_130 = tpu.vector_load_idx %arg10[%broadcast_in_dim3A_81, %add3A_129] masked %lt3A_126 : memref<16x128xf32, #tpu.memory_space<vmem>>[vector<16xi32>, vector<16xi32>], vector<16xf32>, vector<16xi1>
        %add3A_131 = arith.constant 48 : i32
        %add3A_132 = vector.broadcast %add3A_131 : i32 to vector<16xi32>
        %add3A_133 = arith.addi %add3A_132, %iota3A : vector<16xi32>
        tpu.vector_store_idx %arg8[%broadcast_in_dim3A_83, %add3A_133], %gather3A_130 masked %lt3A_126 : memref<50x1000xf32, #tpu.memory_space<vmem>>[vector<16xi32>, vector<16xi32>], vector<16xf32>, vector<16xi1>
        %add3A_134 = arith.constant 64 : i32
        %add3A_135 = vector.broadcast %add3A_134 : i32 to vector<16xi32>
        %add3A_136 = arith.addi %add3A_135, %iota3A : vector<16xi32>
        %lt3A_137 = arith.constant 1000 : i32
        %lt3A_138 = vector.broadcast %lt3A_137 : i32 to vector<16xi32>
        %lt3A_139 = arith.cmpi slt, %add3A_136, %lt3A_138 : vector<16xi32>
        %add3A_140 = arith.constant 64 : i32
        %add3A_141 = vector.broadcast %add3A_140 : i32 to vector<16xi32>
        %add3A_142 = arith.addi %add3A_141, %iota3A : vector<16xi32>
        %gather3A_143 = tpu.vector_load_idx %arg10[%broadcast_in_dim3A_81, %add3A_142] masked %lt3A_139 : memref<16x128xf32, #tpu.memory_space<vmem>>[vector<16xi32>, vector<16xi32>], vector<16xf32>, vector<16xi1>
        %add3A_144 = arith.constant 64 : i32
        %add3A_145 = vector.broadcast %add3A_144 : i32 to vector<16xi32>
        %add3A_146 = arith.addi %add3A_145, %iota3A : vector<16xi32>
        tpu.vector_store_idx %arg8[%broadcast_in_dim3A_83, %add3A_146], %gather3A_143 masked %lt3A_139 : memref<50x1000xf32, #tpu.memory_space<vmem>>[vector<16xi32>, vector<16xi32>], vector<16xf32>, vector<16xi1>
        %add3A_147 = arith.constant 80 : i32
        %add3A_148 = vector.broadcast %add3A_147 : i32 to vector<16xi32>
        %add3A_149 = arith.addi %add3A_148, %iota3A : vector<16xi32>
        %lt3A_150 = arith.constant 1000 : i32
        %lt3A_151 = vector.broadcast %lt3A_150 : i32 to vector<16xi32>
        %lt3A_152 = arith.cmpi slt, %add3A_149, %lt3A_151 : vector<16xi32>
        %add3A_153 = arith.constant 80 : i32
        %add3A_154 = vector.broadcast %add3A_153 : i32 to vector<16xi32>
        %add3A_155 = arith.addi %add3A_154, %iota3A : vector<16xi32>
        %gather3A_156 = tpu.vector_load_idx %arg10[%broadcast_in_dim3A_81, %add3A_155] masked %lt3A_152 : memref<16x128xf32, #tpu.memory_space<vmem>>[vector<16xi32>, vector<16xi32>], vector<16xf32>, vector<16xi1>
        %add3A_157 = arith.constant 80 : i32
        %add3A_158 = vector.broadcast %add3A_157 : i32 to vector<16xi32>
        %add3A_159 = arith.addi %add3A_158, %iota3A : vector<16xi32>
        tpu.vector_store_idx %arg8[%broadcast_in_dim3A_83, %add3A_159], %gather3A_156 masked %lt3A_152 : memref<50x1000xf32, #tpu.memory_space<vmem>>[vector<16xi32>, vector<16xi32>], vector<16xf32>, vector<16xi1>
        %add3A_160 = arith.constant 96 : i32
        %add3A_161 = vector.broadcast %add3A_160 : i32 to vector<16xi32>
        %add3A_162 = arith.addi %add3A_161, %iota3A : vector<16xi32>
        %lt3A_163 = arith.constant 1000 : i32
        %lt3A_164 = vector.broadcast %lt3A_163 : i32 to vector<16xi32>
        %lt3A_165 = arith.cmpi slt, %add3A_162, %lt3A_164 : vector<16xi32>
        %add3A_166 = arith.constant 96 : i32
        %add3A_167 = vector.broadcast %add3A_166 : i32 to vector<16xi32>
        %add3A_168 = arith.addi %add3A_167, %iota3A : vector<16xi32>
        %gather3A_169 = tpu.vector_load_idx %arg10[%broadcast_in_dim3A_81, %add3A_168] masked %lt3A_165 : memref<16x128xf32, #tpu.memory_space<vmem>>[vector<16xi32>, vector<16xi32>], vector<16xf32>, vector<16xi1>
        %add3A_170 = arith.constant 96 : i32
        %add3A_171 = vector.broadcast %add3A_170 : i32 to vector<16xi32>
        %add3A_172 = arith.addi %add3A_171, %iota3A : vector<16xi32>
        tpu.vector_store_idx %arg8[%broadcast_in_dim3A_83, %add3A_172], %gather3A_169 masked %lt3A_165 : memref<50x1000xf32, #tpu.memory_space<vmem>>[vector<16xi32>, vector<16xi32>], vector<16xf32>, vector<16xi1>
        %add3A_173 = arith.constant 112 : i32
        %add3A_174 = vector.broadcast %add3A_173 : i32 to vector<16xi32>
        %add3A_175 = arith.addi %add3A_174, %iota3A : vector<16xi32>
        %lt3A_176 = arith.constant 1000 : i32
        %lt3A_177 = vector.broadcast %lt3A_176 : i32 to vector<16xi32>
        %lt3A_178 = arith.cmpi slt, %add3A_175, %lt3A_177 : vector<16xi32>
        %add3A_179 = arith.constant 112 : i32
        %add3A_180 = vector.broadcast %add3A_179 : i32 to vector<16xi32>
        %add3A_181 = arith.addi %add3A_180, %iota3A : vector<16xi32>
        %gather3A_182 = tpu.vector_load_idx %arg10[%broadcast_in_dim3A_81, %add3A_181] masked %lt3A_178 : memref<16x128xf32, #tpu.memory_space<vmem>>[vector<16xi32>, vector<16xi32>], vector<16xf32>, vector<16xi1>
        %add3A_183 = arith.constant 112 : i32
        %add3A_184 = vector.broadcast %add3A_183 : i32 to vector<16xi32>
        %add3A_185 = arith.addi %add3A_184, %iota3A : vector<16xi32>
        tpu.vector_store_idx %arg8[%broadcast_in_dim3A_83, %add3A_185], %gather3A_182 masked %lt3A_178 : memref<50x1000xf32, #tpu.memory_space<vmem>>[vector<16xi32>, vector<16xi32>], vector<16xf32>, vector<16xi1>
        %broadcast_in_dim3A_186 = arith.constant 1 : i32
        %broadcast_in_dim3A_187 = vector.broadcast %broadcast_in_dim3A_186 : i32 to vector<16xi32>
        %broadcast_in_dim3A_188 = arith.constant 48 : i32
        %broadcast_in_dim3A_189 = vector.broadcast %broadcast_in_dim3A_188 : i32 to vector<16xi32>
        %add3A_190 = arith.constant 128 : i32
        %add3A_191 = vector.broadcast %add3A_190 : i32 to vector<16xi32>
        %add3A_192 = arith.addi %add3A_191, %iota3A : vector<16xi32>
        %lt3A_193 = arith.constant 1000 : i32
        %lt3A_194 = vector.broadcast %lt3A_193 : i32 to vector<16xi32>
        %lt3A_195 = arith.cmpi slt, %add3A_192, %lt3A_194 : vector<16xi32>
        %add3A_196 = arith.constant 0 : i32
        %add3A_197 = vector.broadcast %add3A_196 : i32 to vector<16xi32>
        %add3A_198 = arith.addi %add3A_197, %iota3A : vector<16xi32>
        %gather3A_199 = tpu.vector_load_idx %arg10[%broadcast_in_dim3A_187, %add3A_198] masked %lt3A_195 : memref<16x128xf32, #tpu.memory_space<vmem>>[vector<16xi32>, vector<16xi32>], vector<16xf32>, vector<16xi1>
        %add3A_200 = arith.constant 128 : i32
        %add3A_201 = vector.broadcast %add3A_200 : i32 to vector<16xi32>
        %add3A_202 = arith.addi %add3A_201, %iota3A : vector<16xi32>
        tpu.vector_store_idx %arg8[%broadcast_in_dim3A_189, %add3A_202], %gather3A_199 masked %lt3A_195 : memref<50x1000xf32, #tpu.memory_space<vmem>>[vector<16xi32>, vector<16xi32>], vector<16xf32>, vector<16xi1>
        %add3A_203 = arith.constant 144 : i32
        %add3A_204 = vector.broadcast %add3A_203 : i32 to vector<16xi32>
        %add3A_205 = arith.addi %add3A_204, %iota3A : vector<16xi32>
        %lt3A_206 = arith.constant 1000 : i32
        %lt3A_207 = vector.broadcast %lt3A_206 : i32 to vector<16xi32>
        %lt3A_208 = arith.cmpi slt, %add3A_205, %lt3A_207 : vector<16xi32>
        %add3A_209 = arith.constant 16 : i32
        %add3A_210 = vector.broadcast %add3A_209 : i32 to vector<16xi32>
        %add3A_211 = arith.addi %add3A_210, %iota3A : vector<16xi32>
        %gather3A_212 = tpu.vector_load_idx %arg10[%broadcast_in_dim3A_187, %add3A_211] masked %lt3A_208 : memref<16x128xf32, #tpu.memory_space<vmem>>[vector<16xi32>, vector<16xi32>], vector<16xf32>, vector<16xi1>
        %add3A_213 = arith.constant 144 : i32
        %add3A_214 = vector.broadcast %add3A_213 : i32 to vector<16xi32>
        %add3A_215 = arith.addi %add3A_214, %iota3A : vector<16xi32>
        tpu.vector_store_idx %arg8[%broadcast_in_dim3A_189, %add3A_215], %gather3A_212 masked %lt3A_208 : memref<50x1000xf32, #tpu.memory_space<vmem>>[vector<16xi32>, vector<16xi32>], vector<16xf32>, vector<16xi1>
        %add3A_216 = arith.constant 160 : i32
        %add3A_217 = vector.broadcast %add3A_216 : i32 to vector<16xi32>
        %add3A_218 = arith.addi %add3A_217, %iota3A : vector<16xi32>
        %lt3A_219 = arith.constant 1000 : i32
        %lt3A_220 = vector.broadcast %lt3A_219 : i32 to vector<16xi32>
        %lt3A_221 = arith.cmpi slt, %add3A_218, %lt3A_220 : vector<16xi32>
        %add3A_222 = arith.constant 32 : i32
        %add3A_223 = vector.broadcast %add3A_222 : i32 to vector<16xi32>
        %add3A_224 = arith.addi %add3A_223, %iota3A : vector<16xi32>
        %gather3A_225 = tpu.vector_load_idx %arg10[%broadcast_in_dim3A_187, %add3A_224] masked %lt3A_221 : memref<16x128xf32, #tpu.memory_space<vmem>>[vector<16xi32>, vector<16xi32>], vector<16xf32>, vector<16xi1>
        %add3A_226 = arith.constant 160 : i32
        %add3A_227 = vector.broadcast %add3A_226 : i32 to vector<16xi32>
        %add3A_228 = arith.addi %add3A_227, %iota3A : vector<16xi32>
        tpu.vector_store_idx %arg8[%broadcast_in_dim3A_189, %add3A_228], %gather3A_225 masked %lt3A_221 : memref<50x1000xf32, #tpu.memory_space<vmem>>[vector<16xi32>, vector<16xi32>], vector<16xf32>, vector<16xi1>
        %add3A_229 = arith.constant 176 : i32
        %add3A_230 = vector.broadcast %add3A_229 : i32 to vector<16xi32>
        %add3A_231 = arith.addi %add3A_230, %iota3A : vector<16xi32>
        %lt3A_232 = arith.constant 1000 : i32
        %lt3A_233 = vector.broadcast %lt3A_232 : i32 to vector<16xi32>
        %lt3A_234 = arith.cmpi slt, %add3A_231, %lt3A_233 : vector<16xi32>
        %add3A_235 = arith.constant 48 : i32
        %add3A_236 = vector.broadcast %add3A_235 : i32 to vector<16xi32>
        %add3A_237 = arith.addi %add3A_236, %iota3A : vector<16xi32>
        %gather3A_238 = tpu.vector_load_idx %arg10[%broadcast_in_dim3A_187, %add3A_237] masked %lt3A_234 : memref<16x128xf32, #tpu.memory_space<vmem>>[vector<16xi32>, vector<16xi32>], vector<16xf32>, vector<16xi1>
        %add3A_239 = arith.constant 176 : i32
        %add3A_240 = vector.broadcast %add3A_239 : i32 to vector<16xi32>
        %add3A_241 = arith.addi %add3A_240, %iota3A : vector<16xi32>
        tpu.vector_store_idx %arg8[%broadcast_in_dim3A_189, %add3A_241], %gather3A_238 masked %lt3A_234 : memref<50x1000xf32, #tpu.memory_space<vmem>>[vector<16xi32>, vector<16xi32>], vector<16xf32>, vector<16xi1>
        %add3A_242 = arith.constant 192 : i32
        %add3A_243 = vector.broadcast %add3A_242 : i32 to vector<16xi32>
        %add3A_244 = arith.addi %add3A_243, %iota3A : vector<16xi32>
        %lt3A_245 = arith.constant 1000 : i32
        %lt3A_246 = vector.broadcast %lt3A_245 : i32 to vector<16xi32>
        %lt3A_247 = arith.cmpi slt, %add3A_244, %lt3A_246 : vector<16xi32>
        %add3A_248 = arith.constant 64 : i32
        %add3A_249 = vector.broadcast %add3A_248 : i32 to vector<16xi32>
        %add3A_250 = arith.addi %add3A_249, %iota3A : vector<16xi32>
        %gather3A_251 = tpu.vector_load_idx %arg10[%broadcast_in_dim3A_187, %add3A_250] masked %lt3A_247 : memref<16x128xf32, #tpu.memory_space<vmem>>[vector<16xi32>, vector<16xi32>], vector<16xf32>, vector<16xi1>
        %add3A_252 = arith.constant 192 : i32
        %add3A_253 = vector.broadcast %add3A_252 : i32 to vector<16xi32>
        %add3A_254 = arith.addi %add3A_253, %iota3A : vector<16xi32>
        tpu.vector_store_idx %arg8[%broadcast_in_dim3A_189, %add3A_254], %gather3A_251 masked %lt3A_247 : memref<50x1000xf32, #tpu.memory_space<vmem>>[vector<16xi32>, vector<16xi32>], vector<16xf32>, vector<16xi1>
        %add3A_255 = arith.constant 208 : i32
        %add3A_256 = vector.broadcast %add3A_255 : i32 to vector<16xi32>
        %add3A_257 = arith.addi %add3A_256, %iota3A : vector<16xi32>
        %lt3A_258 = arith.constant 1000 : i32
        %lt3A_259 = vector.broadcast %lt3A_258 : i32 to vector<16xi32>
        %lt3A_260 = arith.cmpi slt, %add3A_257, %lt3A_259 : vector<16xi32>
        %add3A_261 = arith.constant 80 : i32
        %add3A_262 = vector.broadcast %add3A_261 : i32 to vector<16xi32>
        %add3A_263 = arith.addi %add3A_262, %iota3A : vector<16xi32>
        %gather3A_264 = tpu.vector_load_idx %arg10[%broadcast_in_dim3A_187, %add3A_263] masked %lt3A_260 : memref<16x128xf32, #tpu.memory_space<vmem>>[vector<16xi32>, vector<16xi32>], vector<16xf32>, vector<16xi1>
        %add3A_265 = arith.constant 208 : i32
        %add3A_266 = vector.broadcast %add3A_265 : i32 to vector<16xi32>
        %add3A_267 = arith.addi %add3A_266, %iota3A : vector<16xi32>
        tpu.vector_store_idx %arg8[%broadcast_in_dim3A_189, %add3A_267], %gather3A_264 masked %lt3A_260 : memref<50x1000xf32, #tpu.memory_space<vmem>>[vector<16xi32>, vector<16xi32>], vector<16xf32>, vector<16xi1>
        %add3A_268 = arith.constant 224 : i32
        %add3A_269 = vector.broadcast %add3A_268 : i32 to vector<16xi32>
        %add3A_270 = arith.addi %add3A_269, %iota3A : vector<16xi32>
        %lt3A_271 = arith.constant 1000 : i32
        %lt3A_272 = vector.broadcast %lt3A_271 : i32 to vector<16xi32>
        %lt3A_273 = arith.cmpi slt, %add3A_270, %lt3A_272 : vector<16xi32>
        %add3A_274 = arith.constant 96 : i32
        %add3A_275 = vector.broadcast %add3A_274 : i32 to vector<16xi32>
        %add3A_276 = arith.addi %add3A_275, %iota3A : vector<16xi32>
        %gather3A_277 = tpu.vector_load_idx %arg10[%broadcast_in_dim3A_187, %add3A_276] masked %lt3A_273 : memref<16x128xf32, #tpu.memory_space<vmem>>[vector<16xi32>, vector<16xi32>], vector<16xf32>, vector<16xi1>
        %add3A_278 = arith.constant 224 : i32
        %add3A_279 = vector.broadcast %add3A_278 : i32 to vector<16xi32>
        %add3A_280 = arith.addi %add3A_279, %iota3A : vector<16xi32>
        tpu.vector_store_idx %arg8[%broadcast_in_dim3A_189, %add3A_280], %gather3A_277 masked %lt3A_273 : memref<50x1000xf32, #tpu.memory_space<vmem>>[vector<16xi32>, vector<16xi32>], vector<16xf32>, vector<16xi1>
        %add3A_281 = arith.constant 240 : i32
        %add3A_282 = vector.broadcast %add3A_281 : i32 to vector<16xi32>
        %add3A_283 = arith.addi %add3A_282, %iota3A : vector<16xi32>
        %lt3A_284 = arith.constant 1000 : i32
        %lt3A_285 = vector.broadcast %lt3A_284 : i32 to vector<16xi32>
        %lt3A_286 = arith.cmpi slt, %add3A_283, %lt3A_285 : vector<16xi32>
        %add3A_287 = arith.constant 112 : i32
        %add3A_288 = vector.broadcast %add3A_287 : i32 to vector<16xi32>
        %add3A_289 = arith.addi %add3A_288, %iota3A : vector<16xi32>
        %gather3A_290 = tpu.vector_load_idx %arg10[%broadcast_in_dim3A_187, %add3A_289] masked %lt3A_286 : memref<16x128xf32, #tpu.memory_space<vmem>>[vector<16xi32>, vector<16xi32>], vector<16xf32>, vector<16xi1>
        %add3A_291 = arith.constant 240 : i32
        %add3A_292 = vector.broadcast %add3A_291 : i32 to vector<16xi32>
        %add3A_293 = arith.addi %add3A_292, %iota3A : vector<16xi32>
        tpu.vector_store_idx %arg8[%broadcast_in_dim3A_189, %add3A_293], %gather3A_290 masked %lt3A_286 : memref<50x1000xf32, #tpu.memory_space<vmem>>[vector<16xi32>, vector<16xi32>], vector<16xf32>, vector<16xi1>
        %broadcast_in_dim3A_294 = arith.constant 2 : i32
        %broadcast_in_dim3A_295 = vector.broadcast %broadcast_in_dim3A_294 : i32 to vector<16xi32>
        %broadcast_in_dim3A_296 = arith.constant 48 : i32
        %broadcast_in_dim3A_297 = vector.broadcast %broadcast_in_dim3A_296 : i32 to vector<16xi32>
        %add3A_298 = arith.constant 256 : i32
        %add3A_299 = vector.broadcast %add3A_298 : i32 to vector<16xi32>
        %add3A_300 = arith.addi %add3A_299, %iota3A : vector<16xi32>
        %lt3A_301 = arith.constant 1000 : i32
        %lt3A_302 = vector.broadcast %lt3A_301 : i32 to vector<16xi32>
        %lt3A_303 = arith.cmpi slt, %add3A_300, %lt3A_302 : vector<16xi32>
        %add3A_304 = arith.constant 0 : i32
        %add3A_305 = vector.broadcast %add3A_304 : i32 to vector<16xi32>
        %add3A_306 = arith.addi %add3A_305, %iota3A : vector<16xi32>
        %gather3A_307 = tpu.vector_load_idx %arg10[%broadcast_in_dim3A_295, %add3A_306] masked %lt3A_303 : memref<16x128xf32, #tpu.memory_space<vmem>>[vector<16xi32>, vector<16xi32>], vector<16xf32>, vector<16xi1>
        %add3A_308 = arith.constant 256 : i32
        %add3A_309 = vector.broadcast %add3A_308 : i32 to vector<16xi32>
        %add3A_310 = arith.addi %add3A_309, %iota3A : vector<16xi32>
        tpu.vector_store_idx %arg8[%broadcast_in_dim3A_297, %add3A_310], %gather3A_307 masked %lt3A_303 : memref<50x1000xf32, #tpu.memory_space<vmem>>[vector<16xi32>, vector<16xi32>], vector<16xf32>, vector<16xi1>
        %add3A_311 = arith.constant 272 : i32
        %add3A_312 = vector.broadcast %add3A_311 : i32 to vector<16xi32>
        %add3A_313 = arith.addi %add3A_312, %iota3A : vector<16xi32>
        %lt3A_314 = arith.constant 1000 : i32
        %lt3A_315 = vector.broadcast %lt3A_314 : i32 to vector<16xi32>
        %lt3A_316 = arith.cmpi slt, %add3A_313, %lt3A_315 : vector<16xi32>
        %add3A_317 = arith.constant 16 : i32
        %add3A_318 = vector.broadcast %add3A_317 : i32 to vector<16xi32>
        %add3A_319 = arith.addi %add3A_318, %iota3A : vector<16xi32>
        %gather3A_320 = tpu.vector_load_idx %arg10[%broadcast_in_dim3A_295, %add3A_319] masked %lt3A_316 : memref<16x128xf32, #tpu.memory_space<vmem>>[vector<16xi32>, vector<16xi32>], vector<16xf32>, vector<16xi1>
        %add3A_321 = arith.constant 272 : i32
        %add3A_322 = vector.broadcast %add3A_321 : i32 to vector<16xi32>
        %add3A_323 = arith.addi %add3A_322, %iota3A : vector<16xi32>
        tpu.vector_store_idx %arg8[%broadcast_in_dim3A_297, %add3A_323], %gather3A_320 masked %lt3A_316 : memref<50x1000xf32, #tpu.memory_space<vmem>>[vector<16xi32>, vector<16xi32>], vector<16xf32>, vector<16xi1>
        %add3A_324 = arith.constant 288 : i32
        %add3A_325 = vector.broadcast %add3A_324 : i32 to vector<16xi32>
        %add3A_326 = arith.addi %add3A_325, %iota3A : vector<16xi32>
        %lt3A_327 = arith.constant 1000 : i32
        %lt3A_328 = vector.broadcast %lt3A_327 : i32 to vector<16xi32>
        %lt3A_329 = arith.cmpi slt, %add3A_326, %lt3A_328 : vector<16xi32>
        %add3A_330 = arith.constant 32 : i32
        %add3A_331 = vector.broadcast %add3A_330 : i32 to vector<16xi32>
        %add3A_332 = arith.addi %add3A_331, %iota3A : vector<16xi32>
        %gather3A_333 = tpu.vector_load_idx %arg10[%broadcast_in_dim3A_295, %add3A_332] masked %lt3A_329 : memref<16x128xf32, #tpu.memory_space<vmem>>[vector<16xi32>, vector<16xi32>], vector<16xf32>, vector<16xi1>
        %add3A_334 = arith.constant 288 : i32
        %add3A_335 = vector.broadcast %add3A_334 : i32 to vector<16xi32>
        %add3A_336 = arith.addi %add3A_335, %iota3A : vector<16xi32>
        tpu.vector_store_idx %arg8[%broadcast_in_dim3A_297, %add3A_336], %gather3A_333 masked %lt3A_329 : memref<50x1000xf32, #tpu.memory_space<vmem>>[vector<16xi32>, vector<16xi32>], vector<16xf32>, vector<16xi1>
        %add3A_337 = arith.constant 304 : i32
        %add3A_338 = vector.broadcast %add3A_337 : i32 to vector<16xi32>
        %add3A_339 = arith.addi %add3A_338, %iota3A : vector<16xi32>
        %lt3A_340 = arith.constant 1000 : i32
        %lt3A_341 = vector.broadcast %lt3A_340 : i32 to vector<16xi32>
        %lt3A_342 = arith.cmpi slt, %add3A_339, %lt3A_341 : vector<16xi32>
        %add3A_343 = arith.constant 48 : i32
        %add3A_344 = vector.broadcast %add3A_343 : i32 to vector<16xi32>
        %add3A_345 = arith.addi %add3A_344, %iota3A : vector<16xi32>
        %gather3A_346 = tpu.vector_load_idx %arg10[%broadcast_in_dim3A_295, %add3A_345] masked %lt3A_342 : memref<16x128xf32, #tpu.memory_space<vmem>>[vector<16xi32>, vector<16xi32>], vector<16xf32>, vector<16xi1>
        %add3A_347 = arith.constant 304 : i32
        %add3A_348 = vector.broadcast %add3A_347 : i32 to vector<16xi32>
        %add3A_349 = arith.addi %add3A_348, %iota3A : vector<16xi32>
        tpu.vector_store_idx %arg8[%broadcast_in_dim3A_297, %add3A_349], %gather3A_346 masked %lt3A_342 : memref<50x1000xf32, #tpu.memory_space<vmem>>[vector<16xi32>, vector<16xi32>], vector<16xf32>, vector<16xi1>
        %add3A_350 = arith.constant 320 : i32
        %add3A_351 = vector.broadcast %add3A_350 : i32 to vector<16xi32>
        %add3A_352 = arith.addi %add3A_351, %iota3A : vector<16xi32>
        %lt3A_353 = arith.constant 1000 : i32
        %lt3A_354 = vector.broadcast %lt3A_353 : i32 to vector<16xi32>
        %lt3A_355 = arith.cmpi slt, %add3A_352, %lt3A_354 : vector<16xi32>
        %add3A_356 = arith.constant 64 : i32
        %add3A_357 = vector.broadcast %add3A_356 : i32 to vector<16xi32>
        %add3A_358 = arith.addi %add3A_357, %iota3A : vector<16xi32>
        %gather3A_359 = tpu.vector_load_idx %arg10[%broadcast_in_dim3A_295, %add3A_358] masked %lt3A_355 : memref<16x128xf32, #tpu.memory_space<vmem>>[vector<16xi32>, vector<16xi32>], vector<16xf32>, vector<16xi1>
        %add3A_360 = arith.constant 320 : i32
        %add3A_361 = vector.broadcast %add3A_360 : i32 to vector<16xi32>
        %add3A_362 = arith.addi %add3A_361, %iota3A : vector<16xi32>
        tpu.vector_store_idx %arg8[%broadcast_in_dim3A_297, %add3A_362], %gather3A_359 masked %lt3A_355 : memref<50x1000xf32, #tpu.memory_space<vmem>>[vector<16xi32>, vector<16xi32>], vector<16xf32>, vector<16xi1>
        %add3A_363 = arith.constant 336 : i32
        %add3A_364 = vector.broadcast %add3A_363 : i32 to vector<16xi32>
        %add3A_365 = arith.addi %add3A_364, %iota3A : vector<16xi32>
        %lt3A_366 = arith.constant 1000 : i32
        %lt3A_367 = vector.broadcast %lt3A_366 : i32 to vector<16xi32>
        %lt3A_368 = arith.cmpi slt, %add3A_365, %lt3A_367 : vector<16xi32>
        %add3A_369 = arith.constant 80 : i32
        %add3A_370 = vector.broadcast %add3A_369 : i32 to vector<16xi32>
        %add3A_371 = arith.addi %add3A_370, %iota3A : vector<16xi32>
        %gather3A_372 = tpu.vector_load_idx %arg10[%broadcast_in_dim3A_295, %add3A_371] masked %lt3A_368 : memref<16x128xf32, #tpu.memory_space<vmem>>[vector<16xi32>, vector<16xi32>], vector<16xf32>, vector<16xi1>
        %add3A_373 = arith.constant 336 : i32
        %add3A_374 = vector.broadcast %add3A_373 : i32 to vector<16xi32>
        %add3A_375 = arith.addi %add3A_374, %iota3A : vector<16xi32>
        tpu.vector_store_idx %arg8[%broadcast_in_dim3A_297, %add3A_375], %gather3A_372 masked %lt3A_368 : memref<50x1000xf32, #tpu.memory_space<vmem>>[vector<16xi32>, vector<16xi32>], vector<16xf32>, vector<16xi1>
        %add3A_376 = arith.constant 352 : i32
        %add3A_377 = vector.broadcast %add3A_376 : i32 to vector<16xi32>
        %add3A_378 = arith.addi %add3A_377, %iota3A : vector<16xi32>
        %lt3A_379 = arith.constant 1000 : i32
        %lt3A_380 = vector.broadcast %lt3A_379 : i32 to vector<16xi32>
        %lt3A_381 = arith.cmpi slt, %add3A_378, %lt3A_380 : vector<16xi32>
        %add3A_382 = arith.constant 96 : i32
        %add3A_383 = vector.broadcast %add3A_382 : i32 to vector<16xi32>
        %add3A_384 = arith.addi %add3A_383, %iota3A : vector<16xi32>
        %gather3A_385 = tpu.vector_load_idx %arg10[%broadcast_in_dim3A_295, %add3A_384] masked %lt3A_381 : memref<16x128xf32, #tpu.memory_space<vmem>>[vector<16xi32>, vector<16xi32>], vector<16xf32>, vector<16xi1>
        %add3A_386 = arith.constant 352 : i32
        %add3A_387 = vector.broadcast %add3A_386 : i32 to vector<16xi32>
        %add3A_388 = arith.addi %add3A_387, %iota3A : vector<16xi32>
        tpu.vector_store_idx %arg8[%broadcast_in_dim3A_297, %add3A_388], %gather3A_385 masked %lt3A_381 : memref<50x1000xf32, #tpu.memory_space<vmem>>[vector<16xi32>, vector<16xi32>], vector<16xf32>, vector<16xi1>
        %add3A_389 = arith.constant 368 : i32
        %add3A_390 = vector.broadcast %add3A_389 : i32 to vector<16xi32>
        %add3A_391 = arith.addi %add3A_390, %iota3A : vector<16xi32>
        %lt3A_392 = arith.constant 1000 : i32
        %lt3A_393 = vector.broadcast %lt3A_392 : i32 to vector<16xi32>
        %lt3A_394 = arith.cmpi slt, %add3A_391, %lt3A_393 : vector<16xi32>
        %add3A_395 = arith.constant 112 : i32
        %add3A_396 = vector.broadcast %add3A_395 : i32 to vector<16xi32>
        %add3A_397 = arith.addi %add3A_396, %iota3A : vector<16xi32>
        %gather3A_398 = tpu.vector_load_idx %arg10[%broadcast_in_dim3A_295, %add3A_397] masked %lt3A_394 : memref<16x128xf32, #tpu.memory_space<vmem>>[vector<16xi32>, vector<16xi32>], vector<16xf32>, vector<16xi1>
        %add3A_399 = arith.constant 368 : i32
        %add3A_400 = vector.broadcast %add3A_399 : i32 to vector<16xi32>
        %add3A_401 = arith.addi %add3A_400, %iota3A : vector<16xi32>
        tpu.vector_store_idx %arg8[%broadcast_in_dim3A_297, %add3A_401], %gather3A_398 masked %lt3A_394 : memref<50x1000xf32, #tpu.memory_space<vmem>>[vector<16xi32>, vector<16xi32>], vector<16xf32>, vector<16xi1>
        %broadcast_in_dim3A_402 = arith.constant 3 : i32
        %broadcast_in_dim3A_403 = vector.broadcast %broadcast_in_dim3A_402 : i32 to vector<16xi32>
        %broadcast_in_dim3A_404 = arith.constant 48 : i32
        %broadcast_in_dim3A_405 = vector.broadcast %broadcast_in_dim3A_404 : i32 to vector<16xi32>
        %add3A_406 = arith.constant 384 : i32
        %add3A_407 = vector.broadcast %add3A_406 : i32 to vector<16xi32>
        %add3A_408 = arith.addi %add3A_407, %iota3A : vector<16xi32>
        %lt3A_409 = arith.constant 1000 : i32
        %lt3A_410 = vector.broadcast %lt3A_409 : i32 to vector<16xi32>
        %lt3A_411 = arith.cmpi slt, %add3A_408, %lt3A_410 : vector<16xi32>
        %add3A_412 = arith.constant 0 : i32
        %add3A_413 = vector.broadcast %add3A_412 : i32 to vector<16xi32>
        %add3A_414 = arith.addi %add3A_413, %iota3A : vector<16xi32>
        %gather3A_415 = tpu.vector_load_idx %arg10[%broadcast_in_dim3A_403, %add3A_414] masked %lt3A_411 : memref<16x128xf32, #tpu.memory_space<vmem>>[vector<16xi32>, vector<16xi32>], vector<16xf32>, vector<16xi1>
        %add3A_416 = arith.constant 384 : i32
        %add3A_417 = vector.broadcast %add3A_416 : i32 to vector<16xi32>
        %add3A_418 = arith.addi %add3A_417, %iota3A : vector<16xi32>
        tpu.vector_store_idx %arg8[%broadcast_in_dim3A_405, %add3A_418], %gather3A_415 masked %lt3A_411 : memref<50x1000xf32, #tpu.memory_space<vmem>>[vector<16xi32>, vector<16xi32>], vector<16xf32>, vector<16xi1>
        %add3A_419 = arith.constant 400 : i32
        %add3A_420 = vector.broadcast %add3A_419 : i32 to vector<16xi32>
        %add3A_421 = arith.addi %add3A_420, %iota3A : vector<16xi32>
        %lt3A_422 = arith.constant 1000 : i32
        %lt3A_423 = vector.broadcast %lt3A_422 : i32 to vector<16xi32>
        %lt3A_424 = arith.cmpi slt, %add3A_421, %lt3A_423 : vector<16xi32>
        %add3A_425 = arith.constant 16 : i32
        %add3A_426 = vector.broadcast %add3A_425 : i32 to vector<16xi32>
        %add3A_427 = arith.addi %add3A_426, %iota3A : vector<16xi32>
        %gather3A_428 = tpu.vector_load_idx %arg10[%broadcast_in_dim3A_403, %add3A_427] masked %lt3A_424 : memref<16x128xf32, #tpu.memory_space<vmem>>[vector<16xi32>, vector<16xi32>], vector<16xf32>, vector<16xi1>
        %add3A_429 = arith.constant 400 : i32
        %add3A_430 = vector.broadcast %add3A_429 : i32 to vector<16xi32>
        %add3A_431 = arith.addi %add3A_430, %iota3A : vector<16xi32>
        tpu.vector_store_idx %arg8[%broadcast_in_dim3A_405, %add3A_431], %gather3A_428 masked %lt3A_424 : memref<50x1000xf32, #tpu.memory_space<vmem>>[vector<16xi32>, vector<16xi32>], vector<16xf32>, vector<16xi1>
        %add3A_432 = arith.constant 416 : i32
        %add3A_433 = vector.broadcast %add3A_432 : i32 to vector<16xi32>
        %add3A_434 = arith.addi %add3A_433, %iota3A : vector<16xi32>
        %lt3A_435 = arith.constant 1000 : i32
        %lt3A_436 = vector.broadcast %lt3A_435 : i32 to vector<16xi32>
        %lt3A_437 = arith.cmpi slt, %add3A_434, %lt3A_436 : vector<16xi32>
        %add3A_438 = arith.constant 32 : i32
        %add3A_439 = vector.broadcast %add3A_438 : i32 to vector<16xi32>
        %add3A_440 = arith.addi %add3A_439, %iota3A : vector<16xi32>
        %gather3A_441 = tpu.vector_load_idx %arg10[%broadcast_in_dim3A_403, %add3A_440] masked %lt3A_437 : memref<16x128xf32, #tpu.memory_space<vmem>>[vector<16xi32>, vector<16xi32>], vector<16xf32>, vector<16xi1>
        %add3A_442 = arith.constant 416 : i32
        %add3A_443 = vector.broadcast %add3A_442 : i32 to vector<16xi32>
        %add3A_444 = arith.addi %add3A_443, %iota3A : vector<16xi32>
        tpu.vector_store_idx %arg8[%broadcast_in_dim3A_405, %add3A_444], %gather3A_441 masked %lt3A_437 : memref<50x1000xf32, #tpu.memory_space<vmem>>[vector<16xi32>, vector<16xi32>], vector<16xf32>, vector<16xi1>
        %add3A_445 = arith.constant 432 : i32
        %add3A_446 = vector.broadcast %add3A_445 : i32 to vector<16xi32>
        %add3A_447 = arith.addi %add3A_446, %iota3A : vector<16xi32>
        %lt3A_448 = arith.constant 1000 : i32
        %lt3A_449 = vector.broadcast %lt3A_448 : i32 to vector<16xi32>
        %lt3A_450 = arith.cmpi slt, %add3A_447, %lt3A_449 : vector<16xi32>
        %add3A_451 = arith.constant 48 : i32
        %add3A_452 = vector.broadcast %add3A_451 : i32 to vector<16xi32>
        %add3A_453 = arith.addi %add3A_452, %iota3A : vector<16xi32>
        %gather3A_454 = tpu.vector_load_idx %arg10[%broadcast_in_dim3A_403, %add3A_453] masked %lt3A_450 : memref<16x128xf32, #tpu.memory_space<vmem>>[vector<16xi32>, vector<16xi32>], vector<16xf32>, vector<16xi1>
        %add3A_455 = arith.constant 432 : i32
        %add3A_456 = vector.broadcast %add3A_455 : i32 to vector<16xi32>
        %add3A_457 = arith.addi %add3A_456, %iota3A : vector<16xi32>
        tpu.vector_store_idx %arg8[%broadcast_in_dim3A_405, %add3A_457], %gather3A_454 masked %lt3A_450 : memref<50x1000xf32, #tpu.memory_space<vmem>>[vector<16xi32>, vector<16xi32>], vector<16xf32>, vector<16xi1>
        %add3A_458 = arith.constant 448 : i32
        %add3A_459 = vector.broadcast %add3A_458 : i32 to vector<16xi32>
        %add3A_460 = arith.addi %add3A_459, %iota3A : vector<16xi32>
        %lt3A_461 = arith.constant 1000 : i32
        %lt3A_462 = vector.broadcast %lt3A_461 : i32 to vector<16xi32>
        %lt3A_463 = arith.cmpi slt, %add3A_460, %lt3A_462 : vector<16xi32>
        %add3A_464 = arith.constant 64 : i32
        %add3A_465 = vector.broadcast %add3A_464 : i32 to vector<16xi32>
        %add3A_466 = arith.addi %add3A_465, %iota3A : vector<16xi32>
        %gather3A_467 = tpu.vector_load_idx %arg10[%broadcast_in_dim3A_403, %add3A_466] masked %lt3A_463 : memref<16x128xf32, #tpu.memory_space<vmem>>[vector<16xi32>, vector<16xi32>], vector<16xf32>, vector<16xi1>
        %add3A_468 = arith.constant 448 : i32
        %add3A_469 = vector.broadcast %add3A_468 : i32 to vector<16xi32>
        %add3A_470 = arith.addi %add3A_469, %iota3A : vector<16xi32>
        tpu.vector_store_idx %arg8[%broadcast_in_dim3A_405, %add3A_470], %gather3A_467 masked %lt3A_463 : memref<50x1000xf32, #tpu.memory_space<vmem>>[vector<16xi32>, vector<16xi32>], vector<16xf32>, vector<16xi1>
        %add3A_471 = arith.constant 464 : i32
        %add3A_472 = vector.broadcast %add3A_471 : i32 to vector<16xi32>
        %add3A_473 = arith.addi %add3A_472, %iota3A : vector<16xi32>
        %lt3A_474 = arith.constant 1000 : i32
        %lt3A_475 = vector.broadcast %lt3A_474 : i32 to vector<16xi32>
        %lt3A_476 = arith.cmpi slt, %add3A_473, %lt3A_475 : vector<16xi32>
        %add3A_477 = arith.constant 80 : i32
        %add3A_478 = vector.broadcast %add3A_477 : i32 to vector<16xi32>
        %add3A_479 = arith.addi %add3A_478, %iota3A : vector<16xi32>
        %gather3A_480 = tpu.vector_load_idx %arg10[%broadcast_in_dim3A_403, %add3A_479] masked %lt3A_476 : memref<16x128xf32, #tpu.memory_space<vmem>>[vector<16xi32>, vector<16xi32>], vector<16xf32>, vector<16xi1>
        %add3A_481 = arith.constant 464 : i32
        %add3A_482 = vector.broadcast %add3A_481 : i32 to vector<16xi32>
        %add3A_483 = arith.addi %add3A_482, %iota3A : vector<16xi32>
        tpu.vector_store_idx %arg8[%broadcast_in_dim3A_405, %add3A_483], %gather3A_480 masked %lt3A_476 : memref<50x1000xf32, #tpu.memory_space<vmem>>[vector<16xi32>, vector<16xi32>], vector<16xf32>, vector<16xi1>
        %add3A_484 = arith.constant 480 : i32
        %add3A_485 = vector.broadcast %add3A_484 : i32 to vector<16xi32>
        %add3A_486 = arith.addi %add3A_485, %iota3A : vector<16xi32>
        %lt3A_487 = arith.constant 1000 : i32
        %lt3A_488 = vector.broadcast %lt3A_487 : i32 to vector<16xi32>
        %lt3A_489 = arith.cmpi slt, %add3A_486, %lt3A_488 : vector<16xi32>
        %add3A_490 = arith.constant 96 : i32
        %add3A_491 = vector.broadcast %add3A_490 : i32 to vector<16xi32>
        %add3A_492 = arith.addi %add3A_491, %iota3A : vector<16xi32>
        %gather3A_493 = tpu.vector_load_idx %arg10[%broadcast_in_dim3A_403, %add3A_492] masked %lt3A_489 : memref<16x128xf32, #tpu.memory_space<vmem>>[vector<16xi32>, vector<16xi32>], vector<16xf32>, vector<16xi1>
        %add3A_494 = arith.constant 480 : i32
        %add3A_495 = vector.broadcast %add3A_494 : i32 to vector<16xi32>
        %add3A_496 = arith.addi %add3A_495, %iota3A : vector<16xi32>
        tpu.vector_store_idx %arg8[%broadcast_in_dim3A_405, %add3A_496], %gather3A_493 masked %lt3A_489 : memref<50x1000xf32, #tpu.memory_space<vmem>>[vector<16xi32>, vector<16xi32>], vector<16xf32>, vector<16xi1>
        %add3A_497 = arith.constant 496 : i32
        %add3A_498 = vector.broadcast %add3A_497 : i32 to vector<16xi32>
        %add3A_499 = arith.addi %add3A_498, %iota3A : vector<16xi32>
        %lt3A_500 = arith.constant 1000 : i32
        %lt3A_501 = vector.broadcast %lt3A_500 : i32 to vector<16xi32>
        %lt3A_502 = arith.cmpi slt, %add3A_499, %lt3A_501 : vector<16xi32>
        %add3A_503 = arith.constant 112 : i32
        %add3A_504 = vector.broadcast %add3A_503 : i32 to vector<16xi32>
        %add3A_505 = arith.addi %add3A_504, %iota3A : vector<16xi32>
        %gather3A_506 = tpu.vector_load_idx %arg10[%broadcast_in_dim3A_403, %add3A_505] masked %lt3A_502 : memref<16x128xf32, #tpu.memory_space<vmem>>[vector<16xi32>, vector<16xi32>], vector<16xf32>, vector<16xi1>
        %add3A_507 = arith.constant 496 : i32
        %add3A_508 = vector.broadcast %add3A_507 : i32 to vector<16xi32>
        %add3A_509 = arith.addi %add3A_508, %iota3A : vector<16xi32>
        tpu.vector_store_idx %arg8[%broadcast_in_dim3A_405, %add3A_509], %gather3A_506 masked %lt3A_502 : memref<50x1000xf32, #tpu.memory_space<vmem>>[vector<16xi32>, vector<16xi32>], vector<16xf32>, vector<16xi1>
        %broadcast_in_dim3A_510 = arith.constant 4 : i32
        %broadcast_in_dim3A_511 = vector.broadcast %broadcast_in_dim3A_510 : i32 to vector<16xi32>
        %broadcast_in_dim3A_512 = arith.constant 48 : i32
        %broadcast_in_dim3A_513 = vector.broadcast %broadcast_in_dim3A_512 : i32 to vector<16xi32>
        %add3A_514 = arith.constant 512 : i32
        %add3A_515 = vector.broadcast %add3A_514 : i32 to vector<16xi32>
        %add3A_516 = arith.addi %add3A_515, %iota3A : vector<16xi32>
        %lt3A_517 = arith.constant 1000 : i32
        %lt3A_518 = vector.broadcast %lt3A_517 : i32 to vector<16xi32>
        %lt3A_519 = arith.cmpi slt, %add3A_516, %lt3A_518 : vector<16xi32>
        %add3A_520 = arith.constant 0 : i32
        %add3A_521 = vector.broadcast %add3A_520 : i32 to vector<16xi32>
        %add3A_522 = arith.addi %add3A_521, %iota3A : vector<16xi32>
        %gather3A_523 = tpu.vector_load_idx %arg10[%broadcast_in_dim3A_511, %add3A_522] masked %lt3A_519 : memref<16x128xf32, #tpu.memory_space<vmem>>[vector<16xi32>, vector<16xi32>], vector<16xf32>, vector<16xi1>
        %add3A_524 = arith.constant 512 : i32
        %add3A_525 = vector.broadcast %add3A_524 : i32 to vector<16xi32>
        %add3A_526 = arith.addi %add3A_525, %iota3A : vector<16xi32>
        tpu.vector_store_idx %arg8[%broadcast_in_dim3A_513, %add3A_526], %gather3A_523 masked %lt3A_519 : memref<50x1000xf32, #tpu.memory_space<vmem>>[vector<16xi32>, vector<16xi32>], vector<16xf32>, vector<16xi1>
        %add3A_527 = arith.constant 528 : i32
        %add3A_528 = vector.broadcast %add3A_527 : i32 to vector<16xi32>
        %add3A_529 = arith.addi %add3A_528, %iota3A : vector<16xi32>
        %lt3A_530 = arith.constant 1000 : i32
        %lt3A_531 = vector.broadcast %lt3A_530 : i32 to vector<16xi32>
        %lt3A_532 = arith.cmpi slt, %add3A_529, %lt3A_531 : vector<16xi32>
        %add3A_533 = arith.constant 16 : i32
        %add3A_534 = vector.broadcast %add3A_533 : i32 to vector<16xi32>
        %add3A_535 = arith.addi %add3A_534, %iota3A : vector<16xi32>
        %gather3A_536 = tpu.vector_load_idx %arg10[%broadcast_in_dim3A_511, %add3A_535] masked %lt3A_532 : memref<16x128xf32, #tpu.memory_space<vmem>>[vector<16xi32>, vector<16xi32>], vector<16xf32>, vector<16xi1>
        %add3A_537 = arith.constant 528 : i32
        %add3A_538 = vector.broadcast %add3A_537 : i32 to vector<16xi32>
        %add3A_539 = arith.addi %add3A_538, %iota3A : vector<16xi32>
        tpu.vector_store_idx %arg8[%broadcast_in_dim3A_513, %add3A_539], %gather3A_536 masked %lt3A_532 : memref<50x1000xf32, #tpu.memory_space<vmem>>[vector<16xi32>, vector<16xi32>], vector<16xf32>, vector<16xi1>
        %add3A_540 = arith.constant 544 : i32
        %add3A_541 = vector.broadcast %add3A_540 : i32 to vector<16xi32>
        %add3A_542 = arith.addi %add3A_541, %iota3A : vector<16xi32>
        %lt3A_543 = arith.constant 1000 : i32
        %lt3A_544 = vector.broadcast %lt3A_543 : i32 to vector<16xi32>
        %lt3A_545 = arith.cmpi slt, %add3A_542, %lt3A_544 : vector<16xi32>
        %add3A_546 = arith.constant 32 : i32
        %add3A_547 = vector.broadcast %add3A_546 : i32 to vector<16xi32>
        %add3A_548 = arith.addi %add3A_547, %iota3A : vector<16xi32>
        %gather3A_549 = tpu.vector_load_idx %arg10[%broadcast_in_dim3A_511, %add3A_548] masked %lt3A_545 : memref<16x128xf32, #tpu.memory_space<vmem>>[vector<16xi32>, vector<16xi32>], vector<16xf32>, vector<16xi1>
        %add3A_550 = arith.constant 544 : i32
        %add3A_551 = vector.broadcast %add3A_550 : i32 to vector<16xi32>
        %add3A_552 = arith.addi %add3A_551, %iota3A : vector<16xi32>
        tpu.vector_store_idx %arg8[%broadcast_in_dim3A_513, %add3A_552], %gather3A_549 masked %lt3A_545 : memref<50x1000xf32, #tpu.memory_space<vmem>>[vector<16xi32>, vector<16xi32>], vector<16xf32>, vector<16xi1>
        %add3A_553 = arith.constant 560 : i32
        %add3A_554 = vector.broadcast %add3A_553 : i32 to vector<16xi32>
        %add3A_555 = arith.addi %add3A_554, %iota3A : vector<16xi32>
        %lt3A_556 = arith.constant 1000 : i32
        %lt3A_557 = vector.broadcast %lt3A_556 : i32 to vector<16xi32>
        %lt3A_558 = arith.cmpi slt, %add3A_555, %lt3A_557 : vector<16xi32>
        %add3A_559 = arith.constant 48 : i32
        %add3A_560 = vector.broadcast %add3A_559 : i32 to vector<16xi32>
        %add3A_561 = arith.addi %add3A_560, %iota3A : vector<16xi32>
        %gather3A_562 = tpu.vector_load_idx %arg10[%broadcast_in_dim3A_511, %add3A_561] masked %lt3A_558 : memref<16x128xf32, #tpu.memory_space<vmem>>[vector<16xi32>, vector<16xi32>], vector<16xf32>, vector<16xi1>
        %add3A_563 = arith.constant 560 : i32
        %add3A_564 = vector.broadcast %add3A_563 : i32 to vector<16xi32>
        %add3A_565 = arith.addi %add3A_564, %iota3A : vector<16xi32>
        tpu.vector_store_idx %arg8[%broadcast_in_dim3A_513, %add3A_565], %gather3A_562 masked %lt3A_558 : memref<50x1000xf32, #tpu.memory_space<vmem>>[vector<16xi32>, vector<16xi32>], vector<16xf32>, vector<16xi1>
        %add3A_566 = arith.constant 576 : i32
        %add3A_567 = vector.broadcast %add3A_566 : i32 to vector<16xi32>
        %add3A_568 = arith.addi %add3A_567, %iota3A : vector<16xi32>
        %lt3A_569 = arith.constant 1000 : i32
        %lt3A_570 = vector.broadcast %lt3A_569 : i32 to vector<16xi32>
        %lt3A_571 = arith.cmpi slt, %add3A_568, %lt3A_570 : vector<16xi32>
        %add3A_572 = arith.constant 64 : i32
        %add3A_573 = vector.broadcast %add3A_572 : i32 to vector<16xi32>
        %add3A_574 = arith.addi %add3A_573, %iota3A : vector<16xi32>
        %gather3A_575 = tpu.vector_load_idx %arg10[%broadcast_in_dim3A_511, %add3A_574] masked %lt3A_571 : memref<16x128xf32, #tpu.memory_space<vmem>>[vector<16xi32>, vector<16xi32>], vector<16xf32>, vector<16xi1>
        %add3A_576 = arith.constant 576 : i32
        %add3A_577 = vector.broadcast %add3A_576 : i32 to vector<16xi32>
        %add3A_578 = arith.addi %add3A_577, %iota3A : vector<16xi32>
        tpu.vector_store_idx %arg8[%broadcast_in_dim3A_513, %add3A_578], %gather3A_575 masked %lt3A_571 : memref<50x1000xf32, #tpu.memory_space<vmem>>[vector<16xi32>, vector<16xi32>], vector<16xf32>, vector<16xi1>
        %add3A_579 = arith.constant 592 : i32
        %add3A_580 = vector.broadcast %add3A_579 : i32 to vector<16xi32>
        %add3A_581 = arith.addi %add3A_580, %iota3A : vector<16xi32>
        %lt3A_582 = arith.constant 1000 : i32
        %lt3A_583 = vector.broadcast %lt3A_582 : i32 to vector<16xi32>
        %lt3A_584 = arith.cmpi slt, %add3A_581, %lt3A_583 : vector<16xi32>
        %add3A_585 = arith.constant 80 : i32
        %add3A_586 = vector.broadcast %add3A_585 : i32 to vector<16xi32>
        %add3A_587 = arith.addi %add3A_586, %iota3A : vector<16xi32>
        %gather3A_588 = tpu.vector_load_idx %arg10[%broadcast_in_dim3A_511, %add3A_587] masked %lt3A_584 : memref<16x128xf32, #tpu.memory_space<vmem>>[vector<16xi32>, vector<16xi32>], vector<16xf32>, vector<16xi1>
        %add3A_589 = arith.constant 592 : i32
        %add3A_590 = vector.broadcast %add3A_589 : i32 to vector<16xi32>
        %add3A_591 = arith.addi %add3A_590, %iota3A : vector<16xi32>
        tpu.vector_store_idx %arg8[%broadcast_in_dim3A_513, %add3A_591], %gather3A_588 masked %lt3A_584 : memref<50x1000xf32, #tpu.memory_space<vmem>>[vector<16xi32>, vector<16xi32>], vector<16xf32>, vector<16xi1>
        %add3A_592 = arith.constant 608 : i32
        %add3A_593 = vector.broadcast %add3A_592 : i32 to vector<16xi32>
        %add3A_594 = arith.addi %add3A_593, %iota3A : vector<16xi32>
        %lt3A_595 = arith.constant 1000 : i32
        %lt3A_596 = vector.broadcast %lt3A_595 : i32 to vector<16xi32>
        %lt3A_597 = arith.cmpi slt, %add3A_594, %lt3A_596 : vector<16xi32>
        %add3A_598 = arith.constant 96 : i32
        %add3A_599 = vector.broadcast %add3A_598 : i32 to vector<16xi32>
        %add3A_600 = arith.addi %add3A_599, %iota3A : vector<16xi32>
        %gather3A_601 = tpu.vector_load_idx %arg10[%broadcast_in_dim3A_511, %add3A_600] masked %lt3A_597 : memref<16x128xf32, #tpu.memory_space<vmem>>[vector<16xi32>, vector<16xi32>], vector<16xf32>, vector<16xi1>
        %add3A_602 = arith.constant 608 : i32
        %add3A_603 = vector.broadcast %add3A_602 : i32 to vector<16xi32>
        %add3A_604 = arith.addi %add3A_603, %iota3A : vector<16xi32>
        tpu.vector_store_idx %arg8[%broadcast_in_dim3A_513, %add3A_604], %gather3A_601 masked %lt3A_597 : memref<50x1000xf32, #tpu.memory_space<vmem>>[vector<16xi32>, vector<16xi32>], vector<16xf32>, vector<16xi1>
        %add3A_605 = arith.constant 624 : i32
        %add3A_606 = vector.broadcast %add3A_605 : i32 to vector<16xi32>
        %add3A_607 = arith.addi %add3A_606, %iota3A : vector<16xi32>
        %lt3A_608 = arith.constant 1000 : i32
        %lt3A_609 = vector.broadcast %lt3A_608 : i32 to vector<16xi32>
        %lt3A_610 = arith.cmpi slt, %add3A_607, %lt3A_609 : vector<16xi32>
        %add3A_611 = arith.constant 112 : i32
        %add3A_612 = vector.broadcast %add3A_611 : i32 to vector<16xi32>
        %add3A_613 = arith.addi %add3A_612, %iota3A : vector<16xi32>
        %gather3A_614 = tpu.vector_load_idx %arg10[%broadcast_in_dim3A_511, %add3A_613] masked %lt3A_610 : memref<16x128xf32, #tpu.memory_space<vmem>>[vector<16xi32>, vector<16xi32>], vector<16xf32>, vector<16xi1>
        %add3A_615 = arith.constant 624 : i32
        %add3A_616 = vector.broadcast %add3A_615 : i32 to vector<16xi32>
        %add3A_617 = arith.addi %add3A_616, %iota3A : vector<16xi32>
        tpu.vector_store_idx %arg8[%broadcast_in_dim3A_513, %add3A_617], %gather3A_614 masked %lt3A_610 : memref<50x1000xf32, #tpu.memory_space<vmem>>[vector<16xi32>, vector<16xi32>], vector<16xf32>, vector<16xi1>
        %broadcast_in_dim3A_618 = arith.constant 5 : i32
        %broadcast_in_dim3A_619 = vector.broadcast %broadcast_in_dim3A_618 : i32 to vector<16xi32>
        %broadcast_in_dim3A_620 = arith.constant 48 : i32
        %broadcast_in_dim3A_621 = vector.broadcast %broadcast_in_dim3A_620 : i32 to vector<16xi32>
        %add3A_622 = arith.constant 640 : i32
        %add3A_623 = vector.broadcast %add3A_622 : i32 to vector<16xi32>
        %add3A_624 = arith.addi %add3A_623, %iota3A : vector<16xi32>
        %lt3A_625 = arith.constant 1000 : i32
        %lt3A_626 = vector.broadcast %lt3A_625 : i32 to vector<16xi32>
        %lt3A_627 = arith.cmpi slt, %add3A_624, %lt3A_626 : vector<16xi32>
        %add3A_628 = arith.constant 0 : i32
        %add3A_629 = vector.broadcast %add3A_628 : i32 to vector<16xi32>
        %add3A_630 = arith.addi %add3A_629, %iota3A : vector<16xi32>
        %gather3A_631 = tpu.vector_load_idx %arg10[%broadcast_in_dim3A_619, %add3A_630] masked %lt3A_627 : memref<16x128xf32, #tpu.memory_space<vmem>>[vector<16xi32>, vector<16xi32>], vector<16xf32>, vector<16xi1>
        %add3A_632 = arith.constant 640 : i32
        %add3A_633 = vector.broadcast %add3A_632 : i32 to vector<16xi32>
        %add3A_634 = arith.addi %add3A_633, %iota3A : vector<16xi32>
        tpu.vector_store_idx %arg8[%broadcast_in_dim3A_621, %add3A_634], %gather3A_631 masked %lt3A_627 : memref<50x1000xf32, #tpu.memory_space<vmem>>[vector<16xi32>, vector<16xi32>], vector<16xf32>, vector<16xi1>
        %add3A_635 = arith.constant 656 : i32
        %add3A_636 = vector.broadcast %add3A_635 : i32 to vector<16xi32>
        %add3A_637 = arith.addi %add3A_636, %iota3A : vector<16xi32>
        %lt3A_638 = arith.constant 1000 : i32
        %lt3A_639 = vector.broadcast %lt3A_638 : i32 to vector<16xi32>
        %lt3A_640 = arith.cmpi slt, %add3A_637, %lt3A_639 : vector<16xi32>
        %add3A_641 = arith.constant 16 : i32
        %add3A_642 = vector.broadcast %add3A_641 : i32 to vector<16xi32>
        %add3A_643 = arith.addi %add3A_642, %iota3A : vector<16xi32>
        %gather3A_644 = tpu.vector_load_idx %arg10[%broadcast_in_dim3A_619, %add3A_643] masked %lt3A_640 : memref<16x128xf32, #tpu.memory_space<vmem>>[vector<16xi32>, vector<16xi32>], vector<16xf32>, vector<16xi1>
        %add3A_645 = arith.constant 656 : i32
        %add3A_646 = vector.broadcast %add3A_645 : i32 to vector<16xi32>
        %add3A_647 = arith.addi %add3A_646, %iota3A : vector<16xi32>
        tpu.vector_store_idx %arg8[%broadcast_in_dim3A_621, %add3A_647], %gather3A_644 masked %lt3A_640 : memref<50x1000xf32, #tpu.memory_space<vmem>>[vector<16xi32>, vector<16xi32>], vector<16xf32>, vector<16xi1>
        %add3A_648 = arith.constant 672 : i32
        %add3A_649 = vector.broadcast %add3A_648 : i32 to vector<16xi32>
        %add3A_650 = arith.addi %add3A_649, %iota3A : vector<16xi32>
        %lt3A_651 = arith.constant 1000 : i32
        %lt3A_652 = vector.broadcast %lt3A_651 : i32 to vector<16xi32>
        %lt3A_653 = arith.cmpi slt, %add3A_650, %lt3A_652 : vector<16xi32>
        %add3A_654 = arith.constant 32 : i32
        %add3A_655 = vector.broadcast %add3A_654 : i32 to vector<16xi32>
        %add3A_656 = arith.addi %add3A_655, %iota3A : vector<16xi32>
        %gather3A_657 = tpu.vector_load_idx %arg10[%broadcast_in_dim3A_619, %add3A_656] masked %lt3A_653 : memref<16x128xf32, #tpu.memory_space<vmem>>[vector<16xi32>, vector<16xi32>], vector<16xf32>, vector<16xi1>
        %add3A_658 = arith.constant 672 : i32
        %add3A_659 = vector.broadcast %add3A_658 : i32 to vector<16xi32>
        %add3A_660 = arith.addi %add3A_659, %iota3A : vector<16xi32>
        tpu.vector_store_idx %arg8[%broadcast_in_dim3A_621, %add3A_660], %gather3A_657 masked %lt3A_653 : memref<50x1000xf32, #tpu.memory_space<vmem>>[vector<16xi32>, vector<16xi32>], vector<16xf32>, vector<16xi1>
        %add3A_661 = arith.constant 688 : i32
        %add3A_662 = vector.broadcast %add3A_661 : i32 to vector<16xi32>
        %add3A_663 = arith.addi %add3A_662, %iota3A : vector<16xi32>
        %lt3A_664 = arith.constant 1000 : i32
        %lt3A_665 = vector.broadcast %lt3A_664 : i32 to vector<16xi32>
        %lt3A_666 = arith.cmpi slt, %add3A_663, %lt3A_665 : vector<16xi32>
        %add3A_667 = arith.constant 48 : i32
        %add3A_668 = vector.broadcast %add3A_667 : i32 to vector<16xi32>
        %add3A_669 = arith.addi %add3A_668, %iota3A : vector<16xi32>
        %gather3A_670 = tpu.vector_load_idx %arg10[%broadcast_in_dim3A_619, %add3A_669] masked %lt3A_666 : memref<16x128xf32, #tpu.memory_space<vmem>>[vector<16xi32>, vector<16xi32>], vector<16xf32>, vector<16xi1>
        %add3A_671 = arith.constant 688 : i32
        %add3A_672 = vector.broadcast %add3A_671 : i32 to vector<16xi32>
        %add3A_673 = arith.addi %add3A_672, %iota3A : vector<16xi32>
        tpu.vector_store_idx %arg8[%broadcast_in_dim3A_621, %add3A_673], %gather3A_670 masked %lt3A_666 : memref<50x1000xf32, #tpu.memory_space<vmem>>[vector<16xi32>, vector<16xi32>], vector<16xf32>, vector<16xi1>
        %add3A_674 = arith.constant 704 : i32
        %add3A_675 = vector.broadcast %add3A_674 : i32 to vector<16xi32>
        %add3A_676 = arith.addi %add3A_675, %iota3A : vector<16xi32>
        %lt3A_677 = arith.constant 1000 : i32
        %lt3A_678 = vector.broadcast %lt3A_677 : i32 to vector<16xi32>
        %lt3A_679 = arith.cmpi slt, %add3A_676, %lt3A_678 : vector<16xi32>
        %add3A_680 = arith.constant 64 : i32
        %add3A_681 = vector.broadcast %add3A_680 : i32 to vector<16xi32>
        %add3A_682 = arith.addi %add3A_681, %iota3A : vector<16xi32>
        %gather3A_683 = tpu.vector_load_idx %arg10[%broadcast_in_dim3A_619, %add3A_682] masked %lt3A_679 : memref<16x128xf32, #tpu.memory_space<vmem>>[vector<16xi32>, vector<16xi32>], vector<16xf32>, vector<16xi1>
        %add3A_684 = arith.constant 704 : i32
        %add3A_685 = vector.broadcast %add3A_684 : i32 to vector<16xi32>
        %add3A_686 = arith.addi %add3A_685, %iota3A : vector<16xi32>
        tpu.vector_store_idx %arg8[%broadcast_in_dim3A_621, %add3A_686], %gather3A_683 masked %lt3A_679 : memref<50x1000xf32, #tpu.memory_space<vmem>>[vector<16xi32>, vector<16xi32>], vector<16xf32>, vector<16xi1>
        %add3A_687 = arith.constant 720 : i32
        %add3A_688 = vector.broadcast %add3A_687 : i32 to vector<16xi32>
        %add3A_689 = arith.addi %add3A_688, %iota3A : vector<16xi32>
        %lt3A_690 = arith.constant 1000 : i32
        %lt3A_691 = vector.broadcast %lt3A_690 : i32 to vector<16xi32>
        %lt3A_692 = arith.cmpi slt, %add3A_689, %lt3A_691 : vector<16xi32>
        %add3A_693 = arith.constant 80 : i32
        %add3A_694 = vector.broadcast %add3A_693 : i32 to vector<16xi32>
        %add3A_695 = arith.addi %add3A_694, %iota3A : vector<16xi32>
        %gather3A_696 = tpu.vector_load_idx %arg10[%broadcast_in_dim3A_619, %add3A_695] masked %lt3A_692 : memref<16x128xf32, #tpu.memory_space<vmem>>[vector<16xi32>, vector<16xi32>], vector<16xf32>, vector<16xi1>
        %add3A_697 = arith.constant 720 : i32
        %add3A_698 = vector.broadcast %add3A_697 : i32 to vector<16xi32>
        %add3A_699 = arith.addi %add3A_698, %iota3A : vector<16xi32>
        tpu.vector_store_idx %arg8[%broadcast_in_dim3A_621, %add3A_699], %gather3A_696 masked %lt3A_692 : memref<50x1000xf32, #tpu.memory_space<vmem>>[vector<16xi32>, vector<16xi32>], vector<16xf32>, vector<16xi1>
        %add3A_700 = arith.constant 736 : i32
        %add3A_701 = vector.broadcast %add3A_700 : i32 to vector<16xi32>
        %add3A_702 = arith.addi %add3A_701, %iota3A : vector<16xi32>
        %lt3A_703 = arith.constant 1000 : i32
        %lt3A_704 = vector.broadcast %lt3A_703 : i32 to vector<16xi32>
        %lt3A_705 = arith.cmpi slt, %add3A_702, %lt3A_704 : vector<16xi32>
        %add3A_706 = arith.constant 96 : i32
        %add3A_707 = vector.broadcast %add3A_706 : i32 to vector<16xi32>
        %add3A_708 = arith.addi %add3A_707, %iota3A : vector<16xi32>
        %gather3A_709 = tpu.vector_load_idx %arg10[%broadcast_in_dim3A_619, %add3A_708] masked %lt3A_705 : memref<16x128xf32, #tpu.memory_space<vmem>>[vector<16xi32>, vector<16xi32>], vector<16xf32>, vector<16xi1>
        %add3A_710 = arith.constant 736 : i32
        %add3A_711 = vector.broadcast %add3A_710 : i32 to vector<16xi32>
        %add3A_712 = arith.addi %add3A_711, %iota3A : vector<16xi32>
        tpu.vector_store_idx %arg8[%broadcast_in_dim3A_621, %add3A_712], %gather3A_709 masked %lt3A_705 : memref<50x1000xf32, #tpu.memory_space<vmem>>[vector<16xi32>, vector<16xi32>], vector<16xf32>, vector<16xi1>
        %add3A_713 = arith.constant 752 : i32
        %add3A_714 = vector.broadcast %add3A_713 : i32 to vector<16xi32>
        %add3A_715 = arith.addi %add3A_714, %iota3A : vector<16xi32>
        %lt3A_716 = arith.constant 1000 : i32
        %lt3A_717 = vector.broadcast %lt3A_716 : i32 to vector<16xi32>
        %lt3A_718 = arith.cmpi slt, %add3A_715, %lt3A_717 : vector<16xi32>
        %add3A_719 = arith.constant 112 : i32
        %add3A_720 = vector.broadcast %add3A_719 : i32 to vector<16xi32>
        %add3A_721 = arith.addi %add3A_720, %iota3A : vector<16xi32>
        %gather3A_722 = tpu.vector_load_idx %arg10[%broadcast_in_dim3A_619, %add3A_721] masked %lt3A_718 : memref<16x128xf32, #tpu.memory_space<vmem>>[vector<16xi32>, vector<16xi32>], vector<16xf32>, vector<16xi1>
        %add3A_723 = arith.constant 752 : i32
        %add3A_724 = vector.broadcast %add3A_723 : i32 to vector<16xi32>
        %add3A_725 = arith.addi %add3A_724, %iota3A : vector<16xi32>
        tpu.vector_store_idx %arg8[%broadcast_in_dim3A_621, %add3A_725], %gather3A_722 masked %lt3A_718 : memref<50x1000xf32, #tpu.memory_space<vmem>>[vector<16xi32>, vector<16xi32>], vector<16xf32>, vector<16xi1>
        %broadcast_in_dim3A_726 = arith.constant 6 : i32
        %broadcast_in_dim3A_727 = vector.broadcast %broadcast_in_dim3A_726 : i32 to vector<16xi32>
        %broadcast_in_dim3A_728 = arith.constant 48 : i32
        %broadcast_in_dim3A_729 = vector.broadcast %broadcast_in_dim3A_728 : i32 to vector<16xi32>
        %add3A_730 = arith.constant 768 : i32
        %add3A_731 = vector.broadcast %add3A_730 : i32 to vector<16xi32>
        %add3A_732 = arith.addi %add3A_731, %iota3A : vector<16xi32>
        %lt3A_733 = arith.constant 1000 : i32
        %lt3A_734 = vector.broadcast %lt3A_733 : i32 to vector<16xi32>
        %lt3A_735 = arith.cmpi slt, %add3A_732, %lt3A_734 : vector<16xi32>
        %add3A_736 = arith.constant 0 : i32
        %add3A_737 = vector.broadcast %add3A_736 : i32 to vector<16xi32>
        %add3A_738 = arith.addi %add3A_737, %iota3A : vector<16xi32>
        %gather3A_739 = tpu.vector_load_idx %arg10[%broadcast_in_dim3A_727, %add3A_738] masked %lt3A_735 : memref<16x128xf32, #tpu.memory_space<vmem>>[vector<16xi32>, vector<16xi32>], vector<16xf32>, vector<16xi1>
        %add3A_740 = arith.constant 768 : i32
        %add3A_741 = vector.broadcast %add3A_740 : i32 to vector<16xi32>
        %add3A_742 = arith.addi %add3A_741, %iota3A : vector<16xi32>
        tpu.vector_store_idx %arg8[%broadcast_in_dim3A_729, %add3A_742], %gather3A_739 masked %lt3A_735 : memref<50x1000xf32, #tpu.memory_space<vmem>>[vector<16xi32>, vector<16xi32>], vector<16xf32>, vector<16xi1>
        %add3A_743 = arith.constant 784 : i32
        %add3A_744 = vector.broadcast %add3A_743 : i32 to vector<16xi32>
        %add3A_745 = arith.addi %add3A_744, %iota3A : vector<16xi32>
        %lt3A_746 = arith.constant 1000 : i32
        %lt3A_747 = vector.broadcast %lt3A_746 : i32 to vector<16xi32>
        %lt3A_748 = arith.cmpi slt, %add3A_745, %lt3A_747 : vector<16xi32>
        %add3A_749 = arith.constant 16 : i32
        %add3A_750 = vector.broadcast %add3A_749 : i32 to vector<16xi32>
        %add3A_751 = arith.addi %add3A_750, %iota3A : vector<16xi32>
        %gather3A_752 = tpu.vector_load_idx %arg10[%broadcast_in_dim3A_727, %add3A_751] masked %lt3A_748 : memref<16x128xf32, #tpu.memory_space<vmem>>[vector<16xi32>, vector<16xi32>], vector<16xf32>, vector<16xi1>
        %add3A_753 = arith.constant 784 : i32
        %add3A_754 = vector.broadcast %add3A_753 : i32 to vector<16xi32>
        %add3A_755 = arith.addi %add3A_754, %iota3A : vector<16xi32>
        tpu.vector_store_idx %arg8[%broadcast_in_dim3A_729, %add3A_755], %gather3A_752 masked %lt3A_748 : memref<50x1000xf32, #tpu.memory_space<vmem>>[vector<16xi32>, vector<16xi32>], vector<16xf32>, vector<16xi1>
        %add3A_756 = arith.constant 800 : i32
        %add3A_757 = vector.broadcast %add3A_756 : i32 to vector<16xi32>
        %add3A_758 = arith.addi %add3A_757, %iota3A : vector<16xi32>
        %lt3A_759 = arith.constant 1000 : i32
        %lt3A_760 = vector.broadcast %lt3A_759 : i32 to vector<16xi32>
        %lt3A_761 = arith.cmpi slt, %add3A_758, %lt3A_760 : vector<16xi32>
        %add3A_762 = arith.constant 32 : i32
        %add3A_763 = vector.broadcast %add3A_762 : i32 to vector<16xi32>
        %add3A_764 = arith.addi %add3A_763, %iota3A : vector<16xi32>
        %gather3A_765 = tpu.vector_load_idx %arg10[%broadcast_in_dim3A_727, %add3A_764] masked %lt3A_761 : memref<16x128xf32, #tpu.memory_space<vmem>>[vector<16xi32>, vector<16xi32>], vector<16xf32>, vector<16xi1>
        %add3A_766 = arith.constant 800 : i32
        %add3A_767 = vector.broadcast %add3A_766 : i32 to vector<16xi32>
        %add3A_768 = arith.addi %add3A_767, %iota3A : vector<16xi32>
        tpu.vector_store_idx %arg8[%broadcast_in_dim3A_729, %add3A_768], %gather3A_765 masked %lt3A_761 : memref<50x1000xf32, #tpu.memory_space<vmem>>[vector<16xi32>, vector<16xi32>], vector<16xf32>, vector<16xi1>
        %add3A_769 = arith.constant 816 : i32
        %add3A_770 = vector.broadcast %add3A_769 : i32 to vector<16xi32>
        %add3A_771 = arith.addi %add3A_770, %iota3A : vector<16xi32>
        %lt3A_772 = arith.constant 1000 : i32
        %lt3A_773 = vector.broadcast %lt3A_772 : i32 to vector<16xi32>
        %lt3A_774 = arith.cmpi slt, %add3A_771, %lt3A_773 : vector<16xi32>
        %add3A_775 = arith.constant 48 : i32
        %add3A_776 = vector.broadcast %add3A_775 : i32 to vector<16xi32>
        %add3A_777 = arith.addi %add3A_776, %iota3A : vector<16xi32>
        %gather3A_778 = tpu.vector_load_idx %arg10[%broadcast_in_dim3A_727, %add3A_777] masked %lt3A_774 : memref<16x128xf32, #tpu.memory_space<vmem>>[vector<16xi32>, vector<16xi32>], vector<16xf32>, vector<16xi1>
        %add3A_779 = arith.constant 816 : i32
        %add3A_780 = vector.broadcast %add3A_779 : i32 to vector<16xi32>
        %add3A_781 = arith.addi %add3A_780, %iota3A : vector<16xi32>
        tpu.vector_store_idx %arg8[%broadcast_in_dim3A_729, %add3A_781], %gather3A_778 masked %lt3A_774 : memref<50x1000xf32, #tpu.memory_space<vmem>>[vector<16xi32>, vector<16xi32>], vector<16xf32>, vector<16xi1>
        %add3A_782 = arith.constant 832 : i32
        %add3A_783 = vector.broadcast %add3A_782 : i32 to vector<16xi32>
        %add3A_784 = arith.addi %add3A_783, %iota3A : vector<16xi32>
        %lt3A_785 = arith.constant 1000 : i32
        %lt3A_786 = vector.broadcast %lt3A_785 : i32 to vector<16xi32>
        %lt3A_787 = arith.cmpi slt, %add3A_784, %lt3A_786 : vector<16xi32>
        %add3A_788 = arith.constant 64 : i32
        %add3A_789 = vector.broadcast %add3A_788 : i32 to vector<16xi32>
        %add3A_790 = arith.addi %add3A_789, %iota3A : vector<16xi32>
        %gather3A_791 = tpu.vector_load_idx %arg10[%broadcast_in_dim3A_727, %add3A_790] masked %lt3A_787 : memref<16x128xf32, #tpu.memory_space<vmem>>[vector<16xi32>, vector<16xi32>], vector<16xf32>, vector<16xi1>
        %add3A_792 = arith.constant 832 : i32
        %add3A_793 = vector.broadcast %add3A_792 : i32 to vector<16xi32>
        %add3A_794 = arith.addi %add3A_793, %iota3A : vector<16xi32>
        tpu.vector_store_idx %arg8[%broadcast_in_dim3A_729, %add3A_794], %gather3A_791 masked %lt3A_787 : memref<50x1000xf32, #tpu.memory_space<vmem>>[vector<16xi32>, vector<16xi32>], vector<16xf32>, vector<16xi1>
        %add3A_795 = arith.constant 848 : i32
        %add3A_796 = vector.broadcast %add3A_795 : i32 to vector<16xi32>
        %add3A_797 = arith.addi %add3A_796, %iota3A : vector<16xi32>
        %lt3A_798 = arith.constant 1000 : i32
        %lt3A_799 = vector.broadcast %lt3A_798 : i32 to vector<16xi32>
        %lt3A_800 = arith.cmpi slt, %add3A_797, %lt3A_799 : vector<16xi32>
        %add3A_801 = arith.constant 80 : i32
        %add3A_802 = vector.broadcast %add3A_801 : i32 to vector<16xi32>
        %add3A_803 = arith.addi %add3A_802, %iota3A : vector<16xi32>
        %gather3A_804 = tpu.vector_load_idx %arg10[%broadcast_in_dim3A_727, %add3A_803] masked %lt3A_800 : memref<16x128xf32, #tpu.memory_space<vmem>>[vector<16xi32>, vector<16xi32>], vector<16xf32>, vector<16xi1>
        %add3A_805 = arith.constant 848 : i32
        %add3A_806 = vector.broadcast %add3A_805 : i32 to vector<16xi32>
        %add3A_807 = arith.addi %add3A_806, %iota3A : vector<16xi32>
        tpu.vector_store_idx %arg8[%broadcast_in_dim3A_729, %add3A_807], %gather3A_804 masked %lt3A_800 : memref<50x1000xf32, #tpu.memory_space<vmem>>[vector<16xi32>, vector<16xi32>], vector<16xf32>, vector<16xi1>
        %add3A_808 = arith.constant 864 : i32
        %add3A_809 = vector.broadcast %add3A_808 : i32 to vector<16xi32>
        %add3A_810 = arith.addi %add3A_809, %iota3A : vector<16xi32>
        %lt3A_811 = arith.constant 1000 : i32
        %lt3A_812 = vector.broadcast %lt3A_811 : i32 to vector<16xi32>
        %lt3A_813 = arith.cmpi slt, %add3A_810, %lt3A_812 : vector<16xi32>
        %add3A_814 = arith.constant 96 : i32
        %add3A_815 = vector.broadcast %add3A_814 : i32 to vector<16xi32>
        %add3A_816 = arith.addi %add3A_815, %iota3A : vector<16xi32>
        %gather3A_817 = tpu.vector_load_idx %arg10[%broadcast_in_dim3A_727, %add3A_816] masked %lt3A_813 : memref<16x128xf32, #tpu.memory_space<vmem>>[vector<16xi32>, vector<16xi32>], vector<16xf32>, vector<16xi1>
        %add3A_818 = arith.constant 864 : i32
        %add3A_819 = vector.broadcast %add3A_818 : i32 to vector<16xi32>
        %add3A_820 = arith.addi %add3A_819, %iota3A : vector<16xi32>
        tpu.vector_store_idx %arg8[%broadcast_in_dim3A_729, %add3A_820], %gather3A_817 masked %lt3A_813 : memref<50x1000xf32, #tpu.memory_space<vmem>>[vector<16xi32>, vector<16xi32>], vector<16xf32>, vector<16xi1>
        %add3A_821 = arith.constant 880 : i32
        %add3A_822 = vector.broadcast %add3A_821 : i32 to vector<16xi32>
        %add3A_823 = arith.addi %add3A_822, %iota3A : vector<16xi32>
        %lt3A_824 = arith.constant 1000 : i32
        %lt3A_825 = vector.broadcast %lt3A_824 : i32 to vector<16xi32>
        %lt3A_826 = arith.cmpi slt, %add3A_823, %lt3A_825 : vector<16xi32>
        %add3A_827 = arith.constant 112 : i32
        %add3A_828 = vector.broadcast %add3A_827 : i32 to vector<16xi32>
        %add3A_829 = arith.addi %add3A_828, %iota3A : vector<16xi32>
        %gather3A_830 = tpu.vector_load_idx %arg10[%broadcast_in_dim3A_727, %add3A_829] masked %lt3A_826 : memref<16x128xf32, #tpu.memory_space<vmem>>[vector<16xi32>, vector<16xi32>], vector<16xf32>, vector<16xi1>
        %add3A_831 = arith.constant 880 : i32
        %add3A_832 = vector.broadcast %add3A_831 : i32 to vector<16xi32>
        %add3A_833 = arith.addi %add3A_832, %iota3A : vector<16xi32>
        tpu.vector_store_idx %arg8[%broadcast_in_dim3A_729, %add3A_833], %gather3A_830 masked %lt3A_826 : memref<50x1000xf32, #tpu.memory_space<vmem>>[vector<16xi32>, vector<16xi32>], vector<16xf32>, vector<16xi1>
        %broadcast_in_dim3A_834 = arith.constant 7 : i32
        %broadcast_in_dim3A_835 = vector.broadcast %broadcast_in_dim3A_834 : i32 to vector<16xi32>
        %broadcast_in_dim3A_836 = arith.constant 48 : i32
        %broadcast_in_dim3A_837 = vector.broadcast %broadcast_in_dim3A_836 : i32 to vector<16xi32>
        %add3A_838 = arith.constant 896 : i32
        %add3A_839 = vector.broadcast %add3A_838 : i32 to vector<16xi32>
        %add3A_840 = arith.addi %add3A_839, %iota3A : vector<16xi32>
        %lt3A_841 = arith.constant 1000 : i32
        %lt3A_842 = vector.broadcast %lt3A_841 : i32 to vector<16xi32>
        %lt3A_843 = arith.cmpi slt, %add3A_840, %lt3A_842 : vector<16xi32>
        %add3A_844 = arith.constant 0 : i32
        %add3A_845 = vector.broadcast %add3A_844 : i32 to vector<16xi32>
        %add3A_846 = arith.addi %add3A_845, %iota3A : vector<16xi32>
        %gather3A_847 = tpu.vector_load_idx %arg10[%broadcast_in_dim3A_835, %add3A_846] masked %lt3A_843 : memref<16x128xf32, #tpu.memory_space<vmem>>[vector<16xi32>, vector<16xi32>], vector<16xf32>, vector<16xi1>
        %add3A_848 = arith.constant 896 : i32
        %add3A_849 = vector.broadcast %add3A_848 : i32 to vector<16xi32>
        %add3A_850 = arith.addi %add3A_849, %iota3A : vector<16xi32>
        tpu.vector_store_idx %arg8[%broadcast_in_dim3A_837, %add3A_850], %gather3A_847 masked %lt3A_843 : memref<50x1000xf32, #tpu.memory_space<vmem>>[vector<16xi32>, vector<16xi32>], vector<16xf32>, vector<16xi1>
        %add3A_851 = arith.constant 912 : i32
        %add3A_852 = vector.broadcast %add3A_851 : i32 to vector<16xi32>
        %add3A_853 = arith.addi %add3A_852, %iota3A : vector<16xi32>
        %lt3A_854 = arith.constant 1000 : i32
        %lt3A_855 = vector.broadcast %lt3A_854 : i32 to vector<16xi32>
        %lt3A_856 = arith.cmpi slt, %add3A_853, %lt3A_855 : vector<16xi32>
        %add3A_857 = arith.constant 16 : i32
        %add3A_858 = vector.broadcast %add3A_857 : i32 to vector<16xi32>
        %add3A_859 = arith.addi %add3A_858, %iota3A : vector<16xi32>
        %gather3A_860 = tpu.vector_load_idx %arg10[%broadcast_in_dim3A_835, %add3A_859] masked %lt3A_856 : memref<16x128xf32, #tpu.memory_space<vmem>>[vector<16xi32>, vector<16xi32>], vector<16xf32>, vector<16xi1>
        %add3A_861 = arith.constant 912 : i32
        %add3A_862 = vector.broadcast %add3A_861 : i32 to vector<16xi32>
        %add3A_863 = arith.addi %add3A_862, %iota3A : vector<16xi32>
        tpu.vector_store_idx %arg8[%broadcast_in_dim3A_837, %add3A_863], %gather3A_860 masked %lt3A_856 : memref<50x1000xf32, #tpu.memory_space<vmem>>[vector<16xi32>, vector<16xi32>], vector<16xf32>, vector<16xi1>
        %add3A_864 = arith.constant 928 : i32
        %add3A_865 = vector.broadcast %add3A_864 : i32 to vector<16xi32>
        %add3A_866 = arith.addi %add3A_865, %iota3A : vector<16xi32>
        %lt3A_867 = arith.constant 1000 : i32
        %lt3A_868 = vector.broadcast %lt3A_867 : i32 to vector<16xi32>
        %lt3A_869 = arith.cmpi slt, %add3A_866, %lt3A_868 : vector<16xi32>
        %add3A_870 = arith.constant 32 : i32
        %add3A_871 = vector.broadcast %add3A_870 : i32 to vector<16xi32>
        %add3A_872 = arith.addi %add3A_871, %iota3A : vector<16xi32>
        %gather3A_873 = tpu.vector_load_idx %arg10[%broadcast_in_dim3A_835, %add3A_872] masked %lt3A_869 : memref<16x128xf32, #tpu.memory_space<vmem>>[vector<16xi32>, vector<16xi32>], vector<16xf32>, vector<16xi1>
        %add3A_874 = arith.constant 928 : i32
        %add3A_875 = vector.broadcast %add3A_874 : i32 to vector<16xi32>
        %add3A_876 = arith.addi %add3A_875, %iota3A : vector<16xi32>
        tpu.vector_store_idx %arg8[%broadcast_in_dim3A_837, %add3A_876], %gather3A_873 masked %lt3A_869 : memref<50x1000xf32, #tpu.memory_space<vmem>>[vector<16xi32>, vector<16xi32>], vector<16xf32>, vector<16xi1>
        %add3A_877 = arith.constant 944 : i32
        %add3A_878 = vector.broadcast %add3A_877 : i32 to vector<16xi32>
        %add3A_879 = arith.addi %add3A_878, %iota3A : vector<16xi32>
        %lt3A_880 = arith.constant 1000 : i32
        %lt3A_881 = vector.broadcast %lt3A_880 : i32 to vector<16xi32>
        %lt3A_882 = arith.cmpi slt, %add3A_879, %lt3A_881 : vector<16xi32>
        %add3A_883 = arith.constant 48 : i32
        %add3A_884 = vector.broadcast %add3A_883 : i32 to vector<16xi32>
        %add3A_885 = arith.addi %add3A_884, %iota3A : vector<16xi32>
        %gather3A_886 = tpu.vector_load_idx %arg10[%broadcast_in_dim3A_835, %add3A_885] masked %lt3A_882 : memref<16x128xf32, #tpu.memory_space<vmem>>[vector<16xi32>, vector<16xi32>], vector<16xf32>, vector<16xi1>
        %add3A_887 = arith.constant 944 : i32
        %add3A_888 = vector.broadcast %add3A_887 : i32 to vector<16xi32>
        %add3A_889 = arith.addi %add3A_888, %iota3A : vector<16xi32>
        tpu.vector_store_idx %arg8[%broadcast_in_dim3A_837, %add3A_889], %gather3A_886 masked %lt3A_882 : memref<50x1000xf32, #tpu.memory_space<vmem>>[vector<16xi32>, vector<16xi32>], vector<16xf32>, vector<16xi1>
        %add3A_890 = arith.constant 960 : i32
        %add3A_891 = vector.broadcast %add3A_890 : i32 to vector<16xi32>
        %add3A_892 = arith.addi %add3A_891, %iota3A : vector<16xi32>
        %lt3A_893 = arith.constant 1000 : i32
        %lt3A_894 = vector.broadcast %lt3A_893 : i32 to vector<16xi32>
        %lt3A_895 = arith.cmpi slt, %add3A_892, %lt3A_894 : vector<16xi32>
        %add3A_896 = arith.constant 64 : i32
        %add3A_897 = vector.broadcast %add3A_896 : i32 to vector<16xi32>
        %add3A_898 = arith.addi %add3A_897, %iota3A : vector<16xi32>
        %gather3A_899 = tpu.vector_load_idx %arg10[%broadcast_in_dim3A_835, %add3A_898] masked %lt3A_895 : memref<16x128xf32, #tpu.memory_space<vmem>>[vector<16xi32>, vector<16xi32>], vector<16xf32>, vector<16xi1>
        %add3A_900 = arith.constant 960 : i32
        %add3A_901 = vector.broadcast %add3A_900 : i32 to vector<16xi32>
        %add3A_902 = arith.addi %add3A_901, %iota3A : vector<16xi32>
        tpu.vector_store_idx %arg8[%broadcast_in_dim3A_837, %add3A_902], %gather3A_899 masked %lt3A_895 : memref<50x1000xf32, #tpu.memory_space<vmem>>[vector<16xi32>, vector<16xi32>], vector<16xf32>, vector<16xi1>
        %add3A_903 = arith.constant 976 : i32
        %add3A_904 = vector.broadcast %add3A_903 : i32 to vector<16xi32>
        %add3A_905 = arith.addi %add3A_904, %iota3A : vector<16xi32>
        %lt3A_906 = arith.constant 1000 : i32
        %lt3A_907 = vector.broadcast %lt3A_906 : i32 to vector<16xi32>
        %lt3A_908 = arith.cmpi slt, %add3A_905, %lt3A_907 : vector<16xi32>
        %add3A_909 = arith.constant 80 : i32
        %add3A_910 = vector.broadcast %add3A_909 : i32 to vector<16xi32>
        %add3A_911 = arith.addi %add3A_910, %iota3A : vector<16xi32>
        %gather3A_912 = tpu.vector_load_idx %arg10[%broadcast_in_dim3A_835, %add3A_911] masked %lt3A_908 : memref<16x128xf32, #tpu.memory_space<vmem>>[vector<16xi32>, vector<16xi32>], vector<16xf32>, vector<16xi1>
        %add3A_913 = arith.constant 976 : i32
        %add3A_914 = vector.broadcast %add3A_913 : i32 to vector<16xi32>
        %add3A_915 = arith.addi %add3A_914, %iota3A : vector<16xi32>
        tpu.vector_store_idx %arg8[%broadcast_in_dim3A_837, %add3A_915], %gather3A_912 masked %lt3A_908 : memref<50x1000xf32, #tpu.memory_space<vmem>>[vector<16xi32>, vector<16xi32>], vector<16xf32>, vector<16xi1>
        %add3A_916 = arith.constant 992 : i32
        %add3A_917 = vector.broadcast %add3A_916 : i32 to vector<16xi32>
        %add3A_918 = arith.addi %add3A_917, %iota3A : vector<16xi32>
        %lt3A_919 = arith.constant 1000 : i32
        %lt3A_920 = vector.broadcast %lt3A_919 : i32 to vector<16xi32>
        %lt3A_921 = arith.cmpi slt, %add3A_918, %lt3A_920 : vector<16xi32>
        %add3A_922 = arith.constant 96 : i32
        %add3A_923 = vector.broadcast %add3A_922 : i32 to vector<16xi32>
        %add3A_924 = arith.addi %add3A_923, %iota3A : vector<16xi32>
        %gather3A_925 = tpu.vector_load_idx %arg10[%broadcast_in_dim3A_835, %add3A_924] masked %lt3A_921 : memref<16x128xf32, #tpu.memory_space<vmem>>[vector<16xi32>, vector<16xi32>], vector<16xf32>, vector<16xi1>
        %add3A_926 = arith.constant 992 : i32
        %add3A_927 = vector.broadcast %add3A_926 : i32 to vector<16xi32>
        %add3A_928 = arith.addi %add3A_927, %iota3A : vector<16xi32>
        tpu.vector_store_idx %arg8[%broadcast_in_dim3A_837, %add3A_928], %gather3A_925 masked %lt3A_921 : memref<50x1000xf32, #tpu.memory_space<vmem>>[vector<16xi32>, vector<16xi32>], vector<16xf32>, vector<16xi1>
        %broadcast_in_dim3A_929 = arith.constant 8 : i32
        %broadcast_in_dim3A_930 = vector.broadcast %broadcast_in_dim3A_929 : i32 to vector<16xi32>
        %broadcast_in_dim3A_931 = arith.constant 49 : i32
        %broadcast_in_dim3A_932 = vector.broadcast %broadcast_in_dim3A_931 : i32 to vector<16xi32>
        %add3A_933 = arith.constant 0 : i32
        %add3A_934 = vector.broadcast %add3A_933 : i32 to vector<16xi32>
        %add3A_935 = arith.addi %add3A_934, %iota3A : vector<16xi32>
        %lt3A_936 = arith.constant 1000 : i32
        %lt3A_937 = vector.broadcast %lt3A_936 : i32 to vector<16xi32>
        %lt3A_938 = arith.cmpi slt, %add3A_935, %lt3A_937 : vector<16xi32>
        %add3A_939 = arith.constant 0 : i32
        %add3A_940 = vector.broadcast %add3A_939 : i32 to vector<16xi32>
        %add3A_941 = arith.addi %add3A_940, %iota3A : vector<16xi32>
        %gather3A_942 = tpu.vector_load_idx %arg10[%broadcast_in_dim3A_930, %add3A_941] masked %lt3A_938 : memref<16x128xf32, #tpu.memory_space<vmem>>[vector<16xi32>, vector<16xi32>], vector<16xf32>, vector<16xi1>
        %add3A_943 = arith.constant 0 : i32
        %add3A_944 = vector.broadcast %add3A_943 : i32 to vector<16xi32>
        %add3A_945 = arith.addi %add3A_944, %iota3A : vector<16xi32>
        tpu.vector_store_idx %arg8[%broadcast_in_dim3A_932, %add3A_945], %gather3A_942 masked %lt3A_938 : memref<50x1000xf32, #tpu.memory_space<vmem>>[vector<16xi32>, vector<16xi32>], vector<16xf32>, vector<16xi1>
        %add3A_946 = arith.constant 16 : i32
        %add3A_947 = vector.broadcast %add3A_946 : i32 to vector<16xi32>
        %add3A_948 = arith.addi %add3A_947, %iota3A : vector<16xi32>
        %lt3A_949 = arith.constant 1000 : i32
        %lt3A_950 = vector.broadcast %lt3A_949 : i32 to vector<16xi32>
        %lt3A_951 = arith.cmpi slt, %add3A_948, %lt3A_950 : vector<16xi32>
        %add3A_952 = arith.constant 16 : i32
        %add3A_953 = vector.broadcast %add3A_952 : i32 to vector<16xi32>
        %add3A_954 = arith.addi %add3A_953, %iota3A : vector<16xi32>
        %gather3A_955 = tpu.vector_load_idx %arg10[%broadcast_in_dim3A_930, %add3A_954] masked %lt3A_951 : memref<16x128xf32, #tpu.memory_space<vmem>>[vector<16xi32>, vector<16xi32>], vector<16xf32>, vector<16xi1>
        %add3A_956 = arith.constant 16 : i32
        %add3A_957 = vector.broadcast %add3A_956 : i32 to vector<16xi32>
        %add3A_958 = arith.addi %add3A_957, %iota3A : vector<16xi32>
        tpu.vector_store_idx %arg8[%broadcast_in_dim3A_932, %add3A_958], %gather3A_955 masked %lt3A_951 : memref<50x1000xf32, #tpu.memory_space<vmem>>[vector<16xi32>, vector<16xi32>], vector<16xf32>, vector<16xi1>
        %add3A_959 = arith.constant 32 : i32
        %add3A_960 = vector.broadcast %add3A_959 : i32 to vector<16xi32>
        %add3A_961 = arith.addi %add3A_960, %iota3A : vector<16xi32>
        %lt3A_962 = arith.constant 1000 : i32
        %lt3A_963 = vector.broadcast %lt3A_962 : i32 to vector<16xi32>
        %lt3A_964 = arith.cmpi slt, %add3A_961, %lt3A_963 : vector<16xi32>
        %add3A_965 = arith.constant 32 : i32
        %add3A_966 = vector.broadcast %add3A_965 : i32 to vector<16xi32>
        %add3A_967 = arith.addi %add3A_966, %iota3A : vector<16xi32>
        %gather3A_968 = tpu.vector_load_idx %arg10[%broadcast_in_dim3A_930, %add3A_967] masked %lt3A_964 : memref<16x128xf32, #tpu.memory_space<vmem>>[vector<16xi32>, vector<16xi32>], vector<16xf32>, vector<16xi1>
        %add3A_969 = arith.constant 32 : i32
        %add3A_970 = vector.broadcast %add3A_969 : i32 to vector<16xi32>
        %add3A_971 = arith.addi %add3A_970, %iota3A : vector<16xi32>
        tpu.vector_store_idx %arg8[%broadcast_in_dim3A_932, %add3A_971], %gather3A_968 masked %lt3A_964 : memref<50x1000xf32, #tpu.memory_space<vmem>>[vector<16xi32>, vector<16xi32>], vector<16xf32>, vector<16xi1>
        %add3A_972 = arith.constant 48 : i32
        %add3A_973 = vector.broadcast %add3A_972 : i32 to vector<16xi32>
        %add3A_974 = arith.addi %add3A_973, %iota3A : vector<16xi32>
        %lt3A_975 = arith.constant 1000 : i32
        %lt3A_976 = vector.broadcast %lt3A_975 : i32 to vector<16xi32>
        %lt3A_977 = arith.cmpi slt, %add3A_974, %lt3A_976 : vector<16xi32>
        %add3A_978 = arith.constant 48 : i32
        %add3A_979 = vector.broadcast %add3A_978 : i32 to vector<16xi32>
        %add3A_980 = arith.addi %add3A_979, %iota3A : vector<16xi32>
        %gather3A_981 = tpu.vector_load_idx %arg10[%broadcast_in_dim3A_930, %add3A_980] masked %lt3A_977 : memref<16x128xf32, #tpu.memory_space<vmem>>[vector<16xi32>, vector<16xi32>], vector<16xf32>, vector<16xi1>
        %add3A_982 = arith.constant 48 : i32
        %add3A_983 = vector.broadcast %add3A_982 : i32 to vector<16xi32>
        %add3A_984 = arith.addi %add3A_983, %iota3A : vector<16xi32>
        tpu.vector_store_idx %arg8[%broadcast_in_dim3A_932, %add3A_984], %gather3A_981 masked %lt3A_977 : memref<50x1000xf32, #tpu.memory_space<vmem>>[vector<16xi32>, vector<16xi32>], vector<16xf32>, vector<16xi1>
        %add3A_985 = arith.constant 64 : i32
        %add3A_986 = vector.broadcast %add3A_985 : i32 to vector<16xi32>
        %add3A_987 = arith.addi %add3A_986, %iota3A : vector<16xi32>
        %lt3A_988 = arith.constant 1000 : i32
        %lt3A_989 = vector.broadcast %lt3A_988 : i32 to vector<16xi32>
        %lt3A_990 = arith.cmpi slt, %add3A_987, %lt3A_989 : vector<16xi32>
        %add3A_991 = arith.constant 64 : i32
        %add3A_992 = vector.broadcast %add3A_991 : i32 to vector<16xi32>
        %add3A_993 = arith.addi %add3A_992, %iota3A : vector<16xi32>
        %gather3A_994 = tpu.vector_load_idx %arg10[%broadcast_in_dim3A_930, %add3A_993] masked %lt3A_990 : memref<16x128xf32, #tpu.memory_space<vmem>>[vector<16xi32>, vector<16xi32>], vector<16xf32>, vector<16xi1>
        %add3A_995 = arith.constant 64 : i32
        %add3A_996 = vector.broadcast %add3A_995 : i32 to vector<16xi32>
        %add3A_997 = arith.addi %add3A_996, %iota3A : vector<16xi32>
        tpu.vector_store_idx %arg8[%broadcast_in_dim3A_932, %add3A_997], %gather3A_994 masked %lt3A_990 : memref<50x1000xf32, #tpu.memory_space<vmem>>[vector<16xi32>, vector<16xi32>], vector<16xf32>, vector<16xi1>
        %add3A_998 = arith.constant 80 : i32
        %add3A_999 = vector.broadcast %add3A_998 : i32 to vector<16xi32>
        %add3A_1000 = arith.addi %add3A_999, %iota3A : vector<16xi32>
        %lt3A_1001 = arith.constant 1000 : i32
        %lt3A_1002 = vector.broadcast %lt3A_1001 : i32 to vector<16xi32>
        %lt3A_1003 = arith.cmpi slt, %add3A_1000, %lt3A_1002 : vector<16xi32>
        %add3A_1004 = arith.constant 80 : i32
        %add3A_1005 = vector.broadcast %add3A_1004 : i32 to vector<16xi32>
        %add3A_1006 = arith.addi %add3A_1005, %iota3A : vector<16xi32>
        %gather3A_1007 = tpu.vector_load_idx %arg10[%broadcast_in_dim3A_930, %add3A_1006] masked %lt3A_1003 : memref<16x128xf32, #tpu.memory_space<vmem>>[vector<16xi32>, vector<16xi32>], vector<16xf32>, vector<16xi1>
        %add3A_1008 = arith.constant 80 : i32
        %add3A_1009 = vector.broadcast %add3A_1008 : i32 to vector<16xi32>
        %add3A_1010 = arith.addi %add3A_1009, %iota3A : vector<16xi32>
        tpu.vector_store_idx %arg8[%broadcast_in_dim3A_932, %add3A_1010], %gather3A_1007 masked %lt3A_1003 : memref<50x1000xf32, #tpu.memory_space<vmem>>[vector<16xi32>, vector<16xi32>], vector<16xf32>, vector<16xi1>
        %add3A_1011 = arith.constant 96 : i32
        %add3A_1012 = vector.broadcast %add3A_1011 : i32 to vector<16xi32>
        %add3A_1013 = arith.addi %add3A_1012, %iota3A : vector<16xi32>
        %lt3A_1014 = arith.constant 1000 : i32
        %lt3A_1015 = vector.broadcast %lt3A_1014 : i32 to vector<16xi32>
        %lt3A_1016 = arith.cmpi slt, %add3A_1013, %lt3A_1015 : vector<16xi32>
        %add3A_1017 = arith.constant 96 : i32
        %add3A_1018 = vector.broadcast %add3A_1017 : i32 to vector<16xi32>
        %add3A_1019 = arith.addi %add3A_1018, %iota3A : vector<16xi32>
        %gather3A_1020 = tpu.vector_load_idx %arg10[%broadcast_in_dim3A_930, %add3A_1019] masked %lt3A_1016 : memref<16x128xf32, #tpu.memory_space<vmem>>[vector<16xi32>, vector<16xi32>], vector<16xf32>, vector<16xi1>
        %add3A_1021 = arith.constant 96 : i32
        %add3A_1022 = vector.broadcast %add3A_1021 : i32 to vector<16xi32>
        %add3A_1023 = arith.addi %add3A_1022, %iota3A : vector<16xi32>
        tpu.vector_store_idx %arg8[%broadcast_in_dim3A_932, %add3A_1023], %gather3A_1020 masked %lt3A_1016 : memref<50x1000xf32, #tpu.memory_space<vmem>>[vector<16xi32>, vector<16xi32>], vector<16xf32>, vector<16xi1>
        %add3A_1024 = arith.constant 112 : i32
        %add3A_1025 = vector.broadcast %add3A_1024 : i32 to vector<16xi32>
        %add3A_1026 = arith.addi %add3A_1025, %iota3A : vector<16xi32>
        %lt3A_1027 = arith.constant 1000 : i32
        %lt3A_1028 = vector.broadcast %lt3A_1027 : i32 to vector<16xi32>
        %lt3A_1029 = arith.cmpi slt, %add3A_1026, %lt3A_1028 : vector<16xi32>
        %add3A_1030 = arith.constant 112 : i32
        %add3A_1031 = vector.broadcast %add3A_1030 : i32 to vector<16xi32>
        %add3A_1032 = arith.addi %add3A_1031, %iota3A : vector<16xi32>
        %gather3A_1033 = tpu.vector_load_idx %arg10[%broadcast_in_dim3A_930, %add3A_1032] masked %lt3A_1029 : memref<16x128xf32, #tpu.memory_space<vmem>>[vector<16xi32>, vector<16xi32>], vector<16xf32>, vector<16xi1>
        %add3A_1034 = arith.constant 112 : i32
        %add3A_1035 = vector.broadcast %add3A_1034 : i32 to vector<16xi32>
        %add3A_1036 = arith.addi %add3A_1035, %iota3A : vector<16xi32>
        tpu.vector_store_idx %arg8[%broadcast_in_dim3A_932, %add3A_1036], %gather3A_1033 masked %lt3A_1029 : memref<50x1000xf32, #tpu.memory_space<vmem>>[vector<16xi32>, vector<16xi32>], vector<16xf32>, vector<16xi1>
        %broadcast_in_dim3A_1037 = arith.constant 9 : i32
        %broadcast_in_dim3A_1038 = vector.broadcast %broadcast_in_dim3A_1037 : i32 to vector<16xi32>
        %broadcast_in_dim3A_1039 = arith.constant 49 : i32
        %broadcast_in_dim3A_1040 = vector.broadcast %broadcast_in_dim3A_1039 : i32 to vector<16xi32>
        %add3A_1041 = arith.constant 128 : i32
        %add3A_1042 = vector.broadcast %add3A_1041 : i32 to vector<16xi32>
        %add3A_1043 = arith.addi %add3A_1042, %iota3A : vector<16xi32>
        %lt3A_1044 = arith.constant 1000 : i32
        %lt3A_1045 = vector.broadcast %lt3A_1044 : i32 to vector<16xi32>
        %lt3A_1046 = arith.cmpi slt, %add3A_1043, %lt3A_1045 : vector<16xi32>
        %add3A_1047 = arith.constant 0 : i32
        %add3A_1048 = vector.broadcast %add3A_1047 : i32 to vector<16xi32>
        %add3A_1049 = arith.addi %add3A_1048, %iota3A : vector<16xi32>
        %gather3A_1050 = tpu.vector_load_idx %arg10[%broadcast_in_dim3A_1038, %add3A_1049] masked %lt3A_1046 : memref<16x128xf32, #tpu.memory_space<vmem>>[vector<16xi32>, vector<16xi32>], vector<16xf32>, vector<16xi1>
        %add3A_1051 = arith.constant 128 : i32
        %add3A_1052 = vector.broadcast %add3A_1051 : i32 to vector<16xi32>
        %add3A_1053 = arith.addi %add3A_1052, %iota3A : vector<16xi32>
        tpu.vector_store_idx %arg8[%broadcast_in_dim3A_1040, %add3A_1053], %gather3A_1050 masked %lt3A_1046 : memref<50x1000xf32, #tpu.memory_space<vmem>>[vector<16xi32>, vector<16xi32>], vector<16xf32>, vector<16xi1>
        %add3A_1054 = arith.constant 144 : i32
        %add3A_1055 = vector.broadcast %add3A_1054 : i32 to vector<16xi32>
        %add3A_1056 = arith.addi %add3A_1055, %iota3A : vector<16xi32>
        %lt3A_1057 = arith.constant 1000 : i32
        %lt3A_1058 = vector.broadcast %lt3A_1057 : i32 to vector<16xi32>
        %lt3A_1059 = arith.cmpi slt, %add3A_1056, %lt3A_1058 : vector<16xi32>
        %add3A_1060 = arith.constant 16 : i32
        %add3A_1061 = vector.broadcast %add3A_1060 : i32 to vector<16xi32>
        %add3A_1062 = arith.addi %add3A_1061, %iota3A : vector<16xi32>
        %gather3A_1063 = tpu.vector_load_idx %arg10[%broadcast_in_dim3A_1038, %add3A_1062] masked %lt3A_1059 : memref<16x128xf32, #tpu.memory_space<vmem>>[vector<16xi32>, vector<16xi32>], vector<16xf32>, vector<16xi1>
        %add3A_1064 = arith.constant 144 : i32
        %add3A_1065 = vector.broadcast %add3A_1064 : i32 to vector<16xi32>
        %add3A_1066 = arith.addi %add3A_1065, %iota3A : vector<16xi32>
        tpu.vector_store_idx %arg8[%broadcast_in_dim3A_1040, %add3A_1066], %gather3A_1063 masked %lt3A_1059 : memref<50x1000xf32, #tpu.memory_space<vmem>>[vector<16xi32>, vector<16xi32>], vector<16xf32>, vector<16xi1>
        %add3A_1067 = arith.constant 160 : i32
        %add3A_1068 = vector.broadcast %add3A_1067 : i32 to vector<16xi32>
        %add3A_1069 = arith.addi %add3A_1068, %iota3A : vector<16xi32>
        %lt3A_1070 = arith.constant 1000 : i32
        %lt3A_1071 = vector.broadcast %lt3A_1070 : i32 to vector<16xi32>
        %lt3A_1072 = arith.cmpi slt, %add3A_1069, %lt3A_1071 : vector<16xi32>
        %add3A_1073 = arith.constant 32 : i32
        %add3A_1074 = vector.broadcast %add3A_1073 : i32 to vector<16xi32>
        %add3A_1075 = arith.addi %add3A_1074, %iota3A : vector<16xi32>
        %gather3A_1076 = tpu.vector_load_idx %arg10[%broadcast_in_dim3A_1038, %add3A_1075] masked %lt3A_1072 : memref<16x128xf32, #tpu.memory_space<vmem>>[vector<16xi32>, vector<16xi32>], vector<16xf32>, vector<16xi1>
        %add3A_1077 = arith.constant 160 : i32
        %add3A_1078 = vector.broadcast %add3A_1077 : i32 to vector<16xi32>
        %add3A_1079 = arith.addi %add3A_1078, %iota3A : vector<16xi32>
        tpu.vector_store_idx %arg8[%broadcast_in_dim3A_1040, %add3A_1079], %gather3A_1076 masked %lt3A_1072 : memref<50x1000xf32, #tpu.memory_space<vmem>>[vector<16xi32>, vector<16xi32>], vector<16xf32>, vector<16xi1>
        %add3A_1080 = arith.constant 176 : i32
        %add3A_1081 = vector.broadcast %add3A_1080 : i32 to vector<16xi32>
        %add3A_1082 = arith.addi %add3A_1081, %iota3A : vector<16xi32>
        %lt3A_1083 = arith.constant 1000 : i32
        %lt3A_1084 = vector.broadcast %lt3A_1083 : i32 to vector<16xi32>
        %lt3A_1085 = arith.cmpi slt, %add3A_1082, %lt3A_1084 : vector<16xi32>
        %add3A_1086 = arith.constant 48 : i32
        %add3A_1087 = vector.broadcast %add3A_1086 : i32 to vector<16xi32>
        %add3A_1088 = arith.addi %add3A_1087, %iota3A : vector<16xi32>
        %gather3A_1089 = tpu.vector_load_idx %arg10[%broadcast_in_dim3A_1038, %add3A_1088] masked %lt3A_1085 : memref<16x128xf32, #tpu.memory_space<vmem>>[vector<16xi32>, vector<16xi32>], vector<16xf32>, vector<16xi1>
        %add3A_1090 = arith.constant 176 : i32
        %add3A_1091 = vector.broadcast %add3A_1090 : i32 to vector<16xi32>
        %add3A_1092 = arith.addi %add3A_1091, %iota3A : vector<16xi32>
        tpu.vector_store_idx %arg8[%broadcast_in_dim3A_1040, %add3A_1092], %gather3A_1089 masked %lt3A_1085 : memref<50x1000xf32, #tpu.memory_space<vmem>>[vector<16xi32>, vector<16xi32>], vector<16xf32>, vector<16xi1>
        %add3A_1093 = arith.constant 192 : i32
        %add3A_1094 = vector.broadcast %add3A_1093 : i32 to vector<16xi32>
        %add3A_1095 = arith.addi %add3A_1094, %iota3A : vector<16xi32>
        %lt3A_1096 = arith.constant 1000 : i32
        %lt3A_1097 = vector.broadcast %lt3A_1096 : i32 to vector<16xi32>
        %lt3A_1098 = arith.cmpi slt, %add3A_1095, %lt3A_1097 : vector<16xi32>
        %add3A_1099 = arith.constant 64 : i32
        %add3A_1100 = vector.broadcast %add3A_1099 : i32 to vector<16xi32>
        %add3A_1101 = arith.addi %add3A_1100, %iota3A : vector<16xi32>
        %gather3A_1102 = tpu.vector_load_idx %arg10[%broadcast_in_dim3A_1038, %add3A_1101] masked %lt3A_1098 : memref<16x128xf32, #tpu.memory_space<vmem>>[vector<16xi32>, vector<16xi32>], vector<16xf32>, vector<16xi1>
        %add3A_1103 = arith.constant 192 : i32
        %add3A_1104 = vector.broadcast %add3A_1103 : i32 to vector<16xi32>
        %add3A_1105 = arith.addi %add3A_1104, %iota3A : vector<16xi32>
        tpu.vector_store_idx %arg8[%broadcast_in_dim3A_1040, %add3A_1105], %gather3A_1102 masked %lt3A_1098 : memref<50x1000xf32, #tpu.memory_space<vmem>>[vector<16xi32>, vector<16xi32>], vector<16xf32>, vector<16xi1>
        %add3A_1106 = arith.constant 208 : i32
        %add3A_1107 = vector.broadcast %add3A_1106 : i32 to vector<16xi32>
        %add3A_1108 = arith.addi %add3A_1107, %iota3A : vector<16xi32>
        %lt3A_1109 = arith.constant 1000 : i32
        %lt3A_1110 = vector.broadcast %lt3A_1109 : i32 to vector<16xi32>
        %lt3A_1111 = arith.cmpi slt, %add3A_1108, %lt3A_1110 : vector<16xi32>
        %add3A_1112 = arith.constant 80 : i32
        %add3A_1113 = vector.broadcast %add3A_1112 : i32 to vector<16xi32>
        %add3A_1114 = arith.addi %add3A_1113, %iota3A : vector<16xi32>
        %gather3A_1115 = tpu.vector_load_idx %arg10[%broadcast_in_dim3A_1038, %add3A_1114] masked %lt3A_1111 : memref<16x128xf32, #tpu.memory_space<vmem>>[vector<16xi32>, vector<16xi32>], vector<16xf32>, vector<16xi1>
        %add3A_1116 = arith.constant 208 : i32
        %add3A_1117 = vector.broadcast %add3A_1116 : i32 to vector<16xi32>
        %add3A_1118 = arith.addi %add3A_1117, %iota3A : vector<16xi32>
        tpu.vector_store_idx %arg8[%broadcast_in_dim3A_1040, %add3A_1118], %gather3A_1115 masked %lt3A_1111 : memref<50x1000xf32, #tpu.memory_space<vmem>>[vector<16xi32>, vector<16xi32>], vector<16xf32>, vector<16xi1>
        %add3A_1119 = arith.constant 224 : i32
        %add3A_1120 = vector.broadcast %add3A_1119 : i32 to vector<16xi32>
        %add3A_1121 = arith.addi %add3A_1120, %iota3A : vector<16xi32>
        %lt3A_1122 = arith.constant 1000 : i32
        %lt3A_1123 = vector.broadcast %lt3A_1122 : i32 to vector<16xi32>
        %lt3A_1124 = arith.cmpi slt, %add3A_1121, %lt3A_1123 : vector<16xi32>
        %add3A_1125 = arith.constant 96 : i32
        %add3A_1126 = vector.broadcast %add3A_1125 : i32 to vector<16xi32>
        %add3A_1127 = arith.addi %add3A_1126, %iota3A : vector<16xi32>
        %gather3A_1128 = tpu.vector_load_idx %arg10[%broadcast_in_dim3A_1038, %add3A_1127] masked %lt3A_1124 : memref<16x128xf32, #tpu.memory_space<vmem>>[vector<16xi32>, vector<16xi32>], vector<16xf32>, vector<16xi1>
        %add3A_1129 = arith.constant 224 : i32
        %add3A_1130 = vector.broadcast %add3A_1129 : i32 to vector<16xi32>
        %add3A_1131 = arith.addi %add3A_1130, %iota3A : vector<16xi32>
        tpu.vector_store_idx %arg8[%broadcast_in_dim3A_1040, %add3A_1131], %gather3A_1128 masked %lt3A_1124 : memref<50x1000xf32, #tpu.memory_space<vmem>>[vector<16xi32>, vector<16xi32>], vector<16xf32>, vector<16xi1>
        %add3A_1132 = arith.constant 240 : i32
        %add3A_1133 = vector.broadcast %add3A_1132 : i32 to vector<16xi32>
        %add3A_1134 = arith.addi %add3A_1133, %iota3A : vector<16xi32>
        %lt3A_1135 = arith.constant 1000 : i32
        %lt3A_1136 = vector.broadcast %lt3A_1135 : i32 to vector<16xi32>
        %lt3A_1137 = arith.cmpi slt, %add3A_1134, %lt3A_1136 : vector<16xi32>
        %add3A_1138 = arith.constant 112 : i32
        %add3A_1139 = vector.broadcast %add3A_1138 : i32 to vector<16xi32>
        %add3A_1140 = arith.addi %add3A_1139, %iota3A : vector<16xi32>
        %gather3A_1141 = tpu.vector_load_idx %arg10[%broadcast_in_dim3A_1038, %add3A_1140] masked %lt3A_1137 : memref<16x128xf32, #tpu.memory_space<vmem>>[vector<16xi32>, vector<16xi32>], vector<16xf32>, vector<16xi1>
        %add3A_1142 = arith.constant 240 : i32
        %add3A_1143 = vector.broadcast %add3A_1142 : i32 to vector<16xi32>
        %add3A_1144 = arith.addi %add3A_1143, %iota3A : vector<16xi32>
        tpu.vector_store_idx %arg8[%broadcast_in_dim3A_1040, %add3A_1144], %gather3A_1141 masked %lt3A_1137 : memref<50x1000xf32, #tpu.memory_space<vmem>>[vector<16xi32>, vector<16xi32>], vector<16xf32>, vector<16xi1>
        %broadcast_in_dim3A_1145 = arith.constant 10 : i32
        %broadcast_in_dim3A_1146 = vector.broadcast %broadcast_in_dim3A_1145 : i32 to vector<16xi32>
        %broadcast_in_dim3A_1147 = arith.constant 49 : i32
        %broadcast_in_dim3A_1148 = vector.broadcast %broadcast_in_dim3A_1147 : i32 to vector<16xi32>
        %add3A_1149 = arith.constant 256 : i32
        %add3A_1150 = vector.broadcast %add3A_1149 : i32 to vector<16xi32>
        %add3A_1151 = arith.addi %add3A_1150, %iota3A : vector<16xi32>
        %lt3A_1152 = arith.constant 1000 : i32
        %lt3A_1153 = vector.broadcast %lt3A_1152 : i32 to vector<16xi32>
        %lt3A_1154 = arith.cmpi slt, %add3A_1151, %lt3A_1153 : vector<16xi32>
        %add3A_1155 = arith.constant 0 : i32
        %add3A_1156 = vector.broadcast %add3A_1155 : i32 to vector<16xi32>
        %add3A_1157 = arith.addi %add3A_1156, %iota3A : vector<16xi32>
        %gather3A_1158 = tpu.vector_load_idx %arg10[%broadcast_in_dim3A_1146, %add3A_1157] masked %lt3A_1154 : memref<16x128xf32, #tpu.memory_space<vmem>>[vector<16xi32>, vector<16xi32>], vector<16xf32>, vector<16xi1>
        %add3A_1159 = arith.constant 256 : i32
        %add3A_1160 = vector.broadcast %add3A_1159 : i32 to vector<16xi32>
        %add3A_1161 = arith.addi %add3A_1160, %iota3A : vector<16xi32>
        tpu.vector_store_idx %arg8[%broadcast_in_dim3A_1148, %add3A_1161], %gather3A_1158 masked %lt3A_1154 : memref<50x1000xf32, #tpu.memory_space<vmem>>[vector<16xi32>, vector<16xi32>], vector<16xf32>, vector<16xi1>
        %add3A_1162 = arith.constant 272 : i32
        %add3A_1163 = vector.broadcast %add3A_1162 : i32 to vector<16xi32>
        %add3A_1164 = arith.addi %add3A_1163, %iota3A : vector<16xi32>
        %lt3A_1165 = arith.constant 1000 : i32
        %lt3A_1166 = vector.broadcast %lt3A_1165 : i32 to vector<16xi32>
        %lt3A_1167 = arith.cmpi slt, %add3A_1164, %lt3A_1166 : vector<16xi32>
        %add3A_1168 = arith.constant 16 : i32
        %add3A_1169 = vector.broadcast %add3A_1168 : i32 to vector<16xi32>
        %add3A_1170 = arith.addi %add3A_1169, %iota3A : vector<16xi32>
        %gather3A_1171 = tpu.vector_load_idx %arg10[%broadcast_in_dim3A_1146, %add3A_1170] masked %lt3A_1167 : memref<16x128xf32, #tpu.memory_space<vmem>>[vector<16xi32>, vector<16xi32>], vector<16xf32>, vector<16xi1>
        %add3A_1172 = arith.constant 272 : i32
        %add3A_1173 = vector.broadcast %add3A_1172 : i32 to vector<16xi32>
        %add3A_1174 = arith.addi %add3A_1173, %iota3A : vector<16xi32>
        tpu.vector_store_idx %arg8[%broadcast_in_dim3A_1148, %add3A_1174], %gather3A_1171 masked %lt3A_1167 : memref<50x1000xf32, #tpu.memory_space<vmem>>[vector<16xi32>, vector<16xi32>], vector<16xf32>, vector<16xi1>
        %add3A_1175 = arith.constant 288 : i32
        %add3A_1176 = vector.broadcast %add3A_1175 : i32 to vector<16xi32>
        %add3A_1177 = arith.addi %add3A_1176, %iota3A : vector<16xi32>
        %lt3A_1178 = arith.constant 1000 : i32
        %lt3A_1179 = vector.broadcast %lt3A_1178 : i32 to vector<16xi32>
        %lt3A_1180 = arith.cmpi slt, %add3A_1177, %lt3A_1179 : vector<16xi32>
        %add3A_1181 = arith.constant 32 : i32
        %add3A_1182 = vector.broadcast %add3A_1181 : i32 to vector<16xi32>
        %add3A_1183 = arith.addi %add3A_1182, %iota3A : vector<16xi32>
        %gather3A_1184 = tpu.vector_load_idx %arg10[%broadcast_in_dim3A_1146, %add3A_1183] masked %lt3A_1180 : memref<16x128xf32, #tpu.memory_space<vmem>>[vector<16xi32>, vector<16xi32>], vector<16xf32>, vector<16xi1>
        %add3A_1185 = arith.constant 288 : i32
        %add3A_1186 = vector.broadcast %add3A_1185 : i32 to vector<16xi32>
        %add3A_1187 = arith.addi %add3A_1186, %iota3A : vector<16xi32>
        tpu.vector_store_idx %arg8[%broadcast_in_dim3A_1148, %add3A_1187], %gather3A_1184 masked %lt3A_1180 : memref<50x1000xf32, #tpu.memory_space<vmem>>[vector<16xi32>, vector<16xi32>], vector<16xf32>, vector<16xi1>
        %add3A_1188 = arith.constant 304 : i32
        %add3A_1189 = vector.broadcast %add3A_1188 : i32 to vector<16xi32>
        %add3A_1190 = arith.addi %add3A_1189, %iota3A : vector<16xi32>
        %lt3A_1191 = arith.constant 1000 : i32
        %lt3A_1192 = vector.broadcast %lt3A_1191 : i32 to vector<16xi32>
        %lt3A_1193 = arith.cmpi slt, %add3A_1190, %lt3A_1192 : vector<16xi32>
        %add3A_1194 = arith.constant 48 : i32
        %add3A_1195 = vector.broadcast %add3A_1194 : i32 to vector<16xi32>
        %add3A_1196 = arith.addi %add3A_1195, %iota3A : vector<16xi32>
        %gather3A_1197 = tpu.vector_load_idx %arg10[%broadcast_in_dim3A_1146, %add3A_1196] masked %lt3A_1193 : memref<16x128xf32, #tpu.memory_space<vmem>>[vector<16xi32>, vector<16xi32>], vector<16xf32>, vector<16xi1>
        %add3A_1198 = arith.constant 304 : i32
        %add3A_1199 = vector.broadcast %add3A_1198 : i32 to vector<16xi32>
        %add3A_1200 = arith.addi %add3A_1199, %iota3A : vector<16xi32>
        tpu.vector_store_idx %arg8[%broadcast_in_dim3A_1148, %add3A_1200], %gather3A_1197 masked %lt3A_1193 : memref<50x1000xf32, #tpu.memory_space<vmem>>[vector<16xi32>, vector<16xi32>], vector<16xf32>, vector<16xi1>
        %add3A_1201 = arith.constant 320 : i32
        %add3A_1202 = vector.broadcast %add3A_1201 : i32 to vector<16xi32>
        %add3A_1203 = arith.addi %add3A_1202, %iota3A : vector<16xi32>
        %lt3A_1204 = arith.constant 1000 : i32
        %lt3A_1205 = vector.broadcast %lt3A_1204 : i32 to vector<16xi32>
        %lt3A_1206 = arith.cmpi slt, %add3A_1203, %lt3A_1205 : vector<16xi32>
        %add3A_1207 = arith.constant 64 : i32
        %add3A_1208 = vector.broadcast %add3A_1207 : i32 to vector<16xi32>
        %add3A_1209 = arith.addi %add3A_1208, %iota3A : vector<16xi32>
        %gather3A_1210 = tpu.vector_load_idx %arg10[%broadcast_in_dim3A_1146, %add3A_1209] masked %lt3A_1206 : memref<16x128xf32, #tpu.memory_space<vmem>>[vector<16xi32>, vector<16xi32>], vector<16xf32>, vector<16xi1>
        %add3A_1211 = arith.constant 320 : i32
        %add3A_1212 = vector.broadcast %add3A_1211 : i32 to vector<16xi32>
        %add3A_1213 = arith.addi %add3A_1212, %iota3A : vector<16xi32>
        tpu.vector_store_idx %arg8[%broadcast_in_dim3A_1148, %add3A_1213], %gather3A_1210 masked %lt3A_1206 : memref<50x1000xf32, #tpu.memory_space<vmem>>[vector<16xi32>, vector<16xi32>], vector<16xf32>, vector<16xi1>
        %add3A_1214 = arith.constant 336 : i32
        %add3A_1215 = vector.broadcast %add3A_1214 : i32 to vector<16xi32>
        %add3A_1216 = arith.addi %add3A_1215, %iota3A : vector<16xi32>
        %lt3A_1217 = arith.constant 1000 : i32
        %lt3A_1218 = vector.broadcast %lt3A_1217 : i32 to vector<16xi32>
        %lt3A_1219 = arith.cmpi slt, %add3A_1216, %lt3A_1218 : vector<16xi32>
        %add3A_1220 = arith.constant 80 : i32
        %add3A_1221 = vector.broadcast %add3A_1220 : i32 to vector<16xi32>
        %add3A_1222 = arith.addi %add3A_1221, %iota3A : vector<16xi32>
        %gather3A_1223 = tpu.vector_load_idx %arg10[%broadcast_in_dim3A_1146, %add3A_1222] masked %lt3A_1219 : memref<16x128xf32, #tpu.memory_space<vmem>>[vector<16xi32>, vector<16xi32>], vector<16xf32>, vector<16xi1>
        %add3A_1224 = arith.constant 336 : i32
        %add3A_1225 = vector.broadcast %add3A_1224 : i32 to vector<16xi32>
        %add3A_1226 = arith.addi %add3A_1225, %iota3A : vector<16xi32>
        tpu.vector_store_idx %arg8[%broadcast_in_dim3A_1148, %add3A_1226], %gather3A_1223 masked %lt3A_1219 : memref<50x1000xf32, #tpu.memory_space<vmem>>[vector<16xi32>, vector<16xi32>], vector<16xf32>, vector<16xi1>
        %add3A_1227 = arith.constant 352 : i32
        %add3A_1228 = vector.broadcast %add3A_1227 : i32 to vector<16xi32>
        %add3A_1229 = arith.addi %add3A_1228, %iota3A : vector<16xi32>
        %lt3A_1230 = arith.constant 1000 : i32
        %lt3A_1231 = vector.broadcast %lt3A_1230 : i32 to vector<16xi32>
        %lt3A_1232 = arith.cmpi slt, %add3A_1229, %lt3A_1231 : vector<16xi32>
        %add3A_1233 = arith.constant 96 : i32
        %add3A_1234 = vector.broadcast %add3A_1233 : i32 to vector<16xi32>
        %add3A_1235 = arith.addi %add3A_1234, %iota3A : vector<16xi32>
        %gather3A_1236 = tpu.vector_load_idx %arg10[%broadcast_in_dim3A_1146, %add3A_1235] masked %lt3A_1232 : memref<16x128xf32, #tpu.memory_space<vmem>>[vector<16xi32>, vector<16xi32>], vector<16xf32>, vector<16xi1>
        %add3A_1237 = arith.constant 352 : i32
        %add3A_1238 = vector.broadcast %add3A_1237 : i32 to vector<16xi32>
        %add3A_1239 = arith.addi %add3A_1238, %iota3A : vector<16xi32>
        tpu.vector_store_idx %arg8[%broadcast_in_dim3A_1148, %add3A_1239], %gather3A_1236 masked %lt3A_1232 : memref<50x1000xf32, #tpu.memory_space<vmem>>[vector<16xi32>, vector<16xi32>], vector<16xf32>, vector<16xi1>
        %add3A_1240 = arith.constant 368 : i32
        %add3A_1241 = vector.broadcast %add3A_1240 : i32 to vector<16xi32>
        %add3A_1242 = arith.addi %add3A_1241, %iota3A : vector<16xi32>
        %lt3A_1243 = arith.constant 1000 : i32
        %lt3A_1244 = vector.broadcast %lt3A_1243 : i32 to vector<16xi32>
        %lt3A_1245 = arith.cmpi slt, %add3A_1242, %lt3A_1244 : vector<16xi32>
        %add3A_1246 = arith.constant 112 : i32
        %add3A_1247 = vector.broadcast %add3A_1246 : i32 to vector<16xi32>
        %add3A_1248 = arith.addi %add3A_1247, %iota3A : vector<16xi32>
        %gather3A_1249 = tpu.vector_load_idx %arg10[%broadcast_in_dim3A_1146, %add3A_1248] masked %lt3A_1245 : memref<16x128xf32, #tpu.memory_space<vmem>>[vector<16xi32>, vector<16xi32>], vector<16xf32>, vector<16xi1>
        %add3A_1250 = arith.constant 368 : i32
        %add3A_1251 = vector.broadcast %add3A_1250 : i32 to vector<16xi32>
        %add3A_1252 = arith.addi %add3A_1251, %iota3A : vector<16xi32>
        tpu.vector_store_idx %arg8[%broadcast_in_dim3A_1148, %add3A_1252], %gather3A_1249 masked %lt3A_1245 : memref<50x1000xf32, #tpu.memory_space<vmem>>[vector<16xi32>, vector<16xi32>], vector<16xf32>, vector<16xi1>
        %broadcast_in_dim3A_1253 = arith.constant 11 : i32
        %broadcast_in_dim3A_1254 = vector.broadcast %broadcast_in_dim3A_1253 : i32 to vector<16xi32>
        %broadcast_in_dim3A_1255 = arith.constant 49 : i32
        %broadcast_in_dim3A_1256 = vector.broadcast %broadcast_in_dim3A_1255 : i32 to vector<16xi32>
        %add3A_1257 = arith.constant 384 : i32
        %add3A_1258 = vector.broadcast %add3A_1257 : i32 to vector<16xi32>
        %add3A_1259 = arith.addi %add3A_1258, %iota3A : vector<16xi32>
        %lt3A_1260 = arith.constant 1000 : i32
        %lt3A_1261 = vector.broadcast %lt3A_1260 : i32 to vector<16xi32>
        %lt3A_1262 = arith.cmpi slt, %add3A_1259, %lt3A_1261 : vector<16xi32>
        %add3A_1263 = arith.constant 0 : i32
        %add3A_1264 = vector.broadcast %add3A_1263 : i32 to vector<16xi32>
        %add3A_1265 = arith.addi %add3A_1264, %iota3A : vector<16xi32>
        %gather3A_1266 = tpu.vector_load_idx %arg10[%broadcast_in_dim3A_1254, %add3A_1265] masked %lt3A_1262 : memref<16x128xf32, #tpu.memory_space<vmem>>[vector<16xi32>, vector<16xi32>], vector<16xf32>, vector<16xi1>
        %add3A_1267 = arith.constant 384 : i32
        %add3A_1268 = vector.broadcast %add3A_1267 : i32 to vector<16xi32>
        %add3A_1269 = arith.addi %add3A_1268, %iota3A : vector<16xi32>
        tpu.vector_store_idx %arg8[%broadcast_in_dim3A_1256, %add3A_1269], %gather3A_1266 masked %lt3A_1262 : memref<50x1000xf32, #tpu.memory_space<vmem>>[vector<16xi32>, vector<16xi32>], vector<16xf32>, vector<16xi1>
        %add3A_1270 = arith.constant 400 : i32
        %add3A_1271 = vector.broadcast %add3A_1270 : i32 to vector<16xi32>
        %add3A_1272 = arith.addi %add3A_1271, %iota3A : vector<16xi32>
        %lt3A_1273 = arith.constant 1000 : i32
        %lt3A_1274 = vector.broadcast %lt3A_1273 : i32 to vector<16xi32>
        %lt3A_1275 = arith.cmpi slt, %add3A_1272, %lt3A_1274 : vector<16xi32>
        %add3A_1276 = arith.constant 16 : i32
        %add3A_1277 = vector.broadcast %add3A_1276 : i32 to vector<16xi32>
        %add3A_1278 = arith.addi %add3A_1277, %iota3A : vector<16xi32>
        %gather3A_1279 = tpu.vector_load_idx %arg10[%broadcast_in_dim3A_1254, %add3A_1278] masked %lt3A_1275 : memref<16x128xf32, #tpu.memory_space<vmem>>[vector<16xi32>, vector<16xi32>], vector<16xf32>, vector<16xi1>
        %add3A_1280 = arith.constant 400 : i32
        %add3A_1281 = vector.broadcast %add3A_1280 : i32 to vector<16xi32>
        %add3A_1282 = arith.addi %add3A_1281, %iota3A : vector<16xi32>
        tpu.vector_store_idx %arg8[%broadcast_in_dim3A_1256, %add3A_1282], %gather3A_1279 masked %lt3A_1275 : memref<50x1000xf32, #tpu.memory_space<vmem>>[vector<16xi32>, vector<16xi32>], vector<16xf32>, vector<16xi1>
        %add3A_1283 = arith.constant 416 : i32
        %add3A_1284 = vector.broadcast %add3A_1283 : i32 to vector<16xi32>
        %add3A_1285 = arith.addi %add3A_1284, %iota3A : vector<16xi32>
        %lt3A_1286 = arith.constant 1000 : i32
        %lt3A_1287 = vector.broadcast %lt3A_1286 : i32 to vector<16xi32>
        %lt3A_1288 = arith.cmpi slt, %add3A_1285, %lt3A_1287 : vector<16xi32>
        %add3A_1289 = arith.constant 32 : i32
        %add3A_1290 = vector.broadcast %add3A_1289 : i32 to vector<16xi32>
        %add3A_1291 = arith.addi %add3A_1290, %iota3A : vector<16xi32>
        %gather3A_1292 = tpu.vector_load_idx %arg10[%broadcast_in_dim3A_1254, %add3A_1291] masked %lt3A_1288 : memref<16x128xf32, #tpu.memory_space<vmem>>[vector<16xi32>, vector<16xi32>], vector<16xf32>, vector<16xi1>
        %add3A_1293 = arith.constant 416 : i32
        %add3A_1294 = vector.broadcast %add3A_1293 : i32 to vector<16xi32>
        %add3A_1295 = arith.addi %add3A_1294, %iota3A : vector<16xi32>
        tpu.vector_store_idx %arg8[%broadcast_in_dim3A_1256, %add3A_1295], %gather3A_1292 masked %lt3A_1288 : memref<50x1000xf32, #tpu.memory_space<vmem>>[vector<16xi32>, vector<16xi32>], vector<16xf32>, vector<16xi1>
        %add3A_1296 = arith.constant 432 : i32
        %add3A_1297 = vector.broadcast %add3A_1296 : i32 to vector<16xi32>
        %add3A_1298 = arith.addi %add3A_1297, %iota3A : vector<16xi32>
        %lt3A_1299 = arith.constant 1000 : i32
        %lt3A_1300 = vector.broadcast %lt3A_1299 : i32 to vector<16xi32>
        %lt3A_1301 = arith.cmpi slt, %add3A_1298, %lt3A_1300 : vector<16xi32>
        %add3A_1302 = arith.constant 48 : i32
        %add3A_1303 = vector.broadcast %add3A_1302 : i32 to vector<16xi32>
        %add3A_1304 = arith.addi %add3A_1303, %iota3A : vector<16xi32>
        %gather3A_1305 = tpu.vector_load_idx %arg10[%broadcast_in_dim3A_1254, %add3A_1304] masked %lt3A_1301 : memref<16x128xf32, #tpu.memory_space<vmem>>[vector<16xi32>, vector<16xi32>], vector<16xf32>, vector<16xi1>
        %add3A_1306 = arith.constant 432 : i32
        %add3A_1307 = vector.broadcast %add3A_1306 : i32 to vector<16xi32>
        %add3A_1308 = arith.addi %add3A_1307, %iota3A : vector<16xi32>
        tpu.vector_store_idx %arg8[%broadcast_in_dim3A_1256, %add3A_1308], %gather3A_1305 masked %lt3A_1301 : memref<50x1000xf32, #tpu.memory_space<vmem>>[vector<16xi32>, vector<16xi32>], vector<16xf32>, vector<16xi1>
        %add3A_1309 = arith.constant 448 : i32
        %add3A_1310 = vector.broadcast %add3A_1309 : i32 to vector<16xi32>
        %add3A_1311 = arith.addi %add3A_1310, %iota3A : vector<16xi32>
        %lt3A_1312 = arith.constant 1000 : i32
        %lt3A_1313 = vector.broadcast %lt3A_1312 : i32 to vector<16xi32>
        %lt3A_1314 = arith.cmpi slt, %add3A_1311, %lt3A_1313 : vector<16xi32>
        %add3A_1315 = arith.constant 64 : i32
        %add3A_1316 = vector.broadcast %add3A_1315 : i32 to vector<16xi32>
        %add3A_1317 = arith.addi %add3A_1316, %iota3A : vector<16xi32>
        %gather3A_1318 = tpu.vector_load_idx %arg10[%broadcast_in_dim3A_1254, %add3A_1317] masked %lt3A_1314 : memref<16x128xf32, #tpu.memory_space<vmem>>[vector<16xi32>, vector<16xi32>], vector<16xf32>, vector<16xi1>
        %add3A_1319 = arith.constant 448 : i32
        %add3A_1320 = vector.broadcast %add3A_1319 : i32 to vector<16xi32>
        %add3A_1321 = arith.addi %add3A_1320, %iota3A : vector<16xi32>
        tpu.vector_store_idx %arg8[%broadcast_in_dim3A_1256, %add3A_1321], %gather3A_1318 masked %lt3A_1314 : memref<50x1000xf32, #tpu.memory_space<vmem>>[vector<16xi32>, vector<16xi32>], vector<16xf32>, vector<16xi1>
        %add3A_1322 = arith.constant 464 : i32
        %add3A_1323 = vector.broadcast %add3A_1322 : i32 to vector<16xi32>
        %add3A_1324 = arith.addi %add3A_1323, %iota3A : vector<16xi32>
        %lt3A_1325 = arith.constant 1000 : i32
        %lt3A_1326 = vector.broadcast %lt3A_1325 : i32 to vector<16xi32>
        %lt3A_1327 = arith.cmpi slt, %add3A_1324, %lt3A_1326 : vector<16xi32>
        %add3A_1328 = arith.constant 80 : i32
        %add3A_1329 = vector.broadcast %add3A_1328 : i32 to vector<16xi32>
        %add3A_1330 = arith.addi %add3A_1329, %iota3A : vector<16xi32>
        %gather3A_1331 = tpu.vector_load_idx %arg10[%broadcast_in_dim3A_1254, %add3A_1330] masked %lt3A_1327 : memref<16x128xf32, #tpu.memory_space<vmem>>[vector<16xi32>, vector<16xi32>], vector<16xf32>, vector<16xi1>
        %add3A_1332 = arith.constant 464 : i32
        %add3A_1333 = vector.broadcast %add3A_1332 : i32 to vector<16xi32>
        %add3A_1334 = arith.addi %add3A_1333, %iota3A : vector<16xi32>
        tpu.vector_store_idx %arg8[%broadcast_in_dim3A_1256, %add3A_1334], %gather3A_1331 masked %lt3A_1327 : memref<50x1000xf32, #tpu.memory_space<vmem>>[vector<16xi32>, vector<16xi32>], vector<16xf32>, vector<16xi1>
        %add3A_1335 = arith.constant 480 : i32
        %add3A_1336 = vector.broadcast %add3A_1335 : i32 to vector<16xi32>
        %add3A_1337 = arith.addi %add3A_1336, %iota3A : vector<16xi32>
        %lt3A_1338 = arith.constant 1000 : i32
        %lt3A_1339 = vector.broadcast %lt3A_1338 : i32 to vector<16xi32>
        %lt3A_1340 = arith.cmpi slt, %add3A_1337, %lt3A_1339 : vector<16xi32>
        %add3A_1341 = arith.constant 96 : i32
        %add3A_1342 = vector.broadcast %add3A_1341 : i32 to vector<16xi32>
        %add3A_1343 = arith.addi %add3A_1342, %iota3A : vector<16xi32>
        %gather3A_1344 = tpu.vector_load_idx %arg10[%broadcast_in_dim3A_1254, %add3A_1343] masked %lt3A_1340 : memref<16x128xf32, #tpu.memory_space<vmem>>[vector<16xi32>, vector<16xi32>], vector<16xf32>, vector<16xi1>
        %add3A_1345 = arith.constant 480 : i32
        %add3A_1346 = vector.broadcast %add3A_1345 : i32 to vector<16xi32>
        %add3A_1347 = arith.addi %add3A_1346, %iota3A : vector<16xi32>
        tpu.vector_store_idx %arg8[%broadcast_in_dim3A_1256, %add3A_1347], %gather3A_1344 masked %lt3A_1340 : memref<50x1000xf32, #tpu.memory_space<vmem>>[vector<16xi32>, vector<16xi32>], vector<16xf32>, vector<16xi1>
        %add3A_1348 = arith.constant 496 : i32
        %add3A_1349 = vector.broadcast %add3A_1348 : i32 to vector<16xi32>
        %add3A_1350 = arith.addi %add3A_1349, %iota3A : vector<16xi32>
        %lt3A_1351 = arith.constant 1000 : i32
        %lt3A_1352 = vector.broadcast %lt3A_1351 : i32 to vector<16xi32>
        %lt3A_1353 = arith.cmpi slt, %add3A_1350, %lt3A_1352 : vector<16xi32>
        %add3A_1354 = arith.constant 112 : i32
        %add3A_1355 = vector.broadcast %add3A_1354 : i32 to vector<16xi32>
        %add3A_1356 = arith.addi %add3A_1355, %iota3A : vector<16xi32>
        %gather3A_1357 = tpu.vector_load_idx %arg10[%broadcast_in_dim3A_1254, %add3A_1356] masked %lt3A_1353 : memref<16x128xf32, #tpu.memory_space<vmem>>[vector<16xi32>, vector<16xi32>], vector<16xf32>, vector<16xi1>
        %add3A_1358 = arith.constant 496 : i32
        %add3A_1359 = vector.broadcast %add3A_1358 : i32 to vector<16xi32>
        %add3A_1360 = arith.addi %add3A_1359, %iota3A : vector<16xi32>
        tpu.vector_store_idx %arg8[%broadcast_in_dim3A_1256, %add3A_1360], %gather3A_1357 masked %lt3A_1353 : memref<50x1000xf32, #tpu.memory_space<vmem>>[vector<16xi32>, vector<16xi32>], vector<16xf32>, vector<16xi1>
        %broadcast_in_dim3A_1361 = arith.constant 12 : i32
        %broadcast_in_dim3A_1362 = vector.broadcast %broadcast_in_dim3A_1361 : i32 to vector<16xi32>
        %broadcast_in_dim3A_1363 = arith.constant 49 : i32
        %broadcast_in_dim3A_1364 = vector.broadcast %broadcast_in_dim3A_1363 : i32 to vector<16xi32>
        %add3A_1365 = arith.constant 512 : i32
        %add3A_1366 = vector.broadcast %add3A_1365 : i32 to vector<16xi32>
        %add3A_1367 = arith.addi %add3A_1366, %iota3A : vector<16xi32>
        %lt3A_1368 = arith.constant 1000 : i32
        %lt3A_1369 = vector.broadcast %lt3A_1368 : i32 to vector<16xi32>
        %lt3A_1370 = arith.cmpi slt, %add3A_1367, %lt3A_1369 : vector<16xi32>
        %add3A_1371 = arith.constant 0 : i32
        %add3A_1372 = vector.broadcast %add3A_1371 : i32 to vector<16xi32>
        %add3A_1373 = arith.addi %add3A_1372, %iota3A : vector<16xi32>
        %gather3A_1374 = tpu.vector_load_idx %arg10[%broadcast_in_dim3A_1362, %add3A_1373] masked %lt3A_1370 : memref<16x128xf32, #tpu.memory_space<vmem>>[vector<16xi32>, vector<16xi32>], vector<16xf32>, vector<16xi1>
        %add3A_1375 = arith.constant 512 : i32
        %add3A_1376 = vector.broadcast %add3A_1375 : i32 to vector<16xi32>
        %add3A_1377 = arith.addi %add3A_1376, %iota3A : vector<16xi32>
        tpu.vector_store_idx %arg8[%broadcast_in_dim3A_1364, %add3A_1377], %gather3A_1374 masked %lt3A_1370 : memref<50x1000xf32, #tpu.memory_space<vmem>>[vector<16xi32>, vector<16xi32>], vector<16xf32>, vector<16xi1>
        %add3A_1378 = arith.constant 528 : i32
        %add3A_1379 = vector.broadcast %add3A_1378 : i32 to vector<16xi32>
        %add3A_1380 = arith.addi %add3A_1379, %iota3A : vector<16xi32>
        %lt3A_1381 = arith.constant 1000 : i32
        %lt3A_1382 = vector.broadcast %lt3A_1381 : i32 to vector<16xi32>
        %lt3A_1383 = arith.cmpi slt, %add3A_1380, %lt3A_1382 : vector<16xi32>
        %add3A_1384 = arith.constant 16 : i32
        %add3A_1385 = vector.broadcast %add3A_1384 : i32 to vector<16xi32>
        %add3A_1386 = arith.addi %add3A_1385, %iota3A : vector<16xi32>
        %gather3A_1387 = tpu.vector_load_idx %arg10[%broadcast_in_dim3A_1362, %add3A_1386] masked %lt3A_1383 : memref<16x128xf32, #tpu.memory_space<vmem>>[vector<16xi32>, vector<16xi32>], vector<16xf32>, vector<16xi1>
        %add3A_1388 = arith.constant 528 : i32
        %add3A_1389 = vector.broadcast %add3A_1388 : i32 to vector<16xi32>
        %add3A_1390 = arith.addi %add3A_1389, %iota3A : vector<16xi32>
        tpu.vector_store_idx %arg8[%broadcast_in_dim3A_1364, %add3A_1390], %gather3A_1387 masked %lt3A_1383 : memref<50x1000xf32, #tpu.memory_space<vmem>>[vector<16xi32>, vector<16xi32>], vector<16xf32>, vector<16xi1>
        %add3A_1391 = arith.constant 544 : i32
        %add3A_1392 = vector.broadcast %add3A_1391 : i32 to vector<16xi32>
        %add3A_1393 = arith.addi %add3A_1392, %iota3A : vector<16xi32>
        %lt3A_1394 = arith.constant 1000 : i32
        %lt3A_1395 = vector.broadcast %lt3A_1394 : i32 to vector<16xi32>
        %lt3A_1396 = arith.cmpi slt, %add3A_1393, %lt3A_1395 : vector<16xi32>
        %add3A_1397 = arith.constant 32 : i32
        %add3A_1398 = vector.broadcast %add3A_1397 : i32 to vector<16xi32>
        %add3A_1399 = arith.addi %add3A_1398, %iota3A : vector<16xi32>
        %gather3A_1400 = tpu.vector_load_idx %arg10[%broadcast_in_dim3A_1362, %add3A_1399] masked %lt3A_1396 : memref<16x128xf32, #tpu.memory_space<vmem>>[vector<16xi32>, vector<16xi32>], vector<16xf32>, vector<16xi1>
        %add3A_1401 = arith.constant 544 : i32
        %add3A_1402 = vector.broadcast %add3A_1401 : i32 to vector<16xi32>
        %add3A_1403 = arith.addi %add3A_1402, %iota3A : vector<16xi32>
        tpu.vector_store_idx %arg8[%broadcast_in_dim3A_1364, %add3A_1403], %gather3A_1400 masked %lt3A_1396 : memref<50x1000xf32, #tpu.memory_space<vmem>>[vector<16xi32>, vector<16xi32>], vector<16xf32>, vector<16xi1>
        %add3A_1404 = arith.constant 560 : i32
        %add3A_1405 = vector.broadcast %add3A_1404 : i32 to vector<16xi32>
        %add3A_1406 = arith.addi %add3A_1405, %iota3A : vector<16xi32>
        %lt3A_1407 = arith.constant 1000 : i32
        %lt3A_1408 = vector.broadcast %lt3A_1407 : i32 to vector<16xi32>
        %lt3A_1409 = arith.cmpi slt, %add3A_1406, %lt3A_1408 : vector<16xi32>
        %add3A_1410 = arith.constant 48 : i32
        %add3A_1411 = vector.broadcast %add3A_1410 : i32 to vector<16xi32>
        %add3A_1412 = arith.addi %add3A_1411, %iota3A : vector<16xi32>
        %gather3A_1413 = tpu.vector_load_idx %arg10[%broadcast_in_dim3A_1362, %add3A_1412] masked %lt3A_1409 : memref<16x128xf32, #tpu.memory_space<vmem>>[vector<16xi32>, vector<16xi32>], vector<16xf32>, vector<16xi1>
        %add3A_1414 = arith.constant 560 : i32
        %add3A_1415 = vector.broadcast %add3A_1414 : i32 to vector<16xi32>
        %add3A_1416 = arith.addi %add3A_1415, %iota3A : vector<16xi32>
        tpu.vector_store_idx %arg8[%broadcast_in_dim3A_1364, %add3A_1416], %gather3A_1413 masked %lt3A_1409 : memref<50x1000xf32, #tpu.memory_space<vmem>>[vector<16xi32>, vector<16xi32>], vector<16xf32>, vector<16xi1>
        %add3A_1417 = arith.constant 576 : i32
        %add3A_1418 = vector.broadcast %add3A_1417 : i32 to vector<16xi32>
        %add3A_1419 = arith.addi %add3A_1418, %iota3A : vector<16xi32>
        %lt3A_1420 = arith.constant 1000 : i32
        %lt3A_1421 = vector.broadcast %lt3A_1420 : i32 to vector<16xi32>
        %lt3A_1422 = arith.cmpi slt, %add3A_1419, %lt3A_1421 : vector<16xi32>
        %add3A_1423 = arith.constant 64 : i32
        %add3A_1424 = vector.broadcast %add3A_1423 : i32 to vector<16xi32>
        %add3A_1425 = arith.addi %add3A_1424, %iota3A : vector<16xi32>
        %gather3A_1426 = tpu.vector_load_idx %arg10[%broadcast_in_dim3A_1362, %add3A_1425] masked %lt3A_1422 : memref<16x128xf32, #tpu.memory_space<vmem>>[vector<16xi32>, vector<16xi32>], vector<16xf32>, vector<16xi1>
        %add3A_1427 = arith.constant 576 : i32
        %add3A_1428 = vector.broadcast %add3A_1427 : i32 to vector<16xi32>
        %add3A_1429 = arith.addi %add3A_1428, %iota3A : vector<16xi32>
        tpu.vector_store_idx %arg8[%broadcast_in_dim3A_1364, %add3A_1429], %gather3A_1426 masked %lt3A_1422 : memref<50x1000xf32, #tpu.memory_space<vmem>>[vector<16xi32>, vector<16xi32>], vector<16xf32>, vector<16xi1>
        %add3A_1430 = arith.constant 592 : i32
        %add3A_1431 = vector.broadcast %add3A_1430 : i32 to vector<16xi32>
        %add3A_1432 = arith.addi %add3A_1431, %iota3A : vector<16xi32>
        %lt3A_1433 = arith.constant 1000 : i32
        %lt3A_1434 = vector.broadcast %lt3A_1433 : i32 to vector<16xi32>
        %lt3A_1435 = arith.cmpi slt, %add3A_1432, %lt3A_1434 : vector<16xi32>
        %add3A_1436 = arith.constant 80 : i32
        %add3A_1437 = vector.broadcast %add3A_1436 : i32 to vector<16xi32>
        %add3A_1438 = arith.addi %add3A_1437, %iota3A : vector<16xi32>
        %gather3A_1439 = tpu.vector_load_idx %arg10[%broadcast_in_dim3A_1362, %add3A_1438] masked %lt3A_1435 : memref<16x128xf32, #tpu.memory_space<vmem>>[vector<16xi32>, vector<16xi32>], vector<16xf32>, vector<16xi1>
        %add3A_1440 = arith.constant 592 : i32
        %add3A_1441 = vector.broadcast %add3A_1440 : i32 to vector<16xi32>
        %add3A_1442 = arith.addi %add3A_1441, %iota3A : vector<16xi32>
        tpu.vector_store_idx %arg8[%broadcast_in_dim3A_1364, %add3A_1442], %gather3A_1439 masked %lt3A_1435 : memref<50x1000xf32, #tpu.memory_space<vmem>>[vector<16xi32>, vector<16xi32>], vector<16xf32>, vector<16xi1>
        %add3A_1443 = arith.constant 608 : i32
        %add3A_1444 = vector.broadcast %add3A_1443 : i32 to vector<16xi32>
        %add3A_1445 = arith.addi %add3A_1444, %iota3A : vector<16xi32>
        %lt3A_1446 = arith.constant 1000 : i32
        %lt3A_1447 = vector.broadcast %lt3A_1446 : i32 to vector<16xi32>
        %lt3A_1448 = arith.cmpi slt, %add3A_1445, %lt3A_1447 : vector<16xi32>
        %add3A_1449 = arith.constant 96 : i32
        %add3A_1450 = vector.broadcast %add3A_1449 : i32 to vector<16xi32>
        %add3A_1451 = arith.addi %add3A_1450, %iota3A : vector<16xi32>
        %gather3A_1452 = tpu.vector_load_idx %arg10[%broadcast_in_dim3A_1362, %add3A_1451] masked %lt3A_1448 : memref<16x128xf32, #tpu.memory_space<vmem>>[vector<16xi32>, vector<16xi32>], vector<16xf32>, vector<16xi1>
        %add3A_1453 = arith.constant 608 : i32
        %add3A_1454 = vector.broadcast %add3A_1453 : i32 to vector<16xi32>
        %add3A_1455 = arith.addi %add3A_1454, %iota3A : vector<16xi32>
        tpu.vector_store_idx %arg8[%broadcast_in_dim3A_1364, %add3A_1455], %gather3A_1452 masked %lt3A_1448 : memref<50x1000xf32, #tpu.memory_space<vmem>>[vector<16xi32>, vector<16xi32>], vector<16xf32>, vector<16xi1>
        %add3A_1456 = arith.constant 624 : i32
        %add3A_1457 = vector.broadcast %add3A_1456 : i32 to vector<16xi32>
        %add3A_1458 = arith.addi %add3A_1457, %iota3A : vector<16xi32>
        %lt3A_1459 = arith.constant 1000 : i32
        %lt3A_1460 = vector.broadcast %lt3A_1459 : i32 to vector<16xi32>
        %lt3A_1461 = arith.cmpi slt, %add3A_1458, %lt3A_1460 : vector<16xi32>
        %add3A_1462 = arith.constant 112 : i32
        %add3A_1463 = vector.broadcast %add3A_1462 : i32 to vector<16xi32>
        %add3A_1464 = arith.addi %add3A_1463, %iota3A : vector<16xi32>
        %gather3A_1465 = tpu.vector_load_idx %arg10[%broadcast_in_dim3A_1362, %add3A_1464] masked %lt3A_1461 : memref<16x128xf32, #tpu.memory_space<vmem>>[vector<16xi32>, vector<16xi32>], vector<16xf32>, vector<16xi1>
        %add3A_1466 = arith.constant 624 : i32
        %add3A_1467 = vector.broadcast %add3A_1466 : i32 to vector<16xi32>
        %add3A_1468 = arith.addi %add3A_1467, %iota3A : vector<16xi32>
        tpu.vector_store_idx %arg8[%broadcast_in_dim3A_1364, %add3A_1468], %gather3A_1465 masked %lt3A_1461 : memref<50x1000xf32, #tpu.memory_space<vmem>>[vector<16xi32>, vector<16xi32>], vector<16xf32>, vector<16xi1>
        %broadcast_in_dim3A_1469 = arith.constant 13 : i32
        %broadcast_in_dim3A_1470 = vector.broadcast %broadcast_in_dim3A_1469 : i32 to vector<16xi32>
        %broadcast_in_dim3A_1471 = arith.constant 49 : i32
        %broadcast_in_dim3A_1472 = vector.broadcast %broadcast_in_dim3A_1471 : i32 to vector<16xi32>
        %add3A_1473 = arith.constant 640 : i32
        %add3A_1474 = vector.broadcast %add3A_1473 : i32 to vector<16xi32>
        %add3A_1475 = arith.addi %add3A_1474, %iota3A : vector<16xi32>
        %lt3A_1476 = arith.constant 1000 : i32
        %lt3A_1477 = vector.broadcast %lt3A_1476 : i32 to vector<16xi32>
        %lt3A_1478 = arith.cmpi slt, %add3A_1475, %lt3A_1477 : vector<16xi32>
        %add3A_1479 = arith.constant 0 : i32
        %add3A_1480 = vector.broadcast %add3A_1479 : i32 to vector<16xi32>
        %add3A_1481 = arith.addi %add3A_1480, %iota3A : vector<16xi32>
        %gather3A_1482 = tpu.vector_load_idx %arg10[%broadcast_in_dim3A_1470, %add3A_1481] masked %lt3A_1478 : memref<16x128xf32, #tpu.memory_space<vmem>>[vector<16xi32>, vector<16xi32>], vector<16xf32>, vector<16xi1>
        %add3A_1483 = arith.constant 640 : i32
        %add3A_1484 = vector.broadcast %add3A_1483 : i32 to vector<16xi32>
        %add3A_1485 = arith.addi %add3A_1484, %iota3A : vector<16xi32>
        tpu.vector_store_idx %arg8[%broadcast_in_dim3A_1472, %add3A_1485], %gather3A_1482 masked %lt3A_1478 : memref<50x1000xf32, #tpu.memory_space<vmem>>[vector<16xi32>, vector<16xi32>], vector<16xf32>, vector<16xi1>
        %add3A_1486 = arith.constant 656 : i32
        %add3A_1487 = vector.broadcast %add3A_1486 : i32 to vector<16xi32>
        %add3A_1488 = arith.addi %add3A_1487, %iota3A : vector<16xi32>
        %lt3A_1489 = arith.constant 1000 : i32
        %lt3A_1490 = vector.broadcast %lt3A_1489 : i32 to vector<16xi32>
        %lt3A_1491 = arith.cmpi slt, %add3A_1488, %lt3A_1490 : vector<16xi32>
        %add3A_1492 = arith.constant 16 : i32
        %add3A_1493 = vector.broadcast %add3A_1492 : i32 to vector<16xi32>
        %add3A_1494 = arith.addi %add3A_1493, %iota3A : vector<16xi32>
        %gather3A_1495 = tpu.vector_load_idx %arg10[%broadcast_in_dim3A_1470, %add3A_1494] masked %lt3A_1491 : memref<16x128xf32, #tpu.memory_space<vmem>>[vector<16xi32>, vector<16xi32>], vector<16xf32>, vector<16xi1>
        %add3A_1496 = arith.constant 656 : i32
        %add3A_1497 = vector.broadcast %add3A_1496 : i32 to vector<16xi32>
        %add3A_1498 = arith.addi %add3A_1497, %iota3A : vector<16xi32>
        tpu.vector_store_idx %arg8[%broadcast_in_dim3A_1472, %add3A_1498], %gather3A_1495 masked %lt3A_1491 : memref<50x1000xf32, #tpu.memory_space<vmem>>[vector<16xi32>, vector<16xi32>], vector<16xf32>, vector<16xi1>
        %add3A_1499 = arith.constant 672 : i32
        %add3A_1500 = vector.broadcast %add3A_1499 : i32 to vector<16xi32>
        %add3A_1501 = arith.addi %add3A_1500, %iota3A : vector<16xi32>
        %lt3A_1502 = arith.constant 1000 : i32
        %lt3A_1503 = vector.broadcast %lt3A_1502 : i32 to vector<16xi32>
        %lt3A_1504 = arith.cmpi slt, %add3A_1501, %lt3A_1503 : vector<16xi32>
        %add3A_1505 = arith.constant 32 : i32
        %add3A_1506 = vector.broadcast %add3A_1505 : i32 to vector<16xi32>
        %add3A_1507 = arith.addi %add3A_1506, %iota3A : vector<16xi32>
        %gather3A_1508 = tpu.vector_load_idx %arg10[%broadcast_in_dim3A_1470, %add3A_1507] masked %lt3A_1504 : memref<16x128xf32, #tpu.memory_space<vmem>>[vector<16xi32>, vector<16xi32>], vector<16xf32>, vector<16xi1>
        %add3A_1509 = arith.constant 672 : i32
        %add3A_1510 = vector.broadcast %add3A_1509 : i32 to vector<16xi32>
        %add3A_1511 = arith.addi %add3A_1510, %iota3A : vector<16xi32>
        tpu.vector_store_idx %arg8[%broadcast_in_dim3A_1472, %add3A_1511], %gather3A_1508 masked %lt3A_1504 : memref<50x1000xf32, #tpu.memory_space<vmem>>[vector<16xi32>, vector<16xi32>], vector<16xf32>, vector<16xi1>
        %add3A_1512 = arith.constant 688 : i32
        %add3A_1513 = vector.broadcast %add3A_1512 : i32 to vector<16xi32>
        %add3A_1514 = arith.addi %add3A_1513, %iota3A : vector<16xi32>
        %lt3A_1515 = arith.constant 1000 : i32
        %lt3A_1516 = vector.broadcast %lt3A_1515 : i32 to vector<16xi32>
        %lt3A_1517 = arith.cmpi slt, %add3A_1514, %lt3A_1516 : vector<16xi32>
        %add3A_1518 = arith.constant 48 : i32
        %add3A_1519 = vector.broadcast %add3A_1518 : i32 to vector<16xi32>
        %add3A_1520 = arith.addi %add3A_1519, %iota3A : vector<16xi32>
        %gather3A_1521 = tpu.vector_load_idx %arg10[%broadcast_in_dim3A_1470, %add3A_1520] masked %lt3A_1517 : memref<16x128xf32, #tpu.memory_space<vmem>>[vector<16xi32>, vector<16xi32>], vector<16xf32>, vector<16xi1>
        %add3A_1522 = arith.constant 688 : i32
        %add3A_1523 = vector.broadcast %add3A_1522 : i32 to vector<16xi32>
        %add3A_1524 = arith.addi %add3A_1523, %iota3A : vector<16xi32>
        tpu.vector_store_idx %arg8[%broadcast_in_dim3A_1472, %add3A_1524], %gather3A_1521 masked %lt3A_1517 : memref<50x1000xf32, #tpu.memory_space<vmem>>[vector<16xi32>, vector<16xi32>], vector<16xf32>, vector<16xi1>
        %add3A_1525 = arith.constant 704 : i32
        %add3A_1526 = vector.broadcast %add3A_1525 : i32 to vector<16xi32>
        %add3A_1527 = arith.addi %add3A_1526, %iota3A : vector<16xi32>
        %lt3A_1528 = arith.constant 1000 : i32
        %lt3A_1529 = vector.broadcast %lt3A_1528 : i32 to vector<16xi32>
        %lt3A_1530 = arith.cmpi slt, %add3A_1527, %lt3A_1529 : vector<16xi32>
        %add3A_1531 = arith.constant 64 : i32
        %add3A_1532 = vector.broadcast %add3A_1531 : i32 to vector<16xi32>
        %add3A_1533 = arith.addi %add3A_1532, %iota3A : vector<16xi32>
        %gather3A_1534 = tpu.vector_load_idx %arg10[%broadcast_in_dim3A_1470, %add3A_1533] masked %lt3A_1530 : memref<16x128xf32, #tpu.memory_space<vmem>>[vector<16xi32>, vector<16xi32>], vector<16xf32>, vector<16xi1>
        %add3A_1535 = arith.constant 704 : i32
        %add3A_1536 = vector.broadcast %add3A_1535 : i32 to vector<16xi32>
        %add3A_1537 = arith.addi %add3A_1536, %iota3A : vector<16xi32>
        tpu.vector_store_idx %arg8[%broadcast_in_dim3A_1472, %add3A_1537], %gather3A_1534 masked %lt3A_1530 : memref<50x1000xf32, #tpu.memory_space<vmem>>[vector<16xi32>, vector<16xi32>], vector<16xf32>, vector<16xi1>
        %add3A_1538 = arith.constant 720 : i32
        %add3A_1539 = vector.broadcast %add3A_1538 : i32 to vector<16xi32>
        %add3A_1540 = arith.addi %add3A_1539, %iota3A : vector<16xi32>
        %lt3A_1541 = arith.constant 1000 : i32
        %lt3A_1542 = vector.broadcast %lt3A_1541 : i32 to vector<16xi32>
        %lt3A_1543 = arith.cmpi slt, %add3A_1540, %lt3A_1542 : vector<16xi32>
        %add3A_1544 = arith.constant 80 : i32
        %add3A_1545 = vector.broadcast %add3A_1544 : i32 to vector<16xi32>
        %add3A_1546 = arith.addi %add3A_1545, %iota3A : vector<16xi32>
        %gather3A_1547 = tpu.vector_load_idx %arg10[%broadcast_in_dim3A_1470, %add3A_1546] masked %lt3A_1543 : memref<16x128xf32, #tpu.memory_space<vmem>>[vector<16xi32>, vector<16xi32>], vector<16xf32>, vector<16xi1>
        %add3A_1548 = arith.constant 720 : i32
        %add3A_1549 = vector.broadcast %add3A_1548 : i32 to vector<16xi32>
        %add3A_1550 = arith.addi %add3A_1549, %iota3A : vector<16xi32>
        tpu.vector_store_idx %arg8[%broadcast_in_dim3A_1472, %add3A_1550], %gather3A_1547 masked %lt3A_1543 : memref<50x1000xf32, #tpu.memory_space<vmem>>[vector<16xi32>, vector<16xi32>], vector<16xf32>, vector<16xi1>
        %add3A_1551 = arith.constant 736 : i32
        %add3A_1552 = vector.broadcast %add3A_1551 : i32 to vector<16xi32>
        %add3A_1553 = arith.addi %add3A_1552, %iota3A : vector<16xi32>
        %lt3A_1554 = arith.constant 1000 : i32
        %lt3A_1555 = vector.broadcast %lt3A_1554 : i32 to vector<16xi32>
        %lt3A_1556 = arith.cmpi slt, %add3A_1553, %lt3A_1555 : vector<16xi32>
        %add3A_1557 = arith.constant 96 : i32
        %add3A_1558 = vector.broadcast %add3A_1557 : i32 to vector<16xi32>
        %add3A_1559 = arith.addi %add3A_1558, %iota3A : vector<16xi32>
        %gather3A_1560 = tpu.vector_load_idx %arg10[%broadcast_in_dim3A_1470, %add3A_1559] masked %lt3A_1556 : memref<16x128xf32, #tpu.memory_space<vmem>>[vector<16xi32>, vector<16xi32>], vector<16xf32>, vector<16xi1>
        %add3A_1561 = arith.constant 736 : i32
        %add3A_1562 = vector.broadcast %add3A_1561 : i32 to vector<16xi32>
        %add3A_1563 = arith.addi %add3A_1562, %iota3A : vector<16xi32>
        tpu.vector_store_idx %arg8[%broadcast_in_dim3A_1472, %add3A_1563], %gather3A_1560 masked %lt3A_1556 : memref<50x1000xf32, #tpu.memory_space<vmem>>[vector<16xi32>, vector<16xi32>], vector<16xf32>, vector<16xi1>
        %add3A_1564 = arith.constant 752 : i32
        %add3A_1565 = vector.broadcast %add3A_1564 : i32 to vector<16xi32>
        %add3A_1566 = arith.addi %add3A_1565, %iota3A : vector<16xi32>
        %lt3A_1567 = arith.constant 1000 : i32
        %lt3A_1568 = vector.broadcast %lt3A_1567 : i32 to vector<16xi32>
        %lt3A_1569 = arith.cmpi slt, %add3A_1566, %lt3A_1568 : vector<16xi32>
        %add3A_1570 = arith.constant 112 : i32
        %add3A_1571 = vector.broadcast %add3A_1570 : i32 to vector<16xi32>
        %add3A_1572 = arith.addi %add3A_1571, %iota3A : vector<16xi32>
        %gather3A_1573 = tpu.vector_load_idx %arg10[%broadcast_in_dim3A_1470, %add3A_1572] masked %lt3A_1569 : memref<16x128xf32, #tpu.memory_space<vmem>>[vector<16xi32>, vector<16xi32>], vector<16xf32>, vector<16xi1>
        %add3A_1574 = arith.constant 752 : i32
        %add3A_1575 = vector.broadcast %add3A_1574 : i32 to vector<16xi32>
        %add3A_1576 = arith.addi %add3A_1575, %iota3A : vector<16xi32>
        tpu.vector_store_idx %arg8[%broadcast_in_dim3A_1472, %add3A_1576], %gather3A_1573 masked %lt3A_1569 : memref<50x1000xf32, #tpu.memory_space<vmem>>[vector<16xi32>, vector<16xi32>], vector<16xf32>, vector<16xi1>
        %broadcast_in_dim3A_1577 = arith.constant 14 : i32
        %broadcast_in_dim3A_1578 = vector.broadcast %broadcast_in_dim3A_1577 : i32 to vector<16xi32>
        %broadcast_in_dim3A_1579 = arith.constant 49 : i32
        %broadcast_in_dim3A_1580 = vector.broadcast %broadcast_in_dim3A_1579 : i32 to vector<16xi32>
        %add3A_1581 = arith.constant 768 : i32
        %add3A_1582 = vector.broadcast %add3A_1581 : i32 to vector<16xi32>
        %add3A_1583 = arith.addi %add3A_1582, %iota3A : vector<16xi32>
        %lt3A_1584 = arith.constant 1000 : i32
        %lt3A_1585 = vector.broadcast %lt3A_1584 : i32 to vector<16xi32>
        %lt3A_1586 = arith.cmpi slt, %add3A_1583, %lt3A_1585 : vector<16xi32>
        %add3A_1587 = arith.constant 0 : i32
        %add3A_1588 = vector.broadcast %add3A_1587 : i32 to vector<16xi32>
        %add3A_1589 = arith.addi %add3A_1588, %iota3A : vector<16xi32>
        %gather3A_1590 = tpu.vector_load_idx %arg10[%broadcast_in_dim3A_1578, %add3A_1589] masked %lt3A_1586 : memref<16x128xf32, #tpu.memory_space<vmem>>[vector<16xi32>, vector<16xi32>], vector<16xf32>, vector<16xi1>
        %add3A_1591 = arith.constant 768 : i32
        %add3A_1592 = vector.broadcast %add3A_1591 : i32 to vector<16xi32>
        %add3A_1593 = arith.addi %add3A_1592, %iota3A : vector<16xi32>
        tpu.vector_store_idx %arg8[%broadcast_in_dim3A_1580, %add3A_1593], %gather3A_1590 masked %lt3A_1586 : memref<50x1000xf32, #tpu.memory_space<vmem>>[vector<16xi32>, vector<16xi32>], vector<16xf32>, vector<16xi1>
        %add3A_1594 = arith.constant 784 : i32
        %add3A_1595 = vector.broadcast %add3A_1594 : i32 to vector<16xi32>
        %add3A_1596 = arith.addi %add3A_1595, %iota3A : vector<16xi32>
        %lt3A_1597 = arith.constant 1000 : i32
        %lt3A_1598 = vector.broadcast %lt3A_1597 : i32 to vector<16xi32>
        %lt3A_1599 = arith.cmpi slt, %add3A_1596, %lt3A_1598 : vector<16xi32>
        %add3A_1600 = arith.constant 16 : i32
        %add3A_1601 = vector.broadcast %add3A_1600 : i32 to vector<16xi32>
        %add3A_1602 = arith.addi %add3A_1601, %iota3A : vector<16xi32>
        %gather3A_1603 = tpu.vector_load_idx %arg10[%broadcast_in_dim3A_1578, %add3A_1602] masked %lt3A_1599 : memref<16x128xf32, #tpu.memory_space<vmem>>[vector<16xi32>, vector<16xi32>], vector<16xf32>, vector<16xi1>
        %add3A_1604 = arith.constant 784 : i32
        %add3A_1605 = vector.broadcast %add3A_1604 : i32 to vector<16xi32>
        %add3A_1606 = arith.addi %add3A_1605, %iota3A : vector<16xi32>
        tpu.vector_store_idx %arg8[%broadcast_in_dim3A_1580, %add3A_1606], %gather3A_1603 masked %lt3A_1599 : memref<50x1000xf32, #tpu.memory_space<vmem>>[vector<16xi32>, vector<16xi32>], vector<16xf32>, vector<16xi1>
        %add3A_1607 = arith.constant 800 : i32
        %add3A_1608 = vector.broadcast %add3A_1607 : i32 to vector<16xi32>
        %add3A_1609 = arith.addi %add3A_1608, %iota3A : vector<16xi32>
        %lt3A_1610 = arith.constant 1000 : i32
        %lt3A_1611 = vector.broadcast %lt3A_1610 : i32 to vector<16xi32>
        %lt3A_1612 = arith.cmpi slt, %add3A_1609, %lt3A_1611 : vector<16xi32>
        %add3A_1613 = arith.constant 32 : i32
        %add3A_1614 = vector.broadcast %add3A_1613 : i32 to vector<16xi32>
        %add3A_1615 = arith.addi %add3A_1614, %iota3A : vector<16xi32>
        %gather3A_1616 = tpu.vector_load_idx %arg10[%broadcast_in_dim3A_1578, %add3A_1615] masked %lt3A_1612 : memref<16x128xf32, #tpu.memory_space<vmem>>[vector<16xi32>, vector<16xi32>], vector<16xf32>, vector<16xi1>
        %add3A_1617 = arith.constant 800 : i32
        %add3A_1618 = vector.broadcast %add3A_1617 : i32 to vector<16xi32>
        %add3A_1619 = arith.addi %add3A_1618, %iota3A : vector<16xi32>
        tpu.vector_store_idx %arg8[%broadcast_in_dim3A_1580, %add3A_1619], %gather3A_1616 masked %lt3A_1612 : memref<50x1000xf32, #tpu.memory_space<vmem>>[vector<16xi32>, vector<16xi32>], vector<16xf32>, vector<16xi1>
        %add3A_1620 = arith.constant 816 : i32
        %add3A_1621 = vector.broadcast %add3A_1620 : i32 to vector<16xi32>
        %add3A_1622 = arith.addi %add3A_1621, %iota3A : vector<16xi32>
        %lt3A_1623 = arith.constant 1000 : i32
        %lt3A_1624 = vector.broadcast %lt3A_1623 : i32 to vector<16xi32>
        %lt3A_1625 = arith.cmpi slt, %add3A_1622, %lt3A_1624 : vector<16xi32>
        %add3A_1626 = arith.constant 48 : i32
        %add3A_1627 = vector.broadcast %add3A_1626 : i32 to vector<16xi32>
        %add3A_1628 = arith.addi %add3A_1627, %iota3A : vector<16xi32>
        %gather3A_1629 = tpu.vector_load_idx %arg10[%broadcast_in_dim3A_1578, %add3A_1628] masked %lt3A_1625 : memref<16x128xf32, #tpu.memory_space<vmem>>[vector<16xi32>, vector<16xi32>], vector<16xf32>, vector<16xi1>
        %add3A_1630 = arith.constant 816 : i32
        %add3A_1631 = vector.broadcast %add3A_1630 : i32 to vector<16xi32>
        %add3A_1632 = arith.addi %add3A_1631, %iota3A : vector<16xi32>
        tpu.vector_store_idx %arg8[%broadcast_in_dim3A_1580, %add3A_1632], %gather3A_1629 masked %lt3A_1625 : memref<50x1000xf32, #tpu.memory_space<vmem>>[vector<16xi32>, vector<16xi32>], vector<16xf32>, vector<16xi1>
        %add3A_1633 = arith.constant 832 : i32
        %add3A_1634 = vector.broadcast %add3A_1633 : i32 to vector<16xi32>
        %add3A_1635 = arith.addi %add3A_1634, %iota3A : vector<16xi32>
        %lt3A_1636 = arith.constant 1000 : i32
        %lt3A_1637 = vector.broadcast %lt3A_1636 : i32 to vector<16xi32>
        %lt3A_1638 = arith.cmpi slt, %add3A_1635, %lt3A_1637 : vector<16xi32>
        %add3A_1639 = arith.constant 64 : i32
        %add3A_1640 = vector.broadcast %add3A_1639 : i32 to vector<16xi32>
        %add3A_1641 = arith.addi %add3A_1640, %iota3A : vector<16xi32>
        %gather3A_1642 = tpu.vector_load_idx %arg10[%broadcast_in_dim3A_1578, %add3A_1641] masked %lt3A_1638 : memref<16x128xf32, #tpu.memory_space<vmem>>[vector<16xi32>, vector<16xi32>], vector<16xf32>, vector<16xi1>
        %add3A_1643 = arith.constant 832 : i32
        %add3A_1644 = vector.broadcast %add3A_1643 : i32 to vector<16xi32>
        %add3A_1645 = arith.addi %add3A_1644, %iota3A : vector<16xi32>
        tpu.vector_store_idx %arg8[%broadcast_in_dim3A_1580, %add3A_1645], %gather3A_1642 masked %lt3A_1638 : memref<50x1000xf32, #tpu.memory_space<vmem>>[vector<16xi32>, vector<16xi32>], vector<16xf32>, vector<16xi1>
        %add3A_1646 = arith.constant 848 : i32
        %add3A_1647 = vector.broadcast %add3A_1646 : i32 to vector<16xi32>
        %add3A_1648 = arith.addi %add3A_1647, %iota3A : vector<16xi32>
        %lt3A_1649 = arith.constant 1000 : i32
        %lt3A_1650 = vector.broadcast %lt3A_1649 : i32 to vector<16xi32>
        %lt3A_1651 = arith.cmpi slt, %add3A_1648, %lt3A_1650 : vector<16xi32>
        %add3A_1652 = arith.constant 80 : i32
        %add3A_1653 = vector.broadcast %add3A_1652 : i32 to vector<16xi32>
        %add3A_1654 = arith.addi %add3A_1653, %iota3A : vector<16xi32>
        %gather3A_1655 = tpu.vector_load_idx %arg10[%broadcast_in_dim3A_1578, %add3A_1654] masked %lt3A_1651 : memref<16x128xf32, #tpu.memory_space<vmem>>[vector<16xi32>, vector<16xi32>], vector<16xf32>, vector<16xi1>
        %add3A_1656 = arith.constant 848 : i32
        %add3A_1657 = vector.broadcast %add3A_1656 : i32 to vector<16xi32>
        %add3A_1658 = arith.addi %add3A_1657, %iota3A : vector<16xi32>
        tpu.vector_store_idx %arg8[%broadcast_in_dim3A_1580, %add3A_1658], %gather3A_1655 masked %lt3A_1651 : memref<50x1000xf32, #tpu.memory_space<vmem>>[vector<16xi32>, vector<16xi32>], vector<16xf32>, vector<16xi1>
        %add3A_1659 = arith.constant 864 : i32
        %add3A_1660 = vector.broadcast %add3A_1659 : i32 to vector<16xi32>
        %add3A_1661 = arith.addi %add3A_1660, %iota3A : vector<16xi32>
        %lt3A_1662 = arith.constant 1000 : i32
        %lt3A_1663 = vector.broadcast %lt3A_1662 : i32 to vector<16xi32>
        %lt3A_1664 = arith.cmpi slt, %add3A_1661, %lt3A_1663 : vector<16xi32>
        %add3A_1665 = arith.constant 96 : i32
        %add3A_1666 = vector.broadcast %add3A_1665 : i32 to vector<16xi32>
        %add3A_1667 = arith.addi %add3A_1666, %iota3A : vector<16xi32>
        %gather3A_1668 = tpu.vector_load_idx %arg10[%broadcast_in_dim3A_1578, %add3A_1667] masked %lt3A_1664 : memref<16x128xf32, #tpu.memory_space<vmem>>[vector<16xi32>, vector<16xi32>], vector<16xf32>, vector<16xi1>
        %add3A_1669 = arith.constant 864 : i32
        %add3A_1670 = vector.broadcast %add3A_1669 : i32 to vector<16xi32>
        %add3A_1671 = arith.addi %add3A_1670, %iota3A : vector<16xi32>
        tpu.vector_store_idx %arg8[%broadcast_in_dim3A_1580, %add3A_1671], %gather3A_1668 masked %lt3A_1664 : memref<50x1000xf32, #tpu.memory_space<vmem>>[vector<16xi32>, vector<16xi32>], vector<16xf32>, vector<16xi1>
        %add3A_1672 = arith.constant 880 : i32
        %add3A_1673 = vector.broadcast %add3A_1672 : i32 to vector<16xi32>
        %add3A_1674 = arith.addi %add3A_1673, %iota3A : vector<16xi32>
        %lt3A_1675 = arith.constant 1000 : i32
        %lt3A_1676 = vector.broadcast %lt3A_1675 : i32 to vector<16xi32>
        %lt3A_1677 = arith.cmpi slt, %add3A_1674, %lt3A_1676 : vector<16xi32>
        %add3A_1678 = arith.constant 112 : i32
        %add3A_1679 = vector.broadcast %add3A_1678 : i32 to vector<16xi32>
        %add3A_1680 = arith.addi %add3A_1679, %iota3A : vector<16xi32>
        %gather3A_1681 = tpu.vector_load_idx %arg10[%broadcast_in_dim3A_1578, %add3A_1680] masked %lt3A_1677 : memref<16x128xf32, #tpu.memory_space<vmem>>[vector<16xi32>, vector<16xi32>], vector<16xf32>, vector<16xi1>
        %add3A_1682 = arith.constant 880 : i32
        %add3A_1683 = vector.broadcast %add3A_1682 : i32 to vector<16xi32>
        %add3A_1684 = arith.addi %add3A_1683, %iota3A : vector<16xi32>
        tpu.vector_store_idx %arg8[%broadcast_in_dim3A_1580, %add3A_1684], %gather3A_1681 masked %lt3A_1677 : memref<50x1000xf32, #tpu.memory_space<vmem>>[vector<16xi32>, vector<16xi32>], vector<16xf32>, vector<16xi1>
        %broadcast_in_dim3A_1685 = arith.constant 15 : i32
        %broadcast_in_dim3A_1686 = vector.broadcast %broadcast_in_dim3A_1685 : i32 to vector<16xi32>
        %broadcast_in_dim3A_1687 = arith.constant 49 : i32
        %broadcast_in_dim3A_1688 = vector.broadcast %broadcast_in_dim3A_1687 : i32 to vector<16xi32>
        %add3A_1689 = arith.constant 896 : i32
        %add3A_1690 = vector.broadcast %add3A_1689 : i32 to vector<16xi32>
        %add3A_1691 = arith.addi %add3A_1690, %iota3A : vector<16xi32>
        %lt3A_1692 = arith.constant 1000 : i32
        %lt3A_1693 = vector.broadcast %lt3A_1692 : i32 to vector<16xi32>
        %lt3A_1694 = arith.cmpi slt, %add3A_1691, %lt3A_1693 : vector<16xi32>
        %add3A_1695 = arith.constant 0 : i32
        %add3A_1696 = vector.broadcast %add3A_1695 : i32 to vector<16xi32>
        %add3A_1697 = arith.addi %add3A_1696, %iota3A : vector<16xi32>
        %gather3A_1698 = tpu.vector_load_idx %arg10[%broadcast_in_dim3A_1686, %add3A_1697] masked %lt3A_1694 : memref<16x128xf32, #tpu.memory_space<vmem>>[vector<16xi32>, vector<16xi32>], vector<16xf32>, vector<16xi1>
        %add3A_1699 = arith.constant 896 : i32
        %add3A_1700 = vector.broadcast %add3A_1699 : i32 to vector<16xi32>
        %add3A_1701 = arith.addi %add3A_1700, %iota3A : vector<16xi32>
        tpu.vector_store_idx %arg8[%broadcast_in_dim3A_1688, %add3A_1701], %gather3A_1698 masked %lt3A_1694 : memref<50x1000xf32, #tpu.memory_space<vmem>>[vector<16xi32>, vector<16xi32>], vector<16xf32>, vector<16xi1>
        %add3A_1702 = arith.constant 912 : i32
        %add3A_1703 = vector.broadcast %add3A_1702 : i32 to vector<16xi32>
        %add3A_1704 = arith.addi %add3A_1703, %iota3A : vector<16xi32>
        %lt3A_1705 = arith.constant 1000 : i32
        %lt3A_1706 = vector.broadcast %lt3A_1705 : i32 to vector<16xi32>
        %lt3A_1707 = arith.cmpi slt, %add3A_1704, %lt3A_1706 : vector<16xi32>
        %add3A_1708 = arith.constant 16 : i32
        %add3A_1709 = vector.broadcast %add3A_1708 : i32 to vector<16xi32>
        %add3A_1710 = arith.addi %add3A_1709, %iota3A : vector<16xi32>
        %gather3A_1711 = tpu.vector_load_idx %arg10[%broadcast_in_dim3A_1686, %add3A_1710] masked %lt3A_1707 : memref<16x128xf32, #tpu.memory_space<vmem>>[vector<16xi32>, vector<16xi32>], vector<16xf32>, vector<16xi1>
        %add3A_1712 = arith.constant 912 : i32
        %add3A_1713 = vector.broadcast %add3A_1712 : i32 to vector<16xi32>
        %add3A_1714 = arith.addi %add3A_1713, %iota3A : vector<16xi32>
        tpu.vector_store_idx %arg8[%broadcast_in_dim3A_1688, %add3A_1714], %gather3A_1711 masked %lt3A_1707 : memref<50x1000xf32, #tpu.memory_space<vmem>>[vector<16xi32>, vector<16xi32>], vector<16xf32>, vector<16xi1>
        %add3A_1715 = arith.constant 928 : i32
        %add3A_1716 = vector.broadcast %add3A_1715 : i32 to vector<16xi32>
        %add3A_1717 = arith.addi %add3A_1716, %iota3A : vector<16xi32>
        %lt3A_1718 = arith.constant 1000 : i32
        %lt3A_1719 = vector.broadcast %lt3A_1718 : i32 to vector<16xi32>
        %lt3A_1720 = arith.cmpi slt, %add3A_1717, %lt3A_1719 : vector<16xi32>
        %add3A_1721 = arith.constant 32 : i32
        %add3A_1722 = vector.broadcast %add3A_1721 : i32 to vector<16xi32>
        %add3A_1723 = arith.addi %add3A_1722, %iota3A : vector<16xi32>
        %gather3A_1724 = tpu.vector_load_idx %arg10[%broadcast_in_dim3A_1686, %add3A_1723] masked %lt3A_1720 : memref<16x128xf32, #tpu.memory_space<vmem>>[vector<16xi32>, vector<16xi32>], vector<16xf32>, vector<16xi1>
        %add3A_1725 = arith.constant 928 : i32
        %add3A_1726 = vector.broadcast %add3A_1725 : i32 to vector<16xi32>
        %add3A_1727 = arith.addi %add3A_1726, %iota3A : vector<16xi32>
        tpu.vector_store_idx %arg8[%broadcast_in_dim3A_1688, %add3A_1727], %gather3A_1724 masked %lt3A_1720 : memref<50x1000xf32, #tpu.memory_space<vmem>>[vector<16xi32>, vector<16xi32>], vector<16xf32>, vector<16xi1>
        %add3A_1728 = arith.constant 944 : i32
        %add3A_1729 = vector.broadcast %add3A_1728 : i32 to vector<16xi32>
        %add3A_1730 = arith.addi %add3A_1729, %iota3A : vector<16xi32>
        %lt3A_1731 = arith.constant 1000 : i32
        %lt3A_1732 = vector.broadcast %lt3A_1731 : i32 to vector<16xi32>
        %lt3A_1733 = arith.cmpi slt, %add3A_1730, %lt3A_1732 : vector<16xi32>
        %add3A_1734 = arith.constant 48 : i32
        %add3A_1735 = vector.broadcast %add3A_1734 : i32 to vector<16xi32>
        %add3A_1736 = arith.addi %add3A_1735, %iota3A : vector<16xi32>
        %gather3A_1737 = tpu.vector_load_idx %arg10[%broadcast_in_dim3A_1686, %add3A_1736] masked %lt3A_1733 : memref<16x128xf32, #tpu.memory_space<vmem>>[vector<16xi32>, vector<16xi32>], vector<16xf32>, vector<16xi1>
        %add3A_1738 = arith.constant 944 : i32
        %add3A_1739 = vector.broadcast %add3A_1738 : i32 to vector<16xi32>
        %add3A_1740 = arith.addi %add3A_1739, %iota3A : vector<16xi32>
        tpu.vector_store_idx %arg8[%broadcast_in_dim3A_1688, %add3A_1740], %gather3A_1737 masked %lt3A_1733 : memref<50x1000xf32, #tpu.memory_space<vmem>>[vector<16xi32>, vector<16xi32>], vector<16xf32>, vector<16xi1>
        %add3A_1741 = arith.constant 960 : i32
        %add3A_1742 = vector.broadcast %add3A_1741 : i32 to vector<16xi32>
        %add3A_1743 = arith.addi %add3A_1742, %iota3A : vector<16xi32>
        %lt3A_1744 = arith.constant 1000 : i32
        %lt3A_1745 = vector.broadcast %lt3A_1744 : i32 to vector<16xi32>
        %lt3A_1746 = arith.cmpi slt, %add3A_1743, %lt3A_1745 : vector<16xi32>
        %add3A_1747 = arith.constant 64 : i32
        %add3A_1748 = vector.broadcast %add3A_1747 : i32 to vector<16xi32>
        %add3A_1749 = arith.addi %add3A_1748, %iota3A : vector<16xi32>
        %gather3A_1750 = tpu.vector_load_idx %arg10[%broadcast_in_dim3A_1686, %add3A_1749] masked %lt3A_1746 : memref<16x128xf32, #tpu.memory_space<vmem>>[vector<16xi32>, vector<16xi32>], vector<16xf32>, vector<16xi1>
        %add3A_1751 = arith.constant 960 : i32
        %add3A_1752 = vector.broadcast %add3A_1751 : i32 to vector<16xi32>
        %add3A_1753 = arith.addi %add3A_1752, %iota3A : vector<16xi32>
        tpu.vector_store_idx %arg8[%broadcast_in_dim3A_1688, %add3A_1753], %gather3A_1750 masked %lt3A_1746 : memref<50x1000xf32, #tpu.memory_space<vmem>>[vector<16xi32>, vector<16xi32>], vector<16xf32>, vector<16xi1>
        %add3A_1754 = arith.constant 976 : i32
        %add3A_1755 = vector.broadcast %add3A_1754 : i32 to vector<16xi32>
        %add3A_1756 = arith.addi %add3A_1755, %iota3A : vector<16xi32>
        %lt3A_1757 = arith.constant 1000 : i32
        %lt3A_1758 = vector.broadcast %lt3A_1757 : i32 to vector<16xi32>
        %lt3A_1759 = arith.cmpi slt, %add3A_1756, %lt3A_1758 : vector<16xi32>
        %add3A_1760 = arith.constant 80 : i32
        %add3A_1761 = vector.broadcast %add3A_1760 : i32 to vector<16xi32>
        %add3A_1762 = arith.addi %add3A_1761, %iota3A : vector<16xi32>
        %gather3A_1763 = tpu.vector_load_idx %arg10[%broadcast_in_dim3A_1686, %add3A_1762] masked %lt3A_1759 : memref<16x128xf32, #tpu.memory_space<vmem>>[vector<16xi32>, vector<16xi32>], vector<16xf32>, vector<16xi1>
        %add3A_1764 = arith.constant 976 : i32
        %add3A_1765 = vector.broadcast %add3A_1764 : i32 to vector<16xi32>
        %add3A_1766 = arith.addi %add3A_1765, %iota3A : vector<16xi32>
        tpu.vector_store_idx %arg8[%broadcast_in_dim3A_1688, %add3A_1766], %gather3A_1763 masked %lt3A_1759 : memref<50x1000xf32, #tpu.memory_space<vmem>>[vector<16xi32>, vector<16xi32>], vector<16xf32>, vector<16xi1>
        %add3A_1767 = arith.constant 992 : i32
        %add3A_1768 = vector.broadcast %add3A_1767 : i32 to vector<16xi32>
        %add3A_1769 = arith.addi %add3A_1768, %iota3A : vector<16xi32>
        %lt3A_1770 = arith.constant 1000 : i32
        %lt3A_1771 = vector.broadcast %lt3A_1770 : i32 to vector<16xi32>
        %lt3A_1772 = arith.cmpi slt, %add3A_1769, %lt3A_1771 : vector<16xi32>
        %add3A_1773 = arith.constant 96 : i32
        %add3A_1774 = vector.broadcast %add3A_1773 : i32 to vector<16xi32>
        %add3A_1775 = arith.addi %add3A_1774, %iota3A : vector<16xi32>
        %gather3A_1776 = tpu.vector_load_idx %arg10[%broadcast_in_dim3A_1686, %add3A_1775] masked %lt3A_1772 : memref<16x128xf32, #tpu.memory_space<vmem>>[vector<16xi32>, vector<16xi32>], vector<16xf32>, vector<16xi1>
        %add3A_1777 = arith.constant 992 : i32
        %add3A_1778 = vector.broadcast %add3A_1777 : i32 to vector<16xi32>
        %add3A_1779 = arith.addi %add3A_1778, %iota3A : vector<16xi32>
        tpu.vector_store_idx %arg8[%broadcast_in_dim3A_1688, %add3A_1779], %gather3A_1776 masked %lt3A_1772 : memref<50x1000xf32, #tpu.memory_space<vmem>>[vector<16xi32>, vector<16xi32>], vector<16xf32>, vector<16xi1>
        %add3A_1780 = arith.constant 1 : i32
        %add3A_1781 = arith.addi %scan3A_44, %add3A_1780 : i32
        %lt3A_1782 = arith.constant 32 : i32
        %lt3A_1783 = arith.cmpi slt, %add3A_1781, %lt3A_1782 : i32
        %convert_element_type3A_1784 = arith.extui %lt3A_1783 : i1 to i32
        %cond3A_1785 = arith.constant 0 : i32
        %cond3A_1786 = arith.cmpi ne, %convert_element_type3A_1784, %cond3A_1785 : i32
        scf.if %cond3A_1786 {
          %add3A_1803 = arith.constant 1 : i32
          %add3A_1804 = arith.addi %scan3A_44, %add3A_1803 : i32
          %add3A_1805 = arith.addi %mul3A_2, %add3A_1804 : i32
          %mul3A_1806 = arith.constant 80 : i32
          %mul3A_1807 = arith.muli %add3A_1805, %mul3A_1806 : i32
          %dma_wait3A_1808 = tpu.memref_slice %arg2[%mul3A_1807] : memref<81920xi32, #tpu.memory_space<hbm>> -> memref<80xi32, #tpu.memory_space<hbm>>
          %dma_wait3A_1809 = tpu.memref_slice %arg2[%mul3A_1807] : memref<81920xi32, #tpu.memory_space<hbm>> -> memref<80xi32, #tpu.memory_space<hbm>>
          tpu.wait_dma2 semaphore(%arg19 : memref<!tpu.dma_semaphore, #tpu.memory_space<semaphore_mem>>) src(%dma_wait3A_1809 : memref<80xi32, #tpu.memory_space<hbm>>) dst(%arg11 : memref<80xi32, #tpu.memory_space<vmem>>)
          %add3A_1810 = arith.constant 1 : i32
          %add3A_1811 = arith.addi %scan3A_44, %add3A_1810 : i32
          %dma_start3A_1812 = arith.constant 0 : i32
          %dma_start3A_1813 = arith.constant 0 : i32
          %dma_start3A_1814 = tpu.memref_slice %arg7[%dma_start3A_1812, %dma_start3A_1813] : memref<50x1000xf32, #tpu.memory_space<vmem>> -> memref<48x896xf32, #tpu.memory_space<vmem>>
          %dma_start3A_1815 = arith.constant 0 : i32
          %dma_start3A_1816 = tpu.memref_slice %arg11[%dma_start3A_1815] : memref<80xi32, #tpu.memory_space<vmem>> -> memref<48xi32, #tpu.memory_space<vmem>>
          %dma_start3A_1817 = arith.constant 0 : i32
          %dma_start3A_1818 = arith.constant 0 : i32
          %dma_start3A_1819 = tpu.memref_slice %arg3[%dma_start3A_1817, %dma_start3A_1818] : memref<1000x896xf32, #tpu.memory_space<hbm>> -> memref<1000x896xf32, #tpu.memory_space<hbm>>
          tpu.enqueue_indirect_dma source(%dma_start3A_1819 : memref<1000x896xf32, #tpu.memory_space<hbm>>) target(%dma_start3A_1814 : memref<48x896xf32, #tpu.memory_space<vmem>>) offsets(%dma_start3A_1816 : memref<48xi32, #tpu.memory_space<vmem>>) semaphore(%arg13 : memref<!tpu.dma_semaphore, #tpu.memory_space<semaphore_mem>>)
          %dma_start3A_1820 = arith.constant 0 : i32
          %dma_start3A_1821 = tpu.memref_slice %arg11[%dma_start3A_1820] : memref<80xi32, #tpu.memory_space<vmem>> -> memref<48xi32, #tpu.memory_space<vmem>>
          %dma_start3A_1822 = arith.constant 0 : i32
          %dma_start3A_1823 = arith.constant 0 : i32
          %dma_start3A_1824 = tpu.memref_slice %arg4[%dma_start3A_1822, %dma_start3A_1823] : memref<1000x128xf32, #tpu.memory_space<hbm>> -> memref<1000x128xf32, #tpu.memory_space<hbm>>
          tpu.enqueue_indirect_dma source(%dma_start3A_1824 : memref<1000x128xf32, #tpu.memory_space<hbm>>) target(%arg9 : memref<48x128xf32, #tpu.memory_space<vmem>>) offsets(%dma_start3A_1821 : memref<48xi32, #tpu.memory_space<vmem>>) semaphore(%arg15 : memref<!tpu.dma_semaphore, #tpu.memory_space<semaphore_mem>>)
          %dma_start3A_1825 = arith.constant 56 : i32
          %dma_start3A_1826 = tpu.memref_slice %arg11[%dma_start3A_1825] : memref<80xi32, #tpu.memory_space<vmem>> -> memref<16xi32, #tpu.memory_space<vmem>>
          %dma_start3A_1827 = arith.constant 0 : i32
          %dma_start3A_1828 = arith.constant 0 : i32
          %dma_start3A_1829 = tpu.memref_slice %arg5[%dma_start3A_1827, %dma_start3A_1828] : memref<8000x128xf32, #tpu.memory_space<hbm>> -> memref<8000x128xf32, #tpu.memory_space<hbm>>
          tpu.enqueue_indirect_dma source(%dma_start3A_1829 : memref<8000x128xf32, #tpu.memory_space<hbm>>) target(%arg10 : memref<16x128xf32, #tpu.memory_space<vmem>>) offsets(%dma_start3A_1826 : memref<16xi32, #tpu.memory_space<vmem>>) semaphore(%arg16 : memref<!tpu.dma_semaphore, #tpu.memory_space<semaphore_mem>>)
        } else {
        }
        %add3A_1787 = arith.addi %mul3A_2, %scan3A_44 : i32
        %dma_start3A_1788 = arith.constant 0 : i32
        %dma_start3A_1789 = arith.constant 0 : i32
        %dma_start3A_1790 = tpu.memref_slice %arg6[%add3A_1787, %dma_start3A_1788, %dma_start3A_1789] : memref<1024x50x1000xf32, #tpu.memory_space<hbm>> -> memref<1x50x1000xf32, #tpu.memory_space<hbm>>
        %dma_start3A_1791 = tpu.memref_squeeze %dma_start3A_1790 : memref<1x50x1000xf32, #tpu.memory_space<hbm>> -> memref<50x1000xf32, #tpu.memory_space<hbm>>
        %dma_start3A_1792 = arith.constant 0 : i32
        %dma_start3A_1793 = arith.constant 0 : i32
        %dma_start3A_1794 = tpu.memref_slice %arg6[%add3A_1787, %dma_start3A_1792, %dma_start3A_1793] : memref<1024x50x1000xf32, #tpu.memory_space<hbm>> -> memref<1x50x1000xf32, #tpu.memory_space<hbm>>
        %dma_start3A_1795 = tpu.memref_squeeze %dma_start3A_1794 : memref<1x50x1000xf32, #tpu.memory_space<hbm>> -> memref<50x1000xf32, #tpu.memory_space<hbm>>
        tpu.enqueue_dma source(%arg8 : memref<50x1000xf32, #tpu.memory_space<vmem>>) target(%dma_start3A_1795 : memref<50x1000xf32, #tpu.memory_space<hbm>>) target_semaphore(%arg18 : memref<!tpu.dma_semaphore, #tpu.memory_space<semaphore_mem>>)
        %add3A_1796 = arith.constant 2 : i32
        %add3A_1797 = arith.addi %scan3A_44, %add3A_1796 : i32
        %lt3A_1798 = arith.constant 32 : i32
        %lt3A_1799 = arith.cmpi slt, %add3A_1797, %lt3A_1798 : i32
        %convert_element_type3A_1800 = arith.extui %lt3A_1799 : i1 to i32
        %cond3A_1801 = arith.constant 0 : i32
        %cond3A_1802 = arith.cmpi ne, %convert_element_type3A_1800, %cond3A_1801 : i32
        scf.if %cond3A_1802 {
          %add3A_1803 = arith.constant 2 : i32
          %add3A_1804 = arith.addi %scan3A_44, %add3A_1803 : i32
          %add3A_1805 = arith.addi %mul3A_2, %add3A_1804 : i32
          %mul3A_1806 = arith.constant 80 : i32
          %mul3A_1807 = arith.muli %add3A_1805, %mul3A_1806 : i32
          %dma_start3A_1808 = tpu.memref_slice %arg2[%mul3A_1807] : memref<81920xi32, #tpu.memory_space<hbm>> -> memref<80xi32, #tpu.memory_space<hbm>>
          %dma_start3A_1809 = tpu.memref_slice %arg2[%mul3A_1807] : memref<81920xi32, #tpu.memory_space<hbm>> -> memref<80xi32, #tpu.memory_space<hbm>>
          tpu.enqueue_dma source(%dma_start3A_1809 : memref<80xi32, #tpu.memory_space<hbm>>) target(%arg12 : memref<80xi32, #tpu.memory_space<vmem>>) target_semaphore(%arg20 : memref<!tpu.dma_semaphore, #tpu.memory_space<semaphore_mem>>)
        } else {
        }
      } else {
      }
    }
    %scan3A_34 = arith.constant 32 : i32
    %add3A_35 = arith.constant 31 : i32
    %add3A_36 = arith.addi %mul3A_2, %add3A_35 : i32
    %dma_wait3A = arith.constant 0 : i32
    %dma_wait3A_37 = arith.constant 0 : i32
    %dma_wait3A_38 = tpu.memref_slice %arg6[%add3A_36, %dma_wait3A, %dma_wait3A_37] : memref<1024x50x1000xf32, #tpu.memory_space<hbm>> -> memref<1x50x1000xf32, #tpu.memory_space<hbm>>
    %dma_wait3A_39 = tpu.memref_squeeze %dma_wait3A_38 : memref<1x50x1000xf32, #tpu.memory_space<hbm>> -> memref<50x1000xf32, #tpu.memory_space<hbm>>
    %dma_wait3A_40 = arith.constant 0 : i32
    %dma_wait3A_41 = arith.constant 0 : i32
    %dma_wait3A_42 = tpu.memref_slice %arg6[%add3A_36, %dma_wait3A_40, %dma_wait3A_41] : memref<1024x50x1000xf32, #tpu.memory_space<hbm>> -> memref<1x50x1000xf32, #tpu.memory_space<hbm>>
    %dma_wait3A_43 = tpu.memref_squeeze %dma_wait3A_42 : memref<1x50x1000xf32, #tpu.memory_space<hbm>> -> memref<50x1000xf32, #tpu.memory_space<hbm>>
    tpu.wait_dma2 semaphore(%arg18 : memref<!tpu.dma_semaphore, #tpu.memory_space<semaphore_mem>>) src(%arg8 : memref<50x1000xf32, #tpu.memory_space<vmem>>) dst(%dma_wait3A_43 : memref<50x1000xf32, #tpu.memory_space<hbm>>)
    return
  }
}

</mosaic_0001>

<sc_bundles>
// kernel: _gather_rows.3.cloned.1.call-start
scs
__scs_entry_jumppad:
0x0: {  	(pc) =	sbr.rel $0x88, $3  }
0x1: {  	(tag) =	ssettag $0x0;
	lr =	simm.s32 $0x1  }
0x2: {  	[smem:$0x3F9D] =	sst lr;
	_ =	strace $0xD0000000  }
0x3: {  	_ = 	snop  }
0x4: {  	_ = 	snop  }
0x5: {  	_ = 	snop  }
0x6: {  	_ = 	snop  }
0x7: {  	_ = 	snop  }
__scs_overlays_trampoline_lowered:
0x8: {  	[smem:$0x3FAC] =	sst s0  }
0x9: {  	[smem:$0x3FAD] =	sst s1  }
0xa: {  	[smem:$0x3FAE] =	sst s2  }
0xb: {  	[smem:$0x3FAF] =	sst s3  }
0xc: {  	[smem:$0x3FB0] =	sst s4  }
0xd: {  	[smem:$0x3FB1] =	sst s5  }
0xe: {  	[smem:$0x3FB2] =	sst s6  }
0xf: {  	[smem:$0x3FB3] =	sst s7  }
0x10: {  	[smem:$0x3FB4] =	sst s8  }
0x11: {  	[smem:$0x3FB5] =	sst s9;
	s0 =	simm.s32 @!p0 $0x0  }
0x12: {  	s1 =	sld [smem:$0x3F9B];
	s0 =	simm.s32 @p0 $0x1  }
0x13: {  	[smem:$0x3FB6] =	sst s0;
	s0 =	simm.s32 @!p1 $0x0  }
0x14: {  	s2 =	sld [smem:$0x3F9A];
	s0 =	simm.s32 @p1 $0x1  }
0x15: {  	[smem:$0x3FB7] =	sst s0;
	s0 =	simm.s32 @!p2 $0x0  }
0x16: {  	s3 =	sld [smem:$0x3FDB];
	s0 =	simm.s32 @p2 $0x1  }
0x17: {  	s4 =	simm.s32 $0x1BF5;
	[smem:$0x3FB9] =	sst s0  }
0x18: {  	s0 =	sld [smem:$0x3F9C];
	_ =	swait.ge [sflag:s4], $0x0  }
0x19: {  	s7 =	sld [smem:$0x3F9D]  }
0x1a: {  	s8 =	sadd.s32 $0xFFFFE003, lr  }
0x1b: {  	s9 =	sadd.s32 $0xFFFFFEF7, lr;
	s5 =	simm.s32 $0xFFFFFFFF;
	p2 =	slt.u32 s8, $0xFFFFF086  }
0x1c: {  	p1 =	slt.u32 s9, $0xF7A;
	s5 =	simm.s32 @!p2 $0x0  }
0x1d: {  	s5 =	simm.s32 @p1 $0x1;
	p0 =	seq.s32 s7, s2  }
0x1e: {  	s7 =	smul.u32 @!p0 $0xF7A, s2;
	p2 =	seq.s32 @!p0 s5, $0x0  }
0x1f: {  	s9 =	smul.u32 $0xF7A, s1;
	s8 =	simm.s32 @!p0 $0x1BF5;
	p2 =	por !p2, p0  }
0x20: {  	[sflag:s8] =	ssyncset.s32 @!p0 $0xFFFFF086;
	s6 =	sadd.s32 @!p0 s3, s7;
	s7 =	simm.s32 @!p0 $0x108  }
0x21: {  	s3 =	sadd.s32 s3, s9;
	s6 =	sadd.s32 @!p0 $0x88, s6;
	s7 =	simm.s32 @p2 $0x1082  }
0x22: {  	[simem:s7], [sflag:s8] =	dma.local @!p0 [hbm:s6], $0xF7A  }
0x23: {  	s9 =	sor.u32 $0xD0000000, s2;
	s6 =	simm.s32 $0x108;
	_ =	swait.ge @!p0 [sflag:s8], $0x0  }
0x24: {  	s3 =	sadd.s32 $0x88, s3;
	s6 =	simm.s32 @!p1 $0x1082;
	[sflag:s4] =	ssyncset.s32 $0xFFFFF086  }
0x25: {  	[simem:s6], [sflag:s4] =	dma.local [hbm:s3], $0xF7A  }
0x26: {  	[smem:$0x3F9D] =	sst s1;
	(tag) =	ssettag s2;
	_ =	strace s9  }
0x27: {  	s1 =	sld [smem:$0x3FAD]  }
0x28: {  	s2 =	sld [smem:$0x3FAE]  }
0x29: {  	s4 =	sld [smem:$0x3FB0]  }
0x2a: {  	p0 =	seq.s32 s5, $0x0;
	s5 =	sld [smem:$0x3FB1]  }
0x2b: {  	s6 =	sld [smem:$0x3FB2]  }
0x2c: {  	s7 =	sld [smem:$0x3FB3]  }
0x2d: {  	s3 =	simm.s32 $0x108;
	s8 =	sld [smem:$0x3FB4]  }
0x2e: {  	s3 =	simm.s32 @!p0 $0x1082;
	s9 =	sld [smem:$0x3FB5]  }
0x2f: {  	lr =	sadd.s32 s0, s3;
	s0 =	sld [smem:$0x3FAC]  }
0x30: {  	s3 =	sld [smem:$0x3FAF]  }
0x31: {  	[smem:$0x3FB8] =	sst s10  }
0x32: {  	s10 =	sld [smem:$0x3FB6];
	_ =	sdelay $0x3  }
0x33: {  	p0 =	seq.s32 s10, $0x1;
	s10 =	sld [smem:$0x3FB8];
	_ =	sdelay $0x3  }
0x34: {  	[smem:$0x3FB8] =	sst s10  }
0x35: {  	s10 =	sld [smem:$0x3FB7];
	_ =	sdelay $0x3  }
0x36: {  	p1 =	seq.s32 s10, $0x1;
	s10 =	sld [smem:$0x3FB8];
	_ =	sdelay $0x3  }
0x37: {  	[smem:$0x3FB8] =	sst s10  }
0x38: {  	s10 =	sld [smem:$0x3FB9]  }
0x39: {  	_ = 	snop;
	(pc) =	sbr.ind lr, $3  }
0x3a: {  	_ = 	snop  }
0x3b: {  	_ = 	snop  }
0x3c: {  	p2 =	seq.s32 s10, $0x1;
	s10 =	sld [smem:$0x3FB8]  }
0x3d: {  	_ =	shalt  }
0x3e: {  	_ =	shalt  }
0x3f: {  	_ =	shalt  }
0x40: {  	_ =	shalt  }
0x41: {  	_ =	shalt  }
0x42: {  	_ =	shalt  }
0x43: {  	_ =	shalt  }
0x44: {  	_ =	shalt  }
0x45: {  	_ =	shalt  }
0x46: {  	_ =	shalt  }
0x47: {  	_ =	shalt  }
0x48: {  	_ =	shalt  }
0x49: {  	_ =	shalt  }
0x4a: {  	_ =	shalt  }
0x4b: {  	_ =	shalt  }
0x4c: {  	_ =	shalt  }
0x4d: {  	_ =	shalt  }
0x4e: {  	_ =	shalt  }
0x4f: {  	_ =	shalt  }
0x50: {  	_ =	shalt  }
0x51: {  	_ =	shalt  }
0x52: {  	_ =	shalt  }
0x53: {  	_ =	shalt  }
0x54: {  	_ =	shalt  }
0x55: {  	_ =	shalt  }
0x56: {  	_ =	shalt  }
0x57: {  	_ =	shalt  }
0x58: {  	_ =	shalt  }
0x59: {  	_ =	shalt  }
0x5a: {  	_ =	shalt  }
0x5b: {  	_ =	shalt  }
0x5c: {  	_ =	shalt  }
0x5d: {  	_ =	shalt  }
0x5e: {  	_ =	shalt  }
0x5f: {  	_ =	shalt  }
0x60: {  	_ =	shalt  }
0x61: {  	_ =	shalt  }
0x62: {  	_ =	shalt  }
0x63: {  	_ =	shalt  }
0x64: {  	_ =	shalt  }
0x65: {  	_ =	shalt  }
0x66: {  	_ =	shalt  }
0x67: {  	_ =	shalt  }
0x68: {  	_ =	shalt  }
0x69: {  	_ =	shalt  }
0x6a: {  	_ =	shalt  }
0x6b: {  	_ =	shalt  }
0x6c: {  	_ =	shalt  }
0x6d: {  	_ =	shalt  }
0x6e: {  	_ =	shalt  }
0x6f: {  	_ =	shalt  }
0x70: {  	_ =	shalt  }
0x71: {  	_ =	shalt  }
0x72: {  	_ =	shalt  }
0x73: {  	_ =	shalt  }
0x74: {  	_ =	shalt  }
0x75: {  	_ =	shalt  }
0x76: {  	_ =	shalt  }
0x77: {  	_ =	shalt  }
0x78: {  	_ =	shalt  }
0x79: {  	_ =	shalt  }
0x7a: {  	_ =	shalt  }
0x7b: {  	_ =	shalt  }
0x7c: {  	_ =	shalt  }
0x7d: {  	_ =	shalt  }
0x7e: {  	_ =	shalt  }
0x7f: {  	_ =	shalt  }
0x80: {  	_ =	shalt  }
0x81: {  	_ =	shalt  }
0x82: {  	_ =	shalt  }
0x83: {  	_ =	shalt  }
0x84: {  	_ =	shalt  }
0x85: {  	_ =	shalt  }
0x86: {  	_ =	shalt  }
0x87: {  	_ =	shalt  }
.Lfunc_end0:
.L_simem_size_0:
called_computation_lowered:
.L_overlay_start_0:
0x88: {  	s2 =	sld [smem:$0x3FD9]  }
0x89: {  	s3 =	sld [smem:$0x3FFE];
	_ =	sdelay $0x1  }
0x8a: {  	s1 =	srdreg.scid  }
0x8b: {  	s0 =	sand.u32 $0x1, s1  }
0x8c: {  	s17 =	sshll.u32 s0, $0xA;
	s2 =	sadd.s32 s3, s2  }
0x8d: {  	s2 =	sadd.s32 s2, s17  }
0x8e: {  	[smem:$0x3FC4] =	sst s2  }
0x8f: {  	_ = 	snop  }
0x90: {  	s2 =	sld [smem:$0x3FC9]  }
0x91: {  	s18 =	sld [smem:$0x3FC8]  }
0x92: {  	s4 =	sld [smem:$0x3FC7]  }
0x93: {  	s5 =	sld [smem:$0x3FC6];
	(tm) =	ssettm $0x1  }
0x94: {  	s6 =	sld [smem:$0x3FFB];
	_ =	sdelay $0x3  }
0x95: {  	_ =	strace s6  }
0x96: {  	s6 =	sld [smem:$0x3FFC];
	_ =	sdelay $0x3  }
0x97: {  	_ =	strace s6  }
0x98: {  	s6 =	sld [smem:$0x3FFD];
	_ =	sdelay $0x3  }
0x99: {  	_ =	strace s6  }
0x9a: {  	_ =	strace $0x8FFFFFFF  }
0x9b: {  	s19 =	sld [smem:$0x3FDB];
	_ =	sdelay $0x1  }
0x9c: {  	s7 =	simm.s32 $_scs_section_size  }
0x9d: {  	s8 =	simm.s32 $_size__tile_overlayer_lowered;
	s9 =	simm.s32 $_tile_overlayer_lowered  }
0x9e: {  	s22 =	simm.s32 $0x1BFF;
	s21 =	sshll.u32 s9, $0x1;
	s6 =	sadd.s32 s7, s19  }
0x9f: {  	s10 =	simm.s32 $0x0;
	s20 =	sshll.u32 s8, $0x1;
	s8 =	sadd.s32 s21, s6  }
0xa0: {  	[timem:s10], [sflag:s22] =	dma.local [hbm:s8], s20  }
0xa1: {  	_ =	swait.ge [sflag:s22], s20  }
0xa2: {  	s7 =	ssub.s32 $0x0, s20;
	[sflag:s22] =	ssyncset.done $0x0  }
0xa3: {  	[sflag:s22] =	ssyncadd.s32 s7;
	_ =	sdelay $0x1  }
0xa4: {  	s23 =	simm.s32 $0x1B8B  }
0xa5: {  	_ =	swait.ge [sflag:s23], $0x1  }
0xa6: {  	[sflag:s23] =	ssyncset.done $0x0  }
0xa7: {  	s25 =	simm.s32 $0x1B8E;
	s24 =	sld [smem:$0x3FFE];
	[sflag:s23] =	ssyncadd.s32 $0xFFFFFFFF  }
0xa8: {  	s26 =	simm.s32 $execute0_lowered;
	[smem:$0x3FD2] =	sst s25  }
0xa9: {  	s8 =	sshll.u32 s26, $0x1;
	_ =	strace $0x80000046;
	[dreg:$0x1] =	wrdreg $0xFFFFFFFF  }
0xaa: {  	s28 =	simm.s32 $_size_execute0_lowered;
	s6 =	sadd.s32 s6, s8;
	[dreg:$0x0] =	wrdreg $0x0  }
0xab: {  	s8 =	sshll.u32 s28, $0x1;
	[dreg:$0x2] =	wrdreg s6  }
0xac: {  	[dreg:$0x3] =	wrdreg s8  }
0xad: {  	[dreg:$0x4] =	wrdreg $0xC0  }
0xae: {  	_ =	task [dreg:s10], $0x5FFFF  }
0xaf: {  	[dreg:$0x1] =	wrdreg $0xFFFFFFFF  }
0xb0: {  	[dreg:$0x0] =	wrdreg $0x60  }
0xb1: {  	[dreg:$0x2] =	wrdreg s2  }
0xb2: {  	[dreg:$0x3] =	wrdreg s18  }
0xb3: {  	[dreg:$0x4] =	wrdreg s4  }
0xb4: {  	[dreg:$0x5] =	wrdreg s5  }
0xb5: {  	[dreg:$0x6] =	wrdreg s24  }
0xb6: {  	[dreg:$0x7] =	wrdreg $0x9  }
0xb7: {  	_ =	task.clear_ibuf [dreg:s10], $0x8FFFF;
	_ =	strace $0x90000046  }
0xb8: {  	s29 =	simm.s32 $0x9;
	_ =	strace $0x80000048  }
0xb9: {  	_ =	swait.ge [sflag:s29], $0x1  }
0xba: {  	[sflag:s29] =	ssyncadd.s32 $0xFFFFFFFF  }
0xbb: {  	_ =	strace $0x90000048  }
0xbc: {  	_ =	sfence  }
0xbd: {  	s30 =	sld [smem:$0x0];
	_ =	sdelay $0x2  }
0xbe: {  	s31 =	sshll.u32 s1, $0xD;
	s1 =	sshrl.u32 s1, $0x2  }
0xbf: {  	s3 =	sand.u32 $0x4000, s31;
	s1 =	sadd.s32 s1, s30  }
0xc0: {  	s0 =	sor.u32 s3, s0;
	s1 =	sshll.u32 s1, $0x11  }
0xc1: {  	s0 =	sor.u32 s1, s0  }
0xc2: {  	s0 =	sadd.s32 $0x8F2B, s0  }
0xc3: {  	[sflag:s0] =	ssyncadd.remote.s32 $0x1  }
0xc4: {  	_ =	sfence.sel $0xFFFF  }
0xc5: {  	[dreg:$0x0] =	wrdreg $0xFFFFFFFF;
	(pc) =	sbr.abs _section_cstart, $3  }
0xc6: {  	[dreg:$0x1] =	wrdreg $0xFFFFFFFF  }
0xc7: {  	_ =	task.clear_ibuf [dreg:s10], $0x2FFFF;
	_ =	strace $0x9FFFFFFF  }
0xc8: {  	(tm) =	ssettm $0x7FFFFFFF  }
0xc9: {  	_ =	shalt  }
tec
execute0_lowered:
.L_overlay_start_1:
0x0: {  	(tag) =	ssettag $0x1  }
0x1: {  	s0 =	rddreg [dreg:$0x0];
	v0 =	vlaneseq.u32  }
0x2: {  	s2 =	rddreg [dreg:$0x1];
	vm0 =	vmmov $0xffff;
	vm1 =	vmmov $0xff;
	v2 =	vshrl.u32 v0, $0x3  }
0x3: {  	s3 =	rddreg [dreg:$0x2];
	v1 =	vand.u32 $0x7, v0;
	v3 =	vor.u32 $0x8, v0;
	v4 =	vor.u32 $0x1C00, v0  }
0x4: {  	s5 =	rddreg [dreg:$0x3];
	v5 =	vor.u32 $0x10, v0;
	v6 =	vor.u32 $0x20, v0;
	v7 =	vor.u32 $0x30, v0  }
0x5: {  	s1 =	srdreg.scid;
	s6 =	stileid.u32;
	v8 =	vor.u32 $0x40, v0;
	v9 =	vor.u32 $0x50, v0;
	v10 =	vor.u32 $0x60, v0  }
0x6: {  	s4 =	rddreg [dreg:$0x4];
	s24 =	simm.s32 $0x30;
	s25 =	simm.s32 $0x1C000;
	v11 =	vor.u32 $0xC000, v0;
	v12 =	vor.u32 $0xC010, v0;
	v13 =	vor.u32 $0xC020, v0  }
0x7: {  	s26 =	simm.s32 $0x10;
	s29 =	simm.s32 $0x1D800;
	s30 =	simm.s32 $0x5;
	v14 =	vor.u32 $0xC030, v0;
	v15 =	vor.u32 $0xC040, v0;
	v16 =	vor.u32 $0xC050, v0  }
0x8: {  	s31 =	simm.s32 $0x2;
	s15 =	simm.s32 $0x7;
	s17 =	simm.s32 $0x8;
	v17 =	vor.u32 $0xC060, v0;
	v18 =	vor.u32 $0x70, v0;
	v19 =	vor.u32 $0xC070, v0  }
0x9: {  	s18 =	simm.s32 $0x18800;
	s16 =	simm.s32 $0x19000;
	s19 =	simm.s32 $0x19800;
	v20 =	vor.u32 $0x80, v0;
	v21 =	vor.u32 $0xC400, v0;
	v22 =	vor.u32 $0x90, v0  }
0xa: {  	s20 =	simm.s32 $0x1E0B8;
	s21 =	simm.s32 $0x0;
	s1 =	sand.u32 $0x1, s1;
	v23 =	vor.u32 $0xC410, v0;
	v24 =	vor.u32 $0xA0, v0;
	v25 =	vor.u32 $0xC420, v0  }
0xb: {  	s7 =	sshll.u32 s6, $0x1;
	s6 =	simm.s32 $0x0;
	s11 =	sadd.s32 $0x100, s2;
	v26 =	vor.u32 $0xB0, v0;
	v27 =	vor.u32 $0xC430, v0;
	v28 =	vor.u32 $0xC0, v0  }
0xc: {  	s12 =	sadd.s32 $0x200, s2;
	s13 =	sadd.s32 $0x300, s2;
	v29 =	vor.u32 $0xC440, v0;
	v30 =	vor.u32 $0xD0, v0;
	v31 =	vor.u32 $0xC450, v0;
	s8 =	sor.u32 s1, s7  }
0xd: {  	v32 =	vor.u32 $0xE0, v0;
	v33 =	vor.u32 $0xC460, v0;
	v34 =	vor.u32 $0xF0, v0;
	[smem:$0x7FF] =	sst s6;
	s1 =	ssub.s32 $0x2, s1;
	s7 =	sadd.s32 $0x400, s4  }
0xe: {  	v35 =	vor.u32 $0xC470, v0;
	v36 =	vor.u32 $0x100, v0;
	v37 =	vor.u32 $0xC800, v0;
	s9 =	smul.u32 $0x140, s8;
	_ =	strace $0x80000047;
	s10 =	sshrl.u32 s1, $0x1  }
.Ltmp0:
0xf: {  	v38 =	vor.u32 $0x110, v0;
	v39 =	vor.u32 $0xC810, v0;
	v40 =	vor.u32 $0x120, v0;
	[dreg:$0x9] =	wrdreg s21;
	s1 =	ssub.s32 s1, s10;
	(pc) =	sbr.rel .LBB2_1-.Ltmp0, $4  }
0x10: {  	v41 =	vor.u32 $0xC820, v0;
	v42 =	vor.u32 $0x130, v0;
	v43 =	vor.u32 $0xC830, v0;
	s10 =	simm.s32 $0xE000;
	s28 =	sadd.s32 s0, s9;
	s9 =	sshll.u32 s8, $0x5  }
0x11: {  	v44 =	vor.u32 $0x140, v0;
	v45 =	vor.u32 $0xC840, v0;
	v46 =	vor.u32 $0x150, v0;
	s1 =	smax.u32 s1, $0x1;
	s8 =	simm.s32 $0x1;
	[dreg:$0x6] =	wrdreg s28  }
0x12: {  	v47 =	vor.u32 $0xC850, v0;
	v48 =	vor.u32 $0x160, v0;
	v49 =	vor.u32 $0xC860, v0;
	s4 =	sadd.s32 $0xA, s28;
	s14 =	sor.u32 $0x2, s9;
	[dreg:$0x8] =	wrdreg s1  }
0x13: {  	v50 =	vor.u32 $0x170, v0;
	v51 =	vor.u32 $0xC870, v0;
	v2 =	vmul.u32 $0x8, v2;
	s1 =	simm.s32 $0x4;
	[dreg:$0x7] =	wrdreg s4;
	s4 =	simm.s32 $0x3  }
.LBB2_12:
0x14: {  	s22 =	simm.s32 $0x6  }
0x15: {  	_ =	swait.ge [sflag:s22], $0xE000  }
0x16: {  	s23 =	rddreg [dreg:$0x9]  }
0x17: {  	s21 =	rddreg [dreg:$0x8];
	s23 =	sadd.s32 $0x1, s23  }
0x18: {  	p0 =	sne.s32 s23, s21  }
.Ltmp1:
0x19: {  	_ = 	snop;
	(pc) =	sbr.rel @!p0 .LBB2_13-.Ltmp1, $3  }
0x1a: {  	_ =	sdelay $0x1  }
0x1b: {  	[sflag:s22] =	ssyncset.done $0x0  }
0x1c: {  	[sflag:s22] =	ssyncadd.s32 $0xFFFF2000;
	[dreg:$0x9] =	wrdreg s23  }
.LBB2_1:
0x1d: {  	s21 =	rddreg [dreg:$0x6];
	s22 =	simm.s32 $0x1E000;
	s23 =	simm.s32 $0x9  }
0x1e: {  	[tilespmem:s22], [sflag:$0x9] =	stream.linear.gather [hbm4b:s21+s6], $0x50, $0x38;
	[tilespmem:$0x1E100] =	vst v63  }
0x1f: {  	_ =	swait.ge [sflag:s23], $0x50  }
0x20: {  	[sflag:s23] =	ssyncset.done $0x0  }
0x21: {  	s28 =	rddreg [dreg:$0x7];
	[sflag:s23] =	ssyncadd.s32 $0xFFFFFFB0;
	s23 =	simm.s32 $0x1E080  }
0x22: {  	[tilespmem:s23], [sflag:$0x8] =	stream.linear.gather [hbm4b:s28+s6], $0x50, $0x38;
	[tilespmem:$0x1E100] =	vst v63  }
0x23: {  	v52 =	vld [tilespmem:$0x1E000];
	_ =	sdelay $0x4  }
0x24: {  	v53 =	vshrl.u32 v52, $0x3  }
0x25: {  	v53 =	vmul.u32 $0x38, v53  }
0x26: {  	v52 =	vand.u32 $0x7, v52  }
0x27: {  	v52 =	vor.u32 v52, v53  }
0x28: {  	v53 =	vperm.xlane v52, v1;
	_ =	sdelay $0x1  }
0x29: {  	v53 =	vadd.s32 v2, v53;
	_ =	sdelay $0x4  }
0x2a: {  	[tilespmem:s6], [sflag:$0x1] =	stream.indirect_vreg.gather [hbm4b:s2+s6], $0x80, v53, vm0, $0xb8;
	[tilespmem:$0x1E100] =	vst v63  }
0x2b: {  	s23 =	simm.s32 $0x800;
	v52 =	vperm.xlane v52, v3  }
0x2c: {  	[tilespmem:s23], [sflag:$0x1] =	stream.indirect_vreg.gather [hbm4b:s11+s6], $0x80, v53, vm0, $0xb8;
	[tilespmem:$0x1E100] =	vst v63  }
0x2d: {  	s28 =	simm.s32 $0x1000;
	v52 =	vadd.s32 v2, v52  }
0x2e: {  	[tilespmem:s28], [sflag:$0x1] =	stream.indirect_vreg.gather [hbm4b:s12+s6], $0x80, v53, vm0, $0xb8;
	[tilespmem:$0x1E100] =	vst v63  }
0x2f: {  	s23 =	simm.s32 $0x1800  }
0x30: {  	[tilespmem:s23], [sflag:$0x1] =	stream.indirect_vreg.gather [hbm4b:s13+s6], $0x80, v53, vm1, $0xb8;
	[tilespmem:$0x1E100] =	vst v63  }
0x31: {  	s28 =	simm.s32 $0x2000  }
0x32: {  	[tilespmem:s28], [sflag:$0x1] =	stream.indirect_vreg.gather [hbm4b:s2+s6], $0x80, v52, vm0, $0xb8;
	[tilespmem:$0x1E100] =	vst v63  }
0x33: {  	s23 =	simm.s32 $0x2800  }
0x34: {  	[tilespmem:s23], [sflag:$0x1] =	stream.indirect_vreg.gather [hbm4b:s11+s6], $0x80, v52, vm0, $0xb8;
	[tilespmem:$0x1E100] =	vst v63  }
0x35: {  	s28 =	simm.s32 $0x3000  }
0x36: {  	[tilespmem:s28], [sflag:$0x1] =	stream.indirect_vreg.gather [hbm4b:s12+s6], $0x80, v52, vm0, $0xb8;
	[tilespmem:$0x1E100] =	vst v63  }
0x37: {  	s23 =	simm.s32 $0x3800  }
0x38: {  	[tilespmem:s23], [sflag:$0x1] =	stream.indirect_vreg.gather [hbm4b:s13+s6], $0x80, v52, vm1, $0xb8;
	[tilespmem:$0x1E100] =	vst v63  }
0x39: {  	v52 =	vld [tilespmem:$0x1E010];
	_ =	sdelay $0x4  }
0x3a: {  	v62 =	vshrl.u32 v52, $0x3  }
0x3b: {  	v53 =	vmul.u32 $0x38, v62  }
0x3c: {  	v52 =	vand.u32 $0x7, v52  }
0x3d: {  	v52 =	vor.u32 v52, v53  }
0x3e: {  	v53 =	vperm.xlane v52, v1;
	_ =	sdelay $0x1  }
0x3f: {  	v53 =	vadd.s32 v2, v53;
	_ =	sdelay $0x3  }
0x40: {  	s28 =	simm.s32 $0x4000  }
0x41: {  	[tilespmem:s28], [sflag:$0x1] =	stream.indirect_vreg.gather [hbm4b:s2+s6], $0x80, v53, vm0, $0xb8;
	[tilespmem:$0x1E100] =	vst v63  }
0x42: {  	s23 =	simm.s32 $0x4800;
	v52 =	vperm.xlane v52, v3  }
0x43: {  	[tilespmem:s23], [sflag:$0x1] =	stream.indirect_vreg.gather [hbm4b:s11+s6], $0x80, v53, vm0, $0xb8;
	[tilespmem:$0x1E100] =	vst v63  }
0x44: {  	v52 =	vadd.s32 v2, v52;
	s28 =	simm.s32 $0x5000  }
0x45: {  	[tilespmem:s28], [sflag:$0x1] =	stream.indirect_vreg.gather [hbm4b:s12+s6], $0x80, v53, vm0, $0xb8;
	[tilespmem:$0x1E100] =	vst v63  }
0x46: {  	s23 =	simm.s32 $0x5800  }
0x47: {  	[tilespmem:s23], [sflag:$0x1] =	stream.indirect_vreg.gather [hbm4b:s13+s6], $0x80, v53, vm1, $0xb8;
	[tilespmem:$0x1E100] =	vst v63  }
0x48: {  	s28 =	simm.s32 $0x6000  }
0x49: {  	[tilespmem:s28], [sflag:$0x1] =	stream.indirect_vreg.gather [hbm4b:s2+s6], $0x80, v52, vm0, $0xb8;
	[tilespmem:$0x1E100] =	vst v63  }
0x4a: {  	s23 =	simm.s32 $0x6800  }
0x4b: {  	[tilespmem:s23], [sflag:$0x1] =	stream.indirect_vreg.gather [hbm4b:s11+s6], $0x80, v52, vm0, $0xb8;
	[tilespmem:$0x1E100] =	vst v63  }
0x4c: {  	s28 =	simm.s32 $0x7000  }
0x4d: {  	[tilespmem:s28], [sflag:$0x1] =	stream.indirect_vreg.gather [hbm4b:s12+s6], $0x80, v52, vm0, $0xb8;
	[tilespmem:$0x1E100] =	vst v63  }
0x4e: {  	s23 =	simm.s32 $0x7800  }
0x4f: {  	[tilespmem:s23], [sflag:$0x1] =	stream.indirect_vreg.gather [hbm4b:s13+s6], $0x80, v52, vm1, $0xb8;
	[tilespmem:$0x1E100] =	vst v63  }
0x50: {  	v52 =	vld [tilespmem:$0x1E020];
	_ =	sdelay $0x4  }
0x51: {  	v63 =	vshrl.u32 v52, $0x3  }
0x52: {  	v53 =	vmul.u32 $0x38, v63  }
0x53: {  	v52 =	vand.u32 $0x7, v52  }
0x54: {  	v52 =	vor.u32 v52, v53  }
0x55: {  	v53 =	vperm.xlane v52, v1;
	_ =	sdelay $0x1  }
0x56: {  	v53 =	vadd.s32 v2, v53;
	_ =	sdelay $0x3  }
0x57: {  	s28 =	simm.s32 $0x8000  }
0x58: {  	[tilespmem:s28], [sflag:$0x1] =	stream.indirect_vreg.gather [hbm4b:s2+s6], $0x80, v53, vm0, $0xb8;
	[tilespmem:$0x1E100] =	vst v63  }
0x59: {  	s23 =	simm.s32 $0x8800;
	v52 =	vperm.xlane v52, v3  }
0x5a: {  	[tilespmem:s23], [sflag:$0x1] =	stream.indirect_vreg.gather [hbm4b:s11+s6], $0x80, v53, vm0, $0xb8;
	[tilespmem:$0x1E100] =	vst v63  }
0x5b: {  	v52 =	vadd.s32 v2, v52;
	s28 =	simm.s32 $0x9000  }
0x5c: {  	[tilespmem:s28], [sflag:$0x1] =	stream.indirect_vreg.gather [hbm4b:s12+s6], $0x80, v53, vm0, $0xb8;
	[tilespmem:$0x1E100] =	vst v63  }
0x5d: {  	s23 =	simm.s32 $0x9800  }
0x5e: {  	[tilespmem:s23], [sflag:$0x1] =	stream.indirect_vreg.gather [hbm4b:s13+s6], $0x80, v53, vm1, $0xb8;
	[tilespmem:$0x1E100] =	vst v63  }
0x5f: {  	s28 =	simm.s32 $0xA000  }
0x60: {  	[tilespmem:s28], [sflag:$0x1] =	stream.indirect_vreg.gather [hbm4b:s2+s6], $0x80, v52, vm0, $0xb8;
	[tilespmem:$0x1E100] =	vst v63  }
0x61: {  	s23 =	simm.s32 $0xA800  }
0x62: {  	[tilespmem:s23], [sflag:$0x1] =	stream.indirect_vreg.gather [hbm4b:s11+s6], $0x80, v52, vm0, $0xb8;
	[tilespmem:$0x1E100] =	vst v63  }
0x63: {  	s28 =	simm.s32 $0xB000  }
0x64: {  	[tilespmem:s28], [sflag:$0x1] =	stream.indirect_vreg.gather [hbm4b:s12+s6], $0x80, v52, vm0, $0xb8;
	[tilespmem:$0x1E100] =	vst v63  }
0x65: {  	s23 =	simm.s32 $0xB800  }
0x66: {  	[tilespmem:s23], [sflag:$0x1] =	stream.indirect_vreg.gather [hbm4b:s13+s6], $0x80, v52, vm1, $0xb8;
	[tilespmem:$0x1E100] =	vst v63  }
.Ltmp2:
0x67: {  	_ = 	snop;
	(pc) =	sbr.rel .LBB2_2-.Ltmp2, $4  }
0x68: {  	_ = 	snop  }
0x69: {  	[tilespmem:s25], [sflag:$0x3] =	stream.indirect.gather [hbm4b:s3+s24], $0x80, s22, s24, $0xb8;
	[tilespmem:$0x1E100] =	vst v63  }
0x6a: {  	s21 =	simm.s32 $0x0;
	s28 =	simm.s32 $0x1E038  }
0x6b: {  	[tilespmem:s29], [sflag:$0x4] =	stream.indirect.gather [hbm4b:s5+s26], $0x80, s28, s26, $0xb8;
	[tilespmem:$0x1E100] =	vst v63  }
.LBB2_10:
0x6c: {  	s22 =	sadd.s32 s9, s21  }
0x6d: {  	p0 =	sgt.u32 s21, $0x1D;
	s22 =	smul.u32 $0x1C00, s22  }
0x6e: {  	s23 =	sadd.s32 @!p0 s21, s14  }
0x6f: {  	s23 =	smul.u32 @!p0 $0xA, s23;
	s22 =	sadd.s32 s7, s22  }
0x70: {  	[hbm4b:s22+s6] =	stream.linear.scatter [tilespmem:s10], [sflag:$0x6], $0xE000, $0x38;
	[tilespmem:$0x1E100] =	vst v63  }
0x71: {  	s28 =	simm.s32 @!p0 $0x1E080;
	s22 =	sadd.s32 @!p0 s0, s23;
	s23 =	simm.s32 @!p0 $0x0  }
0x72: {  	[tilespmem:s28], [sflag:$0x8] =	stream.linear.gather @!p0 [hbm4b:s22+s23], $0x50, $0x38;
	[tilespmem:$0x1E100] =	vst v63  }
.LBB2_11:
0x73: {  	s21 =	sadd.s32 $0x1, s21  }
0x74: {  	p0 =	sne.s32 s21, $0x20  }
.Ltmp3:
0x75: {  	_ = 	snop;
	(pc) =	sbr.rel @!p0 .LBB2_12-.Ltmp3, $1  }
0x76: {  	_ =	sdelay $0x3  }
.LBB2_2:
0x77: {  	s22 =	sand.u32 $0x1, s21  }
0x78: {  	p0 =	seq.s32 s22, $0x1  }
.Ltmp4:
0x79: {  	_ = 	snop;
	(pc) =	sbr.rel @!p0 .LBB2_3-.Ltmp4, $1  }
0x7a: {  	_ =	sdelay $0x3  }
0x7b: {  	_ =	swait.ge [sflag:s30], $0xE000  }
0x7c: {  	[sflag:s30] =	ssyncset.done $0x0  }
0x7d: {  	[sflag:s30] =	ssyncadd.s32 $0xFFFF2000  }
0x7e: {  	_ =	swait.ge [sflag:s31], $0xA800  }
0x7f: {  	s22 =	simm.s32 $0x0;
	[sflag:s31] =	ssyncset.done $0x0  }
0x80: {  	v52 =	vmov s22;
	[sflag:s31] =	ssyncadd.s32 $0xFFFF5800  }
0x81: {  	v53 =	vshll.u32 v52, $0x7;
	_ =	swait.ge [sflag:s4], $0x1800  }
0x82: {  	v54 =	vor.u32 v0, v53;
	[sflag:s4] =	ssyncset.done $0x0  }
0x83: {  	[sflag:s4] =	ssyncadd.s32 $0xFFFFE800  }
0x84: {  	_ =	swait.ge [sflag:s1], $0x800  }
0x85: {  	v52 =	vshll.u32 v52, $0xA;
	v55 =	vand.u32 $0x380, v53;
	[sflag:s1] =	ssyncset.done $0x0  }
0x86: {  	v52 =	vor.u32 v55, v52;
	[sflag:s1] =	ssyncadd.s32 $0xFFFFF800  }
0x87: {  	v55 =	vor.u32 v4, v52;
	v54 =	vld.idx.msk [tilespmem:v54+s25+$0x0], $0xffff  }
0x88: {  	v56 =	vor.u32 v5, v53;
	_ =	sdelay $0x3  }
0x89: {  	v52 =	vor.u32 $0x1C00, v52;
	[tilespmem:v55+s10+$0x0] =	vst.idx.msk $0xffff, v54  }
0x8a: {  	v62 =	vor.u32 v5, v52;
	v54 =	vld.idx.msk [tilespmem:v56+s25+$0x0], $0xffff  }
0x8b: {  	v63 =	vor.u32 v6, v53;
	_ =	sdelay $0x3  }
0x8c: {  	[tilespmem:v62+s10+$0x0] =	vst.idx.msk $0xffff, v54  }
0x8d: {  	v60 =	vor.u32 v6, v52;
	v54 =	vld.idx.msk [tilespmem:v63+s25+$0x0], $0xffff  }
0x8e: {  	v61 =	vor.u32 v7, v53;
	_ =	sdelay $0x3  }
0x8f: {  	[tilespmem:v60+s10+$0x0] =	vst.idx.msk $0xffff, v54  }
0x90: {  	v62 =	vor.u32 v7, v52;
	v54 =	vld.idx.msk [tilespmem:v61+s25+$0x0], $0xffff  }
0x91: {  	v63 =	vor.u32 v8, v53;
	_ =	sdelay $0x3  }
0x92: {  	[tilespmem:v62+s10+$0x0] =	vst.idx.msk $0xffff, v54  }
0x93: {  	v60 =	vor.u32 v8, v52;
	v54 =	vld.idx.msk [tilespmem:v63+s25+$0x0], $0xffff  }
0x94: {  	v61 =	vor.u32 v9, v53;
	_ =	sdelay $0x3  }
0x95: {  	[tilespmem:v60+s10+$0x0] =	vst.idx.msk $0xffff, v54  }
0x96: {  	v62 =	vor.u32 v9, v52;
	v54 =	vld.idx.msk [tilespmem:v61+s25+$0x0], $0xffff  }
0x97: {  	v63 =	vor.u32 v10, v53;
	_ =	sdelay $0x3  }
0x98: {  	s28 =	simm.s32 $0x1;
	[tilespmem:v62+s10+$0x0] =	vst.idx.msk $0xffff, v54  }
0x99: {  	s22 =	simm.s32 $0x2;
	v53 =	vmov s28;
	v54 =	vld.idx.msk [tilespmem:v63+s25+$0x0], $0xff  }
.LBB2_7:
0x9a: {  	p0 =	sne.s32 s22, $0x2F;
	v55 =	vshll.u32 v53, $0x7;
	v52 =	vor.u32 v10, v52  }
0x9b: {  	v56 =	vor.u32 v0, v55;
	_ =	sdelay $0x3  }
0x9c: {  	v53 =	vshll.u32 v53, $0xA;
	v57 =	vand.u32 $0x380, v55;
	[tilespmem:v52+s10+$0x0] =	vst.idx.msk $0xff, v54  }
0x9d: {  	v53 =	vor.u32 v57, v53;
	v52 =	vld.idx.msk [tilespmem:v56+s25+$0x0], $0xffff  }
0x9e: {  	v54 =	vor.u32 v4, v53  }
0x9f: {  	v56 =	vor.u32 v5, v55;
	_ =	sdelay $0x3  }
0xa0: {  	[tilespmem:v54+s10+$0x0] =	vst.idx.msk $0xffff, v52  }
0xa1: {  	v52 =	vor.u32 $0x1C00, v53;
	v53 =	vld.idx.msk [tilespmem:v56+s25+$0x0], $0xffff  }
0xa2: {  	v54 =	vor.u32 v5, v52  }
0xa3: {  	v56 =	vor.u32 v6, v55;
	_ =	sdelay $0x3  }
0xa4: {  	[tilespmem:v54+s10+$0x0] =	vst.idx.msk $0xffff, v53  }
0xa5: {  	v53 =	vld.idx.msk [tilespmem:v56+s25+$0x0], $0xffff  }
0xa6: {  	v54 =	vor.u32 v6, v52  }
0xa7: {  	v56 =	vor.u32 v7, v55;
	_ =	sdelay $0x3  }
0xa8: {  	[tilespmem:v54+s10+$0x0] =	vst.idx.msk $0xffff, v53  }
0xa9: {  	v53 =	vld.idx.msk [tilespmem:v56+s25+$0x0], $0xffff  }
0xaa: {  	v54 =	vor.u32 v7, v52  }
0xab: {  	v56 =	vor.u32 v8, v55;
	_ =	sdelay $0x3  }
0xac: {  	[tilespmem:v54+s10+$0x0] =	vst.idx.msk $0xffff, v53  }
0xad: {  	v53 =	vld.idx.msk [tilespmem:v56+s25+$0x0], $0xffff  }
0xae: {  	v54 =	vor.u32 v8, v52  }
0xaf: {  	v56 =	vor.u32 v9, v55;
	_ =	sdelay $0x3  }
0xb0: {  	[tilespmem:v54+s10+$0x0] =	vst.idx.msk $0xffff, v53  }
0xb1: {  	v53 =	vld.idx.msk [tilespmem:v56+s25+$0x0], $0xffff  }
0xb2: {  	v54 =	vor.u32 v9, v52  }
0xb3: {  	v55 =	vor.u32 v10, v55  }
.Ltmp5:
0xb4: {  	(pc) =	sbr.rel @p0 .LBB2_7-.Ltmp5, $3  }
0xb5: {  	_ =	sdelay $0x1  }
0xb6: {  	[tilespmem:v54+s10+$0x0] =	vst.idx.msk $0xffff, v53  }
0xb7: {  	v53 =	vmov s22;
	s22 =	sadd.s32 $0x1, s22;
	v54 =	vld.idx.msk [tilespmem:v55+s25+$0x0], $0xff  }
0xb8: {  	v55 =	vshll.u32 v53, $0x7;
	v52 =	vor.u32 v10, v52  }
0xb9: {  	v56 =	vor.u32 v0, v55;
	_ =	sdelay $0x2  }
0xba: {  	v62 =	vshll.u32 v53, $0xA;
	v57 =	vand.u32 $0x380, v55  }
0xbb: {  	v63 =	vor.u32 v57, v62;
	[tilespmem:v52+s10+$0x0] =	vst.idx.msk $0xff, v54  }
0xbc: {  	v61 =	vor.u32 v4, v63;
	v60 =	vld.idx.msk [tilespmem:v56+s25+$0x0], $0xffff  }
0xbd: {  	v62 =	vor.u32 v5, v55;
	_ =	sdelay $0x3  }
0xbe: {  	v52 =	vor.u32 $0x1C00, v63;
	[tilespmem:v61+s10+$0x0] =	vst.idx.msk $0xffff, v60  }
0xbf: {  	v63 =	vor.u32 v5, v52;
	v53 =	vld.idx.msk [tilespmem:v62+s25+$0x0], $0xffff  }
0xc0: {  	v60 =	vor.u32 v6, v55;
	_ =	sdelay $0x3  }
0xc1: {  	[tilespmem:v63+s10+$0x0] =	vst.idx.msk $0xffff, v53  }
0xc2: {  	v61 =	vor.u32 v6, v52;
	v53 =	vld.idx.msk [tilespmem:v60+s25+$0x0], $0xffff  }
0xc3: {  	v62 =	vor.u32 v7, v55;
	_ =	sdelay $0x3  }
0xc4: {  	[tilespmem:v61+s10+$0x0] =	vst.idx.msk $0xffff, v53  }
0xc5: {  	v63 =	vor.u32 v7, v52;
	v53 =	vld.idx.msk [tilespmem:v62+s25+$0x0], $0xffff  }
0xc6: {  	v60 =	vor.u32 v8, v55;
	_ =	sdelay $0x3  }
0xc7: {  	[tilespmem:v63+s10+$0x0] =	vst.idx.msk $0xffff, v53  }
0xc8: {  	v61 =	vor.u32 v8, v52;
	v53 =	vld.idx.msk [tilespmem:v60+s25+$0x0], $0xffff  }
0xc9: {  	v62 =	vor.u32 v9, v55;
	_ =	sdelay $0x3  }
0xca: {  	[tilespmem:v61+s10+$0x0] =	vst.idx.msk $0xffff, v53  }
0xcb: {  	v63 =	vor.u32 v9, v52;
	v53 =	vld.idx.msk [tilespmem:v62+s25+$0x0], $0xffff  }
0xcc: {  	v55 =	vor.u32 v10, v55;
	_ =	sdelay $0x3  }
0xcd: {  	[tilespmem:v63+s10+$0x0] =	vst.idx.msk $0xffff, v53  }
0xce: {  	v52 =	vor.u32 v10, v52;
	v53 =	vld.idx.msk [tilespmem:v55+s25+$0x0], $0xff;
	_ =	sdelay $0x4  }
0xcf: {  	[tilespmem:v52+s10+$0x0] =	vst.idx.msk $0xff, v53  }
0xd0: {  	v52 =	vld.idx.msk [tilespmem:v0+s29+$0x0], $0xffff;
	_ =	sdelay $0x4  }
0xd1: {  	[tilespmem:v11+s10+$0x0] =	vst.idx.msk $0xffff, v52  }
0xd2: {  	v52 =	vld.idx.msk [tilespmem:v5+s29+$0x0], $0xffff;
	_ =	sdelay $0x4  }
0xd3: {  	[tilespmem:v12+s10+$0x0] =	vst.idx.msk $0xffff, v52  }
0xd4: {  	v52 =	vld.idx.msk [tilespmem:v6+s29+$0x0], $0xffff;
	_ =	sdelay $0x4  }
0xd5: {  	[tilespmem:v13+s10+$0x0] =	vst.idx.msk $0xffff, v52  }
0xd6: {  	v52 =	vld.idx.msk [tilespmem:v7+s29+$0x0], $0xffff;
	_ =	sdelay $0x4  }
0xd7: {  	[tilespmem:v14+s10+$0x0] =	vst.idx.msk $0xffff, v52  }
0xd8: {  	v52 =	vld.idx.msk [tilespmem:v8+s29+$0x0], $0xffff;
	_ =	sdelay $0x4  }
0xd9: {  	[tilespmem:v15+s10+$0x0] =	vst.idx.msk $0xffff, v52  }
0xda: {  	v52 =	vld.idx.msk [tilespmem:v9+s29+$0x0], $0xffff;
	_ =	sdelay $0x4  }
0xdb: {  	[tilespmem:v16+s10+$0x0] =	vst.idx.msk $0xffff, v52  }
0xdc: {  	v52 =	vld.idx.msk [tilespmem:v10+s29+$0x0], $0xffff;
	_ =	sdelay $0x4  }
0xdd: {  	[tilespmem:v17+s10+$0x0] =	vst.idx.msk $0xffff, v52  }
0xde: {  	v52 =	vld.idx.msk [tilespmem:v18+s29+$0x0], $0xffff;
	_ =	sdelay $0x4  }
0xdf: {  	[tilespmem:v19+s10+$0x0] =	vst.idx.msk $0xffff, v52  }
0xe0: {  	v52 =	vld.idx.msk [tilespmem:v20+s29+$0x0], $0xffff;
	_ =	sdelay $0x4  }
0xe1: {  	[tilespmem:v21+s10+$0x0] =	vst.idx.msk $0xffff, v52  }
0xe2: {  	v52 =	vld.idx.msk [tilespmem:v22+s29+$0x0], $0xffff;
	_ =	sdelay $0x4  }
0xe3: {  	[tilespmem:v23+s10+$0x0] =	vst.idx.msk $0xffff, v52  }
0xe4: {  	v52 =	vld.idx.msk [tilespmem:v24+s29+$0x0], $0xffff;
	_ =	sdelay $0x4  }
0xe5: {  	[tilespmem:v25+s10+$0x0] =	vst.idx.msk $0xffff, v52  }
0xe6: {  	v52 =	vld.idx.msk [tilespmem:v26+s29+$0x0], $0xffff;
	_ =	sdelay $0x4  }
0xe7: {  	[tilespmem:v27+s10+$0x0] =	vst.idx.msk $0xffff, v52  }
0xe8: {  	v52 =	vld.idx.msk [tilespmem:v28+s29+$0x0], $0xffff;
	_ =	sdelay $0x4  }
0xe9: {  	[tilespmem:v29+s10+$0x0] =	vst.idx.msk $0xffff, v52  }
0xea: {  	v52 =	vld.idx.msk [tilespmem:v30+s29+$0x0], $0xffff;
	_ =	sdelay $0x4  }
0xeb: {  	[tilespmem:v31+s10+$0x0] =	vst.idx.msk $0xffff, v52  }
0xec: {  	v52 =	vld.idx.msk [tilespmem:v32+s29+$0x0], $0xffff;
	_ =	sdelay $0x4  }
0xed: {  	[tilespmem:v33+s10+$0x0] =	vst.idx.msk $0xffff, v52  }
0xee: {  	v52 =	vld.idx.msk [tilespmem:v34+s29+$0x0], $0xffff;
	_ =	sdelay $0x4  }
0xef: {  	[tilespmem:v35+s10+$0x0] =	vst.idx.msk $0xffff, v52  }
0xf0: {  	v52 =	vld.idx.msk [tilespmem:v36+s29+$0x0], $0xffff;
	_ =	sdelay $0x4  }
0xf1: {  	[tilespmem:v37+s10+$0x0] =	vst.idx.msk $0xffff, v52  }
0xf2: {  	v52 =	vld.idx.msk [tilespmem:v38+s29+$0x0], $0xffff;
	_ =	sdelay $0x4  }
0xf3: {  	[tilespmem:v39+s10+$0x0] =	vst.idx.msk $0xffff, v52  }
0xf4: {  	v52 =	vld.idx.msk [tilespmem:v40+s29+$0x0], $0xffff;
	_ =	sdelay $0x4  }
0xf5: {  	[tilespmem:v41+s10+$0x0] =	vst.idx.msk $0xffff, v52  }
0xf6: {  	v52 =	vld.idx.msk [tilespmem:v42+s29+$0x0], $0xffff;
	_ =	sdelay $0x4  }
0xf7: {  	[tilespmem:v43+s10+$0x0] =	vst.idx.msk $0xffff, v52  }
0xf8: {  	v52 =	vld.idx.msk [tilespmem:v44+s29+$0x0], $0xffff;
	_ =	sdelay $0x4  }
0xf9: {  	[tilespmem:v45+s10+$0x0] =	vst.idx.msk $0xffff, v52  }
0xfa: {  	v52 =	vld.idx.msk [tilespmem:v46+s29+$0x0], $0xffff;
	_ =	sdelay $0x4  }
0xfb: {  	[tilespmem:v47+s10+$0x0] =	vst.idx.msk $0xffff, v52  }
0xfc: {  	v52 =	vld.idx.msk [tilespmem:v48+s29+$0x0], $0xffff;
	_ =	sdelay $0x4  }
0xfd: {  	[tilespmem:v49+s10+$0x0] =	vst.idx.msk $0xffff, v52  }
0xfe: {  	v52 =	vld.idx.msk [tilespmem:v50+s29+$0x0], $0xffff  }
0xff: {  	v56 =	vor.u32 $0x180, v0;
	_ =	sdelay $0x3  }
0x100: {  	[tilespmem:v51+s10+$0x0] =	vst.idx.msk $0xffff, v52  }
0x101: {  	v57 =	vor.u32 $0xCC00, v0;
	v52 =	vld.idx.msk [tilespmem:v56+s29+$0x0], $0xffff  }
0x102: {  	v58 =	vor.u32 $0x190, v0;
	_ =	sdelay $0x3  }
0x103: {  	[tilespmem:v57+s10+$0x0] =	vst.idx.msk $0xffff, v52  }
0x104: {  	v59 =	vor.u32 $0xCC10, v0;
	v52 =	vld.idx.msk [tilespmem:v58+s29+$0x0], $0xffff  }
0x105: {  	v60 =	vor.u32 $0x1A0, v0;
	_ =	sdelay $0x3  }
0x106: {  	[tilespmem:v59+s10+$0x0] =	vst.idx.msk $0xffff, v52  }
0x107: {  	v61 =	vor.u32 $0xCC20, v0;
	v52 =	vld.idx.msk [tilespmem:v60+s29+$0x0], $0xffff  }
0x108: {  	v62 =	vor.u32 $0x1B0, v0;
	_ =	sdelay $0x3  }
0x109: {  	[tilespmem:v61+s10+$0x0] =	vst.idx.msk $0xffff, v52  }
0x10a: {  	v63 =	vor.u32 $0xCC30, v0;
	v52 =	vld.idx.msk [tilespmem:v62+s29+$0x0], $0xffff  }
0x10b: {  	v57 =	vor.u32 $0x1C0, v0;
	_ =	sdelay $0x3  }
0x10c: {  	[tilespmem:v63+s10+$0x0] =	vst.idx.msk $0xffff, v52  }
0x10d: {  	v58 =	vor.u32 $0xCC40, v0;
	v52 =	vld.idx.msk [tilespmem:v57+s29+$0x0], $0xffff  }
0x10e: {  	v59 =	vor.u32 $0x1D0, v0;
	_ =	sdelay $0x3  }
0x10f: {  	[tilespmem:v58+s10+$0x0] =	vst.idx.msk $0xffff, v52  }
0x110: {  	v60 =	vor.u32 $0xCC50, v0;
	v52 =	vld.idx.msk [tilespmem:v59+s29+$0x0], $0xffff  }
0x111: {  	v61 =	vor.u32 $0x1E0, v0;
	_ =	sdelay $0x3  }
0x112: {  	[tilespmem:v60+s10+$0x0] =	vst.idx.msk $0xffff, v52  }
0x113: {  	v62 =	vor.u32 $0xCC60, v0;
	v52 =	vld.idx.msk [tilespmem:v61+s29+$0x0], $0xffff  }
0x114: {  	v63 =	vor.u32 $0x1F0, v0;
	_ =	sdelay $0x3  }
0x115: {  	[tilespmem:v62+s10+$0x0] =	vst.idx.msk $0xffff, v52  }
0x116: {  	v57 =	vor.u32 $0xCC70, v0;
	v52 =	vld.idx.msk [tilespmem:v63+s29+$0x0], $0xffff  }
0x117: {  	v58 =	vor.u32 $0x200, v0;
	_ =	sdelay $0x3  }
0x118: {  	[tilespmem:v57+s10+$0x0] =	vst.idx.msk $0xffff, v52  }
0x119: {  	v59 =	vor.u32 $0xD000, v0;
	v52 =	vld.idx.msk [tilespmem:v58+s29+$0x0], $0xffff  }
0x11a: {  	v60 =	vor.u32 $0x210, v0;
	_ =	sdelay $0x3  }
0x11b: {  	[tilespmem:v59+s10+$0x0] =	vst.idx.msk $0xffff, v52  }
0x11c: {  	v61 =	vor.u32 $0xD010, v0;
	v52 =	vld.idx.msk [tilespmem:v60+s29+$0x0], $0xffff  }
0x11d: {  	v62 =	vor.u32 $0x220, v0;
	_ =	sdelay $0x3  }
0x11e: {  	[tilespmem:v61+s10+$0x0] =	vst.idx.msk $0xffff, v52  }
0x11f: {  	v63 =	vor.u32 $0xD020, v0;
	v52 =	vld.idx.msk [tilespmem:v62+s29+$0x0], $0xffff  }
0x120: {  	v57 =	vor.u32 $0x230, v0;
	_ =	sdelay $0x3  }
0x121: {  	[tilespmem:v63+s10+$0x0] =	vst.idx.msk $0xffff, v52  }
0x122: {  	v58 =	vor.u32 $0xD030, v0;
	v52 =	vld.idx.msk [tilespmem:v57+s29+$0x0], $0xffff  }
0x123: {  	v59 =	vor.u32 $0x240, v0;
	_ =	sdelay $0x3  }
0x124: {  	[tilespmem:v58+s10+$0x0] =	vst.idx.msk $0xffff, v52  }
0x125: {  	v60 =	vor.u32 $0xD040, v0;
	v52 =	vld.idx.msk [tilespmem:v59+s29+$0x0], $0xffff  }
0x126: {  	v61 =	vor.u32 $0x250, v0;
	_ =	sdelay $0x3  }
0x127: {  	[tilespmem:v60+s10+$0x0] =	vst.idx.msk $0xffff, v52  }
0x128: {  	v62 =	vor.u32 $0xD050, v0;
	v52 =	vld.idx.msk [tilespmem:v61+s29+$0x0], $0xffff  }
0x129: {  	v63 =	vor.u32 $0x260, v0;
	_ =	sdelay $0x3  }
0x12a: {  	[tilespmem:v62+s10+$0x0] =	vst.idx.msk $0xffff, v52  }
0x12b: {  	v57 =	vor.u32 $0xD060, v0;
	v52 =	vld.idx.msk [tilespmem:v63+s29+$0x0], $0xffff  }
0x12c: {  	v58 =	vor.u32 $0x270, v0;
	_ =	sdelay $0x3  }
0x12d: {  	[tilespmem:v57+s10+$0x0] =	vst.idx.msk $0xffff, v52  }
0x12e: {  	v59 =	vor.u32 $0xD070, v0;
	v52 =	vld.idx.msk [tilespmem:v58+s29+$0x0], $0xffff  }
0x12f: {  	v60 =	vor.u32 $0x280, v0;
	_ =	sdelay $0x3  }
0x130: {  	[tilespmem:v59+s10+$0x0] =	vst.idx.msk $0xffff, v52  }
0x131: {  	v61 =	vor.u32 $0xD400, v0;
	v52 =	vld.idx.msk [tilespmem:v60+s29+$0x0], $0xffff  }
0x132: {  	v62 =	vor.u32 $0x290, v0;
	_ =	sdelay $0x3  }
0x133: {  	[tilespmem:v61+s10+$0x0] =	vst.idx.msk $0xffff, v52  }
0x134: {  	v63 =	vor.u32 $0xD410, v0;
	v52 =	vld.idx.msk [tilespmem:v62+s29+$0x0], $0xffff  }
0x135: {  	v57 =	vor.u32 $0x2A0, v0;
	_ =	sdelay $0x3  }
0x136: {  	[tilespmem:v63+s10+$0x0] =	vst.idx.msk $0xffff, v52  }
0x137: {  	v58 =	vor.u32 $0xD420, v0;
	v52 =	vld.idx.msk [tilespmem:v57+s29+$0x0], $0xffff  }
0x138: {  	v59 =	vor.u32 $0x2B0, v0;
	_ =	sdelay $0x3  }
0x139: {  	[tilespmem:v58+s10+$0x0] =	vst.idx.msk $0xffff, v52  }
0x13a: {  	v60 =	vor.u32 $0xD430, v0;
	v52 =	vld.idx.msk [tilespmem:v59+s29+$0x0], $0xffff  }
0x13b: {  	v61 =	vor.u32 $0x2C0, v0;
	_ =	sdelay $0x3  }
0x13c: {  	[tilespmem:v60+s10+$0x0] =	vst.idx.msk $0xffff, v52  }
0x13d: {  	v62 =	vor.u32 $0xD440, v0;
	v52 =	vld.idx.msk [tilespmem:v61+s29+$0x0], $0xffff  }
0x13e: {  	v63 =	vor.u32 $0x2D0, v0;
	_ =	sdelay $0x3  }
0x13f: {  	[tilespmem:v62+s10+$0x0] =	vst.idx.msk $0xffff, v52  }
0x140: {  	v57 =	vor.u32 $0xD450, v0;
	v52 =	vld.idx.msk [tilespmem:v63+s29+$0x0], $0xffff  }
0x141: {  	v58 =	vor.u32 $0x2E0, v0;
	_ =	sdelay $0x3  }
0x142: {  	[tilespmem:v57+s10+$0x0] =	vst.idx.msk $0xffff, v52  }
0x143: {  	v59 =	vor.u32 $0xD460, v0;
	v52 =	vld.idx.msk [tilespmem:v58+s29+$0x0], $0xffff  }
0x144: {  	v60 =	vor.u32 $0x2F0, v0;
	_ =	sdelay $0x3  }
0x145: {  	[tilespmem:v59+s10+$0x0] =	vst.idx.msk $0xffff, v52  }
0x146: {  	v61 =	vor.u32 $0xD470, v0;
	v52 =	vld.idx.msk [tilespmem:v60+s29+$0x0], $0xffff  }
0x147: {  	v62 =	vor.u32 $0x300, v0;
	_ =	sdelay $0x3  }
0x148: {  	[tilespmem:v61+s10+$0x0] =	vst.idx.msk $0xffff, v52  }
0x149: {  	v63 =	vor.u32 $0xD800, v0;
	v52 =	vld.idx.msk [tilespmem:v62+s29+$0x0], $0xffff  }
0x14a: {  	v57 =	vor.u32 $0x310, v0;
	_ =	sdelay $0x3  }
0x14b: {  	[tilespmem:v63+s10+$0x0] =	vst.idx.msk $0xffff, v52  }
0x14c: {  	v58 =	vor.u32 $0xD810, v0;
	v52 =	vld.idx.msk [tilespmem:v57+s29+$0x0], $0xffff  }
0x14d: {  	v59 =	vor.u32 $0x320, v0;
	_ =	sdelay $0x3  }
0x14e: {  	[tilespmem:v58+s10+$0x0] =	vst.idx.msk $0xffff, v52  }
0x14f: {  	v60 =	vor.u32 $0xD820, v0;
	v52 =	vld.idx.msk [tilespmem:v59+s29+$0x0], $0xffff  }
0x150: {  	v61 =	vor.u32 $0x330, v0;
	_ =	sdelay $0x3  }
0x151: {  	[tilespmem:v60+s10+$0x0] =	vst.idx.msk $0xffff, v52  }
0x152: {  	v62 =	vor.u32 $0xD830, v0;
	v52 =	vld.idx.msk [tilespmem:v61+s29+$0x0], $0xffff  }
0x153: {  	v63 =	vor.u32 $0x340, v0;
	_ =	sdelay $0x3  }
0x154: {  	[tilespmem:v62+s10+$0x0] =	vst.idx.msk $0xffff, v52  }
0x155: {  	v57 =	vor.u32 $0xD840, v0;
	v52 =	vld.idx.msk [tilespmem:v63+s29+$0x0], $0xffff  }
0x156: {  	v58 =	vor.u32 $0x350, v0;
	_ =	sdelay $0x3  }
0x157: {  	[tilespmem:v57+s10+$0x0] =	vst.idx.msk $0xffff, v52  }
0x158: {  	v59 =	vor.u32 $0xD850, v0;
	v52 =	vld.idx.msk [tilespmem:v58+s29+$0x0], $0xffff  }
0x159: {  	v60 =	vor.u32 $0x360, v0;
	_ =	sdelay $0x3  }
0x15a: {  	[tilespmem:v59+s10+$0x0] =	vst.idx.msk $0xffff, v52  }
0x15b: {  	v61 =	vor.u32 $0xD860, v0;
	v52 =	vld.idx.msk [tilespmem:v60+s29+$0x0], $0xffff  }
0x15c: {  	v62 =	vor.u32 $0x370, v0;
	_ =	sdelay $0x3  }
0x15d: {  	[tilespmem:v61+s10+$0x0] =	vst.idx.msk $0xffff, v52  }
0x15e: {  	v63 =	vor.u32 $0xD870, v0;
	v52 =	vld.idx.msk [tilespmem:v62+s29+$0x0], $0xffff  }
0x15f: {  	v57 =	vor.u32 $0x380, v0;
	_ =	sdelay $0x3  }
0x160: {  	[tilespmem:v63+s10+$0x0] =	vst.idx.msk $0xffff, v52  }
0x161: {  	v58 =	vor.u32 $0xDC00, v0;
	v52 =	vld.idx.msk [tilespmem:v57+s29+$0x0], $0xffff  }
0x162: {  	v59 =	vor.u32 $0x390, v0;
	_ =	sdelay $0x3  }
0x163: {  	[tilespmem:v58+s10+$0x0] =	vst.idx.msk $0xffff, v52  }
0x164: {  	v60 =	vor.u32 $0xDC10, v0;
	v52 =	vld.idx.msk [tilespmem:v59+s29+$0x0], $0xffff  }
0x165: {  	v61 =	vor.u32 $0x3A0, v0;
	_ =	sdelay $0x3  }
0x166: {  	[tilespmem:v60+s10+$0x0] =	vst.idx.msk $0xffff, v52  }
0x167: {  	v62 =	vor.u32 $0xDC20, v0;
	v52 =	vld.idx.msk [tilespmem:v61+s29+$0x0], $0xffff  }
0x168: {  	v63 =	vor.u32 $0x3B0, v0;
	_ =	sdelay $0x3  }
0x169: {  	[tilespmem:v62+s10+$0x0] =	vst.idx.msk $0xffff, v52  }
0x16a: {  	v57 =	vor.u32 $0xDC30, v0;
	v52 =	vld.idx.msk [tilespmem:v63+s29+$0x0], $0xffff  }
0x16b: {  	v58 =	vor.u32 $0x3C0, v0;
	_ =	sdelay $0x3  }
0x16c: {  	[tilespmem:v57+s10+$0x0] =	vst.idx.msk $0xffff, v52  }
0x16d: {  	v59 =	vor.u32 $0xDC40, v0;
	v52 =	vld.idx.msk [tilespmem:v58+s29+$0x0], $0xffff  }
0x16e: {  	v60 =	vor.u32 $0x3D0, v0;
	_ =	sdelay $0x3  }
0x16f: {  	[tilespmem:v59+s10+$0x0] =	vst.idx.msk $0xffff, v52  }
0x170: {  	v61 =	vor.u32 $0xDC50, v0;
	v52 =	vld.idx.msk [tilespmem:v60+s29+$0x0], $0xffff  }
0x171: {  	v62 =	vor.u32 $0x3E0, v0;
	_ =	sdelay $0x3  }
0x172: {  	[tilespmem:v61+s10+$0x0] =	vst.idx.msk $0xffff, v52  }
0x173: {  	v63 =	vor.u32 $0xDC60, v0;
	v52 =	vld.idx.msk [tilespmem:v62+s29+$0x0], $0xff  }
0x174: {  	v57 =	vor.u32 $0x400, v0;
	_ =	sdelay $0x3  }
0x175: {  	[tilespmem:v63+s10+$0x0] =	vst.idx.msk $0xff, v52  }
0x176: {  	v58 =	vor.u32 $0xC080, v0;
	v52 =	vld.idx.msk [tilespmem:v57+s29+$0x0], $0xffff  }
0x177: {  	v59 =	vor.u32 $0x410, v0;
	_ =	sdelay $0x3  }
0x178: {  	[tilespmem:v58+s10+$0x0] =	vst.idx.msk $0xffff, v52  }
0x179: {  	v60 =	vor.u32 $0xC090, v0;
	v52 =	vld.idx.msk [tilespmem:v59+s29+$0x0], $0xffff  }
0x17a: {  	v61 =	vor.u32 $0x420, v0;
	_ =	sdelay $0x3  }
0x17b: {  	[tilespmem:v60+s10+$0x0] =	vst.idx.msk $0xffff, v52  }
0x17c: {  	v62 =	vor.u32 $0xC0A0, v0;
	v52 =	vld.idx.msk [tilespmem:v61+s29+$0x0], $0xffff  }
0x17d: {  	v63 =	vor.u32 $0x430, v0;
	_ =	sdelay $0x3  }
0x17e: {  	[tilespmem:v62+s10+$0x0] =	vst.idx.msk $0xffff, v52  }
0x17f: {  	v57 =	vor.u32 $0xC0B0, v0;
	v52 =	vld.idx.msk [tilespmem:v63+s29+$0x0], $0xffff  }
0x180: {  	v58 =	vor.u32 $0x440, v0;
	_ =	sdelay $0x3  }
0x181: {  	[tilespmem:v57+s10+$0x0] =	vst.idx.msk $0xffff, v52  }
0x182: {  	v59 =	vor.u32 $0xC0C0, v0;
	v52 =	vld.idx.msk [tilespmem:v58+s29+$0x0], $0xffff  }
0x183: {  	v60 =	vor.u32 $0x450, v0;
	_ =	sdelay $0x3  }
0x184: {  	[tilespmem:v59+s10+$0x0] =	vst.idx.msk $0xffff, v52  }
0x185: {  	v61 =	vor.u32 $0xC0D0, v0;
	v52 =	vld.idx.msk [tilespmem:v60+s29+$0x0], $0xffff  }
0x186: {  	v62 =	vor.u32 $0x460, v0;
	_ =	sdelay $0x3  }
0x187: {  	[tilespmem:v61+s10+$0x0] =	vst.idx.msk $0xffff, v52  }
0x188: {  	v63 =	vor.u32 $0xC0E0, v0;
	v52 =	vld.idx.msk [tilespmem:v62+s29+$0x0], $0xffff  }
0x189: {  	v57 =	vor.u32 $0x470, v0;
	_ =	sdelay $0x3  }
0x18a: {  	[tilespmem:v63+s10+$0x0] =	vst.idx.msk $0xffff, v52  }
0x18b: {  	v58 =	vor.u32 $0xC0F0, v0;
	v52 =	vld.idx.msk [tilespmem:v57+s29+$0x0], $0xffff  }
0x18c: {  	v59 =	vor.u32 $0x480, v0;
	_ =	sdelay $0x3  }
0x18d: {  	[tilespmem:v58+s10+$0x0] =	vst.idx.msk $0xffff, v52  }
0x18e: {  	v60 =	vor.u32 $0xC480, v0;
	v52 =	vld.idx.msk [tilespmem:v59+s29+$0x0], $0xffff  }
0x18f: {  	v61 =	vor.u32 $0x490, v0;
	_ =	sdelay $0x3  }
0x190: {  	[tilespmem:v60+s10+$0x0] =	vst.idx.msk $0xffff, v52  }
0x191: {  	v62 =	vor.u32 $0xC490, v0;
	v52 =	vld.idx.msk [tilespmem:v61+s29+$0x0], $0xffff  }
0x192: {  	v63 =	vor.u32 $0x4A0, v0;
	_ =	sdelay $0x3  }
0x193: {  	[tilespmem:v62+s10+$0x0] =	vst.idx.msk $0xffff, v52  }
0x194: {  	v57 =	vor.u32 $0xC4A0, v0;
	v52 =	vld.idx.msk [tilespmem:v63+s29+$0x0], $0xffff  }
0x195: {  	v58 =	vor.u32 $0x4B0, v0;
	_ =	sdelay $0x3  }
0x196: {  	[tilespmem:v57+s10+$0x0] =	vst.idx.msk $0xffff, v52  }
0x197: {  	v59 =	vor.u32 $0xC4B0, v0;
	v52 =	vld.idx.msk [tilespmem:v58+s29+$0x0], $0xffff  }
0x198: {  	v60 =	vor.u32 $0x4C0, v0;
	_ =	sdelay $0x3  }
0x199: {  	[tilespmem:v59+s10+$0x0] =	vst.idx.msk $0xffff, v52  }
0x19a: {  	v61 =	vor.u32 $0xC4C0, v0;
	v52 =	vld.idx.msk [tilespmem:v60+s29+$0x0], $0xffff  }
0x19b: {  	v62 =	vor.u32 $0x4D0, v0;
	_ =	sdelay $0x3  }
0x19c: {  	[tilespmem:v61+s10+$0x0] =	vst.idx.msk $0xffff, v52  }
0x19d: {  	v63 =	vor.u32 $0xC4D0, v0;
	v52 =	vld.idx.msk [tilespmem:v62+s29+$0x0], $0xffff  }
0x19e: {  	v57 =	vor.u32 $0x4E0, v0;
	_ =	sdelay $0x3  }
0x19f: {  	[tilespmem:v63+s10+$0x0] =	vst.idx.msk $0xffff, v52  }
0x1a0: {  	v58 =	vor.u32 $0xC4E0, v0;
	v52 =	vld.idx.msk [tilespmem:v57+s29+$0x0], $0xffff  }
0x1a1: {  	v59 =	vor.u32 $0x4F0, v0;
	_ =	sdelay $0x3  }
0x1a2: {  	[tilespmem:v58+s10+$0x0] =	vst.idx.msk $0xffff, v52  }
0x1a3: {  	v60 =	vor.u32 $0xC4F0, v0;
	v52 =	vld.idx.msk [tilespmem:v59+s29+$0x0], $0xffff  }
0x1a4: {  	v61 =	vor.u32 $0x500, v0;
	_ =	sdelay $0x3  }
0x1a5: {  	[tilespmem:v60+s10+$0x0] =	vst.idx.msk $0xffff, v52  }
0x1a6: {  	v62 =	vor.u32 $0xC880, v0;
	v52 =	vld.idx.msk [tilespmem:v61+s29+$0x0], $0xffff  }
0x1a7: {  	v63 =	vor.u32 $0x510, v0;
	_ =	sdelay $0x3  }
0x1a8: {  	[tilespmem:v62+s10+$0x0] =	vst.idx.msk $0xffff, v52  }
0x1a9: {  	v57 =	vor.u32 $0xC890, v0;
	v52 =	vld.idx.msk [tilespmem:v63+s29+$0x0], $0xffff  }
0x1aa: {  	v58 =	vor.u32 $0x520, v0;
	_ =	sdelay $0x3  }
0x1ab: {  	[tilespmem:v57+s10+$0x0] =	vst.idx.msk $0xffff, v52  }
0x1ac: {  	v59 =	vor.u32 $0xC8A0, v0;
	v52 =	vld.idx.msk [tilespmem:v58+s29+$0x0], $0xffff  }
0x1ad: {  	v60 =	vor.u32 $0x530, v0;
	_ =	sdelay $0x3  }
0x1ae: {  	[tilespmem:v59+s10+$0x0] =	vst.idx.msk $0xffff, v52  }
0x1af: {  	v61 =	vor.u32 $0xC8B0, v0;
	v52 =	vld.idx.msk [tilespmem:v60+s29+$0x0], $0xffff  }
0x1b0: {  	v62 =	vor.u32 $0x540, v0;
	_ =	sdelay $0x3  }
0x1b1: {  	[tilespmem:v61+s10+$0x0] =	vst.idx.msk $0xffff, v52  }
0x1b2: {  	v63 =	vor.u32 $0xC8C0, v0;
	v52 =	vld.idx.msk [tilespmem:v62+s29+$0x0], $0xffff  }
0x1b3: {  	v57 =	vor.u32 $0x550, v0;
	_ =	sdelay $0x3  }
0x1b4: {  	[tilespmem:v63+s10+$0x0] =	vst.idx.msk $0xffff, v52  }
0x1b5: {  	v58 =	vor.u32 $0xC8D0, v0;
	v52 =	vld.idx.msk [tilespmem:v57+s29+$0x0], $0xffff  }
0x1b6: {  	v59 =	vor.u32 $0x560, v0;
	_ =	sdelay $0x3  }
0x1b7: {  	[tilespmem:v58+s10+$0x0] =	vst.idx.msk $0xffff, v52  }
0x1b8: {  	v60 =	vor.u32 $0xC8E0, v0;
	v52 =	vld.idx.msk [tilespmem:v59+s29+$0x0], $0xffff  }
0x1b9: {  	v61 =	vor.u32 $0x570, v0;
	_ =	sdelay $0x3  }
0x1ba: {  	[tilespmem:v60+s10+$0x0] =	vst.idx.msk $0xffff, v52  }
0x1bb: {  	v62 =	vor.u32 $0xC8F0, v0;
	v52 =	vld.idx.msk [tilespmem:v61+s29+$0x0], $0xffff  }
0x1bc: {  	v63 =	vor.u32 $0x580, v0;
	_ =	sdelay $0x3  }
0x1bd: {  	[tilespmem:v62+s10+$0x0] =	vst.idx.msk $0xffff, v52  }
0x1be: {  	v57 =	vor.u32 $0xCC80, v0;
	v52 =	vld.idx.msk [tilespmem:v63+s29+$0x0], $0xffff  }
0x1bf: {  	v58 =	vor.u32 $0x590, v0;
	_ =	sdelay $0x3  }
0x1c0: {  	[tilespmem:v57+s10+$0x0] =	vst.idx.msk $0xffff, v52  }
0x1c1: {  	v59 =	vor.u32 $0xCC90, v0;
	v52 =	vld.idx.msk [tilespmem:v58+s29+$0x0], $0xffff  }
0x1c2: {  	v60 =	vor.u32 $0x5A0, v0;
	_ =	sdelay $0x3  }
0x1c3: {  	[tilespmem:v59+s10+$0x0] =	vst.idx.msk $0xffff, v52  }
0x1c4: {  	v61 =	vor.u32 $0xCCA0, v0;
	v52 =	vld.idx.msk [tilespmem:v60+s29+$0x0], $0xffff  }
0x1c5: {  	v62 =	vor.u32 $0x5B0, v0;
	_ =	sdelay $0x3  }
0x1c6: {  	[tilespmem:v61+s10+$0x0] =	vst.idx.msk $0xffff, v52  }
0x1c7: {  	v63 =	vor.u32 $0xCCB0, v0;
	v52 =	vld.idx.msk [tilespmem:v62+s29+$0x0], $0xffff  }
0x1c8: {  	v57 =	vor.u32 $0x5C0, v0;
	_ =	sdelay $0x3  }
0x1c9: {  	[tilespmem:v63+s10+$0x0] =	vst.idx.msk $0xffff, v52  }
0x1ca: {  	v58 =	vor.u32 $0xCCC0, v0;
	v52 =	vld.idx.msk [tilespmem:v57+s29+$0x0], $0xffff  }
0x1cb: {  	v59 =	vor.u32 $0x5D0, v0;
	_ =	sdelay $0x3  }
0x1cc: {  	[tilespmem:v58+s10+$0x0] =	vst.idx.msk $0xffff, v52  }
0x1cd: {  	v60 =	vor.u32 $0xCCD0, v0;
	v52 =	vld.idx.msk [tilespmem:v59+s29+$0x0], $0xffff  }
0x1ce: {  	v61 =	vor.u32 $0x5E0, v0;
	_ =	sdelay $0x3  }
0x1cf: {  	[tilespmem:v60+s10+$0x0] =	vst.idx.msk $0xffff, v52  }
0x1d0: {  	v62 =	vor.u32 $0xCCE0, v0;
	v52 =	vld.idx.msk [tilespmem:v61+s29+$0x0], $0xffff  }
0x1d1: {  	v63 =	vor.u32 $0x5F0, v0;
	_ =	sdelay $0x3  }
0x1d2: {  	[tilespmem:v62+s10+$0x0] =	vst.idx.msk $0xffff, v52  }
0x1d3: {  	v57 =	vor.u32 $0xCCF0, v0;
	v52 =	vld.idx.msk [tilespmem:v63+s29+$0x0], $0xffff  }
0x1d4: {  	v58 =	vor.u32 $0x600, v0;
	_ =	sdelay $0x3  }
0x1d5: {  	[tilespmem:v57+s10+$0x0] =	vst.idx.msk $0xffff, v52  }
0x1d6: {  	v59 =	vor.u32 $0xD080, v0;
	v52 =	vld.idx.msk [tilespmem:v58+s29+$0x0], $0xffff  }
0x1d7: {  	v60 =	vor.u32 $0x610, v0;
	_ =	sdelay $0x3  }
0x1d8: {  	[tilespmem:v59+s10+$0x0] =	vst.idx.msk $0xffff, v52  }
0x1d9: {  	v61 =	vor.u32 $0xD090, v0;
	v52 =	vld.idx.msk [tilespmem:v60+s29+$0x0], $0xffff  }
0x1da: {  	v62 =	vor.u32 $0x620, v0;
	_ =	sdelay $0x3  }
0x1db: {  	[tilespmem:v61+s10+$0x0] =	vst.idx.msk $0xffff, v52  }
0x1dc: {  	v63 =	vor.u32 $0xD0A0, v0;
	v52 =	vld.idx.msk [tilespmem:v62+s29+$0x0], $0xffff  }
0x1dd: {  	v57 =	vor.u32 $0x630, v0;
	_ =	sdelay $0x3  }
0x1de: {  	[tilespmem:v63+s10+$0x0] =	vst.idx.msk $0xffff, v52  }
0x1df: {  	v58 =	vor.u32 $0xD0B0, v0;
	v52 =	vld.idx.msk [tilespmem:v57+s29+$0x0], $0xffff  }
0x1e0: {  	v59 =	vor.u32 $0x640, v0;
	_ =	sdelay $0x3  }
0x1e1: {  	[tilespmem:v58+s10+$0x0] =	vst.idx.msk $0xffff, v52  }
0x1e2: {  	v60 =	vor.u32 $0xD0C0, v0;
	v52 =	vld.idx.msk [tilespmem:v59+s29+$0x0], $0xffff  }
0x1e3: {  	v61 =	vor.u32 $0x650, v0;
	_ =	sdelay $0x3  }
0x1e4: {  	[tilespmem:v60+s10+$0x0] =	vst.idx.msk $0xffff, v52  }
0x1e5: {  	v62 =	vor.u32 $0xD0D0, v0;
	v52 =	vld.idx.msk [tilespmem:v61+s29+$0x0], $0xffff  }
0x1e6: {  	v63 =	vor.u32 $0x660, v0;
	_ =	sdelay $0x3  }
0x1e7: {  	[tilespmem:v62+s10+$0x0] =	vst.idx.msk $0xffff, v52  }
0x1e8: {  	v57 =	vor.u32 $0xD0E0, v0;
	v52 =	vld.idx.msk [tilespmem:v63+s29+$0x0], $0xffff  }
0x1e9: {  	v58 =	vor.u32 $0x670, v0;
	_ =	sdelay $0x3  }
0x1ea: {  	[tilespmem:v57+s10+$0x0] =	vst.idx.msk $0xffff, v52  }
0x1eb: {  	v59 =	vor.u32 $0xD0F0, v0;
	v52 =	vld.idx.msk [tilespmem:v58+s29+$0x0], $0xffff  }
0x1ec: {  	v60 =	vor.u32 $0x680, v0;
	_ =	sdelay $0x3  }
0x1ed: {  	[tilespmem:v59+s10+$0x0] =	vst.idx.msk $0xffff, v52  }
0x1ee: {  	v61 =	vor.u32 $0xD480, v0;
	v52 =	vld.idx.msk [tilespmem:v60+s29+$0x0], $0xffff  }
0x1ef: {  	v62 =	vor.u32 $0x690, v0;
	_ =	sdelay $0x3  }
0x1f0: {  	[tilespmem:v61+s10+$0x0] =	vst.idx.msk $0xffff, v52  }
0x1f1: {  	v63 =	vor.u32 $0xD490, v0;
	v52 =	vld.idx.msk [tilespmem:v62+s29+$0x0], $0xffff  }
0x1f2: {  	v57 =	vor.u32 $0x6A0, v0;
	_ =	sdelay $0x3  }
0x1f3: {  	[tilespmem:v63+s10+$0x0] =	vst.idx.msk $0xffff, v52  }
0x1f4: {  	v58 =	vor.u32 $0xD4A0, v0;
	v52 =	vld.idx.msk [tilespmem:v57+s29+$0x0], $0xffff  }
0x1f5: {  	v59 =	vor.u32 $0x6B0, v0;
	_ =	sdelay $0x3  }
0x1f6: {  	[tilespmem:v58+s10+$0x0] =	vst.idx.msk $0xffff, v52  }
0x1f7: {  	v60 =	vor.u32 $0xD4B0, v0;
	v52 =	vld.idx.msk [tilespmem:v59+s29+$0x0], $0xffff  }
0x1f8: {  	v61 =	vor.u32 $0x6C0, v0;
	_ =	sdelay $0x3  }
0x1f9: {  	[tilespmem:v60+s10+$0x0] =	vst.idx.msk $0xffff, v52  }
0x1fa: {  	v62 =	vor.u32 $0xD4C0, v0;
	v52 =	vld.idx.msk [tilespmem:v61+s29+$0x0], $0xffff  }
0x1fb: {  	v63 =	vor.u32 $0x6D0, v0;
	_ =	sdelay $0x3  }
0x1fc: {  	[tilespmem:v62+s10+$0x0] =	vst.idx.msk $0xffff, v52  }
0x1fd: {  	v57 =	vor.u32 $0xD4D0, v0;
	v52 =	vld.idx.msk [tilespmem:v63+s29+$0x0], $0xffff  }
0x1fe: {  	v58 =	vor.u32 $0x6E0, v0;
	_ =	sdelay $0x3  }
0x1ff: {  	[tilespmem:v57+s10+$0x0] =	vst.idx.msk $0xffff, v52  }
0x200: {  	v59 =	vor.u32 $0xD4E0, v0;
	v52 =	vld.idx.msk [tilespmem:v58+s29+$0x0], $0xffff  }
0x201: {  	v60 =	vor.u32 $0x6F0, v0;
	_ =	sdelay $0x3  }
0x202: {  	[tilespmem:v59+s10+$0x0] =	vst.idx.msk $0xffff, v52  }
0x203: {  	v61 =	vor.u32 $0xD4F0, v0;
	v52 =	vld.idx.msk [tilespmem:v60+s29+$0x0], $0xffff  }
0x204: {  	v62 =	vor.u32 $0x700, v0;
	_ =	sdelay $0x3  }
0x205: {  	[tilespmem:v61+s10+$0x0] =	vst.idx.msk $0xffff, v52  }
0x206: {  	v63 =	vor.u32 $0xD880, v0;
	v52 =	vld.idx.msk [tilespmem:v62+s29+$0x0], $0xffff  }
0x207: {  	v57 =	vor.u32 $0x710, v0;
	_ =	sdelay $0x3  }
0x208: {  	[tilespmem:v63+s10+$0x0] =	vst.idx.msk $0xffff, v52  }
0x209: {  	v58 =	vor.u32 $0xD890, v0;
	v52 =	vld.idx.msk [tilespmem:v57+s29+$0x0], $0xffff  }
0x20a: {  	v59 =	vor.u32 $0x720, v0;
	_ =	sdelay $0x3  }
0x20b: {  	[tilespmem:v58+s10+$0x0] =	vst.idx.msk $0xffff, v52  }
0x20c: {  	v60 =	vor.u32 $0xD8A0, v0;
	v52 =	vld.idx.msk [tilespmem:v59+s29+$0x0], $0xffff  }
0x20d: {  	v61 =	vor.u32 $0x730, v0;
	_ =	sdelay $0x3  }
0x20e: {  	[tilespmem:v60+s10+$0x0] =	vst.idx.msk $0xffff, v52  }
0x20f: {  	v62 =	vor.u32 $0xD8B0, v0;
	v52 =	vld.idx.msk [tilespmem:v61+s29+$0x0], $0xffff  }
0x210: {  	v63 =	vor.u32 $0x740, v0;
	_ =	sdelay $0x3  }
0x211: {  	[tilespmem:v62+s10+$0x0] =	vst.idx.msk $0xffff, v52  }
0x212: {  	v57 =	vor.u32 $0xD8C0, v0;
	v52 =	vld.idx.msk [tilespmem:v63+s29+$0x0], $0xffff  }
0x213: {  	v58 =	vor.u32 $0x750, v0;
	_ =	sdelay $0x3  }
0x214: {  	[tilespmem:v57+s10+$0x0] =	vst.idx.msk $0xffff, v52  }
0x215: {  	v59 =	vor.u32 $0xD8D0, v0;
	v52 =	vld.idx.msk [tilespmem:v58+s29+$0x0], $0xffff  }
0x216: {  	v60 =	vor.u32 $0x760, v0;
	_ =	sdelay $0x3  }
0x217: {  	[tilespmem:v59+s10+$0x0] =	vst.idx.msk $0xffff, v52  }
0x218: {  	v61 =	vor.u32 $0xD8E0, v0;
	v52 =	vld.idx.msk [tilespmem:v60+s29+$0x0], $0xffff  }
0x219: {  	v62 =	vor.u32 $0x770, v0;
	_ =	sdelay $0x3  }
0x21a: {  	[tilespmem:v61+s10+$0x0] =	vst.idx.msk $0xffff, v52  }
0x21b: {  	v63 =	vor.u32 $0xD8F0, v0;
	v52 =	vld.idx.msk [tilespmem:v62+s29+$0x0], $0xffff  }
0x21c: {  	v57 =	vor.u32 $0x780, v0;
	_ =	sdelay $0x3  }
0x21d: {  	[tilespmem:v63+s10+$0x0] =	vst.idx.msk $0xffff, v52  }
0x21e: {  	v58 =	vor.u32 $0xDC80, v0;
	v52 =	vld.idx.msk [tilespmem:v57+s29+$0x0], $0xffff  }
0x21f: {  	v59 =	vor.u32 $0x790, v0;
	_ =	sdelay $0x3  }
0x220: {  	[tilespmem:v58+s10+$0x0] =	vst.idx.msk $0xffff, v52  }
0x221: {  	v60 =	vor.u32 $0xDC90, v0;
	v52 =	vld.idx.msk [tilespmem:v59+s29+$0x0], $0xffff  }
0x222: {  	v61 =	vor.u32 $0x7A0, v0;
	_ =	sdelay $0x3  }
0x223: {  	[tilespmem:v60+s10+$0x0] =	vst.idx.msk $0xffff, v52  }
0x224: {  	v62 =	vor.u32 $0xDCA0, v0;
	v52 =	vld.idx.msk [tilespmem:v61+s29+$0x0], $0xffff  }
0x225: {  	v63 =	vor.u32 $0x7B0, v0;
	_ =	sdelay $0x3  }
0x226: {  	[tilespmem:v62+s10+$0x0] =	vst.idx.msk $0xffff, v52  }
0x227: {  	v57 =	vor.u32 $0xDCB0, v0;
	v52 =	vld.idx.msk [tilespmem:v63+s29+$0x0], $0xffff  }
0x228: {  	v58 =	vor.u32 $0x7C0, v0;
	_ =	sdelay $0x3  }
0x229: {  	[tilespmem:v57+s10+$0x0] =	vst.idx.msk $0xffff, v52  }
0x22a: {  	v59 =	vor.u32 $0xDCC0, v0;
	v52 =	vld.idx.msk [tilespmem:v58+s29+$0x0], $0xffff  }
0x22b: {  	v60 =	vor.u32 $0x7D0, v0;
	_ =	sdelay $0x3  }
0x22c: {  	[tilespmem:v59+s10+$0x0] =	vst.idx.msk $0xffff, v52  }
0x22d: {  	v61 =	vor.u32 $0xDCD0, v0;
	v52 =	vld.idx.msk [tilespmem:v60+s29+$0x0], $0xffff  }
0x22e: {  	v62 =	vor.u32 $0x7E0, v0;
	_ =	sdelay $0x3  }
0x22f: {  	[tilespmem:v61+s10+$0x0] =	vst.idx.msk $0xffff, v52  }
0x230: {  	p0 =	seq.s32 s21, $0x1F;
	v63 =	vor.u32 $0xDCE0, v0;
	v52 =	vld.idx.msk [tilespmem:v62+s29+$0x0], $0xff  }
.Ltmp6:
0x231: {  	_ = 	snop;
	(pc) =	sbr.rel @p0 .LBB2_10-.Ltmp6, $2  }
0x232: {  	_ =	sdelay $0x2  }
0x233: {  	[tilespmem:v63+s10+$0x0] =	vst.idx.msk $0xff, v52  }
0x234: {  	_ =	swait.ge [sflag:s15], $0x50  }
0x235: {  	[sflag:s15] =	ssyncset.done $0x0  }
0x236: {  	[sflag:s15] =	ssyncadd.s32 $0xFFFFFFB0  }
0x237: {  	v52 =	vld [tilespmem:$0x1E000];
	_ =	sdelay $0x4  }
0x238: {  	v53 =	vshrl.u32 v52, $0x3  }
0x239: {  	v53 =	vmul.u32 $0x38, v53  }
0x23a: {  	v52 =	vand.u32 $0x7, v52  }
0x23b: {  	v52 =	vor.u32 v52, v53  }
0x23c: {  	v53 =	vperm.xlane v52, v1;
	_ =	sdelay $0x1  }
0x23d: {  	v53 =	vadd.s32 v2, v53;
	_ =	sdelay $0x4  }
0x23e: {  	[tilespmem:s6], [sflag:$0x1] =	stream.indirect_vreg.gather [hbm4b:s2+s6], $0x80, v53, vm0, $0xb8;
	[tilespmem:$0x1E100] =	vst v63  }
0x23f: {  	s22 =	simm.s32 $0x800;
	v52 =	vperm.xlane v52, v3  }
0x240: {  	[tilespmem:s22], [sflag:$0x1] =	stream.indirect_vreg.gather [hbm4b:s11+s6], $0x80, v53, vm0, $0xb8;
	[tilespmem:$0x1E100] =	vst v63  }
0x241: {  	s23 =	simm.s32 $0x1000;
	v52 =	vadd.s32 v2, v52  }
0x242: {  	[tilespmem:s23], [sflag:$0x1] =	stream.indirect_vreg.gather [hbm4b:s12+s6], $0x80, v53, vm0, $0xb8;
	[tilespmem:$0x1E100] =	vst v63  }
0x243: {  	s28 =	simm.s32 $0x1800  }
0x244: {  	[tilespmem:s28], [sflag:$0x1] =	stream.indirect_vreg.gather [hbm4b:s13+s6], $0x80, v53, vm1, $0xb8;
	[tilespmem:$0x1E100] =	vst v63  }
0x245: {  	s23 =	simm.s32 $0x2000  }
0x246: {  	[tilespmem:s23], [sflag:$0x1] =	stream.indirect_vreg.gather [hbm4b:s2+s6], $0x80, v52, vm0, $0xb8;
	[tilespmem:$0x1E100] =	vst v63  }
0x247: {  	s28 =	simm.s32 $0x2800  }
0x248: {  	[tilespmem:s28], [sflag:$0x1] =	stream.indirect_vreg.gather [hbm4b:s11+s6], $0x80, v52, vm0, $0xb8;
	[tilespmem:$0x1E100] =	vst v63  }
0x249: {  	s23 =	simm.s32 $0x3000  }
0x24a: {  	[tilespmem:s23], [sflag:$0x1] =	stream.indirect_vreg.gather [hbm4b:s12+s6], $0x80, v52, vm0, $0xb8;
	[tilespmem:$0x1E100] =	vst v63  }
0x24b: {  	s28 =	simm.s32 $0x3800  }
0x24c: {  	[tilespmem:s28], [sflag:$0x1] =	stream.indirect_vreg.gather [hbm4b:s13+s6], $0x80, v52, vm1, $0xb8;
	[tilespmem:$0x1E100] =	vst v63  }
0x24d: {  	v52 =	vld [tilespmem:$0x1E010];
	_ =	sdelay $0x4  }
0x24e: {  	v62 =	vshrl.u32 v52, $0x3  }
0x24f: {  	v53 =	vmul.u32 $0x38, v62  }
0x250: {  	v52 =	vand.u32 $0x7, v52  }
0x251: {  	v52 =	vor.u32 v52, v53  }
0x252: {  	v53 =	vperm.xlane v52, v1;
	_ =	sdelay $0x1  }
0x253: {  	v53 =	vadd.s32 v2, v53;
	_ =	sdelay $0x3  }
0x254: {  	s23 =	simm.s32 $0x4000  }
0x255: {  	[tilespmem:s23], [sflag:$0x1] =	stream.indirect_vreg.gather [hbm4b:s2+s6], $0x80, v53, vm0, $0xb8;
	[tilespmem:$0x1E100] =	vst v63  }
0x256: {  	s28 =	simm.s32 $0x4800;
	v52 =	vperm.xlane v52, v3  }
0x257: {  	[tilespmem:s28], [sflag:$0x1] =	stream.indirect_vreg.gather [hbm4b:s11+s6], $0x80, v53, vm0, $0xb8;
	[tilespmem:$0x1E100] =	vst v63  }
0x258: {  	v52 =	vadd.s32 v2, v52;
	s23 =	simm.s32 $0x5000  }
0x259: {  	[tilespmem:s23], [sflag:$0x1] =	stream.indirect_vreg.gather [hbm4b:s12+s6], $0x80, v53, vm0, $0xb8;
	[tilespmem:$0x1E100] =	vst v63  }
0x25a: {  	s28 =	simm.s32 $0x5800  }
0x25b: {  	[tilespmem:s28], [sflag:$0x1] =	stream.indirect_vreg.gather [hbm4b:s13+s6], $0x80, v53, vm1, $0xb8;
	[tilespmem:$0x1E100] =	vst v63  }
0x25c: {  	s23 =	simm.s32 $0x6000  }
0x25d: {  	[tilespmem:s23], [sflag:$0x1] =	stream.indirect_vreg.gather [hbm4b:s2+s6], $0x80, v52, vm0, $0xb8;
	[tilespmem:$0x1E100] =	vst v63  }
0x25e: {  	s28 =	simm.s32 $0x6800  }
0x25f: {  	[tilespmem:s28], [sflag:$0x1] =	stream.indirect_vreg.gather [hbm4b:s11+s6], $0x80, v52, vm0, $0xb8;
	[tilespmem:$0x1E100] =	vst v63  }
0x260: {  	s23 =	simm.s32 $0x7000  }
0x261: {  	[tilespmem:s23], [sflag:$0x1] =	stream.indirect_vreg.gather [hbm4b:s12+s6], $0x80, v52, vm0, $0xb8;
	[tilespmem:$0x1E100] =	vst v63  }
0x262: {  	s28 =	simm.s32 $0x7800  }
0x263: {  	[tilespmem:s28], [sflag:$0x1] =	stream.indirect_vreg.gather [hbm4b:s13+s6], $0x80, v52, vm1, $0xb8;
	[tilespmem:$0x1E100] =	vst v63  }
0x264: {  	v52 =	vld [tilespmem:$0x1E020];
	_ =	sdelay $0x4  }
0x265: {  	v63 =	vshrl.u32 v52, $0x3  }
0x266: {  	v53 =	vmul.u32 $0x38, v63  }
0x267: {  	v52 =	vand.u32 $0x7, v52  }
0x268: {  	v52 =	vor.u32 v52, v53  }
0x269: {  	v53 =	vperm.xlane v52, v1;
	_ =	sdelay $0x1  }
0x26a: {  	v53 =	vadd.s32 v2, v53;
	_ =	sdelay $0x3  }
0x26b: {  	s23 =	simm.s32 $0x8000  }
0x26c: {  	[tilespmem:s23], [sflag:$0x1] =	stream.indirect_vreg.gather [hbm4b:s2+s6], $0x80, v53, vm0, $0xb8;
	[tilespmem:$0x1E100] =	vst v63  }
0x26d: {  	s28 =	simm.s32 $0x8800;
	v52 =	vperm.xlane v52, v3  }
0x26e: {  	[tilespmem:s28], [sflag:$0x1] =	stream.indirect_vreg.gather [hbm4b:s11+s6], $0x80, v53, vm0, $0xb8;
	[tilespmem:$0x1E100] =	vst v63  }
0x26f: {  	v52 =	vadd.s32 v2, v52;
	s23 =	simm.s32 $0x9000  }
0x270: {  	[tilespmem:s23], [sflag:$0x1] =	stream.indirect_vreg.gather [hbm4b:s12+s6], $0x80, v53, vm0, $0xb8;
	[tilespmem:$0x1E100] =	vst v63  }
0x271: {  	s28 =	simm.s32 $0x9800  }
0x272: {  	[tilespmem:s28], [sflag:$0x1] =	stream.indirect_vreg.gather [hbm4b:s13+s6], $0x80, v53, vm1, $0xb8;
	[tilespmem:$0x1E100] =	vst v63  }
0x273: {  	s23 =	simm.s32 $0xA000  }
0x274: {  	[tilespmem:s23], [sflag:$0x1] =	stream.indirect_vreg.gather [hbm4b:s2+s6], $0x80, v52, vm0, $0xb8;
	[tilespmem:$0x1E100] =	vst v63  }
0x275: {  	s28 =	simm.s32 $0xA800  }
0x276: {  	[tilespmem:s28], [sflag:$0x1] =	stream.indirect_vreg.gather [hbm4b:s11+s6], $0x80, v52, vm0, $0xb8;
	[tilespmem:$0x1E100] =	vst v63  }
0x277: {  	s23 =	simm.s32 $0xB000  }
0x278: {  	[tilespmem:s23], [sflag:$0x1] =	stream.indirect_vreg.gather [hbm4b:s12+s6], $0x80, v52, vm0, $0xb8;
	[tilespmem:$0x1E100] =	vst v63  }
0x279: {  	s28 =	simm.s32 $0xB800  }
0x27a: {  	[tilespmem:s28], [sflag:$0x1] =	stream.indirect_vreg.gather [hbm4b:s13+s6], $0x80, v52, vm1, $0xb8;
	[tilespmem:$0x1E100] =	vst v63  }
.Ltmp7:
0x27b: {  	_ = 	snop;
	(pc) =	sbr.rel .LBB2_10-.Ltmp7, $4  }
0x27c: {  	s23 =	simm.s32 $0x1E000  }
0x27d: {  	[tilespmem:s25], [sflag:$0x3] =	stream.indirect.gather [hbm4b:s3+s24], $0x80, s23, s24, $0xb8;
	[tilespmem:$0x1E100] =	vst v63  }
0x27e: {  	s28 =	simm.s32 $0x1E038  }
0x27f: {  	[tilespmem:s29], [sflag:$0x4] =	stream.indirect.gather [hbm4b:s5+s26], $0x80, s28, s26, $0xb8;
	[tilespmem:$0x1E100] =	vst v63  }
.LBB2_3:
0x280: {  	p0 =	seq.s32 s21, $0x0  }
0x281: {  	s22 =	simm.s32 @!p0 $0x6  }
0x282: {  	_ =	swait.ge @!p0 [sflag:s22], $0xE000  }
0x283: {  	[sflag:s22] =	ssyncset.done @!p0 $0x0  }
0x284: {  	[sflag:s22] =	ssyncadd.s32 @!p0 $0xFFFF2000  }
0x285: {  	_ =	swait.ge [sflag:s8], $0xA800  }
0x286: {  	s23 =	simm.s32 $0x0;
	[sflag:s8] =	ssyncset.done $0x0  }
0x287: {  	v52 =	vmov s23;
	[sflag:s8] =	ssyncadd.s32 $0xFFFF5800  }
0x288: {  	v53 =	vshll.u32 v52, $0x7;
	_ =	swait.ge [sflag:s4], $0x1800  }
0x289: {  	v54 =	vor.u32 v0, v53;
	[sflag:s4] =	ssyncset.done $0x0  }
0x28a: {  	[sflag:s4] =	ssyncadd.s32 $0xFFFFE800  }
0x28b: {  	_ =	swait.ge [sflag:s1], $0x800  }
0x28c: {  	v52 =	vshll.u32 v52, $0xA;
	v55 =	vand.u32 $0x380, v53;
	[sflag:s1] =	ssyncset.done $0x0  }
0x28d: {  	v52 =	vor.u32 v55, v52;
	[sflag:s1] =	ssyncadd.s32 $0xFFFFF800  }
0x28e: {  	v55 =	vor.u32 v4, v52;
	v54 =	vld.idx.msk [tilespmem:v54+s25+$0x0], $0xffff  }
0x28f: {  	v56 =	vor.u32 v5, v53;
	_ =	sdelay $0x3  }
0x290: {  	v52 =	vor.u32 $0x1C00, v52;
	[tilespmem:v55+s6+$0x0] =	vst.idx.msk $0xffff, v54  }
0x291: {  	v62 =	vor.u32 v5, v52;
	v54 =	vld.idx.msk [tilespmem:v56+s25+$0x0], $0xffff  }
0x292: {  	v63 =	vor.u32 v6, v53;
	_ =	sdelay $0x3  }
0x293: {  	[tilespmem:v62+s6+$0x0] =	vst.idx.msk $0xffff, v54  }
0x294: {  	v60 =	vor.u32 v6, v52;
	v54 =	vld.idx.msk [tilespmem:v63+s25+$0x0], $0xffff  }
0x295: {  	v61 =	vor.u32 v7, v53;
	_ =	sdelay $0x3  }
0x296: {  	[tilespmem:v60+s6+$0x0] =	vst.idx.msk $0xffff, v54  }
0x297: {  	v62 =	vor.u32 v7, v52;
	v54 =	vld.idx.msk [tilespmem:v61+s25+$0x0], $0xffff  }
0x298: {  	v63 =	vor.u32 v8, v53;
	_ =	sdelay $0x3  }
0x299: {  	[tilespmem:v62+s6+$0x0] =	vst.idx.msk $0xffff, v54  }
0x29a: {  	v60 =	vor.u32 v8, v52;
	v54 =	vld.idx.msk [tilespmem:v63+s25+$0x0], $0xffff  }
0x29b: {  	v61 =	vor.u32 v9, v53;
	_ =	sdelay $0x3  }
0x29c: {  	[tilespmem:v60+s6+$0x0] =	vst.idx.msk $0xffff, v54  }
0x29d: {  	v62 =	vor.u32 v9, v52;
	v54 =	vld.idx.msk [tilespmem:v61+s25+$0x0], $0xffff  }
0x29e: {  	v63 =	vor.u32 v10, v53;
	_ =	sdelay $0x3  }
0x29f: {  	s28 =	simm.s32 $0x1;
	[tilespmem:v62+s6+$0x0] =	vst.idx.msk $0xffff, v54  }
0x2a0: {  	s22 =	simm.s32 $0x2;
	v53 =	vmov s28;
	v54 =	vld.idx.msk [tilespmem:v63+s25+$0x0], $0xff  }
.LBB2_4:
0x2a1: {  	p0 =	sne.s32 s22, $0x2F;
	v55 =	vshll.u32 v53, $0x7;
	v52 =	vor.u32 v10, v52  }
0x2a2: {  	v56 =	vor.u32 v0, v55;
	_ =	sdelay $0x3  }
0x2a3: {  	v53 =	vshll.u32 v53, $0xA;
	v57 =	vand.u32 $0x380, v55;
	[tilespmem:v52+s6+$0x0] =	vst.idx.msk $0xff, v54  }
0x2a4: {  	v53 =	vor.u32 v57, v53;
	v52 =	vld.idx.msk [tilespmem:v56+s25+$0x0], $0xffff  }
0x2a5: {  	v54 =	vor.u32 v4, v53  }
0x2a6: {  	v56 =	vor.u32 v5, v55;
	_ =	sdelay $0x3  }
0x2a7: {  	[tilespmem:v54+s6+$0x0] =	vst.idx.msk $0xffff, v52  }
0x2a8: {  	v52 =	vor.u32 $0x1C00, v53;
	v53 =	vld.idx.msk [tilespmem:v56+s25+$0x0], $0xffff  }
0x2a9: {  	v54 =	vor.u32 v5, v52  }
0x2aa: {  	v56 =	vor.u32 v6, v55;
	_ =	sdelay $0x3  }
0x2ab: {  	[tilespmem:v54+s6+$0x0] =	vst.idx.msk $0xffff, v53  }
0x2ac: {  	v53 =	vld.idx.msk [tilespmem:v56+s25+$0x0], $0xffff  }
0x2ad: {  	v54 =	vor.u32 v6, v52  }
0x2ae: {  	v56 =	vor.u32 v7, v55;
	_ =	sdelay $0x3  }
0x2af: {  	[tilespmem:v54+s6+$0x0] =	vst.idx.msk $0xffff, v53  }
0x2b0: {  	v53 =	vld.idx.msk [tilespmem:v56+s25+$0x0], $0xffff  }
0x2b1: {  	v54 =	vor.u32 v7, v52  }
0x2b2: {  	v56 =	vor.u32 v8, v55;
	_ =	sdelay $0x3  }
0x2b3: {  	[tilespmem:v54+s6+$0x0] =	vst.idx.msk $0xffff, v53  }
0x2b4: {  	v53 =	vld.idx.msk [tilespmem:v56+s25+$0x0], $0xffff  }
0x2b5: {  	v54 =	vor.u32 v8, v52  }
0x2b6: {  	v56 =	vor.u32 v9, v55;
	_ =	sdelay $0x3  }
0x2b7: {  	[tilespmem:v54+s6+$0x0] =	vst.idx.msk $0xffff, v53  }
0x2b8: {  	v53 =	vld.idx.msk [tilespmem:v56+s25+$0x0], $0xffff  }
0x2b9: {  	v54 =	vor.u32 v9, v52  }
0x2ba: {  	v55 =	vor.u32 v10, v55  }
.Ltmp8:
0x2bb: {  	(pc) =	sbr.rel @p0 .LBB2_4-.Ltmp8, $3  }
0x2bc: {  	_ =	sdelay $0x1  }
0x2bd: {  	[tilespmem:v54+s6+$0x0] =	vst.idx.msk $0xffff, v53  }
0x2be: {  	v53 =	vmov s22;
	s22 =	sadd.s32 $0x1, s22;
	v54 =	vld.idx.msk [tilespmem:v55+s25+$0x0], $0xff  }
0x2bf: {  	v55 =	vshll.u32 v53, $0x7;
	v52 =	vor.u32 v10, v52  }
0x2c0: {  	v56 =	vor.u32 v0, v55;
	_ =	sdelay $0x2  }
0x2c1: {  	v63 =	vshll.u32 v53, $0xA;
	v57 =	vand.u32 $0x380, v55  }
0x2c2: {  	v60 =	vor.u32 v57, v63;
	[tilespmem:v52+s6+$0x0] =	vst.idx.msk $0xff, v54  }
0x2c3: {  	v62 =	vor.u32 v4, v60;
	v61 =	vld.idx.msk [tilespmem:v56+s25+$0x0], $0xffff  }
0x2c4: {  	v63 =	vor.u32 v5, v55;
	_ =	sdelay $0x3  }
0x2c5: {  	v52 =	vor.u32 $0x1C00, v60;
	[tilespmem:v62+s6+$0x0] =	vst.idx.msk $0xffff, v61  }
0x2c6: {  	v60 =	vor.u32 v5, v52;
	v53 =	vld.idx.msk [tilespmem:v63+s25+$0x0], $0xffff  }
0x2c7: {  	v61 =	vor.u32 v6, v55;
	_ =	sdelay $0x3  }
0x2c8: {  	[tilespmem:v60+s6+$0x0] =	vst.idx.msk $0xffff, v53  }
0x2c9: {  	v62 =	vor.u32 v6, v52;
	v53 =	vld.idx.msk [tilespmem:v61+s25+$0x0], $0xffff  }
0x2ca: {  	v63 =	vor.u32 v7, v55;
	_ =	sdelay $0x3  }
0x2cb: {  	[tilespmem:v62+s6+$0x0] =	vst.idx.msk $0xffff, v53  }
0x2cc: {  	v60 =	vor.u32 v7, v52;
	v53 =	vld.idx.msk [tilespmem:v63+s25+$0x0], $0xffff  }
0x2cd: {  	v61 =	vor.u32 v8, v55;
	_ =	sdelay $0x3  }
0x2ce: {  	[tilespmem:v60+s6+$0x0] =	vst.idx.msk $0xffff, v53  }
0x2cf: {  	v62 =	vor.u32 v8, v52;
	v53 =	vld.idx.msk [tilespmem:v61+s25+$0x0], $0xffff  }
0x2d0: {  	v63 =	vor.u32 v9, v55;
	_ =	sdelay $0x3  }
0x2d1: {  	[tilespmem:v62+s6+$0x0] =	vst.idx.msk $0xffff, v53  }
0x2d2: {  	v58 =	vor.u32 v9, v52;
	v53 =	vld.idx.msk [tilespmem:v63+s25+$0x0], $0xffff  }
0x2d3: {  	v55 =	vor.u32 v10, v55;
	_ =	sdelay $0x3  }
0x2d4: {  	[tilespmem:v58+s6+$0x0] =	vst.idx.msk $0xffff, v53  }
0x2d5: {  	v52 =	vor.u32 v10, v52;
	v53 =	vld.idx.msk [tilespmem:v55+s25+$0x0], $0xff;
	_ =	sdelay $0x4  }
0x2d6: {  	[tilespmem:v52+s6+$0x0] =	vst.idx.msk $0xff, v53  }
0x2d7: {  	v52 =	vld.idx.msk [tilespmem:v0+s29+$0x0], $0xffff;
	_ =	sdelay $0x4  }
0x2d8: {  	[tilespmem:v11+s6+$0x0] =	vst.idx.msk $0xffff, v52  }
0x2d9: {  	v52 =	vld.idx.msk [tilespmem:v5+s29+$0x0], $0xffff;
	_ =	sdelay $0x4  }
0x2da: {  	[tilespmem:v12+s6+$0x0] =	vst.idx.msk $0xffff, v52  }
0x2db: {  	v52 =	vld.idx.msk [tilespmem:v6+s29+$0x0], $0xffff;
	_ =	sdelay $0x4  }
0x2dc: {  	[tilespmem:v13+s6+$0x0] =	vst.idx.msk $0xffff, v52  }
0x2dd: {  	v52 =	vld.idx.msk [tilespmem:v7+s29+$0x0], $0xffff;
	_ =	sdelay $0x4  }
0x2de: {  	[tilespmem:v14+s6+$0x0] =	vst.idx.msk $0xffff, v52  }
0x2df: {  	v52 =	vld.idx.msk [tilespmem:v8+s29+$0x0], $0xffff;
	_ =	sdelay $0x4  }
0x2e0: {  	[tilespmem:v15+s6+$0x0] =	vst.idx.msk $0xffff, v52  }
0x2e1: {  	v52 =	vld.idx.msk [tilespmem:v9+s29+$0x0], $0xffff;
	_ =	sdelay $0x4  }
0x2e2: {  	[tilespmem:v16+s6+$0x0] =	vst.idx.msk $0xffff, v52  }
0x2e3: {  	v52 =	vld.idx.msk [tilespmem:v10+s29+$0x0], $0xffff;
	_ =	sdelay $0x4  }
0x2e4: {  	[tilespmem:v17+s6+$0x0] =	vst.idx.msk $0xffff, v52  }
0x2e5: {  	v52 =	vld.idx.msk [tilespmem:v18+s29+$0x0], $0xffff;
	_ =	sdelay $0x4  }
0x2e6: {  	[tilespmem:v19+s6+$0x0] =	vst.idx.msk $0xffff, v52  }
0x2e7: {  	v52 =	vld.idx.msk [tilespmem:v20+s29+$0x0], $0xffff;
	_ =	sdelay $0x4  }
0x2e8: {  	[tilespmem:v21+s6+$0x0] =	vst.idx.msk $0xffff, v52  }
0x2e9: {  	v52 =	vld.idx.msk [tilespmem:v22+s29+$0x0], $0xffff;
	_ =	sdelay $0x4  }
0x2ea: {  	[tilespmem:v23+s6+$0x0] =	vst.idx.msk $0xffff, v52  }
0x2eb: {  	v52 =	vld.idx.msk [tilespmem:v24+s29+$0x0], $0xffff;
	_ =	sdelay $0x4  }
0x2ec: {  	[tilespmem:v25+s6+$0x0] =	vst.idx.msk $0xffff, v52  }
0x2ed: {  	v52 =	vld.idx.msk [tilespmem:v26+s29+$0x0], $0xffff;
	_ =	sdelay $0x4  }
0x2ee: {  	[tilespmem:v27+s6+$0x0] =	vst.idx.msk $0xffff, v52  }
0x2ef: {  	v52 =	vld.idx.msk [tilespmem:v28+s29+$0x0], $0xffff;
	_ =	sdelay $0x4  }
0x2f0: {  	[tilespmem:v29+s6+$0x0] =	vst.idx.msk $0xffff, v52  }
0x2f1: {  	v52 =	vld.idx.msk [tilespmem:v30+s29+$0x0], $0xffff;
	_ =	sdelay $0x4  }
0x2f2: {  	[tilespmem:v31+s6+$0x0] =	vst.idx.msk $0xffff, v52  }
0x2f3: {  	v52 =	vld.idx.msk [tilespmem:v32+s29+$0x0], $0xffff;
	_ =	sdelay $0x4  }
0x2f4: {  	[tilespmem:v33+s6+$0x0] =	vst.idx.msk $0xffff, v52  }
0x2f5: {  	v52 =	vld.idx.msk [tilespmem:v34+s29+$0x0], $0xffff;
	_ =	sdelay $0x4  }
0x2f6: {  	[tilespmem:v35+s6+$0x0] =	vst.idx.msk $0xffff, v52  }
0x2f7: {  	v52 =	vld.idx.msk [tilespmem:v36+s29+$0x0], $0xffff;
	_ =	sdelay $0x4  }
0x2f8: {  	[tilespmem:v37+s6+$0x0] =	vst.idx.msk $0xffff, v52  }
0x2f9: {  	v52 =	vld.idx.msk [tilespmem:v38+s29+$0x0], $0xffff;
	_ =	sdelay $0x4  }
0x2fa: {  	[tilespmem:v39+s6+$0x0] =	vst.idx.msk $0xffff, v52  }
0x2fb: {  	v52 =	vld.idx.msk [tilespmem:v40+s29+$0x0], $0xffff;
	_ =	sdelay $0x4  }
0x2fc: {  	[tilespmem:v41+s6+$0x0] =	vst.idx.msk $0xffff, v52  }
0x2fd: {  	v52 =	vld.idx.msk [tilespmem:v42+s29+$0x0], $0xffff;
	_ =	sdelay $0x4  }
0x2fe: {  	[tilespmem:v43+s6+$0x0] =	vst.idx.msk $0xffff, v52  }
0x2ff: {  	v52 =	vld.idx.msk [tilespmem:v44+s29+$0x0], $0xffff;
	_ =	sdelay $0x4  }
0x300: {  	[tilespmem:v45+s6+$0x0] =	vst.idx.msk $0xffff, v52  }
0x301: {  	v52 =	vld.idx.msk [tilespmem:v46+s29+$0x0], $0xffff;
	_ =	sdelay $0x4  }
0x302: {  	[tilespmem:v47+s6+$0x0] =	vst.idx.msk $0xffff, v52  }
0x303: {  	v52 =	vld.idx.msk [tilespmem:v48+s29+$0x0], $0xffff;
	_ =	sdelay $0x4  }
0x304: {  	[tilespmem:v49+s6+$0x0] =	vst.idx.msk $0xffff, v52  }
0x305: {  	v52 =	vld.idx.msk [tilespmem:v50+s29+$0x0], $0xffff  }
0x306: {  	v59 =	vor.u32 $0x180, v0;
	_ =	sdelay $0x3  }
0x307: {  	[tilespmem:v51+s6+$0x0] =	vst.idx.msk $0xffff, v52  }
0x308: {  	v60 =	vor.u32 $0xCC00, v0;
	v52 =	vld.idx.msk [tilespmem:v59+s29+$0x0], $0xffff  }
0x309: {  	v61 =	vor.u32 $0x190, v0;
	_ =	sdelay $0x3  }
0x30a: {  	[tilespmem:v60+s6+$0x0] =	vst.idx.msk $0xffff, v52  }
0x30b: {  	v62 =	vor.u32 $0xCC10, v0;
	v52 =	vld.idx.msk [tilespmem:v61+s29+$0x0], $0xffff  }
0x30c: {  	v63 =	vor.u32 $0x1A0, v0;
	_ =	sdelay $0x3  }
0x30d: {  	[tilespmem:v62+s6+$0x0] =	vst.idx.msk $0xffff, v52  }
0x30e: {  	v57 =	vor.u32 $0xCC20, v0;
	v52 =	vld.idx.msk [tilespmem:v63+s29+$0x0], $0xffff  }
0x30f: {  	v58 =	vor.u32 $0x1B0, v0;
	_ =	sdelay $0x3  }
0x310: {  	[tilespmem:v57+s6+$0x0] =	vst.idx.msk $0xffff, v52  }
0x311: {  	v59 =	vor.u32 $0xCC30, v0;
	v52 =	vld.idx.msk [tilespmem:v58+s29+$0x0], $0xffff  }
0x312: {  	v60 =	vor.u32 $0x1C0, v0;
	_ =	sdelay $0x3  }
0x313: {  	[tilespmem:v59+s6+$0x0] =	vst.idx.msk $0xffff, v52  }
0x314: {  	v61 =	vor.u32 $0xCC40, v0;
	v52 =	vld.idx.msk [tilespmem:v60+s29+$0x0], $0xffff  }
0x315: {  	v62 =	vor.u32 $0x1D0, v0;
	_ =	sdelay $0x3  }
0x316: {  	[tilespmem:v61+s6+$0x0] =	vst.idx.msk $0xffff, v52  }
0x317: {  	v63 =	vor.u32 $0xCC50, v0;
	v52 =	vld.idx.msk [tilespmem:v62+s29+$0x0], $0xffff  }
0x318: {  	v57 =	vor.u32 $0x1E0, v0;
	_ =	sdelay $0x3  }
0x319: {  	[tilespmem:v63+s6+$0x0] =	vst.idx.msk $0xffff, v52  }
0x31a: {  	v58 =	vor.u32 $0xCC60, v0;
	v52 =	vld.idx.msk [tilespmem:v57+s29+$0x0], $0xffff  }
0x31b: {  	v59 =	vor.u32 $0x1F0, v0;
	_ =	sdelay $0x3  }
0x31c: {  	[tilespmem:v58+s6+$0x0] =	vst.idx.msk $0xffff, v52  }
0x31d: {  	v60 =	vor.u32 $0xCC70, v0;
	v52 =	vld.idx.msk [tilespmem:v59+s29+$0x0], $0xffff  }
0x31e: {  	v61 =	vor.u32 $0x200, v0;
	_ =	sdelay $0x3  }
0x31f: {  	[tilespmem:v60+s6+$0x0] =	vst.idx.msk $0xffff, v52  }
0x320: {  	v62 =	vor.u32 $0xD000, v0;
	v52 =	vld.idx.msk [tilespmem:v61+s29+$0x0], $0xffff  }
0x321: {  	v63 =	vor.u32 $0x210, v0;
	_ =	sdelay $0x3  }
0x322: {  	[tilespmem:v62+s6+$0x0] =	vst.idx.msk $0xffff, v52  }
0x323: {  	v57 =	vor.u32 $0xD010, v0;
	v52 =	vld.idx.msk [tilespmem:v63+s29+$0x0], $0xffff  }
0x324: {  	v58 =	vor.u32 $0x220, v0;
	_ =	sdelay $0x3  }
0x325: {  	[tilespmem:v57+s6+$0x0] =	vst.idx.msk $0xffff, v52  }
0x326: {  	v59 =	vor.u32 $0xD020, v0;
	v52 =	vld.idx.msk [tilespmem:v58+s29+$0x0], $0xffff  }
0x327: {  	v60 =	vor.u32 $0x230, v0;
	_ =	sdelay $0x3  }
0x328: {  	[tilespmem:v59+s6+$0x0] =	vst.idx.msk $0xffff, v52  }
0x329: {  	v61 =	vor.u32 $0xD030, v0;
	v52 =	vld.idx.msk [tilespmem:v60+s29+$0x0], $0xffff  }
0x32a: {  	v62 =	vor.u32 $0x240, v0;
	_ =	sdelay $0x3  }
0x32b: {  	[tilespmem:v61+s6+$0x0] =	vst.idx.msk $0xffff, v52  }
0x32c: {  	v63 =	vor.u32 $0xD040, v0;
	v52 =	vld.idx.msk [tilespmem:v62+s29+$0x0], $0xffff  }
0x32d: {  	v57 =	vor.u32 $0x250, v0;
	_ =	sdelay $0x3  }
0x32e: {  	[tilespmem:v63+s6+$0x0] =	vst.idx.msk $0xffff, v52  }
0x32f: {  	v58 =	vor.u32 $0xD050, v0;
	v52 =	vld.idx.msk [tilespmem:v57+s29+$0x0], $0xffff  }
0x330: {  	v59 =	vor.u32 $0x260, v0;
	_ =	sdelay $0x3  }
0x331: {  	[tilespmem:v58+s6+$0x0] =	vst.idx.msk $0xffff, v52  }
0x332: {  	v60 =	vor.u32 $0xD060, v0;
	v52 =	vld.idx.msk [tilespmem:v59+s29+$0x0], $0xffff  }
0x333: {  	v61 =	vor.u32 $0x270, v0;
	_ =	sdelay $0x3  }
0x334: {  	[tilespmem:v60+s6+$0x0] =	vst.idx.msk $0xffff, v52  }
0x335: {  	v62 =	vor.u32 $0xD070, v0;
	v52 =	vld.idx.msk [tilespmem:v61+s29+$0x0], $0xffff  }
0x336: {  	v63 =	vor.u32 $0x280, v0;
	_ =	sdelay $0x3  }
0x337: {  	[tilespmem:v62+s6+$0x0] =	vst.idx.msk $0xffff, v52  }
0x338: {  	v57 =	vor.u32 $0xD400, v0;
	v52 =	vld.idx.msk [tilespmem:v63+s29+$0x0], $0xffff  }
0x339: {  	v58 =	vor.u32 $0x290, v0;
	_ =	sdelay $0x3  }
0x33a: {  	[tilespmem:v57+s6+$0x0] =	vst.idx.msk $0xffff, v52  }
0x33b: {  	v59 =	vor.u32 $0xD410, v0;
	v52 =	vld.idx.msk [tilespmem:v58+s29+$0x0], $0xffff  }
0x33c: {  	v60 =	vor.u32 $0x2A0, v0;
	_ =	sdelay $0x3  }
0x33d: {  	[tilespmem:v59+s6+$0x0] =	vst.idx.msk $0xffff, v52  }
0x33e: {  	v61 =	vor.u32 $0xD420, v0;
	v52 =	vld.idx.msk [tilespmem:v60+s29+$0x0], $0xffff  }
0x33f: {  	v62 =	vor.u32 $0x2B0, v0;
	_ =	sdelay $0x3  }
0x340: {  	[tilespmem:v61+s6+$0x0] =	vst.idx.msk $0xffff, v52  }
0x341: {  	v63 =	vor.u32 $0xD430, v0;
	v52 =	vld.idx.msk [tilespmem:v62+s29+$0x0], $0xffff  }
0x342: {  	v57 =	vor.u32 $0x2C0, v0;
	_ =	sdelay $0x3  }
0x343: {  	[tilespmem:v63+s6+$0x0] =	vst.idx.msk $0xffff, v52  }
0x344: {  	v58 =	vor.u32 $0xD440, v0;
	v52 =	vld.idx.msk [tilespmem:v57+s29+$0x0], $0xffff  }
0x345: {  	v59 =	vor.u32 $0x2D0, v0;
	_ =	sdelay $0x3  }
0x346: {  	[tilespmem:v58+s6+$0x0] =	vst.idx.msk $0xffff, v52  }
0x347: {  	v60 =	vor.u32 $0xD450, v0;
	v52 =	vld.idx.msk [tilespmem:v59+s29+$0x0], $0xffff  }
0x348: {  	v61 =	vor.u32 $0x2E0, v0;
	_ =	sdelay $0x3  }
0x349: {  	[tilespmem:v60+s6+$0x0] =	vst.idx.msk $0xffff, v52  }
0x34a: {  	v62 =	vor.u32 $0xD460, v0;
	v52 =	vld.idx.msk [tilespmem:v61+s29+$0x0], $0xffff  }
0x34b: {  	v63 =	vor.u32 $0x2F0, v0;
	_ =	sdelay $0x3  }
0x34c: {  	[tilespmem:v62+s6+$0x0] =	vst.idx.msk $0xffff, v52  }
0x34d: {  	v57 =	vor.u32 $0xD470, v0;
	v52 =	vld.idx.msk [tilespmem:v63+s29+$0x0], $0xffff  }
0x34e: {  	v58 =	vor.u32 $0x300, v0;
	_ =	sdelay $0x3  }
0x34f: {  	[tilespmem:v57+s6+$0x0] =	vst.idx.msk $0xffff, v52  }
0x350: {  	v59 =	vor.u32 $0xD800, v0;
	v52 =	vld.idx.msk [tilespmem:v58+s29+$0x0], $0xffff  }
0x351: {  	v60 =	vor.u32 $0x310, v0;
	_ =	sdelay $0x3  }
0x352: {  	[tilespmem:v59+s6+$0x0] =	vst.idx.msk $0xffff, v52  }
0x353: {  	v61 =	vor.u32 $0xD810, v0;
	v52 =	vld.idx.msk [tilespmem:v60+s29+$0x0], $0xffff  }
0x354: {  	v62 =	vor.u32 $0x320, v0;
	_ =	sdelay $0x3  }
0x355: {  	[tilespmem:v61+s6+$0x0] =	vst.idx.msk $0xffff, v52  }
0x356: {  	v63 =	vor.u32 $0xD820, v0;
	v52 =	vld.idx.msk [tilespmem:v62+s29+$0x0], $0xffff  }
0x357: {  	v57 =	vor.u32 $0x330, v0;
	_ =	sdelay $0x3  }
0x358: {  	[tilespmem:v63+s6+$0x0] =	vst.idx.msk $0xffff, v52  }
0x359: {  	v58 =	vor.u32 $0xD830, v0;
	v52 =	vld.idx.msk [tilespmem:v57+s29+$0x0], $0xffff  }
0x35a: {  	v59 =	vor.u32 $0x340, v0;
	_ =	sdelay $0x3  }
0x35b: {  	[tilespmem:v58+s6+$0x0] =	vst.idx.msk $0xffff, v52  }
0x35c: {  	v60 =	vor.u32 $0xD840, v0;
	v52 =	vld.idx.msk [tilespmem:v59+s29+$0x0], $0xffff  }
0x35d: {  	v61 =	vor.u32 $0x350, v0;
	_ =	sdelay $0x3  }
0x35e: {  	[tilespmem:v60+s6+$0x0] =	vst.idx.msk $0xffff, v52  }
0x35f: {  	v62 =	vor.u32 $0xD850, v0;
	v52 =	vld.idx.msk [tilespmem:v61+s29+$0x0], $0xffff  }
0x360: {  	v63 =	vor.u32 $0x360, v0;
	_ =	sdelay $0x3  }
0x361: {  	[tilespmem:v62+s6+$0x0] =	vst.idx.msk $0xffff, v52  }
0x362: {  	v57 =	vor.u32 $0xD860, v0;
	v52 =	vld.idx.msk [tilespmem:v63+s29+$0x0], $0xffff  }
0x363: {  	v58 =	vor.u32 $0x370, v0;
	_ =	sdelay $0x3  }
0x364: {  	[tilespmem:v57+s6+$0x0] =	vst.idx.msk $0xffff, v52  }
0x365: {  	v59 =	vor.u32 $0xD870, v0;
	v52 =	vld.idx.msk [tilespmem:v58+s29+$0x0], $0xffff  }
0x366: {  	v60 =	vor.u32 $0x380, v0;
	_ =	sdelay $0x3  }
0x367: {  	[tilespmem:v59+s6+$0x0] =	vst.idx.msk $0xffff, v52  }
0x368: {  	v61 =	vor.u32 $0xDC00, v0;
	v52 =	vld.idx.msk [tilespmem:v60+s29+$0x0], $0xffff  }
0x369: {  	v62 =	vor.u32 $0x390, v0;
	_ =	sdelay $0x3  }
0x36a: {  	[tilespmem:v61+s6+$0x0] =	vst.idx.msk $0xffff, v52  }
0x36b: {  	v63 =	vor.u32 $0xDC10, v0;
	v52 =	vld.idx.msk [tilespmem:v62+s29+$0x0], $0xffff  }
0x36c: {  	v57 =	vor.u32 $0x3A0, v0;
	_ =	sdelay $0x3  }
0x36d: {  	[tilespmem:v63+s6+$0x0] =	vst.idx.msk $0xffff, v52  }
0x36e: {  	v58 =	vor.u32 $0xDC20, v0;
	v52 =	vld.idx.msk [tilespmem:v57+s29+$0x0], $0xffff  }
0x36f: {  	v59 =	vor.u32 $0x3B0, v0;
	_ =	sdelay $0x3  }
0x370: {  	[tilespmem:v58+s6+$0x0] =	vst.idx.msk $0xffff, v52  }
0x371: {  	v60 =	vor.u32 $0xDC30, v0;
	v52 =	vld.idx.msk [tilespmem:v59+s29+$0x0], $0xffff  }
0x372: {  	v61 =	vor.u32 $0x3C0, v0;
	_ =	sdelay $0x3  }
0x373: {  	[tilespmem:v60+s6+$0x0] =	vst.idx.msk $0xffff, v52  }
0x374: {  	v62 =	vor.u32 $0xDC40, v0;
	v52 =	vld.idx.msk [tilespmem:v61+s29+$0x0], $0xffff  }
0x375: {  	v63 =	vor.u32 $0x3D0, v0;
	_ =	sdelay $0x3  }
0x376: {  	[tilespmem:v62+s6+$0x0] =	vst.idx.msk $0xffff, v52  }
0x377: {  	v57 =	vor.u32 $0xDC50, v0;
	v52 =	vld.idx.msk [tilespmem:v63+s29+$0x0], $0xffff  }
0x378: {  	v58 =	vor.u32 $0x3E0, v0;
	_ =	sdelay $0x3  }
0x379: {  	[tilespmem:v57+s6+$0x0] =	vst.idx.msk $0xffff, v52  }
0x37a: {  	v59 =	vor.u32 $0xDC60, v0;
	v52 =	vld.idx.msk [tilespmem:v58+s29+$0x0], $0xff  }
0x37b: {  	v60 =	vor.u32 $0x400, v0;
	_ =	sdelay $0x3  }
0x37c: {  	[tilespmem:v59+s6+$0x0] =	vst.idx.msk $0xff, v52  }
0x37d: {  	v61 =	vor.u32 $0xC080, v0;
	v52 =	vld.idx.msk [tilespmem:v60+s29+$0x0], $0xffff  }
0x37e: {  	v62 =	vor.u32 $0x410, v0;
	_ =	sdelay $0x3  }
0x37f: {  	[tilespmem:v61+s6+$0x0] =	vst.idx.msk $0xffff, v52  }
0x380: {  	v63 =	vor.u32 $0xC090, v0;
	v52 =	vld.idx.msk [tilespmem:v62+s29+$0x0], $0xffff  }
0x381: {  	v57 =	vor.u32 $0x420, v0;
	_ =	sdelay $0x3  }
0x382: {  	[tilespmem:v63+s6+$0x0] =	vst.idx.msk $0xffff, v52  }
0x383: {  	v58 =	vor.u32 $0xC0A0, v0;
	v52 =	vld.idx.msk [tilespmem:v57+s29+$0x0], $0xffff  }
0x384: {  	v59 =	vor.u32 $0x430, v0;
	_ =	sdelay $0x3  }
0x385: {  	[tilespmem:v58+s6+$0x0] =	vst.idx.msk $0xffff, v52  }
0x386: {  	v60 =	vor.u32 $0xC0B0, v0;
	v52 =	vld.idx.msk [tilespmem:v59+s29+$0x0], $0xffff  }
0x387: {  	v61 =	vor.u32 $0x440, v0;
	_ =	sdelay $0x3  }
0x388: {  	[tilespmem:v60+s6+$0x0] =	vst.idx.msk $0xffff, v52  }
0x389: {  	v62 =	vor.u32 $0xC0C0, v0;
	v52 =	vld.idx.msk [tilespmem:v61+s29+$0x0], $0xffff  }
0x38a: {  	v63 =	vor.u32 $0x450, v0;
	_ =	sdelay $0x3  }
0x38b: {  	[tilespmem:v62+s6+$0x0] =	vst.idx.msk $0xffff, v52  }
0x38c: {  	v57 =	vor.u32 $0xC0D0, v0;
	v52 =	vld.idx.msk [tilespmem:v63+s29+$0x0], $0xffff  }
0x38d: {  	v58 =	vor.u32 $0x460, v0;
	_ =	sdelay $0x3  }
0x38e: {  	[tilespmem:v57+s6+$0x0] =	vst.idx.msk $0xffff, v52  }
0x38f: {  	v59 =	vor.u32 $0xC0E0, v0;
	v52 =	vld.idx.msk [tilespmem:v58+s29+$0x0], $0xffff  }
0x390: {  	v60 =	vor.u32 $0x470, v0;
	_ =	sdelay $0x3  }
0x391: {  	[tilespmem:v59+s6+$0x0] =	vst.idx.msk $0xffff, v52  }
0x392: {  	v61 =	vor.u32 $0xC0F0, v0;
	v52 =	vld.idx.msk [tilespmem:v60+s29+$0x0], $0xffff  }
0x393: {  	v62 =	vor.u32 $0x480, v0;
	_ =	sdelay $0x3  }
0x394: {  	[tilespmem:v61+s6+$0x0] =	vst.idx.msk $0xffff, v52  }
0x395: {  	v63 =	vor.u32 $0xC480, v0;
	v52 =	vld.idx.msk [tilespmem:v62+s29+$0x0], $0xffff  }
0x396: {  	v57 =	vor.u32 $0x490, v0;
	_ =	sdelay $0x3  }
0x397: {  	[tilespmem:v63+s6+$0x0] =	vst.idx.msk $0xffff, v52  }
0x398: {  	v58 =	vor.u32 $0xC490, v0;
	v52 =	vld.idx.msk [tilespmem:v57+s29+$0x0], $0xffff  }
0x399: {  	v59 =	vor.u32 $0x4A0, v0;
	_ =	sdelay $0x3  }
0x39a: {  	[tilespmem:v58+s6+$0x0] =	vst.idx.msk $0xffff, v52  }
0x39b: {  	v60 =	vor.u32 $0xC4A0, v0;
	v52 =	vld.idx.msk [tilespmem:v59+s29+$0x0], $0xffff  }
0x39c: {  	v61 =	vor.u32 $0x4B0, v0;
	_ =	sdelay $0x3  }
0x39d: {  	[tilespmem:v60+s6+$0x0] =	vst.idx.msk $0xffff, v52  }
0x39e: {  	v62 =	vor.u32 $0xC4B0, v0;
	v52 =	vld.idx.msk [tilespmem:v61+s29+$0x0], $0xffff  }
0x39f: {  	v63 =	vor.u32 $0x4C0, v0;
	_ =	sdelay $0x3  }
0x3a0: {  	[tilespmem:v62+s6+$0x0] =	vst.idx.msk $0xffff, v52  }
0x3a1: {  	v57 =	vor.u32 $0xC4C0, v0;
	v52 =	vld.idx.msk [tilespmem:v63+s29+$0x0], $0xffff  }
0x3a2: {  	v58 =	vor.u32 $0x4D0, v0;
	_ =	sdelay $0x3  }
0x3a3: {  	[tilespmem:v57+s6+$0x0] =	vst.idx.msk $0xffff, v52  }
0x3a4: {  	v59 =	vor.u32 $0xC4D0, v0;
	v52 =	vld.idx.msk [tilespmem:v58+s29+$0x0], $0xffff  }
0x3a5: {  	v60 =	vor.u32 $0x4E0, v0;
	_ =	sdelay $0x3  }
0x3a6: {  	[tilespmem:v59+s6+$0x0] =	vst.idx.msk $0xffff, v52  }
0x3a7: {  	v61 =	vor.u32 $0xC4E0, v0;
	v52 =	vld.idx.msk [tilespmem:v60+s29+$0x0], $0xffff  }
0x3a8: {  	v62 =	vor.u32 $0x4F0, v0;
	_ =	sdelay $0x3  }
0x3a9: {  	[tilespmem:v61+s6+$0x0] =	vst.idx.msk $0xffff, v52  }
0x3aa: {  	v63 =	vor.u32 $0xC4F0, v0;
	v52 =	vld.idx.msk [tilespmem:v62+s29+$0x0], $0xffff  }
0x3ab: {  	v57 =	vor.u32 $0x500, v0;
	_ =	sdelay $0x3  }
0x3ac: {  	[tilespmem:v63+s6+$0x0] =	vst.idx.msk $0xffff, v52  }
0x3ad: {  	v58 =	vor.u32 $0xC880, v0;
	v52 =	vld.idx.msk [tilespmem:v57+s29+$0x0], $0xffff  }
0x3ae: {  	v59 =	vor.u32 $0x510, v0;
	_ =	sdelay $0x3  }
0x3af: {  	[tilespmem:v58+s6+$0x0] =	vst.idx.msk $0xffff, v52  }
0x3b0: {  	v60 =	vor.u32 $0xC890, v0;
	v52 =	vld.idx.msk [tilespmem:v59+s29+$0x0], $0xffff  }
0x3b1: {  	v61 =	vor.u32 $0x520, v0;
	_ =	sdelay $0x3  }
0x3b2: {  	[tilespmem:v60+s6+$0x0] =	vst.idx.msk $0xffff, v52  }
0x3b3: {  	v62 =	vor.u32 $0xC8A0, v0;
	v52 =	vld.idx.msk [tilespmem:v61+s29+$0x0], $0xffff  }
0x3b4: {  	v63 =	vor.u32 $0x530, v0;
	_ =	sdelay $0x3  }
0x3b5: {  	[tilespmem:v62+s6+$0x0] =	vst.idx.msk $0xffff, v52  }
0x3b6: {  	v57 =	vor.u32 $0xC8B0, v0;
	v52 =	vld.idx.msk [tilespmem:v63+s29+$0x0], $0xffff  }
0x3b7: {  	v58 =	vor.u32 $0x540, v0;
	_ =	sdelay $0x3  }
0x3b8: {  	[tilespmem:v57+s6+$0x0] =	vst.idx.msk $0xffff, v52  }
0x3b9: {  	v59 =	vor.u32 $0xC8C0, v0;
	v52 =	vld.idx.msk [tilespmem:v58+s29+$0x0], $0xffff  }
0x3ba: {  	v60 =	vor.u32 $0x550, v0;
	_ =	sdelay $0x3  }
0x3bb: {  	[tilespmem:v59+s6+$0x0] =	vst.idx.msk $0xffff, v52  }
0x3bc: {  	v61 =	vor.u32 $0xC8D0, v0;
	v52 =	vld.idx.msk [tilespmem:v60+s29+$0x0], $0xffff  }
0x3bd: {  	v62 =	vor.u32 $0x560, v0;
	_ =	sdelay $0x3  }
0x3be: {  	[tilespmem:v61+s6+$0x0] =	vst.idx.msk $0xffff, v52  }
0x3bf: {  	v63 =	vor.u32 $0xC8E0, v0;
	v52 =	vld.idx.msk [tilespmem:v62+s29+$0x0], $0xffff  }
0x3c0: {  	v57 =	vor.u32 $0x570, v0;
	_ =	sdelay $0x3  }
0x3c1: {  	[tilespmem:v63+s6+$0x0] =	vst.idx.msk $0xffff, v52  }
0x3c2: {  	v58 =	vor.u32 $0xC8F0, v0;
	v52 =	vld.idx.msk [tilespmem:v57+s29+$0x0], $0xffff  }
0x3c3: {  	v59 =	vor.u32 $0x580, v0;
	_ =	sdelay $0x3  }
0x3c4: {  	[tilespmem:v58+s6+$0x0] =	vst.idx.msk $0xffff, v52  }
0x3c5: {  	v60 =	vor.u32 $0xCC80, v0;
	v52 =	vld.idx.msk [tilespmem:v59+s29+$0x0], $0xffff  }
0x3c6: {  	v61 =	vor.u32 $0x590, v0;
	_ =	sdelay $0x3  }
0x3c7: {  	[tilespmem:v60+s6+$0x0] =	vst.idx.msk $0xffff, v52  }
0x3c8: {  	v62 =	vor.u32 $0xCC90, v0;
	v52 =	vld.idx.msk [tilespmem:v61+s29+$0x0], $0xffff  }
0x3c9: {  	v63 =	vor.u32 $0x5A0, v0;
	_ =	sdelay $0x3  }
0x3ca: {  	[tilespmem:v62+s6+$0x0] =	vst.idx.msk $0xffff, v52  }
0x3cb: {  	v57 =	vor.u32 $0xCCA0, v0;
	v52 =	vld.idx.msk [tilespmem:v63+s29+$0x0], $0xffff  }
0x3cc: {  	v58 =	vor.u32 $0x5B0, v0;
	_ =	sdelay $0x3  }
0x3cd: {  	[tilespmem:v57+s6+$0x0] =	vst.idx.msk $0xffff, v52  }
0x3ce: {  	v59 =	vor.u32 $0xCCB0, v0;
	v52 =	vld.idx.msk [tilespmem:v58+s29+$0x0], $0xffff  }
0x3cf: {  	v60 =	vor.u32 $0x5C0, v0;
	_ =	sdelay $0x3  }
0x3d0: {  	[tilespmem:v59+s6+$0x0] =	vst.idx.msk $0xffff, v52  }
0x3d1: {  	v61 =	vor.u32 $0xCCC0, v0;
	v52 =	vld.idx.msk [tilespmem:v60+s29+$0x0], $0xffff  }
0x3d2: {  	v62 =	vor.u32 $0x5D0, v0;
	_ =	sdelay $0x3  }
0x3d3: {  	[tilespmem:v61+s6+$0x0] =	vst.idx.msk $0xffff, v52  }
0x3d4: {  	v63 =	vor.u32 $0xCCD0, v0;
	v52 =	vld.idx.msk [tilespmem:v62+s29+$0x0], $0xffff  }
0x3d5: {  	v57 =	vor.u32 $0x5E0, v0;
	_ =	sdelay $0x3  }
0x3d6: {  	[tilespmem:v63+s6+$0x0] =	vst.idx.msk $0xffff, v52  }
0x3d7: {  	v58 =	vor.u32 $0xCCE0, v0;
	v52 =	vld.idx.msk [tilespmem:v57+s29+$0x0], $0xffff  }
0x3d8: {  	v59 =	vor.u32 $0x5F0, v0;
	_ =	sdelay $0x3  }
0x3d9: {  	[tilespmem:v58+s6+$0x0] =	vst.idx.msk $0xffff, v52  }
0x3da: {  	v60 =	vor.u32 $0xCCF0, v0;
	v52 =	vld.idx.msk [tilespmem:v59+s29+$0x0], $0xffff  }
0x3db: {  	v61 =	vor.u32 $0x600, v0;
	_ =	sdelay $0x3  }
0x3dc: {  	[tilespmem:v60+s6+$0x0] =	vst.idx.msk $0xffff, v52  }
0x3dd: {  	v62 =	vor.u32 $0xD080, v0;
	v52 =	vld.idx.msk [tilespmem:v61+s29+$0x0], $0xffff  }
0x3de: {  	v63 =	vor.u32 $0x610, v0;
	_ =	sdelay $0x3  }
0x3df: {  	[tilespmem:v62+s6+$0x0] =	vst.idx.msk $0xffff, v52  }
0x3e0: {  	v57 =	vor.u32 $0xD090, v0;
	v52 =	vld.idx.msk [tilespmem:v63+s29+$0x0], $0xffff  }
0x3e1: {  	v58 =	vor.u32 $0x620, v0;
	_ =	sdelay $0x3  }
0x3e2: {  	[tilespmem:v57+s6+$0x0] =	vst.idx.msk $0xffff, v52  }
0x3e3: {  	v59 =	vor.u32 $0xD0A0, v0;
	v52 =	vld.idx.msk [tilespmem:v58+s29+$0x0], $0xffff  }
0x3e4: {  	v60 =	vor.u32 $0x630, v0;
	_ =	sdelay $0x3  }
0x3e5: {  	[tilespmem:v59+s6+$0x0] =	vst.idx.msk $0xffff, v52  }
0x3e6: {  	v61 =	vor.u32 $0xD0B0, v0;
	v52 =	vld.idx.msk [tilespmem:v60+s29+$0x0], $0xffff  }
0x3e7: {  	v62 =	vor.u32 $0x640, v0;
	_ =	sdelay $0x3  }
0x3e8: {  	[tilespmem:v61+s6+$0x0] =	vst.idx.msk $0xffff, v52  }
0x3e9: {  	v63 =	vor.u32 $0xD0C0, v0;
	v52 =	vld.idx.msk [tilespmem:v62+s29+$0x0], $0xffff  }
0x3ea: {  	v57 =	vor.u32 $0x650, v0;
	_ =	sdelay $0x3  }
0x3eb: {  	[tilespmem:v63+s6+$0x0] =	vst.idx.msk $0xffff, v52  }
0x3ec: {  	v58 =	vor.u32 $0xD0D0, v0;
	v52 =	vld.idx.msk [tilespmem:v57+s29+$0x0], $0xffff  }
0x3ed: {  	v59 =	vor.u32 $0x660, v0;
	_ =	sdelay $0x3  }
0x3ee: {  	[tilespmem:v58+s6+$0x0] =	vst.idx.msk $0xffff, v52  }
0x3ef: {  	v60 =	vor.u32 $0xD0E0, v0;
	v52 =	vld.idx.msk [tilespmem:v59+s29+$0x0], $0xffff  }
0x3f0: {  	v61 =	vor.u32 $0x670, v0;
	_ =	sdelay $0x3  }
0x3f1: {  	[tilespmem:v60+s6+$0x0] =	vst.idx.msk $0xffff, v52  }
0x3f2: {  	v62 =	vor.u32 $0xD0F0, v0;
	v52 =	vld.idx.msk [tilespmem:v61+s29+$0x0], $0xffff  }
0x3f3: {  	v63 =	vor.u32 $0x680, v0;
	_ =	sdelay $0x3  }
0x3f4: {  	[tilespmem:v62+s6+$0x0] =	vst.idx.msk $0xffff, v52  }
0x3f5: {  	v57 =	vor.u32 $0xD480, v0;
	v52 =	vld.idx.msk [tilespmem:v63+s29+$0x0], $0xffff  }
0x3f6: {  	v58 =	vor.u32 $0x690, v0;
	_ =	sdelay $0x3  }
0x3f7: {  	[tilespmem:v57+s6+$0x0] =	vst.idx.msk $0xffff, v52  }
0x3f8: {  	v59 =	vor.u32 $0xD490, v0;
	v52 =	vld.idx.msk [tilespmem:v58+s29+$0x0], $0xffff  }
0x3f9: {  	v60 =	vor.u32 $0x6A0, v0;
	_ =	sdelay $0x3  }
0x3fa: {  	[tilespmem:v59+s6+$0x0] =	vst.idx.msk $0xffff, v52  }
0x3fb: {  	v61 =	vor.u32 $0xD4A0, v0;
	v52 =	vld.idx.msk [tilespmem:v60+s29+$0x0], $0xffff  }
0x3fc: {  	v62 =	vor.u32 $0x6B0, v0;
	_ =	sdelay $0x3  }
0x3fd: {  	[tilespmem:v61+s6+$0x0] =	vst.idx.msk $0xffff, v52  }
0x3fe: {  	v63 =	vor.u32 $0xD4B0, v0;
	v52 =	vld.idx.msk [tilespmem:v62+s29+$0x0], $0xffff  }
0x3ff: {  	v57 =	vor.u32 $0x6C0, v0;
	_ =	sdelay $0x3  }
0x400: {  	[tilespmem:v63+s6+$0x0] =	vst.idx.msk $0xffff, v52  }
0x401: {  	v58 =	vor.u32 $0xD4C0, v0;
	v52 =	vld.idx.msk [tilespmem:v57+s29+$0x0], $0xffff  }
0x402: {  	v59 =	vor.u32 $0x6D0, v0;
	_ =	sdelay $0x3  }
0x403: {  	[tilespmem:v58+s6+$0x0] =	vst.idx.msk $0xffff, v52  }
0x404: {  	v60 =	vor.u32 $0xD4D0, v0;
	v52 =	vld.idx.msk [tilespmem:v59+s29+$0x0], $0xffff  }
0x405: {  	v61 =	vor.u32 $0x6E0, v0;
	_ =	sdelay $0x3  }
0x406: {  	[tilespmem:v60+s6+$0x0] =	vst.idx.msk $0xffff, v52  }
0x407: {  	v62 =	vor.u32 $0xD4E0, v0;
	v52 =	vld.idx.msk [tilespmem:v61+s29+$0x0], $0xffff  }
0x408: {  	v63 =	vor.u32 $0x6F0, v0;
	_ =	sdelay $0x3  }
0x409: {  	[tilespmem:v62+s6+$0x0] =	vst.idx.msk $0xffff, v52  }
0x40a: {  	v57 =	vor.u32 $0xD4F0, v0;
	v52 =	vld.idx.msk [tilespmem:v63+s29+$0x0], $0xffff  }
0x40b: {  	v58 =	vor.u32 $0x700, v0;
	_ =	sdelay $0x3  }
0x40c: {  	[tilespmem:v57+s6+$0x0] =	vst.idx.msk $0xffff, v52  }
0x40d: {  	v59 =	vor.u32 $0xD880, v0;
	v52 =	vld.idx.msk [tilespmem:v58+s29+$0x0], $0xffff  }
0x40e: {  	v60 =	vor.u32 $0x710, v0;
	_ =	sdelay $0x3  }
0x40f: {  	[tilespmem:v59+s6+$0x0] =	vst.idx.msk $0xffff, v52  }
0x410: {  	v61 =	vor.u32 $0xD890, v0;
	v52 =	vld.idx.msk [tilespmem:v60+s29+$0x0], $0xffff  }
0x411: {  	v62 =	vor.u32 $0x720, v0;
	_ =	sdelay $0x3  }
0x412: {  	[tilespmem:v61+s6+$0x0] =	vst.idx.msk $0xffff, v52  }
0x413: {  	v63 =	vor.u32 $0xD8A0, v0;
	v52 =	vld.idx.msk [tilespmem:v62+s29+$0x0], $0xffff  }
0x414: {  	v57 =	vor.u32 $0x730, v0;
	_ =	sdelay $0x3  }
0x415: {  	[tilespmem:v63+s6+$0x0] =	vst.idx.msk $0xffff, v52  }
0x416: {  	v58 =	vor.u32 $0xD8B0, v0;
	v52 =	vld.idx.msk [tilespmem:v57+s29+$0x0], $0xffff  }
0x417: {  	v59 =	vor.u32 $0x740, v0;
	_ =	sdelay $0x3  }
0x418: {  	[tilespmem:v58+s6+$0x0] =	vst.idx.msk $0xffff, v52  }
0x419: {  	v60 =	vor.u32 $0xD8C0, v0;
	v52 =	vld.idx.msk [tilespmem:v59+s29+$0x0], $0xffff  }
0x41a: {  	v61 =	vor.u32 $0x750, v0;
	_ =	sdelay $0x3  }
0x41b: {  	[tilespmem:v60+s6+$0x0] =	vst.idx.msk $0xffff, v52  }
0x41c: {  	v62 =	vor.u32 $0xD8D0, v0;
	v52 =	vld.idx.msk [tilespmem:v61+s29+$0x0], $0xffff  }
0x41d: {  	v63 =	vor.u32 $0x760, v0;
	_ =	sdelay $0x3  }
0x41e: {  	[tilespmem:v62+s6+$0x0] =	vst.idx.msk $0xffff, v52  }
0x41f: {  	v57 =	vor.u32 $0xD8E0, v0;
	v52 =	vld.idx.msk [tilespmem:v63+s29+$0x0], $0xffff  }
0x420: {  	v58 =	vor.u32 $0x770, v0;
	_ =	sdelay $0x3  }
0x421: {  	[tilespmem:v57+s6+$0x0] =	vst.idx.msk $0xffff, v52  }
0x422: {  	v59 =	vor.u32 $0xD8F0, v0;
	v52 =	vld.idx.msk [tilespmem:v58+s29+$0x0], $0xffff  }
0x423: {  	v60 =	vor.u32 $0x780, v0;
	_ =	sdelay $0x3  }
0x424: {  	[tilespmem:v59+s6+$0x0] =	vst.idx.msk $0xffff, v52  }
0x425: {  	v61 =	vor.u32 $0xDC80, v0;
	v52 =	vld.idx.msk [tilespmem:v60+s29+$0x0], $0xffff  }
0x426: {  	v62 =	vor.u32 $0x790, v0;
	_ =	sdelay $0x3  }
0x427: {  	[tilespmem:v61+s6+$0x0] =	vst.idx.msk $0xffff, v52  }
0x428: {  	v63 =	vor.u32 $0xDC90, v0;
	v52 =	vld.idx.msk [tilespmem:v62+s29+$0x0], $0xffff  }
0x429: {  	v57 =	vor.u32 $0x7A0, v0;
	_ =	sdelay $0x3  }
0x42a: {  	[tilespmem:v63+s6+$0x0] =	vst.idx.msk $0xffff, v52  }
0x42b: {  	v58 =	vor.u32 $0xDCA0, v0;
	v52 =	vld.idx.msk [tilespmem:v57+s29+$0x0], $0xffff  }
0x42c: {  	v59 =	vor.u32 $0x7B0, v0;
	_ =	sdelay $0x3  }
0x42d: {  	[tilespmem:v58+s6+$0x0] =	vst.idx.msk $0xffff, v52  }
0x42e: {  	v60 =	vor.u32 $0xDCB0, v0;
	v52 =	vld.idx.msk [tilespmem:v59+s29+$0x0], $0xffff  }
0x42f: {  	v61 =	vor.u32 $0x7C0, v0;
	_ =	sdelay $0x3  }
0x430: {  	[tilespmem:v60+s6+$0x0] =	vst.idx.msk $0xffff, v52  }
0x431: {  	v62 =	vor.u32 $0xDCC0, v0;
	v52 =	vld.idx.msk [tilespmem:v61+s29+$0x0], $0xffff  }
0x432: {  	v63 =	vor.u32 $0x7D0, v0;
	_ =	sdelay $0x3  }
0x433: {  	[tilespmem:v62+s6+$0x0] =	vst.idx.msk $0xffff, v52  }
0x434: {  	v57 =	vor.u32 $0xDCD0, v0;
	v52 =	vld.idx.msk [tilespmem:v63+s29+$0x0], $0xffff  }
0x435: {  	v58 =	vor.u32 $0x7E0, v0;
	_ =	sdelay $0x3  }
0x436: {  	[tilespmem:v57+s6+$0x0] =	vst.idx.msk $0xffff, v52  }
0x437: {  	v59 =	vor.u32 $0xDCE0, v0;
	v52 =	vld.idx.msk [tilespmem:v58+s29+$0x0], $0xff;
	_ =	sdelay $0x4  }
0x438: {  	[tilespmem:v59+s6+$0x0] =	vst.idx.msk $0xff, v52  }
0x439: {  	_ =	swait.ge [sflag:s17], $0x50  }
0x43a: {  	[sflag:s17] =	ssyncset.done $0x0  }
0x43b: {  	[sflag:s17] =	ssyncadd.s32 $0xFFFFFFB0  }
0x43c: {  	v60 =	vld [tilespmem:$0x1E080];
	_ =	sdelay $0x4  }
0x43d: {  	v61 =	vshrl.u32 v60, $0x3  }
0x43e: {  	v53 =	vmul.u32 $0x38, v61  }
0x43f: {  	v52 =	vand.u32 $0x7, v60  }
0x440: {  	v52 =	vor.u32 v52, v53  }
0x441: {  	v53 =	vperm.xlane v52, v1;
	_ =	sdelay $0x1  }
0x442: {  	v53 =	vadd.s32 v2, v53;
	_ =	sdelay $0x4  }
0x443: {  	[tilespmem:s10], [sflag:$0x2] =	stream.indirect_vreg.gather [hbm4b:s2+s6], $0x80, v53, vm0, $0xb8;
	[tilespmem:$0x1E100] =	vst v63  }
0x444: {  	s22 =	simm.s32 $0xE800;
	v52 =	vperm.xlane v52, v3  }
0x445: {  	[tilespmem:s22], [sflag:$0x2] =	stream.indirect_vreg.gather [hbm4b:s11+s6], $0x80, v53, vm0, $0xb8;
	[tilespmem:$0x1E100] =	vst v63  }
0x446: {  	s28 =	simm.s32 $0xF000;
	v52 =	vadd.s32 v2, v52  }
0x447: {  	[tilespmem:s28], [sflag:$0x2] =	stream.indirect_vreg.gather [hbm4b:s12+s6], $0x80, v53, vm0, $0xb8;
	[tilespmem:$0x1E100] =	vst v63  }
0x448: {  	s23 =	simm.s32 $0xF800  }
0x449: {  	[tilespmem:s23], [sflag:$0x2] =	stream.indirect_vreg.gather [hbm4b:s13+s6], $0x80, v53, vm1, $0xb8;
	[tilespmem:$0x1E100] =	vst v63  }
0x44a: {  	s28 =	simm.s32 $0x10000  }
0x44b: {  	[tilespmem:s28], [sflag:$0x2] =	stream.indirect_vreg.gather [hbm4b:s2+s6], $0x80, v52, vm0, $0xb8;
	[tilespmem:$0x1E100] =	vst v63  }
0x44c: {  	s23 =	simm.s32 $0x10800  }
0x44d: {  	[tilespmem:s23], [sflag:$0x2] =	stream.indirect_vreg.gather [hbm4b:s11+s6], $0x80, v52, vm0, $0xb8;
	[tilespmem:$0x1E100] =	vst v63  }
0x44e: {  	s28 =	simm.s32 $0x11000  }
0x44f: {  	[tilespmem:s28], [sflag:$0x2] =	stream.indirect_vreg.gather [hbm4b:s12+s6], $0x80, v52, vm0, $0xb8;
	[tilespmem:$0x1E100] =	vst v63  }
0x450: {  	s23 =	simm.s32 $0x11800  }
0x451: {  	[tilespmem:s23], [sflag:$0x2] =	stream.indirect_vreg.gather [hbm4b:s13+s6], $0x80, v52, vm1, $0xb8;
	[tilespmem:$0x1E100] =	vst v63  }
0x452: {  	v52 =	vld [tilespmem:$0x1E090];
	_ =	sdelay $0x4  }
0x453: {  	v62 =	vshrl.u32 v52, $0x3  }
0x454: {  	v53 =	vmul.u32 $0x38, v62  }
0x455: {  	v52 =	vand.u32 $0x7, v52  }
0x456: {  	v52 =	vor.u32 v52, v53  }
0x457: {  	v53 =	vperm.xlane v52, v1;
	_ =	sdelay $0x1  }
0x458: {  	v53 =	vadd.s32 v2, v53;
	_ =	sdelay $0x3  }
0x459: {  	s28 =	simm.s32 $0x12000  }
0x45a: {  	[tilespmem:s28], [sflag:$0x2] =	stream.indirect_vreg.gather [hbm4b:s2+s6], $0x80, v53, vm0, $0xb8;
	[tilespmem:$0x1E100] =	vst v63  }
0x45b: {  	s23 =	simm.s32 $0x12800;
	v52 =	vperm.xlane v52, v3  }
0x45c: {  	[tilespmem:s23], [sflag:$0x2] =	stream.indirect_vreg.gather [hbm4b:s11+s6], $0x80, v53, vm0, $0xb8;
	[tilespmem:$0x1E100] =	vst v63  }
0x45d: {  	v52 =	vadd.s32 v2, v52;
	s28 =	simm.s32 $0x13000  }
0x45e: {  	[tilespmem:s28], [sflag:$0x2] =	stream.indirect_vreg.gather [hbm4b:s12+s6], $0x80, v53, vm0, $0xb8;
	[tilespmem:$0x1E100] =	vst v63  }
0x45f: {  	s23 =	simm.s32 $0x13800  }
0x460: {  	[tilespmem:s23], [sflag:$0x2] =	stream.indirect_vreg.gather [hbm4b:s13+s6], $0x80, v53, vm1, $0xb8;
	[tilespmem:$0x1E100] =	vst v63  }
0x461: {  	s28 =	simm.s32 $0x14000  }
0x462: {  	[tilespmem:s28], [sflag:$0x2] =	stream.indirect_vreg.gather [hbm4b:s2+s6], $0x80, v52, vm0, $0xb8;
	[tilespmem:$0x1E100] =	vst v63  }
0x463: {  	s23 =	simm.s32 $0x14800  }
0x464: {  	[tilespmem:s23], [sflag:$0x2] =	stream.indirect_vreg.gather [hbm4b:s11+s6], $0x80, v52, vm0, $0xb8;
	[tilespmem:$0x1E100] =	vst v63  }
0x465: {  	s28 =	simm.s32 $0x15000  }
0x466: {  	[tilespmem:s28], [sflag:$0x2] =	stream.indirect_vreg.gather [hbm4b:s12+s6], $0x80, v52, vm0, $0xb8;
	[tilespmem:$0x1E100] =	vst v63  }
0x467: {  	s23 =	simm.s32 $0x15800  }
0x468: {  	[tilespmem:s23], [sflag:$0x2] =	stream.indirect_vreg.gather [hbm4b:s13+s6], $0x80, v52, vm1, $0xb8;
	[tilespmem:$0x1E100] =	vst v63  }
0x469: {  	v52 =	vld [tilespmem:$0x1E0A0];
	_ =	sdelay $0x4  }
0x46a: {  	v63 =	vshrl.u32 v52, $0x3  }
0x46b: {  	v53 =	vmul.u32 $0x38, v63  }
0x46c: {  	v52 =	vand.u32 $0x7, v52  }
0x46d: {  	v52 =	vor.u32 v52, v53  }
0x46e: {  	v53 =	vperm.xlane v52, v1;
	_ =	sdelay $0x1  }
0x46f: {  	v53 =	vadd.s32 v2, v53;
	_ =	sdelay $0x3  }
0x470: {  	s28 =	simm.s32 $0x16000  }
0x471: {  	[tilespmem:s28], [sflag:$0x2] =	stream.indirect_vreg.gather [hbm4b:s2+s6], $0x80, v53, vm0, $0xb8;
	[tilespmem:$0x1E100] =	vst v63  }
0x472: {  	s23 =	simm.s32 $0x16800;
	v52 =	vperm.xlane v52, v3  }
0x473: {  	[tilespmem:s23], [sflag:$0x2] =	stream.indirect_vreg.gather [hbm4b:s11+s6], $0x80, v53, vm0, $0xb8;
	[tilespmem:$0x1E100] =	vst v63  }
0x474: {  	v52 =	vadd.s32 v2, v52;
	s28 =	simm.s32 $0x17000  }
0x475: {  	[tilespmem:s28], [sflag:$0x2] =	stream.indirect_vreg.gather [hbm4b:s12+s6], $0x80, v53, vm0, $0xb8;
	[tilespmem:$0x1E100] =	vst v63  }
0x476: {  	s23 =	simm.s32 $0x17800  }
0x477: {  	[tilespmem:s23], [sflag:$0x2] =	stream.indirect_vreg.gather [hbm4b:s13+s6], $0x80, v53, vm1, $0xb8;
	[tilespmem:$0x1E100] =	vst v63  }
0x478: {  	s28 =	simm.s32 $0x18000  }
0x479: {  	[tilespmem:s28], [sflag:$0x2] =	stream.indirect_vreg.gather [hbm4b:s2+s6], $0x80, v52, vm0, $0xb8;
	[tilespmem:$0x1E100] =	vst v63  }
0x47a: {  	_ = 	snop  }
0x47b: {  	[tilespmem:s18], [sflag:$0x2] =	stream.indirect_vreg.gather [hbm4b:s11+s6], $0x80, v52, vm0, $0xb8;
	[tilespmem:$0x1E100] =	vst v63  }
0x47c: {  	_ = 	snop  }
0x47d: {  	[tilespmem:s16], [sflag:$0x2] =	stream.indirect_vreg.gather [hbm4b:s12+s6], $0x80, v52, vm0, $0xb8;
	[tilespmem:$0x1E100] =	vst v63  }
0x47e: {  	_ = 	snop  }
0x47f: {  	[tilespmem:s19], [sflag:$0x2] =	stream.indirect_vreg.gather [hbm4b:s13+s6], $0x80, v52, vm1, $0xb8;
	[tilespmem:$0x1E100] =	vst v63  }
0x480: {  	s23 =	simm.s32 $0x1E080;
	s28 =	sadd.s32 s9, s21  }
0x481: {  	[tilespmem:s25], [sflag:$0x3] =	stream.indirect.gather [hbm4b:s3+s24], $0x80, s23, s24, $0xb8;
	[tilespmem:$0x1E100] =	vst v63  }
0x482: {  	p0 =	sgt.u32 s21, $0x1D;
	s22 =	smul.u32 $0x1C00, s28  }
0x483: {  	[tilespmem:s29], [sflag:$0x4] =	stream.indirect.gather [hbm4b:s5+s26], $0x80, s20, s26, $0xb8;
	[tilespmem:$0x1E100] =	vst v63  }
.Ltmp9:
0x484: {  	s23 =	sadd.s32 @!p0 s21, s14;
	(pc) =	sbr.rel .LBB2_11-.Ltmp9, $4  }
0x485: {  	s22 =	sadd.s32 s7, s22;
	s23 =	smul.u32 @!p0 $0xA, s23  }
0x486: {  	[hbm4b:s22+s6] =	stream.linear.scatter [tilespmem:s6], [sflag:$0x5], $0xE000, $0x38;
	[tilespmem:$0x1E100] =	vst v63  }
0x487: {  	s28 =	simm.s32 @!p0 $0x1E000;
	s22 =	sadd.s32 @!p0 s0, s23;
	s23 =	simm.s32 @!p0 $0x0  }
0x488: {  	[tilespmem:s28], [sflag:$0x7] =	stream.linear.gather @!p0 [hbm4b:s22+s23], $0x50, $0x38;
	[tilespmem:$0x1E100] =	vst v63  }
.LBB2_13:
0x489: {  	_ =	sfence.sel $0x180000  }
0x48a: {  	[bflag:$0x0] =	sbarrier.arrive $0xFFFF  }
0x48b: {  	_ =	strace $0x90000047  }
0x48c: {  	s0 =	stileid.u32;
	[bflag:$0x2] =	sbarrier.arrive $0xFFFF  }
0x48d: {  	p0 =	sne.s32 s0, $0x0;
	s0 =	rddreg [dreg:$0x5]  }
0x48e: {  	s0 =	sadd.s32 @!p0 $0x100000, s0  }
0x48f: {  	[sflag:s0] =	ssyncadd.tile.s32 @!p0 $0x1;
	_ =	shalt  }
.Lfunc_end2:
_tile_overlayer_lowered:
.L_overlay_start_2:
0x490: {  	(tag) =	ssettag $0x2  }
0x491: {  	s0 =	rddreg [dreg:$0x0];
	s2 =	stileid.u32  }
0x492: {  	s1 =	rddreg [dreg:$0x1];
	p0 =	sne.s32 s2, $0x0  }
0x493: {  	s3 =	rddreg [dreg:$0x2];
	[bflag:$0x3] =	sbarrier.arrive $0xFFFF;
	s2 =	simm.s32 @!p0 $0x1C09  }
0x494: {  	[timem:s3], [sflag:s2] =	dma.local @!p0 [hbm:s0], s1  }
0x495: {  	s0 =	simm.s32 @!p0 $0x9  }
0x496: {  	_ =	swait.ge @!p0 [sflag:s0], s1  }
0x497: {  	s1 =	ssub.s32 @!p0 $0x0, s1;
	[sflag:s0] =	ssyncset.done @!p0 $0x0  }
0x498: {  	[sflag:s0] =	ssyncadd.s32 @!p0 s1  }
0x499: {  	[bflag:$0x3] =	sbarrier.arrive $0xFFFF  }
0x49a: {  	_ =	shalt  }

</sc_bundles>
